<compile_context>
chip_gen: v7x
topology: tpu7x:2x2x1
jax: 0.10.2.dev20260603
libtpu: 0.0.44.dev20260713+nightly
codegen_flags: <defaults>
</compile_context>

<pallas_src>
import functools

import jax
import jax.numpy as jnp
import numpy as np
from jax import lax
from jax.experimental import pallas as pl
from jax.experimental.pallas import tpu as pltpu
from jax.experimental.pallas import tpu_sc as plsc

NC = 2
NS = 16
L = 16
C = 256


def _s_body(x_ref, wt_ref, o_ref):
    o_ref[...] = jnp.sum(x_ref[...] * wt_ref[...], axis=1, keepdims=True)


def _compute_s(x, w_att):
    n, d = x.shape
    bn = 1000
    return pl.pallas_call(
        _s_body,
        grid=(n // bn,),
        in_specs=[
            pl.BlockSpec((bn, d), lambda i: (i, 0)),
            pl.BlockSpec((1, d), lambda i: (0, 0)),
        ],
        out_specs=pl.BlockSpec((bn, 1), lambda i: (i, 0)),
        out_shape=jax.ShapeDtypeStruct((n, 1), jnp.float32),
    )(x, w_att.reshape(1, d))


def _make_edge_kernel(n, d, e):
    dh = d // NC
    nchunk = e // C
    iters = (nchunk + NS - 1) // NS
    unit = 80
    nunits = n // unit
    uiters = (nunits + NS - 1) // NS

    mesh = plsc.VectorSubcoreMesh(core_axis_name="c", subcore_axis_name="s")

    NSTR = C // 128

    @functools.partial(
        pl.kernel,
        out_type=(
            jax.ShapeDtypeStruct((NC, n, dh), jnp.float32),
            jax.ShapeDtypeStruct((n, L), jnp.float32),
        ),
        mesh=mesh,
        compiler_params=pltpu.CompilerParams(needs_layout_passes=False,
                                             use_tc_tiling_on_sc=False),
        scratch_types=[
            pltpu.VMEM((n,), jnp.float32),
            pltpu.VMEM((NSTR, 2, 128), jnp.int32),
            pltpu.VMEM((NSTR, 2, 128), jnp.int32),
            pltpu.VMEM((C, dh), jnp.float32),
            pltpu.VMEM((C, dh), jnp.float32),
            pltpu.VMEM((C,), jnp.float32),
            pltpu.VMEM((C, L), jnp.float32),
            pltpu.VMEM((C, L), jnp.float32),
            pltpu.VMEM((L,), jnp.float32),
            pltpu.VMEM_SHARED((n, dh), jnp.float32),
            pltpu.VMEM_SHARED((n, L), jnp.float32),
            pltpu.SemaphoreType.DMA,
            pltpu.SemaphoreType.DMA,
            pltpu.SemaphoreType.DMA,
            pltpu.SemaphoreType.DMA,
        ],
    )
    def edge_kernel(x2_hbm, rc_hbm, s_hbm, batt_hbm,
                    numer_out, denom_out,
                    s_v, rc0, rc1, xr0, xr1, wbuf, ww0, ww1, batt_v,
                    numer_sh, denom_sh, gsem0, gsem1, ssem0, ssem1):
        cid = lax.axis_index("c")
        sid = lax.axis_index("s")

        pltpu.sync_copy(s_hbm, s_v)
        pltpu.sync_copy(batt_hbm, batt_v)

        zv = jnp.zeros((L,), jnp.float32)

        @pl.loop(0, unit)
        def _zero(i):
            for k in range(dh // L):
                xr0[i, pl.ds(k * L, L)] = zv
            ww0[i, :] = zv

        @pl.loop(0, uiters)
        def _zcopy(it):
            u = it * NS + sid

            @pl.when(u < nunits)
            def _():
                pltpu.sync_copy(xr0.at[pl.ds(0, unit)],
                                numer_sh.at[pl.ds(u * unit, unit)])

                @pl.when(cid == 0)
                def _():
                    pltpu.sync_copy(ww0.at[pl.ds(0, unit)],
                                    denom_sh.at[pl.ds(u * unit, unit)])

        plsc.subcore_barrier()

        batt = batt_v[...]
        xh = x2_hbm.at[cid]
        rcs, xrs, wws = (rc0, rc1), (xr0, xr1), (ww0, ww1)
        gsems, ssems = (gsem0, gsem1), (ssem0, ssem1)

        def load_rc(chunk, rc):
            pltpu.sync_copy(rc_hbm.at[pl.ds(chunk * NSTR, NSTR)], rc)

        def fire_gather(rc, xr, gsem):
            for j in range(NSTR):
                pltpu.async_copy(xh.at[rc.at[j, 0]],
                                 xr.at[pl.ds(j * 128, 128)], gsem)

        def wait_gather(rc, xr, gsem):
            for j in range(NSTR):
                pltpu.make_async_copy(xh.at[rc.at[j, 0]],
                                      xr.at[pl.ds(j * 128, 128)], gsem).wait()

        def fire_scatter(rc, xr, ww, ssem):
            for j in range(NSTR):
                pltpu.async_copy(xr.at[pl.ds(j * 128, 128)],
                                 numer_sh.at[rc.at[j, 1]], ssem, add=True)

            @pl.when(cid == 0)
            def _():
                for j in range(NSTR):
                    pltpu.async_copy(ww.at[pl.ds(j * 128, 128)],
                                     denom_sh.at[rc.at[j, 1]], ssem, add=True)

        def wait_scatter(rc, xr, ww, ssem):
            for j in range(NSTR):
                pltpu.make_async_copy(xr.at[pl.ds(j * 128, 128)],
                                      numer_sh.at[rc.at[j, 1]], ssem).wait()

            @pl.when(cid == 0)
            def _():
                for j in range(NSTR):
                    pltpu.make_async_copy(ww.at[pl.ds(j * 128, 128)],
                                          denom_sh.at[rc.at[j, 1]], ssem).wait()

        load_rc(sid, rc0)
        fire_gather(rc0, xr0, gsem0)

        @pl.loop(0, (iters + 1) // 2)
        def _pair(ip):
            for b in range(2):
                it = ip * 2 + b
                chunk = it * NS + sid
                rc, xr, ww = rcs[b], xrs[b], wws[b]
                gsem, ssem = gsems[b], ssems[b]
                ro, xo, wo = rcs[b ^ 1], xrs[b ^ 1], wws[b ^ 1]
                gso, sso = gsems[b ^ 1], ssems[b ^ 1]

                @pl.when(chunk < nchunk)
                def _():
                    def weights(glo, ghi):
                        for g in range(glo, ghi):
                            j, off = divmod(g, 128 // L)
                            r = rc[j, 0, pl.ds(off * L, L)]
                            c = rc[j, 1, pl.ds(off * L, L)]
                            sr = plsc.load_gather(s_v, [r])
                            sc = plsc.load_gather(s_v, [c])
                            v = sr - sc + batt
                            v = jnp.where(v >= 0.0, v, v * 0.2)
                            w = jnp.exp(v)
                            w = jnp.where(r == c, jnp.zeros_like(w), w)
                            wbuf[pl.ds(g * L, L)] = w

                    weights(0, 128 // L)

                    def scale_rows(lo):
                        @pl.loop(lo, lo + 128, unroll=4)
                        def _scale(ei):
                            wj = plsc.load_gather(
                                wbuf, [jnp.full((L,), ei, jnp.int32)])
                            ww[ei, :] = wj
                            for k in range(dh // L):
                                xr[ei, pl.ds(k * L, L)] = (
                                    xr[ei, pl.ds(k * L, L)] * wj)

                    pltpu.make_async_copy(xh.at[rc.at[0, 0]],
                                          xr.at[pl.ds(0, 128)], gsem).wait()
                    scale_rows(0)

                    nxt = chunk + NS

                    @pl.when(nxt < nchunk)
                    def _():
                        @pl.when(it > 0)
                        def _():
                            wait_scatter(ro, xo, wo, sso)

                        load_rc(nxt, ro)
                        fire_gather(ro, xo, gso)

                    weights(128 // L, C // L)
                    pltpu.make_async_copy(xh.at[rc.at[1, 0]],
                                          xr.at[pl.ds(128, 128)], gsem).wait()
                    scale_rows(128)

                    fire_scatter(rc, xr, ww, ssem)

        for b in range(2):
            wait_scatter(rcs[b], xrs[b], wws[b], ssems[b])

        plsc.subcore_barrier()

        @pl.loop(0, uiters)
        def _wcopy(it):
            u = it * NS + sid

            @pl.when(u < nunits)
            def _():
                pltpu.sync_copy(numer_sh.at[pl.ds(u * unit, unit)],
                                numer_out.at[cid, pl.ds(u * unit, unit)])

                @pl.when(cid == 0)
                def _():
                    pltpu.sync_copy(denom_sh.at[pl.ds(u * unit, unit)],
                                    denom_out.at[pl.ds(u * unit, unit)])

    return edge_kernel


def _upd_body(n0_ref, n1_ref, d_ref, x_ref, batt_ref,
              wemb_ref, bemb_ref, wupd_ref, bupd_ref, o_ref):
    b = batt_ref[...]
    ws = jnp.exp(jnp.where(b >= 0.0, b, b * 0.2))
    numer = jnp.concatenate([n0_ref[...], n1_ref[...]], axis=1) + ws * x_ref[...]
    denom = d_ref[...] + ws[0:1, 0:1]
    agg = numer / (denom + 1e-16)
    h = jnp.dot(agg, wemb_ref[...], preferred_element_type=jnp.float32) + bemb_ref[...]
    o_ref[...] = jnp.dot(h, wupd_ref[...], preferred_element_type=jnp.float32) + bupd_ref[...]


def _combine_update(n0, n1, dcol, x, b_att, W_emb, b_emb, W_upd, b_upd):
    n, d = x.shape
    dh = d // NC
    bn = 1000
    batt2d = jnp.broadcast_to(b_att.astype(jnp.float32).reshape(1, 1), (1, d))
    return pl.pallas_call(
        _upd_body,
        grid=(n // bn,),
        in_specs=[
            pl.BlockSpec((bn, dh), lambda i: (i, 0)),
            pl.BlockSpec((bn, dh), lambda i: (i, 0)),
            pl.BlockSpec((bn, 1), lambda i: (i, 0)),
            pl.BlockSpec((bn, d), lambda i: (i, 0)),
            pl.BlockSpec((1, d), lambda i: (0, 0)),
            pl.BlockSpec((d, d), lambda i: (0, 0)),
            pl.BlockSpec((1, d), lambda i: (0, 0)),
            pl.BlockSpec((d, d), lambda i: (0, 0)),
            pl.BlockSpec((1, d), lambda i: (0, 0)),
        ],
        out_specs=pl.BlockSpec((bn, d), lambda i: (i, 0)),
        out_shape=jax.ShapeDtypeStruct((n, d), jnp.float32),
    )(n0, n1, dcol, x, batt2d, W_emb, b_emb.reshape(1, d), W_upd,
      b_upd.reshape(1, d))


def kernel(x, edge_index, W_emb, b_emb, w_att, b_att, W_upd, b_upd):
    n, d = x.shape
    e = edge_index.shape[1]
    dh = d // NC
    row2d = edge_index[0].astype(jnp.int32).reshape(e // 128, 128)
    col2d = edge_index[1].astype(jnp.int32).reshape(e // 128, 128)
    rc = jnp.stack([row2d, col2d], axis=1)
    x2 = jnp.transpose(x.reshape(n, NC, dh), (1, 0, 2))

    s = _compute_s(x, w_att).reshape(n)
    batt16 = jnp.broadcast_to(b_att.astype(jnp.float32), (L,))

    numer, denomw = _make_edge_kernel(n, d, e)(x2, rc, s, batt16)

    return _combine_update(numer[0], numer[1], denomw[:, 0:1],
                           x, b_att, W_emb, b_emb, W_upd, b_upd)

# --- scband reference (transcript-rebuilt; emitter-appended) ---
"""Pipeline reference for scband-my-edge-att-conv-72086731096483 (READ-ONLY COPY).

The authoritative reference and input builder live on the scoring server;
editing this copy changes nothing except your own understanding.
"""

import jax, jax.numpy as jnp
import numpy as np

N = 10000
D = 128
E = 320000


def setup_inputs(seed: int = 0) -> dict:
    key = jax.random.key(seed)
    ks = jax.random.split(key, 8)
    x = jax.random.normal(ks[0], (N, D), dtype=jnp.float32)
    edge_index = jax.random.randint(ks[1], (2, E), 0, N)
    W_emb = jax.random.normal(ks[2], (D, D), dtype=jnp.float32) * (1.0 / np.sqrt(D))
    b_emb = jnp.zeros((D,), dtype=jnp.float32)
    w_att = jax.random.normal(ks[3], (D, 1), dtype=jnp.float32) * (1.0 / np.sqrt(D))
    b_att = jnp.zeros((1,), dtype=jnp.float32)
    W_upd = jax.random.normal(ks[4], (D, D), dtype=jnp.float32) * (1.0 / np.sqrt(D))
    b_upd = jnp.zeros((D,), dtype=jnp.float32)
    return {"x": x, "edge_index": edge_index, "W_emb": W_emb, "b_emb": b_emb,
            "w_att": w_att, "b_att": b_att, "W_upd": W_upd, "b_upd": b_upd}


def reference(x, edge_index, W_emb, b_emb, w_att, b_att, W_upd, b_upd):
    n = x.shape[0]
    row, col = edge_index[0], edge_index[1]
    # remove_self_loops: keep fixed shape, route self-loop edges to dummy segment n
    mask = row != col
    col_seg = jnp.where(mask, col, n)
    # add_self_loops
    loop = jnp.arange(n, dtype=row.dtype)
    row_full = jnp.concatenate([row, loop])
    col_full = jnp.concatenate([col, loop])
    seg_full = jnp.concatenate([col_seg, loop])
    # embedding_module: Linear(D, D)
    embedded_x = x @ W_emb + b_emb
    # attention_module: Linear(D, 1) -> LeakyReLU(0.2) on (x[row] - x[col])
    diff = x[row_full] - x[col_full]
    att = jax.nn.leaky_relu(diff @ w_att + b_att, negative_slope=0.2)  # [E2, 1]
    # softmax over segments given by col (torch_geometric.utils.softmax)
    att_max = jax.ops.segment_max(att, seg_full, num_segments=n + 1)
    att_exp = jnp.exp(att - att_max[seg_full])
    denom = jax.ops.segment_sum(att_exp, seg_full, num_segments=n + 1)
    att_norm = att_exp / (denom[seg_full] + 1e-16)
    # scatter_add of weighted messages into dst nodes
    weighted_sum_x = jax.ops.segment_sum(embedded_x[row_full] * att_norm, seg_full, num_segments=n + 1)[:n]
    # update_module: Linear(D, D)
    updated_x = weighted_sum_x @ W_upd + b_upd
    return updated_x

if __name__ == "__main__":
    import jax
    _d = setup_inputs()
    print(jax.jit(kernel)(*tuple(_d.values())))

</pallas_src>

<mosaic_0001>
#map = affine_map<(d0, d1) -> (0, 0, 0)>
#map1 = affine_map<(d0, d1) -> (0)>
#map2 = affine_map<(d0, d1) -> (0, 0)>
module attributes {stable_mosaic.version = 14 : i64} {
  func.func @edge_kernel(%arg0: i32, %arg1: i32, %arg2: memref<2x10000x64xf32, #tpu.memory_space<hbm>>, %arg3: memref<2500x2x128xi32, #tpu.memory_space<hbm>>, %arg4: memref<10000xf32, #tpu.memory_space<hbm>>, %arg5: memref<16xf32, #tpu.memory_space<hbm>>, %arg6: memref<2x10000x64xf32, #tpu.memory_space<hbm>>, %arg7: memref<10000x16xf32, #tpu.memory_space<hbm>>, %arg8: memref<10000xf32, #tpu.memory_space<vmem>>, %arg9: memref<2x2x128xi32, #tpu.memory_space<vmem>>, %arg10: memref<2x2x128xi32, #tpu.memory_space<vmem>>, %arg11: memref<256x64xf32, #tpu.memory_space<vmem>>, %arg12: memref<256x64xf32, #tpu.memory_space<vmem>>, %arg13: memref<256xf32, #tpu.memory_space<vmem>>, %arg14: memref<256x16xf32, #tpu.memory_space<vmem>>, %arg15: memref<256x16xf32, #tpu.memory_space<vmem>>, %arg16: memref<16xf32, #tpu.memory_space<vmem>>, %arg17: memref<10000x64xf32, #tpu.memory_space<vmem_shared>>, %arg18: memref<10000x16xf32, #tpu.memory_space<vmem_shared>>, %arg19: memref<!tpu.dma_semaphore, #tpu.memory_space<semaphore_mem>>, %arg20: memref<!tpu.dma_semaphore, #tpu.memory_space<semaphore_mem>>, %arg21: memref<!tpu.dma_semaphore, #tpu.memory_space<semaphore_mem>>, %arg22: memref<!tpu.dma_semaphore, #tpu.memory_space<semaphore_mem>>) attributes {dimension_semantics = [#tpu.dimension_semantics<core_parallel>, #tpu.dimension_semantics<subcore_parallel>], iteration_bounds = array<i64: 2, 16>, scalar_prefetch = 0 : i64, scratch_operands = 15 : i64, tpu.core_type = #tpu.core_type<sc_vector_subcore>, window_params = [{transform_indices = #map}, {transform_indices = #map}, {transform_indices = #map1}, {transform_indices = #map1}, {transform_indices = #map}, {transform_indices = #map2}]} {
    "tpu.region"() ({
      %run_scoped3A = tpu.sem_alloc : memref<!tpu.dma_semaphore, #tpu.memory_space<semaphore_mem>>
      tpu.enqueue_dma source(%arg4 : memref<10000xf32, #tpu.memory_space<hbm>>) target(%arg8 : memref<10000xf32, #tpu.memory_space<vmem>>) target_semaphore(%run_scoped3A : memref<!tpu.dma_semaphore, #tpu.memory_space<semaphore_mem>>)
      tpu.wait_dma2 semaphore(%run_scoped3A : memref<!tpu.dma_semaphore, #tpu.memory_space<semaphore_mem>>) src(%arg4 : memref<10000xf32, #tpu.memory_space<hbm>>) dst(%arg8 : memref<10000xf32, #tpu.memory_space<vmem>>)
      tpu.yield
    }) : () -> ()
    "tpu.region"() ({
      %run_scoped3A = tpu.sem_alloc : memref<!tpu.dma_semaphore, #tpu.memory_space<semaphore_mem>>
      tpu.enqueue_dma source(%arg5 : memref<16xf32, #tpu.memory_space<hbm>>) target(%arg16 : memref<16xf32, #tpu.memory_space<vmem>>) target_semaphore(%run_scoped3A : memref<!tpu.dma_semaphore, #tpu.memory_space<semaphore_mem>>)
      tpu.wait_dma2 semaphore(%run_scoped3A : memref<!tpu.dma_semaphore, #tpu.memory_space<semaphore_mem>>) src(%arg5 : memref<16xf32, #tpu.memory_space<hbm>>) dst(%arg16 : memref<16xf32, #tpu.memory_space<vmem>>)
      tpu.yield
    }) : () -> ()
    %broadcast_in_dim3A = arith.constant 0.000000e+00 : f32
    %broadcast_in_dim3A_0 = vector.broadcast %broadcast_in_dim3A : f32 to vector<16xf32>
    %scan3A = arith.constant 0 : i32
    %scan3A_1 = arith.constant 80 : i32
    %scan3A_2 = arith.addi %scan3A, %scan3A_1 : i32
    %scan3A_3 = arith.constant 1 : i32
    scf.for %scan3A_102 = %scan3A to %scan3A_2 step %scan3A_3  : i32 {
      %mul3A_103 = arith.constant 1 : i32
      %mul3A_104 = arith.muli %scan3A_102, %mul3A_103 : i32
      %add3A = arith.constant 0 : i32
      %add3A_105 = arith.addi %add3A, %mul3A_104 : i32
      %swap3A = arith.index_cast %add3A_105 : i32 to index
      %swap3A_106 = arith.constant 0 : index
      %swap3A_107 = tpu.vector_load %arg11[%swap3A, %swap3A_106] {strides = array<i32>} : memref<256x64xf32, #tpu.memory_space<vmem>>, vector<16xf32>,
      tpu.vector_store %arg11[%swap3A, %swap3A_106], %broadcast_in_dim3A_0 {strides = array<i32>} : memref<256x64xf32, #tpu.memory_space<vmem>>, vector<16xf32>,
      %swap3A_108 = arith.index_cast %add3A_105 : i32 to index
      %swap3A_109 = arith.constant 16 : index
      %swap3A_110 = tpu.vector_load %arg11[%swap3A_108, %swap3A_109] {strides = array<i32>} : memref<256x64xf32, #tpu.memory_space<vmem>>, vector<16xf32>,
      tpu.vector_store %arg11[%swap3A_108, %swap3A_109], %broadcast_in_dim3A_0 {strides = array<i32>} : memref<256x64xf32, #tpu.memory_space<vmem>>, vector<16xf32>,
      %swap3A_111 = arith.index_cast %add3A_105 : i32 to index
      %swap3A_112 = arith.constant 32 : index
      %swap3A_113 = tpu.vector_load %arg11[%swap3A_111, %swap3A_112] {strides = array<i32>} : memref<256x64xf32, #tpu.memory_space<vmem>>, vector<16xf32>,
      tpu.vector_store %arg11[%swap3A_111, %swap3A_112], %broadcast_in_dim3A_0 {strides = array<i32>} : memref<256x64xf32, #tpu.memory_space<vmem>>, vector<16xf32>,
      %swap3A_114 = arith.index_cast %add3A_105 : i32 to index
      %swap3A_115 = arith.constant 48 : index
      %swap3A_116 = tpu.vector_load %arg11[%swap3A_114, %swap3A_115] {strides = array<i32>} : memref<256x64xf32, #tpu.memory_space<vmem>>, vector<16xf32>,
      tpu.vector_store %arg11[%swap3A_114, %swap3A_115], %broadcast_in_dim3A_0 {strides = array<i32>} : memref<256x64xf32, #tpu.memory_space<vmem>>, vector<16xf32>,
      %swap3A_117 = arith.index_cast %add3A_105 : i32 to index
      %swap3A_118 = arith.constant 0 : index
      %swap3A_119 = tpu.vector_load %arg14[%swap3A_117, %swap3A_118] {strides = array<i32>} : memref<256x16xf32, #tpu.memory_space<vmem>>, vector<16xf32>,
      tpu.vector_store %arg14[%swap3A_117, %swap3A_118], %broadcast_in_dim3A_0 {strides = array<i32>} : memref<256x16xf32, #tpu.memory_space<vmem>>, vector<16xf32>,
    }
    %scan3A_4 = arith.constant 80 : i32
    %scan3A_5 = arith.constant 0 : i32
    %scan3A_6 = arith.constant 8 : i32
    %scan3A_7 = arith.addi %scan3A_5, %scan3A_6 : i32
    %scan3A_8 = arith.constant 1 : i32
    scf.for %scan3A_102 = %scan3A_5 to %scan3A_7 step %scan3A_8  : i32 {
      %mul3A_103 = arith.constant 1 : i32
      %mul3A_104 = arith.muli %scan3A_102, %mul3A_103 : i32
      %add3A = arith.constant 0 : i32
      %add3A_105 = arith.addi %add3A, %mul3A_104 : i32
      %mul3A_106 = arith.constant 16 : i32
      %mul3A_107 = arith.muli %add3A_105, %mul3A_106 : i32
      %add3A_108 = arith.addi %mul3A_107, %arg1 : i32
      %lt3A = arith.constant 125 : i32
      %lt3A_109 = arith.cmpi slt, %add3A_108, %lt3A : i32
      %convert_element_type3A_110 = arith.extui %lt3A_109 : i1 to i32
      %cond3A_111 = arith.constant 0 : i32
      %cond3A_112 = arith.cmpi ne, %convert_element_type3A_110, %cond3A_111 : i32
      scf.if %cond3A_112 {
        %mul3A_113 = arith.constant 80 : i32
        %mul3A_114 = arith.muli %add3A_108, %mul3A_113 : i32
        "tpu.region"() ({
          %run_scoped3A = tpu.sem_alloc : memref<!tpu.dma_semaphore, #tpu.memory_space<semaphore_mem>>
          %dma_start3A_120 = arith.constant 0 : i32
          %dma_start3A_121 = arith.constant 0 : i32
          %dma_start3A_122 = tpu.memref_slice %arg11[%dma_start3A_120, %dma_start3A_121] : memref<256x64xf32, #tpu.memory_space<vmem>> -> memref<80x64xf32, #tpu.memory_space<vmem>>
          %dma_start3A_123 = arith.constant 0 : i32
          %dma_start3A_124 = tpu.memref_slice %arg17[%mul3A_114, %dma_start3A_123] : memref<10000x64xf32, #tpu.memory_space<vmem_shared>> -> memref<80x64xf32, #tpu.memory_space<vmem_shared>>
          %dma_start3A_125 = arith.constant 0 : i32
          %dma_start3A_126 = tpu.memref_slice %arg17[%mul3A_114, %dma_start3A_125] : memref<10000x64xf32, #tpu.memory_space<vmem_shared>> -> memref<80x64xf32, #tpu.memory_space<vmem_shared>>
          %dma_start3A_127 = arith.constant 0 : i32
          %dma_start3A_128 = arith.constant 0 : i32
          %dma_start3A_129 = tpu.memref_slice %arg11[%dma_start3A_127, %dma_start3A_128] : memref<256x64xf32, #tpu.memory_space<vmem>> -> memref<80x64xf32, #tpu.memory_space<vmem>>
          tpu.enqueue_dma source(%dma_start3A_129 : memref<80x64xf32, #tpu.memory_space<vmem>>) target(%dma_start3A_126 : memref<80x64xf32, #tpu.memory_space<vmem_shared>>) target_semaphore(%run_scoped3A : memref<!tpu.dma_semaphore, #tpu.memory_space<semaphore_mem>>)
          %dma_wait3A_130 = arith.constant 0 : i32
          %dma_wait3A_131 = arith.constant 0 : i32
          %dma_wait3A_132 = tpu.memref_slice %arg11[%dma_wait3A_130, %dma_wait3A_131] : memref<256x64xf32, #tpu.memory_space<vmem>> -> memref<80x64xf32, #tpu.memory_space<vmem>>
          %dma_wait3A_133 = arith.constant 0 : i32
          %dma_wait3A_134 = tpu.memref_slice %arg17[%mul3A_114, %dma_wait3A_133] : memref<10000x64xf32, #tpu.memory_space<vmem_shared>> -> memref<80x64xf32, #tpu.memory_space<vmem_shared>>
          %dma_wait3A_135 = arith.constant 0 : i32
          %dma_wait3A_136 = tpu.memref_slice %arg17[%mul3A_114, %dma_wait3A_135] : memref<10000x64xf32, #tpu.memory_space<vmem_shared>> -> memref<80x64xf32, #tpu.memory_space<vmem_shared>>
          %dma_wait3A_137 = arith.constant 0 : i32
          %dma_wait3A_138 = arith.constant 0 : i32
          %dma_wait3A_139 = tpu.memref_slice %arg11[%dma_wait3A_137, %dma_wait3A_138] : memref<256x64xf32, #tpu.memory_space<vmem>> -> memref<80x64xf32, #tpu.memory_space<vmem>>
          tpu.wait_dma2 semaphore(%run_scoped3A : memref<!tpu.dma_semaphore, #tpu.memory_space<semaphore_mem>>) src(%dma_wait3A_139 : memref<80x64xf32, #tpu.memory_space<vmem>>) dst(%dma_wait3A_136 : memref<80x64xf32, #tpu.memory_space<vmem_shared>>)
          tpu.yield
        }) : () -> ()
        %eq3A_115 = arith.constant 0 : i32
        %eq3A_116 = arith.cmpi eq, %arg0, %eq3A_115 : i32
        %convert_element_type3A_117 = arith.extui %eq3A_116 : i1 to i32
        %cond3A_118 = arith.constant 0 : i32
        %cond3A_119 = arith.cmpi ne, %convert_element_type3A_117, %cond3A_118 : i32
        scf.if %cond3A_119 {
          %mul3A_120 = arith.constant 80 : i32
          %mul3A_121 = arith.muli %add3A_108, %mul3A_120 : i32
          "tpu.region"() ({
            %run_scoped3A = tpu.sem_alloc : memref<!tpu.dma_semaphore, #tpu.memory_space<semaphore_mem>>
            %dma_start3A_122 = arith.constant 0 : i32
            %dma_start3A_123 = arith.constant 0 : i32
            %dma_start3A_124 = tpu.memref_slice %arg14[%dma_start3A_122, %dma_start3A_123] : memref<256x16xf32, #tpu.memory_space<vmem>> -> memref<80x16xf32, #tpu.memory_space<vmem>>
            %dma_start3A_125 = arith.constant 0 : i32
            %dma_start3A_126 = tpu.memref_slice %arg18[%mul3A_121, %dma_start3A_125] : memref<10000x16xf32, #tpu.memory_space<vmem_shared>> -> memref<80x16xf32, #tpu.memory_space<vmem_shared>>
            %dma_start3A_127 = arith.constant 0 : i32
            %dma_start3A_128 = tpu.memref_slice %arg18[%mul3A_121, %dma_start3A_127] : memref<10000x16xf32, #tpu.memory_space<vmem_shared>> -> memref<80x16xf32, #tpu.memory_space<vmem_shared>>
            %dma_start3A_129 = arith.constant 0 : i32
            %dma_start3A_130 = arith.constant 0 : i32
            %dma_start3A_131 = tpu.memref_slice %arg14[%dma_start3A_129, %dma_start3A_130] : memref<256x16xf32, #tpu.memory_space<vmem>> -> memref<80x16xf32, #tpu.memory_space<vmem>>
            tpu.enqueue_dma source(%dma_start3A_131 : memref<80x16xf32, #tpu.memory_space<vmem>>) target(%dma_start3A_128 : memref<80x16xf32, #tpu.memory_space<vmem_shared>>) target_semaphore(%run_scoped3A : memref<!tpu.dma_semaphore, #tpu.memory_space<semaphore_mem>>)
            %dma_wait3A_132 = arith.constant 0 : i32
            %dma_wait3A_133 = arith.constant 0 : i32
            %dma_wait3A_134 = tpu.memref_slice %arg14[%dma_wait3A_132, %dma_wait3A_133] : memref<256x16xf32, #tpu.memory_space<vmem>> -> memref<80x16xf32, #tpu.memory_space<vmem>>
            %dma_wait3A_135 = arith.constant 0 : i32
            %dma_wait3A_136 = tpu.memref_slice %arg18[%mul3A_121, %dma_wait3A_135] : memref<10000x16xf32, #tpu.memory_space<vmem_shared>> -> memref<80x16xf32, #tpu.memory_space<vmem_shared>>
            %dma_wait3A_137 = arith.constant 0 : i32
            %dma_wait3A_138 = tpu.memref_slice %arg18[%mul3A_121, %dma_wait3A_137] : memref<10000x16xf32, #tpu.memory_space<vmem_shared>> -> memref<80x16xf32, #tpu.memory_space<vmem_shared>>
            %dma_wait3A_139 = arith.constant 0 : i32
            %dma_wait3A_140 = arith.constant 0 : i32
            %dma_wait3A_141 = tpu.memref_slice %arg14[%dma_wait3A_139, %dma_wait3A_140] : memref<256x16xf32, #tpu.memory_space<vmem>> -> memref<80x16xf32, #tpu.memory_space<vmem>>
            tpu.wait_dma2 semaphore(%run_scoped3A : memref<!tpu.dma_semaphore, #tpu.memory_space<semaphore_mem>>) src(%dma_wait3A_141 : memref<80x16xf32, #tpu.memory_space<vmem>>) dst(%dma_wait3A_138 : memref<80x16xf32, #tpu.memory_space<vmem_shared>>)
            tpu.yield
          }) : () -> ()
        } else {
        }
      } else {
      }
    }
    %scan3A_9 = arith.constant 8 : i32
    %barrier3A = arith.constant 0 : index
    tpu.barrier barrier_id(%barrier3A)
    %get3A = arith.constant 0 : index
    %get3A_10 = tpu.vector_load %arg16[%get3A] {strides = array<i32>} : memref<16xf32, #tpu.memory_space<vmem>>, vector<16xf32>,
    %mul3A = arith.constant 2 : i32
    %mul3A_11 = arith.muli %arg1, %mul3A : i32
    "tpu.region"() ({
      %run_scoped3A = tpu.sem_alloc : memref<!tpu.dma_semaphore, #tpu.memory_space<semaphore_mem>>
      %dma_start3A_102 = arith.constant 0 : i32
      %dma_start3A_103 = arith.constant 0 : i32
      %dma_start3A_104 = tpu.memref_slice %arg3[%mul3A_11, %dma_start3A_102, %dma_start3A_103] : memref<2500x2x128xi32, #tpu.memory_space<hbm>> -> memref<2x2x128xi32, #tpu.memory_space<hbm>>
      %dma_start3A_105 = arith.constant 0 : i32
      %dma_start3A_106 = arith.constant 0 : i32
      %dma_start3A_107 = tpu.memref_slice %arg3[%mul3A_11, %dma_start3A_105, %dma_start3A_106] : memref<2500x2x128xi32, #tpu.memory_space<hbm>> -> memref<2x2x128xi32, #tpu.memory_space<hbm>>
      tpu.enqueue_dma source(%dma_start3A_107 : memref<2x2x128xi32, #tpu.memory_space<hbm>>) target(%arg9 : memref<2x2x128xi32, #tpu.memory_space<vmem>>) target_semaphore(%run_scoped3A : memref<!tpu.dma_semaphore, #tpu.memory_space<semaphore_mem>>)
      %dma_wait3A_108 = arith.constant 0 : i32
      %dma_wait3A_109 = arith.constant 0 : i32
      %dma_wait3A_110 = tpu.memref_slice %arg3[%mul3A_11, %dma_wait3A_108, %dma_wait3A_109] : memref<2500x2x128xi32, #tpu.memory_space<hbm>> -> memref<2x2x128xi32, #tpu.memory_space<hbm>>
      %dma_wait3A_111 = arith.constant 0 : i32
      %dma_wait3A_112 = arith.constant 0 : i32
      %dma_wait3A_113 = tpu.memref_slice %arg3[%mul3A_11, %dma_wait3A_111, %dma_wait3A_112] : memref<2500x2x128xi32, #tpu.memory_space<hbm>> -> memref<2x2x128xi32, #tpu.memory_space<hbm>>
      tpu.wait_dma2 semaphore(%run_scoped3A : memref<!tpu.dma_semaphore, #tpu.memory_space<semaphore_mem>>) src(%dma_wait3A_113 : memref<2x2x128xi32, #tpu.memory_space<hbm>>) dst(%arg9 : memref<2x2x128xi32, #tpu.memory_space<vmem>>)
      tpu.yield
    }) : () -> ()
    %dma_start3A = arith.constant 0 : i32
    %dma_start3A_12 = arith.constant 0 : i32
    %dma_start3A_13 = arith.constant 0 : i32
    %dma_start3A_14 = arith.constant 0 : i32
    %dma_start3A_15 = tpu.memref_slice %arg11[%dma_start3A_13, %dma_start3A_14] : memref<256x64xf32, #tpu.memory_space<vmem>> -> memref<128x64xf32, #tpu.memory_space<vmem>>
    %dma_start3A_16 = arith.constant 0 : i32
    %dma_start3A_17 = tpu.memref_slice %arg9[%dma_start3A, %dma_start3A_12, %dma_start3A_16] : memref<2x2x128xi32, #tpu.memory_space<vmem>> -> memref<1x1x128xi32, #tpu.memory_space<vmem>>
    %dma_start3A_18 = tpu.memref_squeeze %dma_start3A_17 : memref<1x1x128xi32, #tpu.memory_space<vmem>> -> memref<128xi32, #tpu.memory_space<vmem>>
    %dma_start3A_19 = arith.constant 0 : i32
    %dma_start3A_20 = arith.constant 0 : i32
    %dma_start3A_21 = tpu.memref_slice %arg2[%arg0, %dma_start3A_19, %dma_start3A_20] : memref<2x10000x64xf32, #tpu.memory_space<hbm>> -> memref<1x10000x64xf32, #tpu.memory_space<hbm>>
    %dma_start3A_22 = tpu.memref_squeeze %dma_start3A_21 : memref<1x10000x64xf32, #tpu.memory_space<hbm>> -> memref<10000x64xf32, #tpu.memory_space<hbm>>
    %dma_start3A_23 = arith.constant 0 : i32
    %dma_start3A_24 = arith.constant 0 : i32
    %dma_start3A_25 = tpu.memref_slice %dma_start3A_22[%dma_start3A_23, %dma_start3A_24] : memref<10000x64xf32, #tpu.memory_space<hbm>> -> memref<10000x64xf32, #tpu.memory_space<hbm>>
    tpu.enqueue_indirect_dma source(%dma_start3A_25 : memref<10000x64xf32, #tpu.memory_space<hbm>>) target(%dma_start3A_15 : memref<128x64xf32, #tpu.memory_space<vmem>>) offsets(%dma_start3A_18 : memref<128xi32, #tpu.memory_space<vmem>>) semaphore(%arg19 : memref<!tpu.dma_semaphore, #tpu.memory_space<semaphore_mem>>)
    %dma_start3A_26 = arith.constant 1 : i32
    %dma_start3A_27 = arith.constant 0 : i32
    %dma_start3A_28 = arith.constant 128 : i32
    %dma_start3A_29 = arith.constant 0 : i32
    %dma_start3A_30 = tpu.memref_slice %arg11[%dma_start3A_28, %dma_start3A_29] : memref<256x64xf32, #tpu.memory_space<vmem>> -> memref<128x64xf32, #tpu.memory_space<vmem>>
    %dma_start3A_31 = arith.constant 0 : i32
    %dma_start3A_32 = tpu.memref_slice %arg9[%dma_start3A_26, %dma_start3A_27, %dma_start3A_31] : memref<2x2x128xi32, #tpu.memory_space<vmem>> -> memref<1x1x128xi32, #tpu.memory_space<vmem>>
    %dma_start3A_33 = tpu.memref_squeeze %dma_start3A_32 : memref<1x1x128xi32, #tpu.memory_space<vmem>> -> memref<128xi32, #tpu.memory_space<vmem>>
    %dma_start3A_34 = arith.constant 0 : i32
    %dma_start3A_35 = arith.constant 0 : i32
    %dma_start3A_36 = tpu.memref_slice %arg2[%arg0, %dma_start3A_34, %dma_start3A_35] : memref<2x10000x64xf32, #tpu.memory_space<hbm>> -> memref<1x10000x64xf32, #tpu.memory_space<hbm>>
    %dma_start3A_37 = tpu.memref_squeeze %dma_start3A_36 : memref<1x10000x64xf32, #tpu.memory_space<hbm>> -> memref<10000x64xf32, #tpu.memory_space<hbm>>
    %dma_start3A_38 = arith.constant 0 : i32
    %dma_start3A_39 = arith.constant 0 : i32
    %dma_start3A_40 = tpu.memref_slice %dma_start3A_37[%dma_start3A_38, %dma_start3A_39] : memref<10000x64xf32, #tpu.memory_space<hbm>> -> memref<10000x64xf32, #tpu.memory_space<hbm>>
    tpu.enqueue_indirect_dma source(%dma_start3A_40 : memref<10000x64xf32, #tpu.memory_space<hbm>>) target(%dma_start3A_30 : memref<128x64xf32, #tpu.memory_space<vmem>>) offsets(%dma_start3A_33 : memref<128xi32, #tpu.memory_space<vmem>>) semaphore(%arg19 : memref<!tpu.dma_semaphore, #tpu.memory_space<semaphore_mem>>)
    %scan3A_41 = arith.constant 0 : i32
    %scan3A_42 = arith.constant 40 : i32
    %scan3A_43 = arith.addi %scan3A_41, %scan3A_42 : i32
    %scan3A_44 = arith.constant 1 : i32
    scf.for %scan3A_102 = %scan3A_41 to %scan3A_43 step %scan3A_44  : i32 {
      %mul3A_103 = arith.constant 1 : i32
      %mul3A_104 = arith.muli %scan3A_102, %mul3A_103 : i32
      %add3A = arith.constant 0 : i32
      %add3A_105 = arith.addi %add3A, %mul3A_104 : i32
      %mul3A_106 = arith.constant 2 : i32
      %mul3A_107 = arith.muli %add3A_105, %mul3A_106 : i32
      %add3A_108 = arith.constant 0 : i32
      %add3A_109 = arith.addi %mul3A_107, %add3A_108 : i32
      %mul3A_110 = arith.constant 16 : i32
      %mul3A_111 = arith.muli %add3A_109, %mul3A_110 : i32
      %add3A_112 = arith.addi %mul3A_111, %arg1 : i32
      %lt3A = arith.constant 1250 : i32
      %lt3A_113 = arith.cmpi slt, %add3A_112, %lt3A : i32
      %convert_element_type3A_114 = arith.extui %lt3A_113 : i1 to i32
      %cond3A_115 = arith.constant 0 : i32
      %cond3A_116 = arith.cmpi ne, %convert_element_type3A_114, %cond3A_115 : i32
      scf.if %cond3A_116 {
        %get3A_129 = arith.constant 0 : i32
        %get3A_130 = arith.constant 0 : i32
        %get3A_131 = arith.index_cast %get3A_129 : i32 to index
        %get3A_132 = arith.index_cast %get3A_130 : i32 to index
        %get3A_133 = arith.constant 0 : index
        %get3A_134 = tpu.vector_load %arg9[%get3A_131, %get3A_132, %get3A_133] {strides = array<i32>} : memref<2x2x128xi32, #tpu.memory_space<vmem>>, vector<16xi32>,
        %get3A_135 = arith.constant 0 : i32
        %get3A_136 = arith.constant 1 : i32
        %get3A_137 = arith.index_cast %get3A_135 : i32 to index
        %get3A_138 = arith.index_cast %get3A_136 : i32 to index
        %get3A_139 = arith.constant 0 : index
        %get3A_140 = tpu.vector_load %arg9[%get3A_137, %get3A_138, %get3A_139] {strides = array<i32>} : memref<2x2x128xi32, #tpu.memory_space<vmem>>, vector<16xi32>,
        %gather3A = tpu.vector_load_idx %arg8[%get3A_134] : memref<10000xf32, #tpu.memory_space<vmem>>[vector<16xi32>], vector<16xf32>,
        %gather3A_141 = tpu.vector_load_idx %arg8[%get3A_140] : memref<10000xf32, #tpu.memory_space<vmem>>[vector<16xi32>], vector<16xf32>,
        %sub3A = arith.subf %gather3A, %gather3A_141 : vector<16xf32>
        %add3A_142 = arith.addf %sub3A, %get3A_10 : vector<16xf32>
        %ge3A = arith.constant 0.000000e+00 : f32
        %ge3A_143 = vector.broadcast %ge3A : f32 to vector<16xf32>
        %ge3A_144 = arith.cmpf oge, %add3A_142, %ge3A_143 : vector<16xf32>
        %mul3A_145 = arith.constant 2.000000e-01 : f32
        %mul3A_146 = vector.broadcast %mul3A_145 : f32 to vector<16xf32>
        %mul3A_147 = arith.mulf %add3A_142, %mul3A_146 : vector<16xf32>
        %select_n3A = arith.select %ge3A_144, %add3A_142, %mul3A_147 : vector<16xi1>, vector<16xf32>
        %exp3A = math.exp %select_n3A : vector<16xf32>
        %eq3A_148 = arith.cmpi eq, %get3A_134, %get3A_140 : vector<16xi32>
        %broadcast_in_dim3A_149 = arith.constant 0.000000e+00 : f32
        %broadcast_in_dim3A_150 = vector.broadcast %broadcast_in_dim3A_149 : f32 to vector<16xf32>
        %select_n3A_151 = arith.select %eq3A_148, %broadcast_in_dim3A_150, %exp3A : vector<16xi1>, vector<16xf32>
        %swap3A = arith.constant 0 : index
        %swap3A_152 = tpu.vector_load %arg13[%swap3A] {strides = array<i32>} : memref<256xf32, #tpu.memory_space<vmem>>, vector<16xf32>,
        tpu.vector_store %arg13[%swap3A], %select_n3A_151 {strides = array<i32>} : memref<256xf32, #tpu.memory_space<vmem>>, vector<16xf32>,
        %get3A_153 = arith.constant 0 : i32
        %get3A_154 = arith.constant 0 : i32
        %get3A_155 = arith.index_cast %get3A_153 : i32 to index
        %get3A_156 = arith.index_cast %get3A_154 : i32 to index
        %get3A_157 = arith.constant 16 : index
        %get3A_158 = tpu.vector_load %arg9[%get3A_155, %get3A_156, %get3A_157] {strides = array<i32>} : memref<2x2x128xi32, #tpu.memory_space<vmem>>, vector<16xi32>,
        %get3A_159 = arith.constant 0 : i32
        %get3A_160 = arith.constant 1 : i32
        %get3A_161 = arith.index_cast %get3A_159 : i32 to index
        %get3A_162 = arith.index_cast %get3A_160 : i32 to index
        %get3A_163 = arith.constant 16 : index
        %get3A_164 = tpu.vector_load %arg9[%get3A_161, %get3A_162, %get3A_163] {strides = array<i32>} : memref<2x2x128xi32, #tpu.memory_space<vmem>>, vector<16xi32>,
        %gather3A_165 = tpu.vector_load_idx %arg8[%get3A_158] : memref<10000xf32, #tpu.memory_space<vmem>>[vector<16xi32>], vector<16xf32>,
        %gather3A_166 = tpu.vector_load_idx %arg8[%get3A_164] : memref<10000xf32, #tpu.memory_space<vmem>>[vector<16xi32>], vector<16xf32>,
        %sub3A_167 = arith.subf %gather3A_165, %gather3A_166 : vector<16xf32>
        %add3A_168 = arith.addf %sub3A_167, %get3A_10 : vector<16xf32>
        %ge3A_169 = arith.constant 0.000000e+00 : f32
        %ge3A_170 = vector.broadcast %ge3A_169 : f32 to vector<16xf32>
        %ge3A_171 = arith.cmpf oge, %add3A_168, %ge3A_170 : vector<16xf32>
        %mul3A_172 = arith.constant 2.000000e-01 : f32
        %mul3A_173 = vector.broadcast %mul3A_172 : f32 to vector<16xf32>
        %mul3A_174 = arith.mulf %add3A_168, %mul3A_173 : vector<16xf32>
        %select_n3A_175 = arith.select %ge3A_171, %add3A_168, %mul3A_174 : vector<16xi1>, vector<16xf32>
        %exp3A_176 = math.exp %select_n3A_175 : vector<16xf32>
        %eq3A_177 = arith.cmpi eq, %get3A_158, %get3A_164 : vector<16xi32>
        %broadcast_in_dim3A_178 = arith.constant 0.000000e+00 : f32
        %broadcast_in_dim3A_179 = vector.broadcast %broadcast_in_dim3A_178 : f32 to vector<16xf32>
        %select_n3A_180 = arith.select %eq3A_177, %broadcast_in_dim3A_179, %exp3A_176 : vector<16xi1>, vector<16xf32>
        %swap3A_181 = arith.constant 16 : index
        %swap3A_182 = tpu.vector_load %arg13[%swap3A_181] {strides = array<i32>} : memref<256xf32, #tpu.memory_space<vmem>>, vector<16xf32>,
        tpu.vector_store %arg13[%swap3A_181], %select_n3A_180 {strides = array<i32>} : memref<256xf32, #tpu.memory_space<vmem>>, vector<16xf32>,
        %get3A_183 = arith.constant 0 : i32
        %get3A_184 = arith.constant 0 : i32
        %get3A_185 = arith.index_cast %get3A_183 : i32 to index
        %get3A_186 = arith.index_cast %get3A_184 : i32 to index
        %get3A_187 = arith.constant 32 : index
        %get3A_188 = tpu.vector_load %arg9[%get3A_185, %get3A_186, %get3A_187] {strides = array<i32>} : memref<2x2x128xi32, #tpu.memory_space<vmem>>, vector<16xi32>,
        %get3A_189 = arith.constant 0 : i32
        %get3A_190 = arith.constant 1 : i32
        %get3A_191 = arith.index_cast %get3A_189 : i32 to index
        %get3A_192 = arith.index_cast %get3A_190 : i32 to index
        %get3A_193 = arith.constant 32 : index
        %get3A_194 = tpu.vector_load %arg9[%get3A_191, %get3A_192, %get3A_193] {strides = array<i32>} : memref<2x2x128xi32, #tpu.memory_space<vmem>>, vector<16xi32>,
        %gather3A_195 = tpu.vector_load_idx %arg8[%get3A_188] : memref<10000xf32, #tpu.memory_space<vmem>>[vector<16xi32>], vector<16xf32>,
        %gather3A_196 = tpu.vector_load_idx %arg8[%get3A_194] : memref<10000xf32, #tpu.memory_space<vmem>>[vector<16xi32>], vector<16xf32>,
        %sub3A_197 = arith.subf %gather3A_195, %gather3A_196 : vector<16xf32>
        %add3A_198 = arith.addf %sub3A_197, %get3A_10 : vector<16xf32>
        %ge3A_199 = arith.constant 0.000000e+00 : f32
        %ge3A_200 = vector.broadcast %ge3A_199 : f32 to vector<16xf32>
        %ge3A_201 = arith.cmpf oge, %add3A_198, %ge3A_200 : vector<16xf32>
        %mul3A_202 = arith.constant 2.000000e-01 : f32
        %mul3A_203 = vector.broadcast %mul3A_202 : f32 to vector<16xf32>
        %mul3A_204 = arith.mulf %add3A_198, %mul3A_203 : vector<16xf32>
        %select_n3A_205 = arith.select %ge3A_201, %add3A_198, %mul3A_204 : vector<16xi1>, vector<16xf32>
        %exp3A_206 = math.exp %select_n3A_205 : vector<16xf32>
        %eq3A_207 = arith.cmpi eq, %get3A_188, %get3A_194 : vector<16xi32>
        %broadcast_in_dim3A_208 = arith.constant 0.000000e+00 : f32
        %broadcast_in_dim3A_209 = vector.broadcast %broadcast_in_dim3A_208 : f32 to vector<16xf32>
        %select_n3A_210 = arith.select %eq3A_207, %broadcast_in_dim3A_209, %exp3A_206 : vector<16xi1>, vector<16xf32>
        %swap3A_211 = arith.constant 32 : index
        %swap3A_212 = tpu.vector_load %arg13[%swap3A_211] {strides = array<i32>} : memref<256xf32, #tpu.memory_space<vmem>>, vector<16xf32>,
        tpu.vector_store %arg13[%swap3A_211], %select_n3A_210 {strides = array<i32>} : memref<256xf32, #tpu.memory_space<vmem>>, vector<16xf32>,
        %get3A_213 = arith.constant 0 : i32
        %get3A_214 = arith.constant 0 : i32
        %get3A_215 = arith.index_cast %get3A_213 : i32 to index
        %get3A_216 = arith.index_cast %get3A_214 : i32 to index
        %get3A_217 = arith.constant 48 : index
        %get3A_218 = tpu.vector_load %arg9[%get3A_215, %get3A_216, %get3A_217] {strides = array<i32>} : memref<2x2x128xi32, #tpu.memory_space<vmem>>, vector<16xi32>,
        %get3A_219 = arith.constant 0 : i32
        %get3A_220 = arith.constant 1 : i32
        %get3A_221 = arith.index_cast %get3A_219 : i32 to index
        %get3A_222 = arith.index_cast %get3A_220 : i32 to index
        %get3A_223 = arith.constant 48 : index
        %get3A_224 = tpu.vector_load %arg9[%get3A_221, %get3A_222, %get3A_223] {strides = array<i32>} : memref<2x2x128xi32, #tpu.memory_space<vmem>>, vector<16xi32>,
        %gather3A_225 = tpu.vector_load_idx %arg8[%get3A_218] : memref<10000xf32, #tpu.memory_space<vmem>>[vector<16xi32>], vector<16xf32>,
        %gather3A_226 = tpu.vector_load_idx %arg8[%get3A_224] : memref<10000xf32, #tpu.memory_space<vmem>>[vector<16xi32>], vector<16xf32>,
        %sub3A_227 = arith.subf %gather3A_225, %gather3A_226 : vector<16xf32>
        %add3A_228 = arith.addf %sub3A_227, %get3A_10 : vector<16xf32>
        %ge3A_229 = arith.constant 0.000000e+00 : f32
        %ge3A_230 = vector.broadcast %ge3A_229 : f32 to vector<16xf32>
        %ge3A_231 = arith.cmpf oge, %add3A_228, %ge3A_230 : vector<16xf32>
        %mul3A_232 = arith.constant 2.000000e-01 : f32
        %mul3A_233 = vector.broadcast %mul3A_232 : f32 to vector<16xf32>
        %mul3A_234 = arith.mulf %add3A_228, %mul3A_233 : vector<16xf32>
        %select_n3A_235 = arith.select %ge3A_231, %add3A_228, %mul3A_234 : vector<16xi1>, vector<16xf32>
        %exp3A_236 = math.exp %select_n3A_235 : vector<16xf32>
        %eq3A_237 = arith.cmpi eq, %get3A_218, %get3A_224 : vector<16xi32>
        %broadcast_in_dim3A_238 = arith.constant 0.000000e+00 : f32
        %broadcast_in_dim3A_239 = vector.broadcast %broadcast_in_dim3A_238 : f32 to vector<16xf32>
        %select_n3A_240 = arith.select %eq3A_237, %broadcast_in_dim3A_239, %exp3A_236 : vector<16xi1>, vector<16xf32>
        %swap3A_241 = arith.constant 48 : index
        %swap3A_242 = tpu.vector_load %arg13[%swap3A_241] {strides = array<i32>} : memref<256xf32, #tpu.memory_space<vmem>>, vector<16xf32>,
        tpu.vector_store %arg13[%swap3A_241], %select_n3A_240 {strides = array<i32>} : memref<256xf32, #tpu.memory_space<vmem>>, vector<16xf32>,
        %get3A_243 = arith.constant 0 : i32
        %get3A_244 = arith.constant 0 : i32
        %get3A_245 = arith.index_cast %get3A_243 : i32 to index
        %get3A_246 = arith.index_cast %get3A_244 : i32 to index
        %get3A_247 = arith.constant 64 : index
        %get3A_248 = tpu.vector_load %arg9[%get3A_245, %get3A_246, %get3A_247] {strides = array<i32>} : memref<2x2x128xi32, #tpu.memory_space<vmem>>, vector<16xi32>,
        %get3A_249 = arith.constant 0 : i32
        %get3A_250 = arith.constant 1 : i32
        %get3A_251 = arith.index_cast %get3A_249 : i32 to index
        %get3A_252 = arith.index_cast %get3A_250 : i32 to index
        %get3A_253 = arith.constant 64 : index
        %get3A_254 = tpu.vector_load %arg9[%get3A_251, %get3A_252, %get3A_253] {strides = array<i32>} : memref<2x2x128xi32, #tpu.memory_space<vmem>>, vector<16xi32>,
        %gather3A_255 = tpu.vector_load_idx %arg8[%get3A_248] : memref<10000xf32, #tpu.memory_space<vmem>>[vector<16xi32>], vector<16xf32>,
        %gather3A_256 = tpu.vector_load_idx %arg8[%get3A_254] : memref<10000xf32, #tpu.memory_space<vmem>>[vector<16xi32>], vector<16xf32>,
        %sub3A_257 = arith.subf %gather3A_255, %gather3A_256 : vector<16xf32>
        %add3A_258 = arith.addf %sub3A_257, %get3A_10 : vector<16xf32>
        %ge3A_259 = arith.constant 0.000000e+00 : f32
        %ge3A_260 = vector.broadcast %ge3A_259 : f32 to vector<16xf32>
        %ge3A_261 = arith.cmpf oge, %add3A_258, %ge3A_260 : vector<16xf32>
        %mul3A_262 = arith.constant 2.000000e-01 : f32
        %mul3A_263 = vector.broadcast %mul3A_262 : f32 to vector<16xf32>
        %mul3A_264 = arith.mulf %add3A_258, %mul3A_263 : vector<16xf32>
        %select_n3A_265 = arith.select %ge3A_261, %add3A_258, %mul3A_264 : vector<16xi1>, vector<16xf32>
        %exp3A_266 = math.exp %select_n3A_265 : vector<16xf32>
        %eq3A_267 = arith.cmpi eq, %get3A_248, %get3A_254 : vector<16xi32>
        %broadcast_in_dim3A_268 = arith.constant 0.000000e+00 : f32
        %broadcast_in_dim3A_269 = vector.broadcast %broadcast_in_dim3A_268 : f32 to vector<16xf32>
        %select_n3A_270 = arith.select %eq3A_267, %broadcast_in_dim3A_269, %exp3A_266 : vector<16xi1>, vector<16xf32>
        %swap3A_271 = arith.constant 64 : index
        %swap3A_272 = tpu.vector_load %arg13[%swap3A_271] {strides = array<i32>} : memref<256xf32, #tpu.memory_space<vmem>>, vector<16xf32>,
        tpu.vector_store %arg13[%swap3A_271], %select_n3A_270 {strides = array<i32>} : memref<256xf32, #tpu.memory_space<vmem>>, vector<16xf32>,
        %get3A_273 = arith.constant 0 : i32
        %get3A_274 = arith.constant 0 : i32
        %get3A_275 = arith.index_cast %get3A_273 : i32 to index
        %get3A_276 = arith.index_cast %get3A_274 : i32 to index
        %get3A_277 = arith.constant 80 : index
        %get3A_278 = tpu.vector_load %arg9[%get3A_275, %get3A_276, %get3A_277] {strides = array<i32>} : memref<2x2x128xi32, #tpu.memory_space<vmem>>, vector<16xi32>,
        %get3A_279 = arith.constant 0 : i32
        %get3A_280 = arith.constant 1 : i32
        %get3A_281 = arith.index_cast %get3A_279 : i32 to index
        %get3A_282 = arith.index_cast %get3A_280 : i32 to index
        %get3A_283 = arith.constant 80 : index
        %get3A_284 = tpu.vector_load %arg9[%get3A_281, %get3A_282, %get3A_283] {strides = array<i32>} : memref<2x2x128xi32, #tpu.memory_space<vmem>>, vector<16xi32>,
        %gather3A_285 = tpu.vector_load_idx %arg8[%get3A_278] : memref<10000xf32, #tpu.memory_space<vmem>>[vector<16xi32>], vector<16xf32>,
        %gather3A_286 = tpu.vector_load_idx %arg8[%get3A_284] : memref<10000xf32, #tpu.memory_space<vmem>>[vector<16xi32>], vector<16xf32>,
        %sub3A_287 = arith.subf %gather3A_285, %gather3A_286 : vector<16xf32>
        %add3A_288 = arith.addf %sub3A_287, %get3A_10 : vector<16xf32>
        %ge3A_289 = arith.constant 0.000000e+00 : f32
        %ge3A_290 = vector.broadcast %ge3A_289 : f32 to vector<16xf32>
        %ge3A_291 = arith.cmpf oge, %add3A_288, %ge3A_290 : vector<16xf32>
        %mul3A_292 = arith.constant 2.000000e-01 : f32
        %mul3A_293 = vector.broadcast %mul3A_292 : f32 to vector<16xf32>
        %mul3A_294 = arith.mulf %add3A_288, %mul3A_293 : vector<16xf32>
        %select_n3A_295 = arith.select %ge3A_291, %add3A_288, %mul3A_294 : vector<16xi1>, vector<16xf32>
        %exp3A_296 = math.exp %select_n3A_295 : vector<16xf32>
        %eq3A_297 = arith.cmpi eq, %get3A_278, %get3A_284 : vector<16xi32>
        %broadcast_in_dim3A_298 = arith.constant 0.000000e+00 : f32
        %broadcast_in_dim3A_299 = vector.broadcast %broadcast_in_dim3A_298 : f32 to vector<16xf32>
        %select_n3A_300 = arith.select %eq3A_297, %broadcast_in_dim3A_299, %exp3A_296 : vector<16xi1>, vector<16xf32>
        %swap3A_301 = arith.constant 80 : index
        %swap3A_302 = tpu.vector_load %arg13[%swap3A_301] {strides = array<i32>} : memref<256xf32, #tpu.memory_space<vmem>>, vector<16xf32>,
        tpu.vector_store %arg13[%swap3A_301], %select_n3A_300 {strides = array<i32>} : memref<256xf32, #tpu.memory_space<vmem>>, vector<16xf32>,
        %get3A_303 = arith.constant 0 : i32
        %get3A_304 = arith.constant 0 : i32
        %get3A_305 = arith.index_cast %get3A_303 : i32 to index
        %get3A_306 = arith.index_cast %get3A_304 : i32 to index
        %get3A_307 = arith.constant 96 : index
        %get3A_308 = tpu.vector_load %arg9[%get3A_305, %get3A_306, %get3A_307] {strides = array<i32>} : memref<2x2x128xi32, #tpu.memory_space<vmem>>, vector<16xi32>,
        %get3A_309 = arith.constant 0 : i32
        %get3A_310 = arith.constant 1 : i32
        %get3A_311 = arith.index_cast %get3A_309 : i32 to index
        %get3A_312 = arith.index_cast %get3A_310 : i32 to index
        %get3A_313 = arith.constant 96 : index
        %get3A_314 = tpu.vector_load %arg9[%get3A_311, %get3A_312, %get3A_313] {strides = array<i32>} : memref<2x2x128xi32, #tpu.memory_space<vmem>>, vector<16xi32>,
        %gather3A_315 = tpu.vector_load_idx %arg8[%get3A_308] : memref<10000xf32, #tpu.memory_space<vmem>>[vector<16xi32>], vector<16xf32>,
        %gather3A_316 = tpu.vector_load_idx %arg8[%get3A_314] : memref<10000xf32, #tpu.memory_space<vmem>>[vector<16xi32>], vector<16xf32>,
        %sub3A_317 = arith.subf %gather3A_315, %gather3A_316 : vector<16xf32>
        %add3A_318 = arith.addf %sub3A_317, %get3A_10 : vector<16xf32>
        %ge3A_319 = arith.constant 0.000000e+00 : f32
        %ge3A_320 = vector.broadcast %ge3A_319 : f32 to vector<16xf32>
        %ge3A_321 = arith.cmpf oge, %add3A_318, %ge3A_320 : vector<16xf32>
        %mul3A_322 = arith.constant 2.000000e-01 : f32
        %mul3A_323 = vector.broadcast %mul3A_322 : f32 to vector<16xf32>
        %mul3A_324 = arith.mulf %add3A_318, %mul3A_323 : vector<16xf32>
        %select_n3A_325 = arith.select %ge3A_321, %add3A_318, %mul3A_324 : vector<16xi1>, vector<16xf32>
        %exp3A_326 = math.exp %select_n3A_325 : vector<16xf32>
        %eq3A_327 = arith.cmpi eq, %get3A_308, %get3A_314 : vector<16xi32>
        %broadcast_in_dim3A_328 = arith.constant 0.000000e+00 : f32
        %broadcast_in_dim3A_329 = vector.broadcast %broadcast_in_dim3A_328 : f32 to vector<16xf32>
        %select_n3A_330 = arith.select %eq3A_327, %broadcast_in_dim3A_329, %exp3A_326 : vector<16xi1>, vector<16xf32>
        %swap3A_331 = arith.constant 96 : index
        %swap3A_332 = tpu.vector_load %arg13[%swap3A_331] {strides = array<i32>} : memref<256xf32, #tpu.memory_space<vmem>>, vector<16xf32>,
        tpu.vector_store %arg13[%swap3A_331], %select_n3A_330 {strides = array<i32>} : memref<256xf32, #tpu.memory_space<vmem>>, vector<16xf32>,
        %get3A_333 = arith.constant 0 : i32
        %get3A_334 = arith.constant 0 : i32
        %get3A_335 = arith.index_cast %get3A_333 : i32 to index
        %get3A_336 = arith.index_cast %get3A_334 : i32 to index
        %get3A_337 = arith.constant 112 : index
        %get3A_338 = tpu.vector_load %arg9[%get3A_335, %get3A_336, %get3A_337] {strides = array<i32>} : memref<2x2x128xi32, #tpu.memory_space<vmem>>, vector<16xi32>,
        %get3A_339 = arith.constant 0 : i32
        %get3A_340 = arith.constant 1 : i32
        %get3A_341 = arith.index_cast %get3A_339 : i32 to index
        %get3A_342 = arith.index_cast %get3A_340 : i32 to index
        %get3A_343 = arith.constant 112 : index
        %get3A_344 = tpu.vector_load %arg9[%get3A_341, %get3A_342, %get3A_343] {strides = array<i32>} : memref<2x2x128xi32, #tpu.memory_space<vmem>>, vector<16xi32>,
        %gather3A_345 = tpu.vector_load_idx %arg8[%get3A_338] : memref<10000xf32, #tpu.memory_space<vmem>>[vector<16xi32>], vector<16xf32>,
        %gather3A_346 = tpu.vector_load_idx %arg8[%get3A_344] : memref<10000xf32, #tpu.memory_space<vmem>>[vector<16xi32>], vector<16xf32>,
        %sub3A_347 = arith.subf %gather3A_345, %gather3A_346 : vector<16xf32>
        %add3A_348 = arith.addf %sub3A_347, %get3A_10 : vector<16xf32>
        %ge3A_349 = arith.constant 0.000000e+00 : f32
        %ge3A_350 = vector.broadcast %ge3A_349 : f32 to vector<16xf32>
        %ge3A_351 = arith.cmpf oge, %add3A_348, %ge3A_350 : vector<16xf32>
        %mul3A_352 = arith.constant 2.000000e-01 : f32
        %mul3A_353 = vector.broadcast %mul3A_352 : f32 to vector<16xf32>
        %mul3A_354 = arith.mulf %add3A_348, %mul3A_353 : vector<16xf32>
        %select_n3A_355 = arith.select %ge3A_351, %add3A_348, %mul3A_354 : vector<16xi1>, vector<16xf32>
        %exp3A_356 = math.exp %select_n3A_355 : vector<16xf32>
        %eq3A_357 = arith.cmpi eq, %get3A_338, %get3A_344 : vector<16xi32>
        %broadcast_in_dim3A_358 = arith.constant 0.000000e+00 : f32
        %broadcast_in_dim3A_359 = vector.broadcast %broadcast_in_dim3A_358 : f32 to vector<16xf32>
        %select_n3A_360 = arith.select %eq3A_357, %broadcast_in_dim3A_359, %exp3A_356 : vector<16xi1>, vector<16xf32>
        %swap3A_361 = arith.constant 112 : index
        %swap3A_362 = tpu.vector_load %arg13[%swap3A_361] {strides = array<i32>} : memref<256xf32, #tpu.memory_space<vmem>>, vector<16xf32>,
        tpu.vector_store %arg13[%swap3A_361], %select_n3A_360 {strides = array<i32>} : memref<256xf32, #tpu.memory_space<vmem>>, vector<16xf32>,
        %dma_wait3A_363 = arith.constant 0 : i32
        %dma_wait3A_364 = arith.constant 0 : i32
        %dma_wait3A_365 = arith.constant 0 : i32
        %dma_wait3A_366 = arith.constant 0 : i32
        %dma_wait3A_367 = tpu.memref_slice %arg11[%dma_wait3A_365, %dma_wait3A_366] : memref<256x64xf32, #tpu.memory_space<vmem>> -> memref<128x64xf32, #tpu.memory_space<vmem>>
        %dma_wait3A_368 = arith.constant 0 : i32
        %dma_wait3A_369 = tpu.memref_slice %arg9[%dma_wait3A_363, %dma_wait3A_364, %dma_wait3A_368] : memref<2x2x128xi32, #tpu.memory_space<vmem>> -> memref<1x1x128xi32, #tpu.memory_space<vmem>>
        %dma_wait3A_370 = tpu.memref_squeeze %dma_wait3A_369 : memref<1x1x128xi32, #tpu.memory_space<vmem>> -> memref<128xi32, #tpu.memory_space<vmem>>
        %dma_wait3A_371 = arith.constant 0 : i32
        %dma_wait3A_372 = arith.constant 0 : i32
        %dma_wait3A_373 = tpu.memref_slice %arg2[%arg0, %dma_wait3A_371, %dma_wait3A_372] : memref<2x10000x64xf32, #tpu.memory_space<hbm>> -> memref<1x10000x64xf32, #tpu.memory_space<hbm>>
        %dma_wait3A_374 = tpu.memref_squeeze %dma_wait3A_373 : memref<1x10000x64xf32, #tpu.memory_space<hbm>> -> memref<10000x64xf32, #tpu.memory_space<hbm>>
        %dma_wait3A_375 = arith.constant 0 : i32
        %dma_wait3A_376 = arith.constant 0 : i32
        %dma_wait3A_377 = tpu.memref_slice %dma_wait3A_374[%dma_wait3A_375, %dma_wait3A_376] : memref<10000x64xf32, #tpu.memory_space<hbm>> -> memref<10000x64xf32, #tpu.memory_space<hbm>>
        tpu.wait_indirect_dma semaphore(%arg19 : memref<!tpu.dma_semaphore, #tpu.memory_space<semaphore_mem>>) src(%dma_wait3A_377 : memref<10000x64xf32, #tpu.memory_space<hbm>>) dst(%dma_wait3A_367 : memref<128x64xf32, #tpu.memory_space<vmem>>)
        %scan3A_378 = arith.constant 0 : i32
        %scan3A_379 = arith.constant 128 : i32
        %scan3A_380 = arith.addi %scan3A_378, %scan3A_379 : i32
        %scan3A_381 = arith.constant 4 : i32
        scf.for %scan3A_677 = %scan3A_378 to %scan3A_380 step %scan3A_381  : i32 {
          %mul3A_678 = arith.constant 1 : i32
          %mul3A_679 = arith.muli %scan3A_677, %mul3A_678 : i32
          %add3A_680 = arith.constant 0 : i32
          %add3A_681 = arith.addi %add3A_680, %mul3A_679 : i32
          %broadcast_in_dim3A_682 = vector.broadcast %add3A_681 : i32 to vector<16xi32>
          %gather3A_683 = tpu.vector_load_idx %arg13[%broadcast_in_dim3A_682] : memref<256xf32, #tpu.memory_space<vmem>>[vector<16xi32>], vector<16xf32>,
          %swap3A_684 = arith.index_cast %add3A_681 : i32 to index
          %swap3A_685 = arith.constant 0 : index
          %swap3A_686 = tpu.vector_load %arg14[%swap3A_684, %swap3A_685] {strides = array<i32>} : memref<256x16xf32, #tpu.memory_space<vmem>>, vector<16xf32>,
          tpu.vector_store %arg14[%swap3A_684, %swap3A_685], %gather3A_683 {strides = array<i32>} : memref<256x16xf32, #tpu.memory_space<vmem>>, vector<16xf32>,
          %get3A_687 = arith.index_cast %add3A_681 : i32 to index
          %get3A_688 = arith.constant 0 : index
          %get3A_689 = tpu.vector_load %arg11[%get3A_687, %get3A_688] {strides = array<i32>} : memref<256x64xf32, #tpu.memory_space<vmem>>, vector<16xf32>,
          %mul3A_690 = arith.mulf %get3A_689, %gather3A_683 : vector<16xf32>
          %swap3A_691 = arith.index_cast %add3A_681 : i32 to index
          %swap3A_692 = arith.constant 0 : index
          %swap3A_693 = tpu.vector_load %arg11[%swap3A_691, %swap3A_692] {strides = array<i32>} : memref<256x64xf32, #tpu.memory_space<vmem>>, vector<16xf32>,
          tpu.vector_store %arg11[%swap3A_691, %swap3A_692], %mul3A_690 {strides = array<i32>} : memref<256x64xf32, #tpu.memory_space<vmem>>, vector<16xf32>,
          %get3A_694 = arith.index_cast %add3A_681 : i32 to index
          %get3A_695 = arith.constant 16 : index
          %get3A_696 = tpu.vector_load %arg11[%get3A_694, %get3A_695] {strides = array<i32>} : memref<256x64xf32, #tpu.memory_space<vmem>>, vector<16xf32>,
          %mul3A_697 = arith.mulf %get3A_696, %gather3A_683 : vector<16xf32>
          %swap3A_698 = arith.index_cast %add3A_681 : i32 to index
          %swap3A_699 = arith.constant 16 : index
          %swap3A_700 = tpu.vector_load %arg11[%swap3A_698, %swap3A_699] {strides = array<i32>} : memref<256x64xf32, #tpu.memory_space<vmem>>, vector<16xf32>,
          tpu.vector_store %arg11[%swap3A_698, %swap3A_699], %mul3A_697 {strides = array<i32>} : memref<256x64xf32, #tpu.memory_space<vmem>>, vector<16xf32>,
          %get3A_701 = arith.index_cast %add3A_681 : i32 to index
          %get3A_702 = arith.constant 32 : index
          %get3A_703 = tpu.vector_load %arg11[%get3A_701, %get3A_702] {strides = array<i32>} : memref<256x64xf32, #tpu.memory_space<vmem>>, vector<16xf32>,
          %mul3A_704 = arith.mulf %get3A_703, %gather3A_683 : vector<16xf32>
          %swap3A_705 = arith.index_cast %add3A_681 : i32 to index
          %swap3A_706 = arith.constant 32 : index
          %swap3A_707 = tpu.vector_load %arg11[%swap3A_705, %swap3A_706] {strides = array<i32>} : memref<256x64xf32, #tpu.memory_space<vmem>>, vector<16xf32>,
          tpu.vector_store %arg11[%swap3A_705, %swap3A_706], %mul3A_704 {strides = array<i32>} : memref<256x64xf32, #tpu.memory_space<vmem>>, vector<16xf32>,
          %get3A_708 = arith.index_cast %add3A_681 : i32 to index
          %get3A_709 = arith.constant 48 : index
          %get3A_710 = tpu.vector_load %arg11[%get3A_708, %get3A_709] {strides = array<i32>} : memref<256x64xf32, #tpu.memory_space<vmem>>, vector<16xf32>,
          %mul3A_711 = arith.mulf %get3A_710, %gather3A_683 : vector<16xf32>
          %swap3A_712 = arith.index_cast %add3A_681 : i32 to index
          %swap3A_713 = arith.constant 48 : index
          %swap3A_714 = tpu.vector_load %arg11[%swap3A_712, %swap3A_713] {strides = array<i32>} : memref<256x64xf32, #tpu.memory_space<vmem>>, vector<16xf32>,
          tpu.vector_store %arg11[%swap3A_712, %swap3A_713], %mul3A_711 {strides = array<i32>} : memref<256x64xf32, #tpu.memory_space<vmem>>, vector<16xf32>,
          %scan3A_715 = arith.constant 1 : i32
          %scan3A_716 = arith.addi %scan3A_677, %scan3A_715 : i32
          %mul3A_717 = arith.constant 1 : i32
          %mul3A_718 = arith.muli %scan3A_716, %mul3A_717 : i32
          %add3A_719 = arith.constant 0 : i32
          %add3A_720 = arith.addi %add3A_719, %mul3A_718 : i32
          %broadcast_in_dim3A_721 = vector.broadcast %add3A_720 : i32 to vector<16xi32>
          %gather3A_722 = tpu.vector_load_idx %arg13[%broadcast_in_dim3A_721] : memref<256xf32, #tpu.memory_space<vmem>>[vector<16xi32>], vector<16xf32>,
          %swap3A_723 = arith.index_cast %add3A_720 : i32 to index
          %swap3A_724 = arith.constant 0 : index
          %swap3A_725 = tpu.vector_load %arg14[%swap3A_723, %swap3A_724] {strides = array<i32>} : memref<256x16xf32, #tpu.memory_space<vmem>>, vector<16xf32>,
          tpu.vector_store %arg14[%swap3A_723, %swap3A_724], %gather3A_722 {strides = array<i32>} : memref<256x16xf32, #tpu.memory_space<vmem>>, vector<16xf32>,
          %get3A_726 = arith.index_cast %add3A_720 : i32 to index
          %get3A_727 = arith.constant 0 : index
          %get3A_728 = tpu.vector_load %arg11[%get3A_726, %get3A_727] {strides = array<i32>} : memref<256x64xf32, #tpu.memory_space<vmem>>, vector<16xf32>,
          %mul3A_729 = arith.mulf %get3A_728, %gather3A_722 : vector<16xf32>
          %swap3A_730 = arith.index_cast %add3A_720 : i32 to index
          %swap3A_731 = arith.constant 0 : index
          %swap3A_732 = tpu.vector_load %arg11[%swap3A_730, %swap3A_731] {strides = array<i32>} : memref<256x64xf32, #tpu.memory_space<vmem>>, vector<16xf32>,
          tpu.vector_store %arg11[%swap3A_730, %swap3A_731], %mul3A_729 {strides = array<i32>} : memref<256x64xf32, #tpu.memory_space<vmem>>, vector<16xf32>,
          %get3A_733 = arith.index_cast %add3A_720 : i32 to index
          %get3A_734 = arith.constant 16 : index
          %get3A_735 = tpu.vector_load %arg11[%get3A_733, %get3A_734] {strides = array<i32>} : memref<256x64xf32, #tpu.memory_space<vmem>>, vector<16xf32>,
          %mul3A_736 = arith.mulf %get3A_735, %gather3A_722 : vector<16xf32>
          %swap3A_737 = arith.index_cast %add3A_720 : i32 to index
          %swap3A_738 = arith.constant 16 : index
          %swap3A_739 = tpu.vector_load %arg11[%swap3A_737, %swap3A_738] {strides = array<i32>} : memref<256x64xf32, #tpu.memory_space<vmem>>, vector<16xf32>,
          tpu.vector_store %arg11[%swap3A_737, %swap3A_738], %mul3A_736 {strides = array<i32>} : memref<256x64xf32, #tpu.memory_space<vmem>>, vector<16xf32>,
          %get3A_740 = arith.index_cast %add3A_720 : i32 to index
          %get3A_741 = arith.constant 32 : index
          %get3A_742 = tpu.vector_load %arg11[%get3A_740, %get3A_741] {strides = array<i32>} : memref<256x64xf32, #tpu.memory_space<vmem>>, vector<16xf32>,
          %mul3A_743 = arith.mulf %get3A_742, %gather3A_722 : vector<16xf32>
          %swap3A_744 = arith.index_cast %add3A_720 : i32 to index
          %swap3A_745 = arith.constant 32 : index
          %swap3A_746 = tpu.vector_load %arg11[%swap3A_744, %swap3A_745] {strides = array<i32>} : memref<256x64xf32, #tpu.memory_space<vmem>>, vector<16xf32>,
          tpu.vector_store %arg11[%swap3A_744, %swap3A_745], %mul3A_743 {strides = array<i32>} : memref<256x64xf32, #tpu.memory_space<vmem>>, vector<16xf32>,
          %get3A_747 = arith.index_cast %add3A_720 : i32 to index
          %get3A_748 = arith.constant 48 : index
          %get3A_749 = tpu.vector_load %arg11[%get3A_747, %get3A_748] {strides = array<i32>} : memref<256x64xf32, #tpu.memory_space<vmem>>, vector<16xf32>,
          %mul3A_750 = arith.mulf %get3A_749, %gather3A_722 : vector<16xf32>
          %swap3A_751 = arith.index_cast %add3A_720 : i32 to index
          %swap3A_752 = arith.constant 48 : index
          %swap3A_753 = tpu.vector_load %arg11[%swap3A_751, %swap3A_752] {strides = array<i32>} : memref<256x64xf32, #tpu.memory_space<vmem>>, vector<16xf32>,
          tpu.vector_store %arg11[%swap3A_751, %swap3A_752], %mul3A_750 {strides = array<i32>} : memref<256x64xf32, #tpu.memory_space<vmem>>, vector<16xf32>,
          %scan3A_754 = arith.constant 2 : i32
          %scan3A_755 = arith.addi %scan3A_677, %scan3A_754 : i32
          %mul3A_756 = arith.constant 1 : i32
          %mul3A_757 = arith.muli %scan3A_755, %mul3A_756 : i32
          %add3A_758 = arith.constant 0 : i32
          %add3A_759 = arith.addi %add3A_758, %mul3A_757 : i32
          %broadcast_in_dim3A_760 = vector.broadcast %add3A_759 : i32 to vector<16xi32>
          %gather3A_761 = tpu.vector_load_idx %arg13[%broadcast_in_dim3A_760] : memref<256xf32, #tpu.memory_space<vmem>>[vector<16xi32>], vector<16xf32>,
          %swap3A_762 = arith.index_cast %add3A_759 : i32 to index
          %swap3A_763 = arith.constant 0 : index
          %swap3A_764 = tpu.vector_load %arg14[%swap3A_762, %swap3A_763] {strides = array<i32>} : memref<256x16xf32, #tpu.memory_space<vmem>>, vector<16xf32>,
          tpu.vector_store %arg14[%swap3A_762, %swap3A_763], %gather3A_761 {strides = array<i32>} : memref<256x16xf32, #tpu.memory_space<vmem>>, vector<16xf32>,
          %get3A_765 = arith.index_cast %add3A_759 : i32 to index
          %get3A_766 = arith.constant 0 : index
          %get3A_767 = tpu.vector_load %arg11[%get3A_765, %get3A_766] {strides = array<i32>} : memref<256x64xf32, #tpu.memory_space<vmem>>, vector<16xf32>,
          %mul3A_768 = arith.mulf %get3A_767, %gather3A_761 : vector<16xf32>
          %swap3A_769 = arith.index_cast %add3A_759 : i32 to index
          %swap3A_770 = arith.constant 0 : index
          %swap3A_771 = tpu.vector_load %arg11[%swap3A_769, %swap3A_770] {strides = array<i32>} : memref<256x64xf32, #tpu.memory_space<vmem>>, vector<16xf32>,
          tpu.vector_store %arg11[%swap3A_769, %swap3A_770], %mul3A_768 {strides = array<i32>} : memref<256x64xf32, #tpu.memory_space<vmem>>, vector<16xf32>,
          %get3A_772 = arith.index_cast %add3A_759 : i32 to index
          %get3A_773 = arith.constant 16 : index
          %get3A_774 = tpu.vector_load %arg11[%get3A_772, %get3A_773] {strides = array<i32>} : memref<256x64xf32, #tpu.memory_space<vmem>>, vector<16xf32>,
          %mul3A_775 = arith.mulf %get3A_774, %gather3A_761 : vector<16xf32>
          %swap3A_776 = arith.index_cast %add3A_759 : i32 to index
          %swap3A_777 = arith.constant 16 : index
          %swap3A_778 = tpu.vector_load %arg11[%swap3A_776, %swap3A_777] {strides = array<i32>} : memref<256x64xf32, #tpu.memory_space<vmem>>, vector<16xf32>,
          tpu.vector_store %arg11[%swap3A_776, %swap3A_777], %mul3A_775 {strides = array<i32>} : memref<256x64xf32, #tpu.memory_space<vmem>>, vector<16xf32>,
          %get3A_779 = arith.index_cast %add3A_759 : i32 to index
          %get3A_780 = arith.constant 32 : index
          %get3A_781 = tpu.vector_load %arg11[%get3A_779, %get3A_780] {strides = array<i32>} : memref<256x64xf32, #tpu.memory_space<vmem>>, vector<16xf32>,
          %mul3A_782 = arith.mulf %get3A_781, %gather3A_761 : vector<16xf32>
          %swap3A_783 = arith.index_cast %add3A_759 : i32 to index
          %swap3A_784 = arith.constant 32 : index
          %swap3A_785 = tpu.vector_load %arg11[%swap3A_783, %swap3A_784] {strides = array<i32>} : memref<256x64xf32, #tpu.memory_space<vmem>>, vector<16xf32>,
          tpu.vector_store %arg11[%swap3A_783, %swap3A_784], %mul3A_782 {strides = array<i32>} : memref<256x64xf32, #tpu.memory_space<vmem>>, vector<16xf32>,
          %get3A_786 = arith.index_cast %add3A_759 : i32 to index
          %get3A_787 = arith.constant 48 : index
          %get3A_788 = tpu.vector_load %arg11[%get3A_786, %get3A_787] {strides = array<i32>} : memref<256x64xf32, #tpu.memory_space<vmem>>, vector<16xf32>,
          %mul3A_789 = arith.mulf %get3A_788, %gather3A_761 : vector<16xf32>
          %swap3A_790 = arith.index_cast %add3A_759 : i32 to index
          %swap3A_791 = arith.constant 48 : index
          %swap3A_792 = tpu.vector_load %arg11[%swap3A_790, %swap3A_791] {strides = array<i32>} : memref<256x64xf32, #tpu.memory_space<vmem>>, vector<16xf32>,
          tpu.vector_store %arg11[%swap3A_790, %swap3A_791], %mul3A_789 {strides = array<i32>} : memref<256x64xf32, #tpu.memory_space<vmem>>, vector<16xf32>,
          %scan3A_793 = arith.constant 3 : i32
          %scan3A_794 = arith.addi %scan3A_677, %scan3A_793 : i32
          %mul3A_795 = arith.constant 1 : i32
          %mul3A_796 = arith.muli %scan3A_794, %mul3A_795 : i32
          %add3A_797 = arith.constant 0 : i32
          %add3A_798 = arith.addi %add3A_797, %mul3A_796 : i32
          %broadcast_in_dim3A_799 = vector.broadcast %add3A_798 : i32 to vector<16xi32>
          %gather3A_800 = tpu.vector_load_idx %arg13[%broadcast_in_dim3A_799] : memref<256xf32, #tpu.memory_space<vmem>>[vector<16xi32>], vector<16xf32>,
          %swap3A_801 = arith.index_cast %add3A_798 : i32 to index
          %swap3A_802 = arith.constant 0 : index
          %swap3A_803 = tpu.vector_load %arg14[%swap3A_801, %swap3A_802] {strides = array<i32>} : memref<256x16xf32, #tpu.memory_space<vmem>>, vector<16xf32>,
          tpu.vector_store %arg14[%swap3A_801, %swap3A_802], %gather3A_800 {strides = array<i32>} : memref<256x16xf32, #tpu.memory_space<vmem>>, vector<16xf32>,
          %get3A_804 = arith.index_cast %add3A_798 : i32 to index
          %get3A_805 = arith.constant 0 : index
          %get3A_806 = tpu.vector_load %arg11[%get3A_804, %get3A_805] {strides = array<i32>} : memref<256x64xf32, #tpu.memory_space<vmem>>, vector<16xf32>,
          %mul3A_807 = arith.mulf %get3A_806, %gather3A_800 : vector<16xf32>
          %swap3A_808 = arith.index_cast %add3A_798 : i32 to index
          %swap3A_809 = arith.constant 0 : index
          %swap3A_810 = tpu.vector_load %arg11[%swap3A_808, %swap3A_809] {strides = array<i32>} : memref<256x64xf32, #tpu.memory_space<vmem>>, vector<16xf32>,
          tpu.vector_store %arg11[%swap3A_808, %swap3A_809], %mul3A_807 {strides = array<i32>} : memref<256x64xf32, #tpu.memory_space<vmem>>, vector<16xf32>,
          %get3A_811 = arith.index_cast %add3A_798 : i32 to index
          %get3A_812 = arith.constant 16 : index
          %get3A_813 = tpu.vector_load %arg11[%get3A_811, %get3A_812] {strides = array<i32>} : memref<256x64xf32, #tpu.memory_space<vmem>>, vector<16xf32>,
          %mul3A_814 = arith.mulf %get3A_813, %gather3A_800 : vector<16xf32>
          %swap3A_815 = arith.index_cast %add3A_798 : i32 to index
          %swap3A_816 = arith.constant 16 : index
          %swap3A_817 = tpu.vector_load %arg11[%swap3A_815, %swap3A_816] {strides = array<i32>} : memref<256x64xf32, #tpu.memory_space<vmem>>, vector<16xf32>,
          tpu.vector_store %arg11[%swap3A_815, %swap3A_816], %mul3A_814 {strides = array<i32>} : memref<256x64xf32, #tpu.memory_space<vmem>>, vector<16xf32>,
          %get3A_818 = arith.index_cast %add3A_798 : i32 to index
          %get3A_819 = arith.constant 32 : index
          %get3A_820 = tpu.vector_load %arg11[%get3A_818, %get3A_819] {strides = array<i32>} : memref<256x64xf32, #tpu.memory_space<vmem>>, vector<16xf32>,
          %mul3A_821 = arith.mulf %get3A_820, %gather3A_800 : vector<16xf32>
          %swap3A_822 = arith.index_cast %add3A_798 : i32 to index
          %swap3A_823 = arith.constant 32 : index
          %swap3A_824 = tpu.vector_load %arg11[%swap3A_822, %swap3A_823] {strides = array<i32>} : memref<256x64xf32, #tpu.memory_space<vmem>>, vector<16xf32>,
          tpu.vector_store %arg11[%swap3A_822, %swap3A_823], %mul3A_821 {strides = array<i32>} : memref<256x64xf32, #tpu.memory_space<vmem>>, vector<16xf32>,
          %get3A_825 = arith.index_cast %add3A_798 : i32 to index
          %get3A_826 = arith.constant 48 : index
          %get3A_827 = tpu.vector_load %arg11[%get3A_825, %get3A_826] {strides = array<i32>} : memref<256x64xf32, #tpu.memory_space<vmem>>, vector<16xf32>,
          %mul3A_828 = arith.mulf %get3A_827, %gather3A_800 : vector<16xf32>
          %swap3A_829 = arith.index_cast %add3A_798 : i32 to index
          %swap3A_830 = arith.constant 48 : index
          %swap3A_831 = tpu.vector_load %arg11[%swap3A_829, %swap3A_830] {strides = array<i32>} : memref<256x64xf32, #tpu.memory_space<vmem>>, vector<16xf32>,
          tpu.vector_store %arg11[%swap3A_829, %swap3A_830], %mul3A_828 {strides = array<i32>} : memref<256x64xf32, #tpu.memory_space<vmem>>, vector<16xf32>,
        }
        %scan3A_382 = arith.constant 128 : i32
        %add3A_383 = arith.constant 16 : i32
        %add3A_384 = arith.addi %add3A_112, %add3A_383 : i32
        %lt3A_385 = arith.constant 1250 : i32
        %lt3A_386 = arith.cmpi slt, %add3A_384, %lt3A_385 : i32
        %convert_element_type3A_387 = arith.extui %lt3A_386 : i1 to i32
        %cond3A_388 = arith.constant 0 : i32
        %cond3A_389 = arith.cmpi ne, %convert_element_type3A_387, %cond3A_388 : i32
        scf.if %cond3A_389 {
          %gt3A = arith.constant 0 : i32
          %gt3A_677 = arith.cmpi sgt, %add3A_109, %gt3A : i32
          %convert_element_type3A_678 = arith.extui %gt3A_677 : i1 to i32
          %cond3A_679 = arith.constant 0 : i32
          %cond3A_680 = arith.cmpi ne, %convert_element_type3A_678, %cond3A_679 : i32
          scf.if %cond3A_680 {
            %dma_wait3A_713 = arith.constant 0 : i32
            %dma_wait3A_714 = arith.constant 1 : i32
            %dma_wait3A_715 = arith.constant 0 : i32
            %dma_wait3A_716 = arith.constant 0 : i32
            %dma_wait3A_717 = tpu.memref_slice %arg12[%dma_wait3A_715, %dma_wait3A_716] : memref<256x64xf32, #tpu.memory_space<vmem>> -> memref<128x64xf32, #tpu.memory_space<vmem>>
            %dma_wait3A_718 = arith.constant 0 : i32
            %dma_wait3A_719 = tpu.memref_slice %arg10[%dma_wait3A_713, %dma_wait3A_714, %dma_wait3A_718] : memref<2x2x128xi32, #tpu.memory_space<vmem>> -> memref<1x1x128xi32, #tpu.memory_space<vmem>>
            %dma_wait3A_720 = tpu.memref_squeeze %dma_wait3A_719 : memref<1x1x128xi32, #tpu.memory_space<vmem>> -> memref<128xi32, #tpu.memory_space<vmem>>
            %dma_wait3A_721 = arith.constant 0 : i32
            %dma_wait3A_722 = arith.constant 0 : i32
            %dma_wait3A_723 = tpu.memref_slice %arg17[%dma_wait3A_721, %dma_wait3A_722] : memref<10000x64xf32, #tpu.memory_space<vmem_shared>> -> memref<10000x64xf32, #tpu.memory_space<vmem_shared>>
            tpu.wait_indirect_dma semaphore(%arg22 : memref<!tpu.dma_semaphore, #tpu.memory_space<semaphore_mem>>) src(%dma_wait3A_717 : memref<128x64xf32, #tpu.memory_space<vmem>>) dst(%dma_wait3A_723 : memref<10000x64xf32, #tpu.memory_space<vmem_shared>>)
            %dma_wait3A_724 = arith.constant 1 : i32
            %dma_wait3A_725 = arith.constant 1 : i32
            %dma_wait3A_726 = arith.constant 128 : i32
            %dma_wait3A_727 = arith.constant 0 : i32
            %dma_wait3A_728 = tpu.memref_slice %arg12[%dma_wait3A_726, %dma_wait3A_727] : memref<256x64xf32, #tpu.memory_space<vmem>> -> memref<128x64xf32, #tpu.memory_space<vmem>>
            %dma_wait3A_729 = arith.constant 0 : i32
            %dma_wait3A_730 = tpu.memref_slice %arg10[%dma_wait3A_724, %dma_wait3A_725, %dma_wait3A_729] : memref<2x2x128xi32, #tpu.memory_space<vmem>> -> memref<1x1x128xi32, #tpu.memory_space<vmem>>
            %dma_wait3A_731 = tpu.memref_squeeze %dma_wait3A_730 : memref<1x1x128xi32, #tpu.memory_space<vmem>> -> memref<128xi32, #tpu.memory_space<vmem>>
            %dma_wait3A_732 = arith.constant 0 : i32
            %dma_wait3A_733 = arith.constant 0 : i32
            %dma_wait3A_734 = tpu.memref_slice %arg17[%dma_wait3A_732, %dma_wait3A_733] : memref<10000x64xf32, #tpu.memory_space<vmem_shared>> -> memref<10000x64xf32, #tpu.memory_space<vmem_shared>>
            tpu.wait_indirect_dma semaphore(%arg22 : memref<!tpu.dma_semaphore, #tpu.memory_space<semaphore_mem>>) src(%dma_wait3A_728 : memref<128x64xf32, #tpu.memory_space<vmem>>) dst(%dma_wait3A_734 : memref<10000x64xf32, #tpu.memory_space<vmem_shared>>)
            %eq3A_735 = arith.constant 0 : i32
            %eq3A_736 = arith.cmpi eq, %arg0, %eq3A_735 : i32
            %convert_element_type3A_737 = arith.extui %eq3A_736 : i1 to i32
            %cond3A_738 = arith.constant 0 : i32
            %cond3A_739 = arith.cmpi ne, %convert_element_type3A_737, %cond3A_738 : i32
            scf.if %cond3A_739 {
              %dma_wait3A_740 = arith.constant 0 : i32
              %dma_wait3A_741 = arith.constant 1 : i32
              %dma_wait3A_742 = arith.constant 0 : i32
              %dma_wait3A_743 = arith.constant 0 : i32
              %dma_wait3A_744 = tpu.memref_slice %arg15[%dma_wait3A_742, %dma_wait3A_743] : memref<256x16xf32, #tpu.memory_space<vmem>> -> memref<128x16xf32, #tpu.memory_space<vmem>>
              %dma_wait3A_745 = arith.constant 0 : i32
              %dma_wait3A_746 = tpu.memref_slice %arg10[%dma_wait3A_740, %dma_wait3A_741, %dma_wait3A_745] : memref<2x2x128xi32, #tpu.memory_space<vmem>> -> memref<1x1x128xi32, #tpu.memory_space<vmem>>
              %dma_wait3A_747 = tpu.memref_squeeze %dma_wait3A_746 : memref<1x1x128xi32, #tpu.memory_space<vmem>> -> memref<128xi32, #tpu.memory_space<vmem>>
              %dma_wait3A_748 = arith.constant 0 : i32
              %dma_wait3A_749 = arith.constant 0 : i32
              %dma_wait3A_750 = tpu.memref_slice %arg18[%dma_wait3A_748, %dma_wait3A_749] : memref<10000x16xf32, #tpu.memory_space<vmem_shared>> -> memref<10000x16xf32, #tpu.memory_space<vmem_shared>>
              tpu.wait_indirect_dma semaphore(%arg22 : memref<!tpu.dma_semaphore, #tpu.memory_space<semaphore_mem>>) src(%dma_wait3A_744 : memref<128x16xf32, #tpu.memory_space<vmem>>) dst(%dma_wait3A_750 : memref<10000x16xf32, #tpu.memory_space<vmem_shared>>)
              %dma_wait3A_751 = arith.constant 1 : i32
              %dma_wait3A_752 = arith.constant 1 : i32
              %dma_wait3A_753 = arith.constant 128 : i32
              %dma_wait3A_754 = arith.constant 0 : i32
              %dma_wait3A_755 = tpu.memref_slice %arg15[%dma_wait3A_753, %dma_wait3A_754] : memref<256x16xf32, #tpu.memory_space<vmem>> -> memref<128x16xf32, #tpu.memory_space<vmem>>
              %dma_wait3A_756 = arith.constant 0 : i32
              %dma_wait3A_757 = tpu.memref_slice %arg10[%dma_wait3A_751, %dma_wait3A_752, %dma_wait3A_756] : memref<2x2x128xi32, #tpu.memory_space<vmem>> -> memref<1x1x128xi32, #tpu.memory_space<vmem>>
              %dma_wait3A_758 = tpu.memref_squeeze %dma_wait3A_757 : memref<1x1x128xi32, #tpu.memory_space<vmem>> -> memref<128xi32, #tpu.memory_space<vmem>>
              %dma_wait3A_759 = arith.constant 0 : i32
              %dma_wait3A_760 = arith.constant 0 : i32
              %dma_wait3A_761 = tpu.memref_slice %arg18[%dma_wait3A_759, %dma_wait3A_760] : memref<10000x16xf32, #tpu.memory_space<vmem_shared>> -> memref<10000x16xf32, #tpu.memory_space<vmem_shared>>
              tpu.wait_indirect_dma semaphore(%arg22 : memref<!tpu.dma_semaphore, #tpu.memory_space<semaphore_mem>>) src(%dma_wait3A_755 : memref<128x16xf32, #tpu.memory_space<vmem>>) dst(%dma_wait3A_761 : memref<10000x16xf32, #tpu.memory_space<vmem_shared>>)
            } else {
            }
          } else {
          }
          %mul3A_681 = arith.constant 2 : i32
          %mul3A_682 = arith.muli %add3A_384, %mul3A_681 : i32
          "tpu.region"() ({
            %run_scoped3A = tpu.sem_alloc : memref<!tpu.dma_semaphore, #tpu.memory_space<semaphore_mem>>
            %dma_start3A_713 = arith.constant 0 : i32
            %dma_start3A_714 = arith.constant 0 : i32
            %dma_start3A_715 = tpu.memref_slice %arg3[%mul3A_682, %dma_start3A_713, %dma_start3A_714] : memref<2500x2x128xi32, #tpu.memory_space<hbm>> -> memref<2x2x128xi32, #tpu.memory_space<hbm>>
            %dma_start3A_716 = arith.constant 0 : i32
            %dma_start3A_717 = arith.constant 0 : i32
            %dma_start3A_718 = tpu.memref_slice %arg3[%mul3A_682, %dma_start3A_716, %dma_start3A_717] : memref<2500x2x128xi32, #tpu.memory_space<hbm>> -> memref<2x2x128xi32, #tpu.memory_space<hbm>>
            tpu.enqueue_dma source(%dma_start3A_718 : memref<2x2x128xi32, #tpu.memory_space<hbm>>) target(%arg10 : memref<2x2x128xi32, #tpu.memory_space<vmem>>) target_semaphore(%run_scoped3A : memref<!tpu.dma_semaphore, #tpu.memory_space<semaphore_mem>>)
            %dma_wait3A_719 = arith.constant 0 : i32
            %dma_wait3A_720 = arith.constant 0 : i32
            %dma_wait3A_721 = tpu.memref_slice %arg3[%mul3A_682, %dma_wait3A_719, %dma_wait3A_720] : memref<2500x2x128xi32, #tpu.memory_space<hbm>> -> memref<2x2x128xi32, #tpu.memory_space<hbm>>
            %dma_wait3A_722 = arith.constant 0 : i32
            %dma_wait3A_723 = arith.constant 0 : i32
            %dma_wait3A_724 = tpu.memref_slice %arg3[%mul3A_682, %dma_wait3A_722, %dma_wait3A_723] : memref<2500x2x128xi32, #tpu.memory_space<hbm>> -> memref<2x2x128xi32, #tpu.memory_space<hbm>>
            tpu.wait_dma2 semaphore(%run_scoped3A : memref<!tpu.dma_semaphore, #tpu.memory_space<semaphore_mem>>) src(%dma_wait3A_724 : memref<2x2x128xi32, #tpu.memory_space<hbm>>) dst(%arg10 : memref<2x2x128xi32, #tpu.memory_space<vmem>>)
            tpu.yield
          }) : () -> ()
          %dma_start3A_683 = arith.constant 0 : i32
          %dma_start3A_684 = arith.constant 0 : i32
          %dma_start3A_685 = arith.constant 0 : i32
          %dma_start3A_686 = arith.constant 0 : i32
          %dma_start3A_687 = tpu.memref_slice %arg12[%dma_start3A_685, %dma_start3A_686] : memref<256x64xf32, #tpu.memory_space<vmem>> -> memref<128x64xf32, #tpu.memory_space<vmem>>
          %dma_start3A_688 = arith.constant 0 : i32
          %dma_start3A_689 = tpu.memref_slice %arg10[%dma_start3A_683, %dma_start3A_684, %dma_start3A_688] : memref<2x2x128xi32, #tpu.memory_space<vmem>> -> memref<1x1x128xi32, #tpu.memory_space<vmem>>
          %dma_start3A_690 = tpu.memref_squeeze %dma_start3A_689 : memref<1x1x128xi32, #tpu.memory_space<vmem>> -> memref<128xi32, #tpu.memory_space<vmem>>
          %dma_start3A_691 = arith.constant 0 : i32
          %dma_start3A_692 = arith.constant 0 : i32
          %dma_start3A_693 = tpu.memref_slice %arg2[%arg0, %dma_start3A_691, %dma_start3A_692] : memref<2x10000x64xf32, #tpu.memory_space<hbm>> -> memref<1x10000x64xf32, #tpu.memory_space<hbm>>
          %dma_start3A_694 = tpu.memref_squeeze %dma_start3A_693 : memref<1x10000x64xf32, #tpu.memory_space<hbm>> -> memref<10000x64xf32, #tpu.memory_space<hbm>>
          %dma_start3A_695 = arith.constant 0 : i32
          %dma_start3A_696 = arith.constant 0 : i32
          %dma_start3A_697 = tpu.memref_slice %dma_start3A_694[%dma_start3A_695, %dma_start3A_696] : memref<10000x64xf32, #tpu.memory_space<hbm>> -> memref<10000x64xf32, #tpu.memory_space<hbm>>
          tpu.enqueue_indirect_dma source(%dma_start3A_697 : memref<10000x64xf32, #tpu.memory_space<hbm>>) target(%dma_start3A_687 : memref<128x64xf32, #tpu.memory_space<vmem>>) offsets(%dma_start3A_690 : memref<128xi32, #tpu.memory_space<vmem>>) semaphore(%arg20 : memref<!tpu.dma_semaphore, #tpu.memory_space<semaphore_mem>>)
          %dma_start3A_698 = arith.constant 1 : i32
          %dma_start3A_699 = arith.constant 0 : i32
          %dma_start3A_700 = arith.constant 128 : i32
          %dma_start3A_701 = arith.constant 0 : i32
          %dma_start3A_702 = tpu.memref_slice %arg12[%dma_start3A_700, %dma_start3A_701] : memref<256x64xf32, #tpu.memory_space<vmem>> -> memref<128x64xf32, #tpu.memory_space<vmem>>
          %dma_start3A_703 = arith.constant 0 : i32
          %dma_start3A_704 = tpu.memref_slice %arg10[%dma_start3A_698, %dma_start3A_699, %dma_start3A_703] : memref<2x2x128xi32, #tpu.memory_space<vmem>> -> memref<1x1x128xi32, #tpu.memory_space<vmem>>
          %dma_start3A_705 = tpu.memref_squeeze %dma_start3A_704 : memref<1x1x128xi32, #tpu.memory_space<vmem>> -> memref<128xi32, #tpu.memory_space<vmem>>
          %dma_start3A_706 = arith.constant 0 : i32
          %dma_start3A_707 = arith.constant 0 : i32
          %dma_start3A_708 = tpu.memref_slice %arg2[%arg0, %dma_start3A_706, %dma_start3A_707] : memref<2x10000x64xf32, #tpu.memory_space<hbm>> -> memref<1x10000x64xf32, #tpu.memory_space<hbm>>
          %dma_start3A_709 = tpu.memref_squeeze %dma_start3A_708 : memref<1x10000x64xf32, #tpu.memory_space<hbm>> -> memref<10000x64xf32, #tpu.memory_space<hbm>>
          %dma_start3A_710 = arith.constant 0 : i32
          %dma_start3A_711 = arith.constant 0 : i32
          %dma_start3A_712 = tpu.memref_slice %dma_start3A_709[%dma_start3A_710, %dma_start3A_711] : memref<10000x64xf32, #tpu.memory_space<hbm>> -> memref<10000x64xf32, #tpu.memory_space<hbm>>
          tpu.enqueue_indirect_dma source(%dma_start3A_712 : memref<10000x64xf32, #tpu.memory_space<hbm>>) target(%dma_start3A_702 : memref<128x64xf32, #tpu.memory_space<vmem>>) offsets(%dma_start3A_705 : memref<128xi32, #tpu.memory_space<vmem>>) semaphore(%arg20 : memref<!tpu.dma_semaphore, #tpu.memory_space<semaphore_mem>>)
        } else {
        }
        %get3A_390 = arith.constant 1 : i32
        %get3A_391 = arith.constant 0 : i32
        %get3A_392 = arith.index_cast %get3A_390 : i32 to index
        %get3A_393 = arith.index_cast %get3A_391 : i32 to index
        %get3A_394 = arith.constant 0 : index
        %get3A_395 = tpu.vector_load %arg9[%get3A_392, %get3A_393, %get3A_394] {strides = array<i32>} : memref<2x2x128xi32, #tpu.memory_space<vmem>>, vector<16xi32>,
        %get3A_396 = arith.constant 1 : i32
        %get3A_397 = arith.constant 1 : i32
        %get3A_398 = arith.index_cast %get3A_396 : i32 to index
        %get3A_399 = arith.index_cast %get3A_397 : i32 to index
        %get3A_400 = arith.constant 0 : index
        %get3A_401 = tpu.vector_load %arg9[%get3A_398, %get3A_399, %get3A_400] {strides = array<i32>} : memref<2x2x128xi32, #tpu.memory_space<vmem>>, vector<16xi32>,
        %gather3A_402 = tpu.vector_load_idx %arg8[%get3A_395] : memref<10000xf32, #tpu.memory_space<vmem>>[vector<16xi32>], vector<16xf32>,
        %gather3A_403 = tpu.vector_load_idx %arg8[%get3A_401] : memref<10000xf32, #tpu.memory_space<vmem>>[vector<16xi32>], vector<16xf32>,
        %sub3A_404 = arith.subf %gather3A_402, %gather3A_403 : vector<16xf32>
        %add3A_405 = arith.addf %sub3A_404, %get3A_10 : vector<16xf32>
        %ge3A_406 = arith.constant 0.000000e+00 : f32
        %ge3A_407 = vector.broadcast %ge3A_406 : f32 to vector<16xf32>
        %ge3A_408 = arith.cmpf oge, %add3A_405, %ge3A_407 : vector<16xf32>
        %mul3A_409 = arith.constant 2.000000e-01 : f32
        %mul3A_410 = vector.broadcast %mul3A_409 : f32 to vector<16xf32>
        %mul3A_411 = arith.mulf %add3A_405, %mul3A_410 : vector<16xf32>
        %select_n3A_412 = arith.select %ge3A_408, %add3A_405, %mul3A_411 : vector<16xi1>, vector<16xf32>
        %exp3A_413 = math.exp %select_n3A_412 : vector<16xf32>
        %eq3A_414 = arith.cmpi eq, %get3A_395, %get3A_401 : vector<16xi32>
        %broadcast_in_dim3A_415 = arith.constant 0.000000e+00 : f32
        %broadcast_in_dim3A_416 = vector.broadcast %broadcast_in_dim3A_415 : f32 to vector<16xf32>
        %select_n3A_417 = arith.select %eq3A_414, %broadcast_in_dim3A_416, %exp3A_413 : vector<16xi1>, vector<16xf32>
        %swap3A_418 = arith.constant 128 : index
        %swap3A_419 = tpu.vector_load %arg13[%swap3A_418] {strides = array<i32>} : memref<256xf32, #tpu.memory_space<vmem>>, vector<16xf32>,
        tpu.vector_store %arg13[%swap3A_418], %select_n3A_417 {strides = array<i32>} : memref<256xf32, #tpu.memory_space<vmem>>, vector<16xf32>,
        %get3A_420 = arith.constant 1 : i32
        %get3A_421 = arith.constant 0 : i32
        %get3A_422 = arith.index_cast %get3A_420 : i32 to index
        %get3A_423 = arith.index_cast %get3A_421 : i32 to index
        %get3A_424 = arith.constant 16 : index
        %get3A_425 = tpu.vector_load %arg9[%get3A_422, %get3A_423, %get3A_424] {strides = array<i32>} : memref<2x2x128xi32, #tpu.memory_space<vmem>>, vector<16xi32>,
        %get3A_426 = arith.constant 1 : i32
        %get3A_427 = arith.constant 1 : i32
        %get3A_428 = arith.index_cast %get3A_426 : i32 to index
        %get3A_429 = arith.index_cast %get3A_427 : i32 to index
        %get3A_430 = arith.constant 16 : index
        %get3A_431 = tpu.vector_load %arg9[%get3A_428, %get3A_429, %get3A_430] {strides = array<i32>} : memref<2x2x128xi32, #tpu.memory_space<vmem>>, vector<16xi32>,
        %gather3A_432 = tpu.vector_load_idx %arg8[%get3A_425] : memref<10000xf32, #tpu.memory_space<vmem>>[vector<16xi32>], vector<16xf32>,
        %gather3A_433 = tpu.vector_load_idx %arg8[%get3A_431] : memref<10000xf32, #tpu.memory_space<vmem>>[vector<16xi32>], vector<16xf32>,
        %sub3A_434 = arith.subf %gather3A_432, %gather3A_433 : vector<16xf32>
        %add3A_435 = arith.addf %sub3A_434, %get3A_10 : vector<16xf32>
        %ge3A_436 = arith.constant 0.000000e+00 : f32
        %ge3A_437 = vector.broadcast %ge3A_436 : f32 to vector<16xf32>
        %ge3A_438 = arith.cmpf oge, %add3A_435, %ge3A_437 : vector<16xf32>
        %mul3A_439 = arith.constant 2.000000e-01 : f32
        %mul3A_440 = vector.broadcast %mul3A_439 : f32 to vector<16xf32>
        %mul3A_441 = arith.mulf %add3A_435, %mul3A_440 : vector<16xf32>
        %select_n3A_442 = arith.select %ge3A_438, %add3A_435, %mul3A_441 : vector<16xi1>, vector<16xf32>
        %exp3A_443 = math.exp %select_n3A_442 : vector<16xf32>
        %eq3A_444 = arith.cmpi eq, %get3A_425, %get3A_431 : vector<16xi32>
        %broadcast_in_dim3A_445 = arith.constant 0.000000e+00 : f32
        %broadcast_in_dim3A_446 = vector.broadcast %broadcast_in_dim3A_445 : f32 to vector<16xf32>
        %select_n3A_447 = arith.select %eq3A_444, %broadcast_in_dim3A_446, %exp3A_443 : vector<16xi1>, vector<16xf32>
        %swap3A_448 = arith.constant 144 : index
        %swap3A_449 = tpu.vector_load %arg13[%swap3A_448] {strides = array<i32>} : memref<256xf32, #tpu.memory_space<vmem>>, vector<16xf32>,
        tpu.vector_store %arg13[%swap3A_448], %select_n3A_447 {strides = array<i32>} : memref<256xf32, #tpu.memory_space<vmem>>, vector<16xf32>,
        %get3A_450 = arith.constant 1 : i32
        %get3A_451 = arith.constant 0 : i32
        %get3A_452 = arith.index_cast %get3A_450 : i32 to index
        %get3A_453 = arith.index_cast %get3A_451 : i32 to index
        %get3A_454 = arith.constant 32 : index
        %get3A_455 = tpu.vector_load %arg9[%get3A_452, %get3A_453, %get3A_454] {strides = array<i32>} : memref<2x2x128xi32, #tpu.memory_space<vmem>>, vector<16xi32>,
        %get3A_456 = arith.constant 1 : i32
        %get3A_457 = arith.constant 1 : i32
        %get3A_458 = arith.index_cast %get3A_456 : i32 to index
        %get3A_459 = arith.index_cast %get3A_457 : i32 to index
        %get3A_460 = arith.constant 32 : index
        %get3A_461 = tpu.vector_load %arg9[%get3A_458, %get3A_459, %get3A_460] {strides = array<i32>} : memref<2x2x128xi32, #tpu.memory_space<vmem>>, vector<16xi32>,
        %gather3A_462 = tpu.vector_load_idx %arg8[%get3A_455] : memref<10000xf32, #tpu.memory_space<vmem>>[vector<16xi32>], vector<16xf32>,
        %gather3A_463 = tpu.vector_load_idx %arg8[%get3A_461] : memref<10000xf32, #tpu.memory_space<vmem>>[vector<16xi32>], vector<16xf32>,
        %sub3A_464 = arith.subf %gather3A_462, %gather3A_463 : vector<16xf32>
        %add3A_465 = arith.addf %sub3A_464, %get3A_10 : vector<16xf32>
        %ge3A_466 = arith.constant 0.000000e+00 : f32
        %ge3A_467 = vector.broadcast %ge3A_466 : f32 to vector<16xf32>
        %ge3A_468 = arith.cmpf oge, %add3A_465, %ge3A_467 : vector<16xf32>
        %mul3A_469 = arith.constant 2.000000e-01 : f32
        %mul3A_470 = vector.broadcast %mul3A_469 : f32 to vector<16xf32>
        %mul3A_471 = arith.mulf %add3A_465, %mul3A_470 : vector<16xf32>
        %select_n3A_472 = arith.select %ge3A_468, %add3A_465, %mul3A_471 : vector<16xi1>, vector<16xf32>
        %exp3A_473 = math.exp %select_n3A_472 : vector<16xf32>
        %eq3A_474 = arith.cmpi eq, %get3A_455, %get3A_461 : vector<16xi32>
        %broadcast_in_dim3A_475 = arith.constant 0.000000e+00 : f32
        %broadcast_in_dim3A_476 = vector.broadcast %broadcast_in_dim3A_475 : f32 to vector<16xf32>
        %select_n3A_477 = arith.select %eq3A_474, %broadcast_in_dim3A_476, %exp3A_473 : vector<16xi1>, vector<16xf32>
        %swap3A_478 = arith.constant 160 : index
        %swap3A_479 = tpu.vector_load %arg13[%swap3A_478] {strides = array<i32>} : memref<256xf32, #tpu.memory_space<vmem>>, vector<16xf32>,
        tpu.vector_store %arg13[%swap3A_478], %select_n3A_477 {strides = array<i32>} : memref<256xf32, #tpu.memory_space<vmem>>, vector<16xf32>,
        %get3A_480 = arith.constant 1 : i32
        %get3A_481 = arith.constant 0 : i32
        %get3A_482 = arith.index_cast %get3A_480 : i32 to index
        %get3A_483 = arith.index_cast %get3A_481 : i32 to index
        %get3A_484 = arith.constant 48 : index
        %get3A_485 = tpu.vector_load %arg9[%get3A_482, %get3A_483, %get3A_484] {strides = array<i32>} : memref<2x2x128xi32, #tpu.memory_space<vmem>>, vector<16xi32>,
        %get3A_486 = arith.constant 1 : i32
        %get3A_487 = arith.constant 1 : i32
        %get3A_488 = arith.index_cast %get3A_486 : i32 to index
        %get3A_489 = arith.index_cast %get3A_487 : i32 to index
        %get3A_490 = arith.constant 48 : index
        %get3A_491 = tpu.vector_load %arg9[%get3A_488, %get3A_489, %get3A_490] {strides = array<i32>} : memref<2x2x128xi32, #tpu.memory_space<vmem>>, vector<16xi32>,
        %gather3A_492 = tpu.vector_load_idx %arg8[%get3A_485] : memref<10000xf32, #tpu.memory_space<vmem>>[vector<16xi32>], vector<16xf32>,
        %gather3A_493 = tpu.vector_load_idx %arg8[%get3A_491] : memref<10000xf32, #tpu.memory_space<vmem>>[vector<16xi32>], vector<16xf32>,
        %sub3A_494 = arith.subf %gather3A_492, %gather3A_493 : vector<16xf32>
        %add3A_495 = arith.addf %sub3A_494, %get3A_10 : vector<16xf32>
        %ge3A_496 = arith.constant 0.000000e+00 : f32
        %ge3A_497 = vector.broadcast %ge3A_496 : f32 to vector<16xf32>
        %ge3A_498 = arith.cmpf oge, %add3A_495, %ge3A_497 : vector<16xf32>
        %mul3A_499 = arith.constant 2.000000e-01 : f32
        %mul3A_500 = vector.broadcast %mul3A_499 : f32 to vector<16xf32>
        %mul3A_501 = arith.mulf %add3A_495, %mul3A_500 : vector<16xf32>
        %select_n3A_502 = arith.select %ge3A_498, %add3A_495, %mul3A_501 : vector<16xi1>, vector<16xf32>
        %exp3A_503 = math.exp %select_n3A_502 : vector<16xf32>
        %eq3A_504 = arith.cmpi eq, %get3A_485, %get3A_491 : vector<16xi32>
        %broadcast_in_dim3A_505 = arith.constant 0.000000e+00 : f32
        %broadcast_in_dim3A_506 = vector.broadcast %broadcast_in_dim3A_505 : f32 to vector<16xf32>
        %select_n3A_507 = arith.select %eq3A_504, %broadcast_in_dim3A_506, %exp3A_503 : vector<16xi1>, vector<16xf32>
        %swap3A_508 = arith.constant 176 : index
        %swap3A_509 = tpu.vector_load %arg13[%swap3A_508] {strides = array<i32>} : memref<256xf32, #tpu.memory_space<vmem>>, vector<16xf32>,
        tpu.vector_store %arg13[%swap3A_508], %select_n3A_507 {strides = array<i32>} : memref<256xf32, #tpu.memory_space<vmem>>, vector<16xf32>,
        %get3A_510 = arith.constant 1 : i32
        %get3A_511 = arith.constant 0 : i32
        %get3A_512 = arith.index_cast %get3A_510 : i32 to index
        %get3A_513 = arith.index_cast %get3A_511 : i32 to index
        %get3A_514 = arith.constant 64 : index
        %get3A_515 = tpu.vector_load %arg9[%get3A_512, %get3A_513, %get3A_514] {strides = array<i32>} : memref<2x2x128xi32, #tpu.memory_space<vmem>>, vector<16xi32>,
        %get3A_516 = arith.constant 1 : i32
        %get3A_517 = arith.constant 1 : i32
        %get3A_518 = arith.index_cast %get3A_516 : i32 to index
        %get3A_519 = arith.index_cast %get3A_517 : i32 to index
        %get3A_520 = arith.constant 64 : index
        %get3A_521 = tpu.vector_load %arg9[%get3A_518, %get3A_519, %get3A_520] {strides = array<i32>} : memref<2x2x128xi32, #tpu.memory_space<vmem>>, vector<16xi32>,
        %gather3A_522 = tpu.vector_load_idx %arg8[%get3A_515] : memref<10000xf32, #tpu.memory_space<vmem>>[vector<16xi32>], vector<16xf32>,
        %gather3A_523 = tpu.vector_load_idx %arg8[%get3A_521] : memref<10000xf32, #tpu.memory_space<vmem>>[vector<16xi32>], vector<16xf32>,
        %sub3A_524 = arith.subf %gather3A_522, %gather3A_523 : vector<16xf32>
        %add3A_525 = arith.addf %sub3A_524, %get3A_10 : vector<16xf32>
        %ge3A_526 = arith.constant 0.000000e+00 : f32
        %ge3A_527 = vector.broadcast %ge3A_526 : f32 to vector<16xf32>
        %ge3A_528 = arith.cmpf oge, %add3A_525, %ge3A_527 : vector<16xf32>
        %mul3A_529 = arith.constant 2.000000e-01 : f32
        %mul3A_530 = vector.broadcast %mul3A_529 : f32 to vector<16xf32>
        %mul3A_531 = arith.mulf %add3A_525, %mul3A_530 : vector<16xf32>
        %select_n3A_532 = arith.select %ge3A_528, %add3A_525, %mul3A_531 : vector<16xi1>, vector<16xf32>
        %exp3A_533 = math.exp %select_n3A_532 : vector<16xf32>
        %eq3A_534 = arith.cmpi eq, %get3A_515, %get3A_521 : vector<16xi32>
        %broadcast_in_dim3A_535 = arith.constant 0.000000e+00 : f32
        %broadcast_in_dim3A_536 = vector.broadcast %broadcast_in_dim3A_535 : f32 to vector<16xf32>
        %select_n3A_537 = arith.select %eq3A_534, %broadcast_in_dim3A_536, %exp3A_533 : vector<16xi1>, vector<16xf32>
        %swap3A_538 = arith.constant 192 : index
        %swap3A_539 = tpu.vector_load %arg13[%swap3A_538] {strides = array<i32>} : memref<256xf32, #tpu.memory_space<vmem>>, vector<16xf32>,
        tpu.vector_store %arg13[%swap3A_538], %select_n3A_537 {strides = array<i32>} : memref<256xf32, #tpu.memory_space<vmem>>, vector<16xf32>,
        %get3A_540 = arith.constant 1 : i32
        %get3A_541 = arith.constant 0 : i32
        %get3A_542 = arith.index_cast %get3A_540 : i32 to index
        %get3A_543 = arith.index_cast %get3A_541 : i32 to index
        %get3A_544 = arith.constant 80 : index
        %get3A_545 = tpu.vector_load %arg9[%get3A_542, %get3A_543, %get3A_544] {strides = array<i32>} : memref<2x2x128xi32, #tpu.memory_space<vmem>>, vector<16xi32>,
        %get3A_546 = arith.constant 1 : i32
        %get3A_547 = arith.constant 1 : i32
        %get3A_548 = arith.index_cast %get3A_546 : i32 to index
        %get3A_549 = arith.index_cast %get3A_547 : i32 to index
        %get3A_550 = arith.constant 80 : index
        %get3A_551 = tpu.vector_load %arg9[%get3A_548, %get3A_549, %get3A_550] {strides = array<i32>} : memref<2x2x128xi32, #tpu.memory_space<vmem>>, vector<16xi32>,
        %gather3A_552 = tpu.vector_load_idx %arg8[%get3A_545] : memref<10000xf32, #tpu.memory_space<vmem>>[vector<16xi32>], vector<16xf32>,
        %gather3A_553 = tpu.vector_load_idx %arg8[%get3A_551] : memref<10000xf32, #tpu.memory_space<vmem>>[vector<16xi32>], vector<16xf32>,
        %sub3A_554 = arith.subf %gather3A_552, %gather3A_553 : vector<16xf32>
        %add3A_555 = arith.addf %sub3A_554, %get3A_10 : vector<16xf32>
        %ge3A_556 = arith.constant 0.000000e+00 : f32
        %ge3A_557 = vector.broadcast %ge3A_556 : f32 to vector<16xf32>
        %ge3A_558 = arith.cmpf oge, %add3A_555, %ge3A_557 : vector<16xf32>
        %mul3A_559 = arith.constant 2.000000e-01 : f32
        %mul3A_560 = vector.broadcast %mul3A_559 : f32 to vector<16xf32>
        %mul3A_561 = arith.mulf %add3A_555, %mul3A_560 : vector<16xf32>
        %select_n3A_562 = arith.select %ge3A_558, %add3A_555, %mul3A_561 : vector<16xi1>, vector<16xf32>
        %exp3A_563 = math.exp %select_n3A_562 : vector<16xf32>
        %eq3A_564 = arith.cmpi eq, %get3A_545, %get3A_551 : vector<16xi32>
        %broadcast_in_dim3A_565 = arith.constant 0.000000e+00 : f32
        %broadcast_in_dim3A_566 = vector.broadcast %broadcast_in_dim3A_565 : f32 to vector<16xf32>
        %select_n3A_567 = arith.select %eq3A_564, %broadcast_in_dim3A_566, %exp3A_563 : vector<16xi1>, vector<16xf32>
        %swap3A_568 = arith.constant 208 : index
        %swap3A_569 = tpu.vector_load %arg13[%swap3A_568] {strides = array<i32>} : memref<256xf32, #tpu.memory_space<vmem>>, vector<16xf32>,
        tpu.vector_store %arg13[%swap3A_568], %select_n3A_567 {strides = array<i32>} : memref<256xf32, #tpu.memory_space<vmem>>, vector<16xf32>,
        %get3A_570 = arith.constant 1 : i32
        %get3A_571 = arith.constant 0 : i32
        %get3A_572 = arith.index_cast %get3A_570 : i32 to index
        %get3A_573 = arith.index_cast %get3A_571 : i32 to index
        %get3A_574 = arith.constant 96 : index
        %get3A_575 = tpu.vector_load %arg9[%get3A_572, %get3A_573, %get3A_574] {strides = array<i32>} : memref<2x2x128xi32, #tpu.memory_space<vmem>>, vector<16xi32>,
        %get3A_576 = arith.constant 1 : i32
        %get3A_577 = arith.constant 1 : i32
        %get3A_578 = arith.index_cast %get3A_576 : i32 to index
        %get3A_579 = arith.index_cast %get3A_577 : i32 to index
        %get3A_580 = arith.constant 96 : index
        %get3A_581 = tpu.vector_load %arg9[%get3A_578, %get3A_579, %get3A_580] {strides = array<i32>} : memref<2x2x128xi32, #tpu.memory_space<vmem>>, vector<16xi32>,
        %gather3A_582 = tpu.vector_load_idx %arg8[%get3A_575] : memref<10000xf32, #tpu.memory_space<vmem>>[vector<16xi32>], vector<16xf32>,
        %gather3A_583 = tpu.vector_load_idx %arg8[%get3A_581] : memref<10000xf32, #tpu.memory_space<vmem>>[vector<16xi32>], vector<16xf32>,
        %sub3A_584 = arith.subf %gather3A_582, %gather3A_583 : vector<16xf32>
        %add3A_585 = arith.addf %sub3A_584, %get3A_10 : vector<16xf32>
        %ge3A_586 = arith.constant 0.000000e+00 : f32
        %ge3A_587 = vector.broadcast %ge3A_586 : f32 to vector<16xf32>
        %ge3A_588 = arith.cmpf oge, %add3A_585, %ge3A_587 : vector<16xf32>
        %mul3A_589 = arith.constant 2.000000e-01 : f32
        %mul3A_590 = vector.broadcast %mul3A_589 : f32 to vector<16xf32>
        %mul3A_591 = arith.mulf %add3A_585, %mul3A_590 : vector<16xf32>
        %select_n3A_592 = arith.select %ge3A_588, %add3A_585, %mul3A_591 : vector<16xi1>, vector<16xf32>
        %exp3A_593 = math.exp %select_n3A_592 : vector<16xf32>
        %eq3A_594 = arith.cmpi eq, %get3A_575, %get3A_581 : vector<16xi32>
        %broadcast_in_dim3A_595 = arith.constant 0.000000e+00 : f32
        %broadcast_in_dim3A_596 = vector.broadcast %broadcast_in_dim3A_595 : f32 to vector<16xf32>
        %select_n3A_597 = arith.select %eq3A_594, %broadcast_in_dim3A_596, %exp3A_593 : vector<16xi1>, vector<16xf32>
        %swap3A_598 = arith.constant 224 : index
        %swap3A_599 = tpu.vector_load %arg13[%swap3A_598] {strides = array<i32>} : memref<256xf32, #tpu.memory_space<vmem>>, vector<16xf32>,
        tpu.vector_store %arg13[%swap3A_598], %select_n3A_597 {strides = array<i32>} : memref<256xf32, #tpu.memory_space<vmem>>, vector<16xf32>,
        %get3A_600 = arith.constant 1 : i32
        %get3A_601 = arith.constant 0 : i32
        %get3A_602 = arith.index_cast %get3A_600 : i32 to index
        %get3A_603 = arith.index_cast %get3A_601 : i32 to index
        %get3A_604 = arith.constant 112 : index
        %get3A_605 = tpu.vector_load %arg9[%get3A_602, %get3A_603, %get3A_604] {strides = array<i32>} : memref<2x2x128xi32, #tpu.memory_space<vmem>>, vector<16xi32>,
        %get3A_606 = arith.constant 1 : i32
        %get3A_607 = arith.constant 1 : i32
        %get3A_608 = arith.index_cast %get3A_606 : i32 to index
        %get3A_609 = arith.index_cast %get3A_607 : i32 to index
        %get3A_610 = arith.constant 112 : index
        %get3A_611 = tpu.vector_load %arg9[%get3A_608, %get3A_609, %get3A_610] {strides = array<i32>} : memref<2x2x128xi32, #tpu.memory_space<vmem>>, vector<16xi32>,
        %gather3A_612 = tpu.vector_load_idx %arg8[%get3A_605] : memref<10000xf32, #tpu.memory_space<vmem>>[vector<16xi32>], vector<16xf32>,
        %gather3A_613 = tpu.vector_load_idx %arg8[%get3A_611] : memref<10000xf32, #tpu.memory_space<vmem>>[vector<16xi32>], vector<16xf32>,
        %sub3A_614 = arith.subf %gather3A_612, %gather3A_613 : vector<16xf32>
        %add3A_615 = arith.addf %sub3A_614, %get3A_10 : vector<16xf32>
        %ge3A_616 = arith.constant 0.000000e+00 : f32
        %ge3A_617 = vector.broadcast %ge3A_616 : f32 to vector<16xf32>
        %ge3A_618 = arith.cmpf oge, %add3A_615, %ge3A_617 : vector<16xf32>
        %mul3A_619 = arith.constant 2.000000e-01 : f32
        %mul3A_620 = vector.broadcast %mul3A_619 : f32 to vector<16xf32>
        %mul3A_621 = arith.mulf %add3A_615, %mul3A_620 : vector<16xf32>
        %select_n3A_622 = arith.select %ge3A_618, %add3A_615, %mul3A_621 : vector<16xi1>, vector<16xf32>
        %exp3A_623 = math.exp %select_n3A_622 : vector<16xf32>
        %eq3A_624 = arith.cmpi eq, %get3A_605, %get3A_611 : vector<16xi32>
        %broadcast_in_dim3A_625 = arith.constant 0.000000e+00 : f32
        %broadcast_in_dim3A_626 = vector.broadcast %broadcast_in_dim3A_625 : f32 to vector<16xf32>
        %select_n3A_627 = arith.select %eq3A_624, %broadcast_in_dim3A_626, %exp3A_623 : vector<16xi1>, vector<16xf32>
        %swap3A_628 = arith.constant 240 : index
        %swap3A_629 = tpu.vector_load %arg13[%swap3A_628] {strides = array<i32>} : memref<256xf32, #tpu.memory_space<vmem>>, vector<16xf32>,
        tpu.vector_store %arg13[%swap3A_628], %select_n3A_627 {strides = array<i32>} : memref<256xf32, #tpu.memory_space<vmem>>, vector<16xf32>,
        %dma_wait3A_630 = arith.constant 1 : i32
        %dma_wait3A_631 = arith.constant 0 : i32
        %dma_wait3A_632 = arith.constant 128 : i32
        %dma_wait3A_633 = arith.constant 0 : i32
        %dma_wait3A_634 = tpu.memref_slice %arg11[%dma_wait3A_632, %dma_wait3A_633] : memref<256x64xf32, #tpu.memory_space<vmem>> -> memref<128x64xf32, #tpu.memory_space<vmem>>
        %dma_wait3A_635 = arith.constant 0 : i32
        %dma_wait3A_636 = tpu.memref_slice %arg9[%dma_wait3A_630, %dma_wait3A_631, %dma_wait3A_635] : memref<2x2x128xi32, #tpu.memory_space<vmem>> -> memref<1x1x128xi32, #tpu.memory_space<vmem>>
        %dma_wait3A_637 = tpu.memref_squeeze %dma_wait3A_636 : memref<1x1x128xi32, #tpu.memory_space<vmem>> -> memref<128xi32, #tpu.memory_space<vmem>>
        %dma_wait3A_638 = arith.constant 0 : i32
        %dma_wait3A_639 = arith.constant 0 : i32
        %dma_wait3A_640 = tpu.memref_slice %arg2[%arg0, %dma_wait3A_638, %dma_wait3A_639] : memref<2x10000x64xf32, #tpu.memory_space<hbm>> -> memref<1x10000x64xf32, #tpu.memory_space<hbm>>
        %dma_wait3A_641 = tpu.memref_squeeze %dma_wait3A_640 : memref<1x10000x64xf32, #tpu.memory_space<hbm>> -> memref<10000x64xf32, #tpu.memory_space<hbm>>
        %dma_wait3A_642 = arith.constant 0 : i32
        %dma_wait3A_643 = arith.constant 0 : i32
        %dma_wait3A_644 = tpu.memref_slice %dma_wait3A_641[%dma_wait3A_642, %dma_wait3A_643] : memref<10000x64xf32, #tpu.memory_space<hbm>> -> memref<10000x64xf32, #tpu.memory_space<hbm>>
        tpu.wait_indirect_dma semaphore(%arg19 : memref<!tpu.dma_semaphore, #tpu.memory_space<semaphore_mem>>) src(%dma_wait3A_644 : memref<10000x64xf32, #tpu.memory_space<hbm>>) dst(%dma_wait3A_634 : memref<128x64xf32, #tpu.memory_space<vmem>>)
        %scan3A_645 = arith.constant 0 : i32
        %scan3A_646 = arith.constant 128 : i32
        %scan3A_647 = arith.addi %scan3A_645, %scan3A_646 : i32
        %scan3A_648 = arith.constant 4 : i32
        scf.for %scan3A_677 = %scan3A_645 to %scan3A_647 step %scan3A_648  : i32 {
          %mul3A_678 = arith.constant 1 : i32
          %mul3A_679 = arith.muli %scan3A_677, %mul3A_678 : i32
          %add3A_680 = arith.constant 128 : i32
          %add3A_681 = arith.addi %add3A_680, %mul3A_679 : i32
          %broadcast_in_dim3A_682 = vector.broadcast %add3A_681 : i32 to vector<16xi32>
          %gather3A_683 = tpu.vector_load_idx %arg13[%broadcast_in_dim3A_682] : memref<256xf32, #tpu.memory_space<vmem>>[vector<16xi32>], vector<16xf32>,
          %swap3A_684 = arith.index_cast %add3A_681 : i32 to index
          %swap3A_685 = arith.constant 0 : index
          %swap3A_686 = tpu.vector_load %arg14[%swap3A_684, %swap3A_685] {strides = array<i32>} : memref<256x16xf32, #tpu.memory_space<vmem>>, vector<16xf32>,
          tpu.vector_store %arg14[%swap3A_684, %swap3A_685], %gather3A_683 {strides = array<i32>} : memref<256x16xf32, #tpu.memory_space<vmem>>, vector<16xf32>,
          %get3A_687 = arith.index_cast %add3A_681 : i32 to index
          %get3A_688 = arith.constant 0 : index
          %get3A_689 = tpu.vector_load %arg11[%get3A_687, %get3A_688] {strides = array<i32>} : memref<256x64xf32, #tpu.memory_space<vmem>>, vector<16xf32>,
          %mul3A_690 = arith.mulf %get3A_689, %gather3A_683 : vector<16xf32>
          %swap3A_691 = arith.index_cast %add3A_681 : i32 to index
          %swap3A_692 = arith.constant 0 : index
          %swap3A_693 = tpu.vector_load %arg11[%swap3A_691, %swap3A_692] {strides = array<i32>} : memref<256x64xf32, #tpu.memory_space<vmem>>, vector<16xf32>,
          tpu.vector_store %arg11[%swap3A_691, %swap3A_692], %mul3A_690 {strides = array<i32>} : memref<256x64xf32, #tpu.memory_space<vmem>>, vector<16xf32>,
          %get3A_694 = arith.index_cast %add3A_681 : i32 to index
          %get3A_695 = arith.constant 16 : index
          %get3A_696 = tpu.vector_load %arg11[%get3A_694, %get3A_695] {strides = array<i32>} : memref<256x64xf32, #tpu.memory_space<vmem>>, vector<16xf32>,
          %mul3A_697 = arith.mulf %get3A_696, %gather3A_683 : vector<16xf32>
          %swap3A_698 = arith.index_cast %add3A_681 : i32 to index
          %swap3A_699 = arith.constant 16 : index
          %swap3A_700 = tpu.vector_load %arg11[%swap3A_698, %swap3A_699] {strides = array<i32>} : memref<256x64xf32, #tpu.memory_space<vmem>>, vector<16xf32>,
          tpu.vector_store %arg11[%swap3A_698, %swap3A_699], %mul3A_697 {strides = array<i32>} : memref<256x64xf32, #tpu.memory_space<vmem>>, vector<16xf32>,
          %get3A_701 = arith.index_cast %add3A_681 : i32 to index
          %get3A_702 = arith.constant 32 : index
          %get3A_703 = tpu.vector_load %arg11[%get3A_701, %get3A_702] {strides = array<i32>} : memref<256x64xf32, #tpu.memory_space<vmem>>, vector<16xf32>,
          %mul3A_704 = arith.mulf %get3A_703, %gather3A_683 : vector<16xf32>
          %swap3A_705 = arith.index_cast %add3A_681 : i32 to index
          %swap3A_706 = arith.constant 32 : index
          %swap3A_707 = tpu.vector_load %arg11[%swap3A_705, %swap3A_706] {strides = array<i32>} : memref<256x64xf32, #tpu.memory_space<vmem>>, vector<16xf32>,
          tpu.vector_store %arg11[%swap3A_705, %swap3A_706], %mul3A_704 {strides = array<i32>} : memref<256x64xf32, #tpu.memory_space<vmem>>, vector<16xf32>,
          %get3A_708 = arith.index_cast %add3A_681 : i32 to index
          %get3A_709 = arith.constant 48 : index
          %get3A_710 = tpu.vector_load %arg11[%get3A_708, %get3A_709] {strides = array<i32>} : memref<256x64xf32, #tpu.memory_space<vmem>>, vector<16xf32>,
          %mul3A_711 = arith.mulf %get3A_710, %gather3A_683 : vector<16xf32>
          %swap3A_712 = arith.index_cast %add3A_681 : i32 to index
          %swap3A_713 = arith.constant 48 : index
          %swap3A_714 = tpu.vector_load %arg11[%swap3A_712, %swap3A_713] {strides = array<i32>} : memref<256x64xf32, #tpu.memory_space<vmem>>, vector<16xf32>,
          tpu.vector_store %arg11[%swap3A_712, %swap3A_713], %mul3A_711 {strides = array<i32>} : memref<256x64xf32, #tpu.memory_space<vmem>>, vector<16xf32>,
          %scan3A_715 = arith.constant 1 : i32
          %scan3A_716 = arith.addi %scan3A_677, %scan3A_715 : i32
          %mul3A_717 = arith.constant 1 : i32
          %mul3A_718 = arith.muli %scan3A_716, %mul3A_717 : i32
          %add3A_719 = arith.constant 128 : i32
          %add3A_720 = arith.addi %add3A_719, %mul3A_718 : i32
          %broadcast_in_dim3A_721 = vector.broadcast %add3A_720 : i32 to vector<16xi32>
          %gather3A_722 = tpu.vector_load_idx %arg13[%broadcast_in_dim3A_721] : memref<256xf32, #tpu.memory_space<vmem>>[vector<16xi32>], vector<16xf32>,
          %swap3A_723 = arith.index_cast %add3A_720 : i32 to index
          %swap3A_724 = arith.constant 0 : index
          %swap3A_725 = tpu.vector_load %arg14[%swap3A_723, %swap3A_724] {strides = array<i32>} : memref<256x16xf32, #tpu.memory_space<vmem>>, vector<16xf32>,
          tpu.vector_store %arg14[%swap3A_723, %swap3A_724], %gather3A_722 {strides = array<i32>} : memref<256x16xf32, #tpu.memory_space<vmem>>, vector<16xf32>,
          %get3A_726 = arith.index_cast %add3A_720 : i32 to index
          %get3A_727 = arith.constant 0 : index
          %get3A_728 = tpu.vector_load %arg11[%get3A_726, %get3A_727] {strides = array<i32>} : memref<256x64xf32, #tpu.memory_space<vmem>>, vector<16xf32>,
          %mul3A_729 = arith.mulf %get3A_728, %gather3A_722 : vector<16xf32>
          %swap3A_730 = arith.index_cast %add3A_720 : i32 to index
          %swap3A_731 = arith.constant 0 : index
          %swap3A_732 = tpu.vector_load %arg11[%swap3A_730, %swap3A_731] {strides = array<i32>} : memref<256x64xf32, #tpu.memory_space<vmem>>, vector<16xf32>,
          tpu.vector_store %arg11[%swap3A_730, %swap3A_731], %mul3A_729 {strides = array<i32>} : memref<256x64xf32, #tpu.memory_space<vmem>>, vector<16xf32>,
          %get3A_733 = arith.index_cast %add3A_720 : i32 to index
          %get3A_734 = arith.constant 16 : index
          %get3A_735 = tpu.vector_load %arg11[%get3A_733, %get3A_734] {strides = array<i32>} : memref<256x64xf32, #tpu.memory_space<vmem>>, vector<16xf32>,
          %mul3A_736 = arith.mulf %get3A_735, %gather3A_722 : vector<16xf32>
          %swap3A_737 = arith.index_cast %add3A_720 : i32 to index
          %swap3A_738 = arith.constant 16 : index
          %swap3A_739 = tpu.vector_load %arg11[%swap3A_737, %swap3A_738] {strides = array<i32>} : memref<256x64xf32, #tpu.memory_space<vmem>>, vector<16xf32>,
          tpu.vector_store %arg11[%swap3A_737, %swap3A_738], %mul3A_736 {strides = array<i32>} : memref<256x64xf32, #tpu.memory_space<vmem>>, vector<16xf32>,
          %get3A_740 = arith.index_cast %add3A_720 : i32 to index
          %get3A_741 = arith.constant 32 : index
          %get3A_742 = tpu.vector_load %arg11[%get3A_740, %get3A_741] {strides = array<i32>} : memref<256x64xf32, #tpu.memory_space<vmem>>, vector<16xf32>,
          %mul3A_743 = arith.mulf %get3A_742, %gather3A_722 : vector<16xf32>
          %swap3A_744 = arith.index_cast %add3A_720 : i32 to index
          %swap3A_745 = arith.constant 32 : index
          %swap3A_746 = tpu.vector_load %arg11[%swap3A_744, %swap3A_745] {strides = array<i32>} : memref<256x64xf32, #tpu.memory_space<vmem>>, vector<16xf32>,
          tpu.vector_store %arg11[%swap3A_744, %swap3A_745], %mul3A_743 {strides = array<i32>} : memref<256x64xf32, #tpu.memory_space<vmem>>, vector<16xf32>,
          %get3A_747 = arith.index_cast %add3A_720 : i32 to index
          %get3A_748 = arith.constant 48 : index
          %get3A_749 = tpu.vector_load %arg11[%get3A_747, %get3A_748] {strides = array<i32>} : memref<256x64xf32, #tpu.memory_space<vmem>>, vector<16xf32>,
          %mul3A_750 = arith.mulf %get3A_749, %gather3A_722 : vector<16xf32>
          %swap3A_751 = arith.index_cast %add3A_720 : i32 to index
          %swap3A_752 = arith.constant 48 : index
          %swap3A_753 = tpu.vector_load %arg11[%swap3A_751, %swap3A_752] {strides = array<i32>} : memref<256x64xf32, #tpu.memory_space<vmem>>, vector<16xf32>,
          tpu.vector_store %arg11[%swap3A_751, %swap3A_752], %mul3A_750 {strides = array<i32>} : memref<256x64xf32, #tpu.memory_space<vmem>>, vector<16xf32>,
          %scan3A_754 = arith.constant 2 : i32
          %scan3A_755 = arith.addi %scan3A_677, %scan3A_754 : i32
          %mul3A_756 = arith.constant 1 : i32
          %mul3A_757 = arith.muli %scan3A_755, %mul3A_756 : i32
          %add3A_758 = arith.constant 128 : i32
          %add3A_759 = arith.addi %add3A_758, %mul3A_757 : i32
          %broadcast_in_dim3A_760 = vector.broadcast %add3A_759 : i32 to vector<16xi32>
          %gather3A_761 = tpu.vector_load_idx %arg13[%broadcast_in_dim3A_760] : memref<256xf32, #tpu.memory_space<vmem>>[vector<16xi32>], vector<16xf32>,
          %swap3A_762 = arith.index_cast %add3A_759 : i32 to index
          %swap3A_763 = arith.constant 0 : index
          %swap3A_764 = tpu.vector_load %arg14[%swap3A_762, %swap3A_763] {strides = array<i32>} : memref<256x16xf32, #tpu.memory_space<vmem>>, vector<16xf32>,
          tpu.vector_store %arg14[%swap3A_762, %swap3A_763], %gather3A_761 {strides = array<i32>} : memref<256x16xf32, #tpu.memory_space<vmem>>, vector<16xf32>,
          %get3A_765 = arith.index_cast %add3A_759 : i32 to index
          %get3A_766 = arith.constant 0 : index
          %get3A_767 = tpu.vector_load %arg11[%get3A_765, %get3A_766] {strides = array<i32>} : memref<256x64xf32, #tpu.memory_space<vmem>>, vector<16xf32>,
          %mul3A_768 = arith.mulf %get3A_767, %gather3A_761 : vector<16xf32>
          %swap3A_769 = arith.index_cast %add3A_759 : i32 to index
          %swap3A_770 = arith.constant 0 : index
          %swap3A_771 = tpu.vector_load %arg11[%swap3A_769, %swap3A_770] {strides = array<i32>} : memref<256x64xf32, #tpu.memory_space<vmem>>, vector<16xf32>,
          tpu.vector_store %arg11[%swap3A_769, %swap3A_770], %mul3A_768 {strides = array<i32>} : memref<256x64xf32, #tpu.memory_space<vmem>>, vector<16xf32>,
          %get3A_772 = arith.index_cast %add3A_759 : i32 to index
          %get3A_773 = arith.constant 16 : index
          %get3A_774 = tpu.vector_load %arg11[%get3A_772, %get3A_773] {strides = array<i32>} : memref<256x64xf32, #tpu.memory_space<vmem>>, vector<16xf32>,
          %mul3A_775 = arith.mulf %get3A_774, %gather3A_761 : vector<16xf32>
          %swap3A_776 = arith.index_cast %add3A_759 : i32 to index
          %swap3A_777 = arith.constant 16 : index
          %swap3A_778 = tpu.vector_load %arg11[%swap3A_776, %swap3A_777] {strides = array<i32>} : memref<256x64xf32, #tpu.memory_space<vmem>>, vector<16xf32>,
          tpu.vector_store %arg11[%swap3A_776, %swap3A_777], %mul3A_775 {strides = array<i32>} : memref<256x64xf32, #tpu.memory_space<vmem>>, vector<16xf32>,
          %get3A_779 = arith.index_cast %add3A_759 : i32 to index
          %get3A_780 = arith.constant 32 : index
          %get3A_781 = tpu.vector_load %arg11[%get3A_779, %get3A_780] {strides = array<i32>} : memref<256x64xf32, #tpu.memory_space<vmem>>, vector<16xf32>,
          %mul3A_782 = arith.mulf %get3A_781, %gather3A_761 : vector<16xf32>
          %swap3A_783 = arith.index_cast %add3A_759 : i32 to index
          %swap3A_784 = arith.constant 32 : index
          %swap3A_785 = tpu.vector_load %arg11[%swap3A_783, %swap3A_784] {strides = array<i32>} : memref<256x64xf32, #tpu.memory_space<vmem>>, vector<16xf32>,
          tpu.vector_store %arg11[%swap3A_783, %swap3A_784], %mul3A_782 {strides = array<i32>} : memref<256x64xf32, #tpu.memory_space<vmem>>, vector<16xf32>,
          %get3A_786 = arith.index_cast %add3A_759 : i32 to index
          %get3A_787 = arith.constant 48 : index
          %get3A_788 = tpu.vector_load %arg11[%get3A_786, %get3A_787] {strides = array<i32>} : memref<256x64xf32, #tpu.memory_space<vmem>>, vector<16xf32>,
          %mul3A_789 = arith.mulf %get3A_788, %gather3A_761 : vector<16xf32>
          %swap3A_790 = arith.index_cast %add3A_759 : i32 to index
          %swap3A_791 = arith.constant 48 : index
          %swap3A_792 = tpu.vector_load %arg11[%swap3A_790, %swap3A_791] {strides = array<i32>} : memref<256x64xf32, #tpu.memory_space<vmem>>, vector<16xf32>,
          tpu.vector_store %arg11[%swap3A_790, %swap3A_791], %mul3A_789 {strides = array<i32>} : memref<256x64xf32, #tpu.memory_space<vmem>>, vector<16xf32>,
          %scan3A_793 = arith.constant 3 : i32
          %scan3A_794 = arith.addi %scan3A_677, %scan3A_793 : i32
          %mul3A_795 = arith.constant 1 : i32
          %mul3A_796 = arith.muli %scan3A_794, %mul3A_795 : i32
          %add3A_797 = arith.constant 128 : i32
          %add3A_798 = arith.addi %add3A_797, %mul3A_796 : i32
          %broadcast_in_dim3A_799 = vector.broadcast %add3A_798 : i32 to vector<16xi32>
          %gather3A_800 = tpu.vector_load_idx %arg13[%broadcast_in_dim3A_799] : memref<256xf32, #tpu.memory_space<vmem>>[vector<16xi32>], vector<16xf32>,
          %swap3A_801 = arith.index_cast %add3A_798 : i32 to index
          %swap3A_802 = arith.constant 0 : index
          %swap3A_803 = tpu.vector_load %arg14[%swap3A_801, %swap3A_802] {strides = array<i32>} : memref<256x16xf32, #tpu.memory_space<vmem>>, vector<16xf32>,
          tpu.vector_store %arg14[%swap3A_801, %swap3A_802], %gather3A_800 {strides = array<i32>} : memref<256x16xf32, #tpu.memory_space<vmem>>, vector<16xf32>,
          %get3A_804 = arith.index_cast %add3A_798 : i32 to index
          %get3A_805 = arith.constant 0 : index
          %get3A_806 = tpu.vector_load %arg11[%get3A_804, %get3A_805] {strides = array<i32>} : memref<256x64xf32, #tpu.memory_space<vmem>>, vector<16xf32>,
          %mul3A_807 = arith.mulf %get3A_806, %gather3A_800 : vector<16xf32>
          %swap3A_808 = arith.index_cast %add3A_798 : i32 to index
          %swap3A_809 = arith.constant 0 : index
          %swap3A_810 = tpu.vector_load %arg11[%swap3A_808, %swap3A_809] {strides = array<i32>} : memref<256x64xf32, #tpu.memory_space<vmem>>, vector<16xf32>,
          tpu.vector_store %arg11[%swap3A_808, %swap3A_809], %mul3A_807 {strides = array<i32>} : memref<256x64xf32, #tpu.memory_space<vmem>>, vector<16xf32>,
          %get3A_811 = arith.index_cast %add3A_798 : i32 to index
          %get3A_812 = arith.constant 16 : index
          %get3A_813 = tpu.vector_load %arg11[%get3A_811, %get3A_812] {strides = array<i32>} : memref<256x64xf32, #tpu.memory_space<vmem>>, vector<16xf32>,
          %mul3A_814 = arith.mulf %get3A_813, %gather3A_800 : vector<16xf32>
          %swap3A_815 = arith.index_cast %add3A_798 : i32 to index
          %swap3A_816 = arith.constant 16 : index
          %swap3A_817 = tpu.vector_load %arg11[%swap3A_815, %swap3A_816] {strides = array<i32>} : memref<256x64xf32, #tpu.memory_space<vmem>>, vector<16xf32>,
          tpu.vector_store %arg11[%swap3A_815, %swap3A_816], %mul3A_814 {strides = array<i32>} : memref<256x64xf32, #tpu.memory_space<vmem>>, vector<16xf32>,
          %get3A_818 = arith.index_cast %add3A_798 : i32 to index
          %get3A_819 = arith.constant 32 : index
          %get3A_820 = tpu.vector_load %arg11[%get3A_818, %get3A_819] {strides = array<i32>} : memref<256x64xf32, #tpu.memory_space<vmem>>, vector<16xf32>,
          %mul3A_821 = arith.mulf %get3A_820, %gather3A_800 : vector<16xf32>
          %swap3A_822 = arith.index_cast %add3A_798 : i32 to index
          %swap3A_823 = arith.constant 32 : index
          %swap3A_824 = tpu.vector_load %arg11[%swap3A_822, %swap3A_823] {strides = array<i32>} : memref<256x64xf32, #tpu.memory_space<vmem>>, vector<16xf32>,
          tpu.vector_store %arg11[%swap3A_822, %swap3A_823], %mul3A_821 {strides = array<i32>} : memref<256x64xf32, #tpu.memory_space<vmem>>, vector<16xf32>,
          %get3A_825 = arith.index_cast %add3A_798 : i32 to index
          %get3A_826 = arith.constant 48 : index
          %get3A_827 = tpu.vector_load %arg11[%get3A_825, %get3A_826] {strides = array<i32>} : memref<256x64xf32, #tpu.memory_space<vmem>>, vector<16xf32>,
          %mul3A_828 = arith.mulf %get3A_827, %gather3A_800 : vector<16xf32>
          %swap3A_829 = arith.index_cast %add3A_798 : i32 to index
          %swap3A_830 = arith.constant 48 : index
          %swap3A_831 = tpu.vector_load %arg11[%swap3A_829, %swap3A_830] {strides = array<i32>} : memref<256x64xf32, #tpu.memory_space<vmem>>, vector<16xf32>,
          tpu.vector_store %arg11[%swap3A_829, %swap3A_830], %mul3A_828 {strides = array<i32>} : memref<256x64xf32, #tpu.memory_space<vmem>>, vector<16xf32>,
        }
        %scan3A_649 = arith.constant 128 : i32
        %dma_start3A_650 = arith.constant 0 : i32
        %dma_start3A_651 = arith.constant 1 : i32
        %dma_start3A_652 = arith.constant 0 : i32
        %dma_start3A_653 = arith.constant 0 : i32
        %dma_start3A_654 = tpu.memref_slice %arg11[%dma_start3A_652, %dma_start3A_653] : memref<256x64xf32, #tpu.memory_space<vmem>> -> memref<128x64xf32, #tpu.memory_space<vmem>>
        %dma_start3A_655 = arith.constant 0 : i32
        %dma_start3A_656 = tpu.memref_slice %arg9[%dma_start3A_650, %dma_start3A_651, %dma_start3A_655] : memref<2x2x128xi32, #tpu.memory_space<vmem>> -> memref<1x1x128xi32, #tpu.memory_space<vmem>>
        %dma_start3A_657 = tpu.memref_squeeze %dma_start3A_656 : memref<1x1x128xi32, #tpu.memory_space<vmem>> -> memref<128xi32, #tpu.memory_space<vmem>>
        %dma_start3A_658 = arith.constant 0 : i32
        %dma_start3A_659 = arith.constant 0 : i32
        %dma_start3A_660 = tpu.memref_slice %arg17[%dma_start3A_658, %dma_start3A_659] : memref<10000x64xf32, #tpu.memory_space<vmem_shared>> -> memref<10000x64xf32, #tpu.memory_space<vmem_shared>>
        tpu.enqueue_indirect_dma source(%dma_start3A_654 : memref<128x64xf32, #tpu.memory_space<vmem>>) target(%dma_start3A_660 : memref<10000x64xf32, #tpu.memory_space<vmem_shared>>) offsets(%dma_start3A_657 : memref<128xi32, #tpu.memory_space<vmem>>) semaphore(%arg21 : memref<!tpu.dma_semaphore, #tpu.memory_space<semaphore_mem>>) {add = true}
        %dma_start3A_661 = arith.constant 1 : i32
        %dma_start3A_662 = arith.constant 1 : i32
        %dma_start3A_663 = arith.constant 128 : i32
        %dma_start3A_664 = arith.constant 0 : i32
        %dma_start3A_665 = tpu.memref_slice %arg11[%dma_start3A_663, %dma_start3A_664] : memref<256x64xf32, #tpu.memory_space<vmem>> -> memref<128x64xf32, #tpu.memory_space<vmem>>
        %dma_start3A_666 = arith.constant 0 : i32
        %dma_start3A_667 = tpu.memref_slice %arg9[%dma_start3A_661, %dma_start3A_662, %dma_start3A_666] : memref<2x2x128xi32, #tpu.memory_space<vmem>> -> memref<1x1x128xi32, #tpu.memory_space<vmem>>
        %dma_start3A_668 = tpu.memref_squeeze %dma_start3A_667 : memref<1x1x128xi32, #tpu.memory_space<vmem>> -> memref<128xi32, #tpu.memory_space<vmem>>
        %dma_start3A_669 = arith.constant 0 : i32
        %dma_start3A_670 = arith.constant 0 : i32
        %dma_start3A_671 = tpu.memref_slice %arg17[%dma_start3A_669, %dma_start3A_670] : memref<10000x64xf32, #tpu.memory_space<vmem_shared>> -> memref<10000x64xf32, #tpu.memory_space<vmem_shared>>
        tpu.enqueue_indirect_dma source(%dma_start3A_665 : memref<128x64xf32, #tpu.memory_space<vmem>>) target(%dma_start3A_671 : memref<10000x64xf32, #tpu.memory_space<vmem_shared>>) offsets(%dma_start3A_668 : memref<128xi32, #tpu.memory_space<vmem>>) semaphore(%arg21 : memref<!tpu.dma_semaphore, #tpu.memory_space<semaphore_mem>>) {add = true}
        %eq3A_672 = arith.constant 0 : i32
        %eq3A_673 = arith.cmpi eq, %arg0, %eq3A_672 : i32
        %convert_element_type3A_674 = arith.extui %eq3A_673 : i1 to i32
        %cond3A_675 = arith.constant 0 : i32
        %cond3A_676 = arith.cmpi ne, %convert_element_type3A_674, %cond3A_675 : i32
        scf.if %cond3A_676 {
          %dma_start3A_677 = arith.constant 0 : i32
          %dma_start3A_678 = arith.constant 1 : i32
          %dma_start3A_679 = arith.constant 0 : i32
          %dma_start3A_680 = arith.constant 0 : i32
          %dma_start3A_681 = tpu.memref_slice %arg14[%dma_start3A_679, %dma_start3A_680] : memref<256x16xf32, #tpu.memory_space<vmem>> -> memref<128x16xf32, #tpu.memory_space<vmem>>
          %dma_start3A_682 = arith.constant 0 : i32
          %dma_start3A_683 = tpu.memref_slice %arg9[%dma_start3A_677, %dma_start3A_678, %dma_start3A_682] : memref<2x2x128xi32, #tpu.memory_space<vmem>> -> memref<1x1x128xi32, #tpu.memory_space<vmem>>
          %dma_start3A_684 = tpu.memref_squeeze %dma_start3A_683 : memref<1x1x128xi32, #tpu.memory_space<vmem>> -> memref<128xi32, #tpu.memory_space<vmem>>
          %dma_start3A_685 = arith.constant 0 : i32
          %dma_start3A_686 = arith.constant 0 : i32
          %dma_start3A_687 = tpu.memref_slice %arg18[%dma_start3A_685, %dma_start3A_686] : memref<10000x16xf32, #tpu.memory_space<vmem_shared>> -> memref<10000x16xf32, #tpu.memory_space<vmem_shared>>
          tpu.enqueue_indirect_dma source(%dma_start3A_681 : memref<128x16xf32, #tpu.memory_space<vmem>>) target(%dma_start3A_687 : memref<10000x16xf32, #tpu.memory_space<vmem_shared>>) offsets(%dma_start3A_684 : memref<128xi32, #tpu.memory_space<vmem>>) semaphore(%arg21 : memref<!tpu.dma_semaphore, #tpu.memory_space<semaphore_mem>>) {add = true}
          %dma_start3A_688 = arith.constant 1 : i32
          %dma_start3A_689 = arith.constant 1 : i32
          %dma_start3A_690 = arith.constant 128 : i32
          %dma_start3A_691 = arith.constant 0 : i32
          %dma_start3A_692 = tpu.memref_slice %arg14[%dma_start3A_690, %dma_start3A_691] : memref<256x16xf32, #tpu.memory_space<vmem>> -> memref<128x16xf32, #tpu.memory_space<vmem>>
          %dma_start3A_693 = arith.constant 0 : i32
          %dma_start3A_694 = tpu.memref_slice %arg9[%dma_start3A_688, %dma_start3A_689, %dma_start3A_693] : memref<2x2x128xi32, #tpu.memory_space<vmem>> -> memref<1x1x128xi32, #tpu.memory_space<vmem>>
          %dma_start3A_695 = tpu.memref_squeeze %dma_start3A_694 : memref<1x1x128xi32, #tpu.memory_space<vmem>> -> memref<128xi32, #tpu.memory_space<vmem>>
          %dma_start3A_696 = arith.constant 0 : i32
          %dma_start3A_697 = arith.constant 0 : i32
          %dma_start3A_698 = tpu.memref_slice %arg18[%dma_start3A_696, %dma_start3A_697] : memref<10000x16xf32, #tpu.memory_space<vmem_shared>> -> memref<10000x16xf32, #tpu.memory_space<vmem_shared>>
          tpu.enqueue_indirect_dma source(%dma_start3A_692 : memref<128x16xf32, #tpu.memory_space<vmem>>) target(%dma_start3A_698 : memref<10000x16xf32, #tpu.memory_space<vmem_shared>>) offsets(%dma_start3A_695 : memref<128xi32, #tpu.memory_space<vmem>>) semaphore(%arg21 : memref<!tpu.dma_semaphore, #tpu.memory_space<semaphore_mem>>) {add = true}
        } else {
        }
      } else {
      }
      %mul3A_117 = arith.constant 2 : i32
      %mul3A_118 = arith.muli %add3A_105, %mul3A_117 : i32
      %add3A_119 = arith.constant 1 : i32
      %add3A_120 = arith.addi %mul3A_118, %add3A_119 : i32
      %mul3A_121 = arith.constant 16 : i32
      %mul3A_122 = arith.muli %add3A_120, %mul3A_121 : i32
      %add3A_123 = arith.addi %mul3A_122, %arg1 : i32
      %lt3A_124 = arith.constant 1250 : i32
      %lt3A_125 = arith.cmpi slt, %add3A_123, %lt3A_124 : i32
      %convert_element_type3A_126 = arith.extui %lt3A_125 : i1 to i32
      %cond3A_127 = arith.constant 0 : i32
      %cond3A_128 = arith.cmpi ne, %convert_element_type3A_126, %cond3A_127 : i32
      scf.if %cond3A_128 {
        %get3A_129 = arith.constant 0 : i32
        %get3A_130 = arith.constant 0 : i32
        %get3A_131 = arith.index_cast %get3A_129 : i32 to index
        %get3A_132 = arith.index_cast %get3A_130 : i32 to index
        %get3A_133 = arith.constant 0 : index
        %get3A_134 = tpu.vector_load %arg10[%get3A_131, %get3A_132, %get3A_133] {strides = array<i32>} : memref<2x2x128xi32, #tpu.memory_space<vmem>>, vector<16xi32>,
        %get3A_135 = arith.constant 0 : i32
        %get3A_136 = arith.constant 1 : i32
        %get3A_137 = arith.index_cast %get3A_135 : i32 to index
        %get3A_138 = arith.index_cast %get3A_136 : i32 to index
        %get3A_139 = arith.constant 0 : index
        %get3A_140 = tpu.vector_load %arg10[%get3A_137, %get3A_138, %get3A_139] {strides = array<i32>} : memref<2x2x128xi32, #tpu.memory_space<vmem>>, vector<16xi32>,
        %gather3A = tpu.vector_load_idx %arg8[%get3A_134] : memref<10000xf32, #tpu.memory_space<vmem>>[vector<16xi32>], vector<16xf32>,
        %gather3A_141 = tpu.vector_load_idx %arg8[%get3A_140] : memref<10000xf32, #tpu.memory_space<vmem>>[vector<16xi32>], vector<16xf32>,
        %sub3A = arith.subf %gather3A, %gather3A_141 : vector<16xf32>
        %add3A_142 = arith.addf %sub3A, %get3A_10 : vector<16xf32>
        %ge3A = arith.constant 0.000000e+00 : f32
        %ge3A_143 = vector.broadcast %ge3A : f32 to vector<16xf32>
        %ge3A_144 = arith.cmpf oge, %add3A_142, %ge3A_143 : vector<16xf32>
        %mul3A_145 = arith.constant 2.000000e-01 : f32
        %mul3A_146 = vector.broadcast %mul3A_145 : f32 to vector<16xf32>
        %mul3A_147 = arith.mulf %add3A_142, %mul3A_146 : vector<16xf32>
        %select_n3A = arith.select %ge3A_144, %add3A_142, %mul3A_147 : vector<16xi1>, vector<16xf32>
        %exp3A = math.exp %select_n3A : vector<16xf32>
        %eq3A_148 = arith.cmpi eq, %get3A_134, %get3A_140 : vector<16xi32>
        %broadcast_in_dim3A_149 = arith.constant 0.000000e+00 : f32
        %broadcast_in_dim3A_150 = vector.broadcast %broadcast_in_dim3A_149 : f32 to vector<16xf32>
        %select_n3A_151 = arith.select %eq3A_148, %broadcast_in_dim3A_150, %exp3A : vector<16xi1>, vector<16xf32>
        %swap3A = arith.constant 0 : index
        %swap3A_152 = tpu.vector_load %arg13[%swap3A] {strides = array<i32>} : memref<256xf32, #tpu.memory_space<vmem>>, vector<16xf32>,
        tpu.vector_store %arg13[%swap3A], %select_n3A_151 {strides = array<i32>} : memref<256xf32, #tpu.memory_space<vmem>>, vector<16xf32>,
        %get3A_153 = arith.constant 0 : i32
        %get3A_154 = arith.constant 0 : i32
        %get3A_155 = arith.index_cast %get3A_153 : i32 to index
        %get3A_156 = arith.index_cast %get3A_154 : i32 to index
        %get3A_157 = arith.constant 16 : index
        %get3A_158 = tpu.vector_load %arg10[%get3A_155, %get3A_156, %get3A_157] {strides = array<i32>} : memref<2x2x128xi32, #tpu.memory_space<vmem>>, vector<16xi32>,
        %get3A_159 = arith.constant 0 : i32
        %get3A_160 = arith.constant 1 : i32
        %get3A_161 = arith.index_cast %get3A_159 : i32 to index
        %get3A_162 = arith.index_cast %get3A_160 : i32 to index
        %get3A_163 = arith.constant 16 : index
        %get3A_164 = tpu.vector_load %arg10[%get3A_161, %get3A_162, %get3A_163] {strides = array<i32>} : memref<2x2x128xi32, #tpu.memory_space<vmem>>, vector<16xi32>,
        %gather3A_165 = tpu.vector_load_idx %arg8[%get3A_158] : memref<10000xf32, #tpu.memory_space<vmem>>[vector<16xi32>], vector<16xf32>,
        %gather3A_166 = tpu.vector_load_idx %arg8[%get3A_164] : memref<10000xf32, #tpu.memory_space<vmem>>[vector<16xi32>], vector<16xf32>,
        %sub3A_167 = arith.subf %gather3A_165, %gather3A_166 : vector<16xf32>
        %add3A_168 = arith.addf %sub3A_167, %get3A_10 : vector<16xf32>
        %ge3A_169 = arith.constant 0.000000e+00 : f32
        %ge3A_170 = vector.broadcast %ge3A_169 : f32 to vector<16xf32>
        %ge3A_171 = arith.cmpf oge, %add3A_168, %ge3A_170 : vector<16xf32>
        %mul3A_172 = arith.constant 2.000000e-01 : f32
        %mul3A_173 = vector.broadcast %mul3A_172 : f32 to vector<16xf32>
        %mul3A_174 = arith.mulf %add3A_168, %mul3A_173 : vector<16xf32>
        %select_n3A_175 = arith.select %ge3A_171, %add3A_168, %mul3A_174 : vector<16xi1>, vector<16xf32>
        %exp3A_176 = math.exp %select_n3A_175 : vector<16xf32>
        %eq3A_177 = arith.cmpi eq, %get3A_158, %get3A_164 : vector<16xi32>
        %broadcast_in_dim3A_178 = arith.constant 0.000000e+00 : f32
        %broadcast_in_dim3A_179 = vector.broadcast %broadcast_in_dim3A_178 : f32 to vector<16xf32>
        %select_n3A_180 = arith.select %eq3A_177, %broadcast_in_dim3A_179, %exp3A_176 : vector<16xi1>, vector<16xf32>
        %swap3A_181 = arith.constant 16 : index
        %swap3A_182 = tpu.vector_load %arg13[%swap3A_181] {strides = array<i32>} : memref<256xf32, #tpu.memory_space<vmem>>, vector<16xf32>,
        tpu.vector_store %arg13[%swap3A_181], %select_n3A_180 {strides = array<i32>} : memref<256xf32, #tpu.memory_space<vmem>>, vector<16xf32>,
        %get3A_183 = arith.constant 0 : i32
        %get3A_184 = arith.constant 0 : i32
        %get3A_185 = arith.index_cast %get3A_183 : i32 to index
        %get3A_186 = arith.index_cast %get3A_184 : i32 to index
        %get3A_187 = arith.constant 32 : index
        %get3A_188 = tpu.vector_load %arg10[%get3A_185, %get3A_186, %get3A_187] {strides = array<i32>} : memref<2x2x128xi32, #tpu.memory_space<vmem>>, vector<16xi32>,
        %get3A_189 = arith.constant 0 : i32
        %get3A_190 = arith.constant 1 : i32
        %get3A_191 = arith.index_cast %get3A_189 : i32 to index
        %get3A_192 = arith.index_cast %get3A_190 : i32 to index
        %get3A_193 = arith.constant 32 : index
        %get3A_194 = tpu.vector_load %arg10[%get3A_191, %get3A_192, %get3A_193] {strides = array<i32>} : memref<2x2x128xi32, #tpu.memory_space<vmem>>, vector<16xi32>,
        %gather3A_195 = tpu.vector_load_idx %arg8[%get3A_188] : memref<10000xf32, #tpu.memory_space<vmem>>[vector<16xi32>], vector<16xf32>,
        %gather3A_196 = tpu.vector_load_idx %arg8[%get3A_194] : memref<10000xf32, #tpu.memory_space<vmem>>[vector<16xi32>], vector<16xf32>,
        %sub3A_197 = arith.subf %gather3A_195, %gather3A_196 : vector<16xf32>
        %add3A_198 = arith.addf %sub3A_197, %get3A_10 : vector<16xf32>
        %ge3A_199 = arith.constant 0.000000e+00 : f32
        %ge3A_200 = vector.broadcast %ge3A_199 : f32 to vector<16xf32>
        %ge3A_201 = arith.cmpf oge, %add3A_198, %ge3A_200 : vector<16xf32>
        %mul3A_202 = arith.constant 2.000000e-01 : f32
        %mul3A_203 = vector.broadcast %mul3A_202 : f32 to vector<16xf32>
        %mul3A_204 = arith.mulf %add3A_198, %mul3A_203 : vector<16xf32>
        %select_n3A_205 = arith.select %ge3A_201, %add3A_198, %mul3A_204 : vector<16xi1>, vector<16xf32>
        %exp3A_206 = math.exp %select_n3A_205 : vector<16xf32>
        %eq3A_207 = arith.cmpi eq, %get3A_188, %get3A_194 : vector<16xi32>
        %broadcast_in_dim3A_208 = arith.constant 0.000000e+00 : f32
        %broadcast_in_dim3A_209 = vector.broadcast %broadcast_in_dim3A_208 : f32 to vector<16xf32>
        %select_n3A_210 = arith.select %eq3A_207, %broadcast_in_dim3A_209, %exp3A_206 : vector<16xi1>, vector<16xf32>
        %swap3A_211 = arith.constant 32 : index
        %swap3A_212 = tpu.vector_load %arg13[%swap3A_211] {strides = array<i32>} : memref<256xf32, #tpu.memory_space<vmem>>, vector<16xf32>,
        tpu.vector_store %arg13[%swap3A_211], %select_n3A_210 {strides = array<i32>} : memref<256xf32, #tpu.memory_space<vmem>>, vector<16xf32>,
        %get3A_213 = arith.constant 0 : i32
        %get3A_214 = arith.constant 0 : i32
        %get3A_215 = arith.index_cast %get3A_213 : i32 to index
        %get3A_216 = arith.index_cast %get3A_214 : i32 to index
        %get3A_217 = arith.constant 48 : index
        %get3A_218 = tpu.vector_load %arg10[%get3A_215, %get3A_216, %get3A_217] {strides = array<i32>} : memref<2x2x128xi32, #tpu.memory_space<vmem>>, vector<16xi32>,
        %get3A_219 = arith.constant 0 : i32
        %get3A_220 = arith.constant 1 : i32
        %get3A_221 = arith.index_cast %get3A_219 : i32 to index
        %get3A_222 = arith.index_cast %get3A_220 : i32 to index
        %get3A_223 = arith.constant 48 : index
        %get3A_224 = tpu.vector_load %arg10[%get3A_221, %get3A_222, %get3A_223] {strides = array<i32>} : memref<2x2x128xi32, #tpu.memory_space<vmem>>, vector<16xi32>,
        %gather3A_225 = tpu.vector_load_idx %arg8[%get3A_218] : memref<10000xf32, #tpu.memory_space<vmem>>[vector<16xi32>], vector<16xf32>,
        %gather3A_226 = tpu.vector_load_idx %arg8[%get3A_224] : memref<10000xf32, #tpu.memory_space<vmem>>[vector<16xi32>], vector<16xf32>,
        %sub3A_227 = arith.subf %gather3A_225, %gather3A_226 : vector<16xf32>
        %add3A_228 = arith.addf %sub3A_227, %get3A_10 : vector<16xf32>
        %ge3A_229 = arith.constant 0.000000e+00 : f32
        %ge3A_230 = vector.broadcast %ge3A_229 : f32 to vector<16xf32>
        %ge3A_231 = arith.cmpf oge, %add3A_228, %ge3A_230 : vector<16xf32>
        %mul3A_232 = arith.constant 2.000000e-01 : f32
        %mul3A_233 = vector.broadcast %mul3A_232 : f32 to vector<16xf32>
        %mul3A_234 = arith.mulf %add3A_228, %mul3A_233 : vector<16xf32>
        %select_n3A_235 = arith.select %ge3A_231, %add3A_228, %mul3A_234 : vector<16xi1>, vector<16xf32>
        %exp3A_236 = math.exp %select_n3A_235 : vector<16xf32>
        %eq3A_237 = arith.cmpi eq, %get3A_218, %get3A_224 : vector<16xi32>
        %broadcast_in_dim3A_238 = arith.constant 0.000000e+00 : f32
        %broadcast_in_dim3A_239 = vector.broadcast %broadcast_in_dim3A_238 : f32 to vector<16xf32>
        %select_n3A_240 = arith.select %eq3A_237, %broadcast_in_dim3A_239, %exp3A_236 : vector<16xi1>, vector<16xf32>
        %swap3A_241 = arith.constant 48 : index
        %swap3A_242 = tpu.vector_load %arg13[%swap3A_241] {strides = array<i32>} : memref<256xf32, #tpu.memory_space<vmem>>, vector<16xf32>,
        tpu.vector_store %arg13[%swap3A_241], %select_n3A_240 {strides = array<i32>} : memref<256xf32, #tpu.memory_space<vmem>>, vector<16xf32>,
        %get3A_243 = arith.constant 0 : i32
        %get3A_244 = arith.constant 0 : i32
        %get3A_245 = arith.index_cast %get3A_243 : i32 to index
        %get3A_246 = arith.index_cast %get3A_244 : i32 to index
        %get3A_247 = arith.constant 64 : index
        %get3A_248 = tpu.vector_load %arg10[%get3A_245, %get3A_246, %get3A_247] {strides = array<i32>} : memref<2x2x128xi32, #tpu.memory_space<vmem>>, vector<16xi32>,
        %get3A_249 = arith.constant 0 : i32
        %get3A_250 = arith.constant 1 : i32
        %get3A_251 = arith.index_cast %get3A_249 : i32 to index
        %get3A_252 = arith.index_cast %get3A_250 : i32 to index
        %get3A_253 = arith.constant 64 : index
        %get3A_254 = tpu.vector_load %arg10[%get3A_251, %get3A_252, %get3A_253] {strides = array<i32>} : memref<2x2x128xi32, #tpu.memory_space<vmem>>, vector<16xi32>,
        %gather3A_255 = tpu.vector_load_idx %arg8[%get3A_248] : memref<10000xf32, #tpu.memory_space<vmem>>[vector<16xi32>], vector<16xf32>,
        %gather3A_256 = tpu.vector_load_idx %arg8[%get3A_254] : memref<10000xf32, #tpu.memory_space<vmem>>[vector<16xi32>], vector<16xf32>,
        %sub3A_257 = arith.subf %gather3A_255, %gather3A_256 : vector<16xf32>
        %add3A_258 = arith.addf %sub3A_257, %get3A_10 : vector<16xf32>
        %ge3A_259 = arith.constant 0.000000e+00 : f32
        %ge3A_260 = vector.broadcast %ge3A_259 : f32 to vector<16xf32>
        %ge3A_261 = arith.cmpf oge, %add3A_258, %ge3A_260 : vector<16xf32>
        %mul3A_262 = arith.constant 2.000000e-01 : f32
        %mul3A_263 = vector.broadcast %mul3A_262 : f32 to vector<16xf32>
        %mul3A_264 = arith.mulf %add3A_258, %mul3A_263 : vector<16xf32>
        %select_n3A_265 = arith.select %ge3A_261, %add3A_258, %mul3A_264 : vector<16xi1>, vector<16xf32>
        %exp3A_266 = math.exp %select_n3A_265 : vector<16xf32>
        %eq3A_267 = arith.cmpi eq, %get3A_248, %get3A_254 : vector<16xi32>
        %broadcast_in_dim3A_268 = arith.constant 0.000000e+00 : f32
        %broadcast_in_dim3A_269 = vector.broadcast %broadcast_in_dim3A_268 : f32 to vector<16xf32>
        %select_n3A_270 = arith.select %eq3A_267, %broadcast_in_dim3A_269, %exp3A_266 : vector<16xi1>, vector<16xf32>
        %swap3A_271 = arith.constant 64 : index
        %swap3A_272 = tpu.vector_load %arg13[%swap3A_271] {strides = array<i32>} : memref<256xf32, #tpu.memory_space<vmem>>, vector<16xf32>,
        tpu.vector_store %arg13[%swap3A_271], %select_n3A_270 {strides = array<i32>} : memref<256xf32, #tpu.memory_space<vmem>>, vector<16xf32>,
        %get3A_273 = arith.constant 0 : i32
        %get3A_274 = arith.constant 0 : i32
        %get3A_275 = arith.index_cast %get3A_273 : i32 to index
        %get3A_276 = arith.index_cast %get3A_274 : i32 to index
        %get3A_277 = arith.constant 80 : index
        %get3A_278 = tpu.vector_load %arg10[%get3A_275, %get3A_276, %get3A_277] {strides = array<i32>} : memref<2x2x128xi32, #tpu.memory_space<vmem>>, vector<16xi32>,
        %get3A_279 = arith.constant 0 : i32
        %get3A_280 = arith.constant 1 : i32
        %get3A_281 = arith.index_cast %get3A_279 : i32 to index
        %get3A_282 = arith.index_cast %get3A_280 : i32 to index
        %get3A_283 = arith.constant 80 : index
        %get3A_284 = tpu.vector_load %arg10[%get3A_281, %get3A_282, %get3A_283] {strides = array<i32>} : memref<2x2x128xi32, #tpu.memory_space<vmem>>, vector<16xi32>,
        %gather3A_285 = tpu.vector_load_idx %arg8[%get3A_278] : memref<10000xf32, #tpu.memory_space<vmem>>[vector<16xi32>], vector<16xf32>,
        %gather3A_286 = tpu.vector_load_idx %arg8[%get3A_284] : memref<10000xf32, #tpu.memory_space<vmem>>[vector<16xi32>], vector<16xf32>,
        %sub3A_287 = arith.subf %gather3A_285, %gather3A_286 : vector<16xf32>
        %add3A_288 = arith.addf %sub3A_287, %get3A_10 : vector<16xf32>
        %ge3A_289 = arith.constant 0.000000e+00 : f32
        %ge3A_290 = vector.broadcast %ge3A_289 : f32 to vector<16xf32>
        %ge3A_291 = arith.cmpf oge, %add3A_288, %ge3A_290 : vector<16xf32>
        %mul3A_292 = arith.constant 2.000000e-01 : f32
        %mul3A_293 = vector.broadcast %mul3A_292 : f32 to vector<16xf32>
        %mul3A_294 = arith.mulf %add3A_288, %mul3A_293 : vector<16xf32>
        %select_n3A_295 = arith.select %ge3A_291, %add3A_288, %mul3A_294 : vector<16xi1>, vector<16xf32>
        %exp3A_296 = math.exp %select_n3A_295 : vector<16xf32>
        %eq3A_297 = arith.cmpi eq, %get3A_278, %get3A_284 : vector<16xi32>
        %broadcast_in_dim3A_298 = arith.constant 0.000000e+00 : f32
        %broadcast_in_dim3A_299 = vector.broadcast %broadcast_in_dim3A_298 : f32 to vector<16xf32>
        %select_n3A_300 = arith.select %eq3A_297, %broadcast_in_dim3A_299, %exp3A_296 : vector<16xi1>, vector<16xf32>
        %swap3A_301 = arith.constant 80 : index
        %swap3A_302 = tpu.vector_load %arg13[%swap3A_301] {strides = array<i32>} : memref<256xf32, #tpu.memory_space<vmem>>, vector<16xf32>,
        tpu.vector_store %arg13[%swap3A_301], %select_n3A_300 {strides = array<i32>} : memref<256xf32, #tpu.memory_space<vmem>>, vector<16xf32>,
        %get3A_303 = arith.constant 0 : i32
        %get3A_304 = arith.constant 0 : i32
        %get3A_305 = arith.index_cast %get3A_303 : i32 to index
        %get3A_306 = arith.index_cast %get3A_304 : i32 to index
        %get3A_307 = arith.constant 96 : index
        %get3A_308 = tpu.vector_load %arg10[%get3A_305, %get3A_306, %get3A_307] {strides = array<i32>} : memref<2x2x128xi32, #tpu.memory_space<vmem>>, vector<16xi32>,
        %get3A_309 = arith.constant 0 : i32
        %get3A_310 = arith.constant 1 : i32
        %get3A_311 = arith.index_cast %get3A_309 : i32 to index
        %get3A_312 = arith.index_cast %get3A_310 : i32 to index
        %get3A_313 = arith.constant 96 : index
        %get3A_314 = tpu.vector_load %arg10[%get3A_311, %get3A_312, %get3A_313] {strides = array<i32>} : memref<2x2x128xi32, #tpu.memory_space<vmem>>, vector<16xi32>,
        %gather3A_315 = tpu.vector_load_idx %arg8[%get3A_308] : memref<10000xf32, #tpu.memory_space<vmem>>[vector<16xi32>], vector<16xf32>,
        %gather3A_316 = tpu.vector_load_idx %arg8[%get3A_314] : memref<10000xf32, #tpu.memory_space<vmem>>[vector<16xi32>], vector<16xf32>,
        %sub3A_317 = arith.subf %gather3A_315, %gather3A_316 : vector<16xf32>
        %add3A_318 = arith.addf %sub3A_317, %get3A_10 : vector<16xf32>
        %ge3A_319 = arith.constant 0.000000e+00 : f32
        %ge3A_320 = vector.broadcast %ge3A_319 : f32 to vector<16xf32>
        %ge3A_321 = arith.cmpf oge, %add3A_318, %ge3A_320 : vector<16xf32>
        %mul3A_322 = arith.constant 2.000000e-01 : f32
        %mul3A_323 = vector.broadcast %mul3A_322 : f32 to vector<16xf32>
        %mul3A_324 = arith.mulf %add3A_318, %mul3A_323 : vector<16xf32>
        %select_n3A_325 = arith.select %ge3A_321, %add3A_318, %mul3A_324 : vector<16xi1>, vector<16xf32>
        %exp3A_326 = math.exp %select_n3A_325 : vector<16xf32>
        %eq3A_327 = arith.cmpi eq, %get3A_308, %get3A_314 : vector<16xi32>
        %broadcast_in_dim3A_328 = arith.constant 0.000000e+00 : f32
        %broadcast_in_dim3A_329 = vector.broadcast %broadcast_in_dim3A_328 : f32 to vector<16xf32>
        %select_n3A_330 = arith.select %eq3A_327, %broadcast_in_dim3A_329, %exp3A_326 : vector<16xi1>, vector<16xf32>
        %swap3A_331 = arith.constant 96 : index
        %swap3A_332 = tpu.vector_load %arg13[%swap3A_331] {strides = array<i32>} : memref<256xf32, #tpu.memory_space<vmem>>, vector<16xf32>,
        tpu.vector_store %arg13[%swap3A_331], %select_n3A_330 {strides = array<i32>} : memref<256xf32, #tpu.memory_space<vmem>>, vector<16xf32>,
        %get3A_333 = arith.constant 0 : i32
        %get3A_334 = arith.constant 0 : i32
        %get3A_335 = arith.index_cast %get3A_333 : i32 to index
        %get3A_336 = arith.index_cast %get3A_334 : i32 to index
        %get3A_337 = arith.constant 112 : index
        %get3A_338 = tpu.vector_load %arg10[%get3A_335, %get3A_336, %get3A_337] {strides = array<i32>} : memref<2x2x128xi32, #tpu.memory_space<vmem>>, vector<16xi32>,
        %get3A_339 = arith.constant 0 : i32
        %get3A_340 = arith.constant 1 : i32
        %get3A_341 = arith.index_cast %get3A_339 : i32 to index
        %get3A_342 = arith.index_cast %get3A_340 : i32 to index
        %get3A_343 = arith.constant 112 : index
        %get3A_344 = tpu.vector_load %arg10[%get3A_341, %get3A_342, %get3A_343] {strides = array<i32>} : memref<2x2x128xi32, #tpu.memory_space<vmem>>, vector<16xi32>,
        %gather3A_345 = tpu.vector_load_idx %arg8[%get3A_338] : memref<10000xf32, #tpu.memory_space<vmem>>[vector<16xi32>], vector<16xf32>,
        %gather3A_346 = tpu.vector_load_idx %arg8[%get3A_344] : memref<10000xf32, #tpu.memory_space<vmem>>[vector<16xi32>], vector<16xf32>,
        %sub3A_347 = arith.subf %gather3A_345, %gather3A_346 : vector<16xf32>
        %add3A_348 = arith.addf %sub3A_347, %get3A_10 : vector<16xf32>
        %ge3A_349 = arith.constant 0.000000e+00 : f32
        %ge3A_350 = vector.broadcast %ge3A_349 : f32 to vector<16xf32>
        %ge3A_351 = arith.cmpf oge, %add3A_348, %ge3A_350 : vector<16xf32>
        %mul3A_352 = arith.constant 2.000000e-01 : f32
        %mul3A_353 = vector.broadcast %mul3A_352 : f32 to vector<16xf32>
        %mul3A_354 = arith.mulf %add3A_348, %mul3A_353 : vector<16xf32>
        %select_n3A_355 = arith.select %ge3A_351, %add3A_348, %mul3A_354 : vector<16xi1>, vector<16xf32>
        %exp3A_356 = math.exp %select_n3A_355 : vector<16xf32>
        %eq3A_357 = arith.cmpi eq, %get3A_338, %get3A_344 : vector<16xi32>
        %broadcast_in_dim3A_358 = arith.constant 0.000000e+00 : f32
        %broadcast_in_dim3A_359 = vector.broadcast %broadcast_in_dim3A_358 : f32 to vector<16xf32>
        %select_n3A_360 = arith.select %eq3A_357, %broadcast_in_dim3A_359, %exp3A_356 : vector<16xi1>, vector<16xf32>
        %swap3A_361 = arith.constant 112 : index
        %swap3A_362 = tpu.vector_load %arg13[%swap3A_361] {strides = array<i32>} : memref<256xf32, #tpu.memory_space<vmem>>, vector<16xf32>,
        tpu.vector_store %arg13[%swap3A_361], %select_n3A_360 {strides = array<i32>} : memref<256xf32, #tpu.memory_space<vmem>>, vector<16xf32>,
        %dma_wait3A_363 = arith.constant 0 : i32
        %dma_wait3A_364 = arith.constant 0 : i32
        %dma_wait3A_365 = arith.constant 0 : i32
        %dma_wait3A_366 = arith.constant 0 : i32
        %dma_wait3A_367 = tpu.memref_slice %arg12[%dma_wait3A_365, %dma_wait3A_366] : memref<256x64xf32, #tpu.memory_space<vmem>> -> memref<128x64xf32, #tpu.memory_space<vmem>>
        %dma_wait3A_368 = arith.constant 0 : i32
        %dma_wait3A_369 = tpu.memref_slice %arg10[%dma_wait3A_363, %dma_wait3A_364, %dma_wait3A_368] : memref<2x2x128xi32, #tpu.memory_space<vmem>> -> memref<1x1x128xi32, #tpu.memory_space<vmem>>
        %dma_wait3A_370 = tpu.memref_squeeze %dma_wait3A_369 : memref<1x1x128xi32, #tpu.memory_space<vmem>> -> memref<128xi32, #tpu.memory_space<vmem>>
        %dma_wait3A_371 = arith.constant 0 : i32
        %dma_wait3A_372 = arith.constant 0 : i32
        %dma_wait3A_373 = tpu.memref_slice %arg2[%arg0, %dma_wait3A_371, %dma_wait3A_372] : memref<2x10000x64xf32, #tpu.memory_space<hbm>> -> memref<1x10000x64xf32, #tpu.memory_space<hbm>>
        %dma_wait3A_374 = tpu.memref_squeeze %dma_wait3A_373 : memref<1x10000x64xf32, #tpu.memory_space<hbm>> -> memref<10000x64xf32, #tpu.memory_space<hbm>>
        %dma_wait3A_375 = arith.constant 0 : i32
        %dma_wait3A_376 = arith.constant 0 : i32
        %dma_wait3A_377 = tpu.memref_slice %dma_wait3A_374[%dma_wait3A_375, %dma_wait3A_376] : memref<10000x64xf32, #tpu.memory_space<hbm>> -> memref<10000x64xf32, #tpu.memory_space<hbm>>
        tpu.wait_indirect_dma semaphore(%arg20 : memref<!tpu.dma_semaphore, #tpu.memory_space<semaphore_mem>>) src(%dma_wait3A_377 : memref<10000x64xf32, #tpu.memory_space<hbm>>) dst(%dma_wait3A_367 : memref<128x64xf32, #tpu.memory_space<vmem>>)
        %scan3A_378 = arith.constant 0 : i32
        %scan3A_379 = arith.constant 128 : i32
        %scan3A_380 = arith.addi %scan3A_378, %scan3A_379 : i32
        %scan3A_381 = arith.constant 4 : i32
        scf.for %scan3A_677 = %scan3A_378 to %scan3A_380 step %scan3A_381  : i32 {
          %mul3A_678 = arith.constant 1 : i32
          %mul3A_679 = arith.muli %scan3A_677, %mul3A_678 : i32
          %add3A_680 = arith.constant 0 : i32
          %add3A_681 = arith.addi %add3A_680, %mul3A_679 : i32
          %broadcast_in_dim3A_682 = vector.broadcast %add3A_681 : i32 to vector<16xi32>
          %gather3A_683 = tpu.vector_load_idx %arg13[%broadcast_in_dim3A_682] : memref<256xf32, #tpu.memory_space<vmem>>[vector<16xi32>], vector<16xf32>,
          %swap3A_684 = arith.index_cast %add3A_681 : i32 to index
          %swap3A_685 = arith.constant 0 : index
          %swap3A_686 = tpu.vector_load %arg15[%swap3A_684, %swap3A_685] {strides = array<i32>} : memref<256x16xf32, #tpu.memory_space<vmem>>, vector<16xf32>,
          tpu.vector_store %arg15[%swap3A_684, %swap3A_685], %gather3A_683 {strides = array<i32>} : memref<256x16xf32, #tpu.memory_space<vmem>>, vector<16xf32>,
          %get3A_687 = arith.index_cast %add3A_681 : i32 to index
          %get3A_688 = arith.constant 0 : index
          %get3A_689 = tpu.vector_load %arg12[%get3A_687, %get3A_688] {strides = array<i32>} : memref<256x64xf32, #tpu.memory_space<vmem>>, vector<16xf32>,
          %mul3A_690 = arith.mulf %get3A_689, %gather3A_683 : vector<16xf32>
          %swap3A_691 = arith.index_cast %add3A_681 : i32 to index
          %swap3A_692 = arith.constant 0 : index
          %swap3A_693 = tpu.vector_load %arg12[%swap3A_691, %swap3A_692] {strides = array<i32>} : memref<256x64xf32, #tpu.memory_space<vmem>>, vector<16xf32>,
          tpu.vector_store %arg12[%swap3A_691, %swap3A_692], %mul3A_690 {strides = array<i32>} : memref<256x64xf32, #tpu.memory_space<vmem>>, vector<16xf32>,
          %get3A_694 = arith.index_cast %add3A_681 : i32 to index
          %get3A_695 = arith.constant 16 : index
          %get3A_696 = tpu.vector_load %arg12[%get3A_694, %get3A_695] {strides = array<i32>} : memref<256x64xf32, #tpu.memory_space<vmem>>, vector<16xf32>,
          %mul3A_697 = arith.mulf %get3A_696, %gather3A_683 : vector<16xf32>
          %swap3A_698 = arith.index_cast %add3A_681 : i32 to index
          %swap3A_699 = arith.constant 16 : index
          %swap3A_700 = tpu.vector_load %arg12[%swap3A_698, %swap3A_699] {strides = array<i32>} : memref<256x64xf32, #tpu.memory_space<vmem>>, vector<16xf32>,
          tpu.vector_store %arg12[%swap3A_698, %swap3A_699], %mul3A_697 {strides = array<i32>} : memref<256x64xf32, #tpu.memory_space<vmem>>, vector<16xf32>,
          %get3A_701 = arith.index_cast %add3A_681 : i32 to index
          %get3A_702 = arith.constant 32 : index
          %get3A_703 = tpu.vector_load %arg12[%get3A_701, %get3A_702] {strides = array<i32>} : memref<256x64xf32, #tpu.memory_space<vmem>>, vector<16xf32>,
          %mul3A_704 = arith.mulf %get3A_703, %gather3A_683 : vector<16xf32>
          %swap3A_705 = arith.index_cast %add3A_681 : i32 to index
          %swap3A_706 = arith.constant 32 : index
          %swap3A_707 = tpu.vector_load %arg12[%swap3A_705, %swap3A_706] {strides = array<i32>} : memref<256x64xf32, #tpu.memory_space<vmem>>, vector<16xf32>,
          tpu.vector_store %arg12[%swap3A_705, %swap3A_706], %mul3A_704 {strides = array<i32>} : memref<256x64xf32, #tpu.memory_space<vmem>>, vector<16xf32>,
          %get3A_708 = arith.index_cast %add3A_681 : i32 to index
          %get3A_709 = arith.constant 48 : index
          %get3A_710 = tpu.vector_load %arg12[%get3A_708, %get3A_709] {strides = array<i32>} : memref<256x64xf32, #tpu.memory_space<vmem>>, vector<16xf32>,
          %mul3A_711 = arith.mulf %get3A_710, %gather3A_683 : vector<16xf32>
          %swap3A_712 = arith.index_cast %add3A_681 : i32 to index
          %swap3A_713 = arith.constant 48 : index
          %swap3A_714 = tpu.vector_load %arg12[%swap3A_712, %swap3A_713] {strides = array<i32>} : memref<256x64xf32, #tpu.memory_space<vmem>>, vector<16xf32>,
          tpu.vector_store %arg12[%swap3A_712, %swap3A_713], %mul3A_711 {strides = array<i32>} : memref<256x64xf32, #tpu.memory_space<vmem>>, vector<16xf32>,
          %scan3A_715 = arith.constant 1 : i32
          %scan3A_716 = arith.addi %scan3A_677, %scan3A_715 : i32
          %mul3A_717 = arith.constant 1 : i32
          %mul3A_718 = arith.muli %scan3A_716, %mul3A_717 : i32
          %add3A_719 = arith.constant 0 : i32
          %add3A_720 = arith.addi %add3A_719, %mul3A_718 : i32
          %broadcast_in_dim3A_721 = vector.broadcast %add3A_720 : i32 to vector<16xi32>
          %gather3A_722 = tpu.vector_load_idx %arg13[%broadcast_in_dim3A_721] : memref<256xf32, #tpu.memory_space<vmem>>[vector<16xi32>], vector<16xf32>,
          %swap3A_723 = arith.index_cast %add3A_720 : i32 to index
          %swap3A_724 = arith.constant 0 : index
          %swap3A_725 = tpu.vector_load %arg15[%swap3A_723, %swap3A_724] {strides = array<i32>} : memref<256x16xf32, #tpu.memory_space<vmem>>, vector<16xf32>,
          tpu.vector_store %arg15[%swap3A_723, %swap3A_724], %gather3A_722 {strides = array<i32>} : memref<256x16xf32, #tpu.memory_space<vmem>>, vector<16xf32>,
          %get3A_726 = arith.index_cast %add3A_720 : i32 to index
          %get3A_727 = arith.constant 0 : index
          %get3A_728 = tpu.vector_load %arg12[%get3A_726, %get3A_727] {strides = array<i32>} : memref<256x64xf32, #tpu.memory_space<vmem>>, vector<16xf32>,
          %mul3A_729 = arith.mulf %get3A_728, %gather3A_722 : vector<16xf32>
          %swap3A_730 = arith.index_cast %add3A_720 : i32 to index
          %swap3A_731 = arith.constant 0 : index
          %swap3A_732 = tpu.vector_load %arg12[%swap3A_730, %swap3A_731] {strides = array<i32>} : memref<256x64xf32, #tpu.memory_space<vmem>>, vector<16xf32>,
          tpu.vector_store %arg12[%swap3A_730, %swap3A_731], %mul3A_729 {strides = array<i32>} : memref<256x64xf32, #tpu.memory_space<vmem>>, vector<16xf32>,
          %get3A_733 = arith.index_cast %add3A_720 : i32 to index
          %get3A_734 = arith.constant 16 : index
          %get3A_735 = tpu.vector_load %arg12[%get3A_733, %get3A_734] {strides = array<i32>} : memref<256x64xf32, #tpu.memory_space<vmem>>, vector<16xf32>,
          %mul3A_736 = arith.mulf %get3A_735, %gather3A_722 : vector<16xf32>
          %swap3A_737 = arith.index_cast %add3A_720 : i32 to index
          %swap3A_738 = arith.constant 16 : index
          %swap3A_739 = tpu.vector_load %arg12[%swap3A_737, %swap3A_738] {strides = array<i32>} : memref<256x64xf32, #tpu.memory_space<vmem>>, vector<16xf32>,
          tpu.vector_store %arg12[%swap3A_737, %swap3A_738], %mul3A_736 {strides = array<i32>} : memref<256x64xf32, #tpu.memory_space<vmem>>, vector<16xf32>,
          %get3A_740 = arith.index_cast %add3A_720 : i32 to index
          %get3A_741 = arith.constant 32 : index
          %get3A_742 = tpu.vector_load %arg12[%get3A_740, %get3A_741] {strides = array<i32>} : memref<256x64xf32, #tpu.memory_space<vmem>>, vector<16xf32>,
          %mul3A_743 = arith.mulf %get3A_742, %gather3A_722 : vector<16xf32>
          %swap3A_744 = arith.index_cast %add3A_720 : i32 to index
          %swap3A_745 = arith.constant 32 : index
          %swap3A_746 = tpu.vector_load %arg12[%swap3A_744, %swap3A_745] {strides = array<i32>} : memref<256x64xf32, #tpu.memory_space<vmem>>, vector<16xf32>,
          tpu.vector_store %arg12[%swap3A_744, %swap3A_745], %mul3A_743 {strides = array<i32>} : memref<256x64xf32, #tpu.memory_space<vmem>>, vector<16xf32>,
          %get3A_747 = arith.index_cast %add3A_720 : i32 to index
          %get3A_748 = arith.constant 48 : index
          %get3A_749 = tpu.vector_load %arg12[%get3A_747, %get3A_748] {strides = array<i32>} : memref<256x64xf32, #tpu.memory_space<vmem>>, vector<16xf32>,
          %mul3A_750 = arith.mulf %get3A_749, %gather3A_722 : vector<16xf32>
          %swap3A_751 = arith.index_cast %add3A_720 : i32 to index
          %swap3A_752 = arith.constant 48 : index
          %swap3A_753 = tpu.vector_load %arg12[%swap3A_751, %swap3A_752] {strides = array<i32>} : memref<256x64xf32, #tpu.memory_space<vmem>>, vector<16xf32>,
          tpu.vector_store %arg12[%swap3A_751, %swap3A_752], %mul3A_750 {strides = array<i32>} : memref<256x64xf32, #tpu.memory_space<vmem>>, vector<16xf32>,
          %scan3A_754 = arith.constant 2 : i32
          %scan3A_755 = arith.addi %scan3A_677, %scan3A_754 : i32
          %mul3A_756 = arith.constant 1 : i32
          %mul3A_757 = arith.muli %scan3A_755, %mul3A_756 : i32
          %add3A_758 = arith.constant 0 : i32
          %add3A_759 = arith.addi %add3A_758, %mul3A_757 : i32
          %broadcast_in_dim3A_760 = vector.broadcast %add3A_759 : i32 to vector<16xi32>
          %gather3A_761 = tpu.vector_load_idx %arg13[%broadcast_in_dim3A_760] : memref<256xf32, #tpu.memory_space<vmem>>[vector<16xi32>], vector<16xf32>,
          %swap3A_762 = arith.index_cast %add3A_759 : i32 to index
          %swap3A_763 = arith.constant 0 : index
          %swap3A_764 = tpu.vector_load %arg15[%swap3A_762, %swap3A_763] {strides = array<i32>} : memref<256x16xf32, #tpu.memory_space<vmem>>, vector<16xf32>,
          tpu.vector_store %arg15[%swap3A_762, %swap3A_763], %gather3A_761 {strides = array<i32>} : memref<256x16xf32, #tpu.memory_space<vmem>>, vector<16xf32>,
          %get3A_765 = arith.index_cast %add3A_759 : i32 to index
          %get3A_766 = arith.constant 0 : index
          %get3A_767 = tpu.vector_load %arg12[%get3A_765, %get3A_766] {strides = array<i32>} : memref<256x64xf32, #tpu.memory_space<vmem>>, vector<16xf32>,
          %mul3A_768 = arith.mulf %get3A_767, %gather3A_761 : vector<16xf32>
          %swap3A_769 = arith.index_cast %add3A_759 : i32 to index
          %swap3A_770 = arith.constant 0 : index
          %swap3A_771 = tpu.vector_load %arg12[%swap3A_769, %swap3A_770] {strides = array<i32>} : memref<256x64xf32, #tpu.memory_space<vmem>>, vector<16xf32>,
          tpu.vector_store %arg12[%swap3A_769, %swap3A_770], %mul3A_768 {strides = array<i32>} : memref<256x64xf32, #tpu.memory_space<vmem>>, vector<16xf32>,
          %get3A_772 = arith.index_cast %add3A_759 : i32 to index
          %get3A_773 = arith.constant 16 : index
          %get3A_774 = tpu.vector_load %arg12[%get3A_772, %get3A_773] {strides = array<i32>} : memref<256x64xf32, #tpu.memory_space<vmem>>, vector<16xf32>,
          %mul3A_775 = arith.mulf %get3A_774, %gather3A_761 : vector<16xf32>
          %swap3A_776 = arith.index_cast %add3A_759 : i32 to index
          %swap3A_777 = arith.constant 16 : index
          %swap3A_778 = tpu.vector_load %arg12[%swap3A_776, %swap3A_777] {strides = array<i32>} : memref<256x64xf32, #tpu.memory_space<vmem>>, vector<16xf32>,
          tpu.vector_store %arg12[%swap3A_776, %swap3A_777], %mul3A_775 {strides = array<i32>} : memref<256x64xf32, #tpu.memory_space<vmem>>, vector<16xf32>,
          %get3A_779 = arith.index_cast %add3A_759 : i32 to index
          %get3A_780 = arith.constant 32 : index
          %get3A_781 = tpu.vector_load %arg12[%get3A_779, %get3A_780] {strides = array<i32>} : memref<256x64xf32, #tpu.memory_space<vmem>>, vector<16xf32>,
          %mul3A_782 = arith.mulf %get3A_781, %gather3A_761 : vector<16xf32>
          %swap3A_783 = arith.index_cast %add3A_759 : i32 to index
          %swap3A_784 = arith.constant 32 : index
          %swap3A_785 = tpu.vector_load %arg12[%swap3A_783, %swap3A_784] {strides = array<i32>} : memref<256x64xf32, #tpu.memory_space<vmem>>, vector<16xf32>,
          tpu.vector_store %arg12[%swap3A_783, %swap3A_784], %mul3A_782 {strides = array<i32>} : memref<256x64xf32, #tpu.memory_space<vmem>>, vector<16xf32>,
          %get3A_786 = arith.index_cast %add3A_759 : i32 to index
          %get3A_787 = arith.constant 48 : index
          %get3A_788 = tpu.vector_load %arg12[%get3A_786, %get3A_787] {strides = array<i32>} : memref<256x64xf32, #tpu.memory_space<vmem>>, vector<16xf32>,
          %mul3A_789 = arith.mulf %get3A_788, %gather3A_761 : vector<16xf32>
          %swap3A_790 = arith.index_cast %add3A_759 : i32 to index
          %swap3A_791 = arith.constant 48 : index
          %swap3A_792 = tpu.vector_load %arg12[%swap3A_790, %swap3A_791] {strides = array<i32>} : memref<256x64xf32, #tpu.memory_space<vmem>>, vector<16xf32>,
          tpu.vector_store %arg12[%swap3A_790, %swap3A_791], %mul3A_789 {strides = array<i32>} : memref<256x64xf32, #tpu.memory_space<vmem>>, vector<16xf32>,
          %scan3A_793 = arith.constant 3 : i32
          %scan3A_794 = arith.addi %scan3A_677, %scan3A_793 : i32
          %mul3A_795 = arith.constant 1 : i32
          %mul3A_796 = arith.muli %scan3A_794, %mul3A_795 : i32
          %add3A_797 = arith.constant 0 : i32
          %add3A_798 = arith.addi %add3A_797, %mul3A_796 : i32
          %broadcast_in_dim3A_799 = vector.broadcast %add3A_798 : i32 to vector<16xi32>
          %gather3A_800 = tpu.vector_load_idx %arg13[%broadcast_in_dim3A_799] : memref<256xf32, #tpu.memory_space<vmem>>[vector<16xi32>], vector<16xf32>,
          %swap3A_801 = arith.index_cast %add3A_798 : i32 to index
          %swap3A_802 = arith.constant 0 : index
          %swap3A_803 = tpu.vector_load %arg15[%swap3A_801, %swap3A_802] {strides = array<i32>} : memref<256x16xf32, #tpu.memory_space<vmem>>, vector<16xf32>,
          tpu.vector_store %arg15[%swap3A_801, %swap3A_802], %gather3A_800 {strides = array<i32>} : memref<256x16xf32, #tpu.memory_space<vmem>>, vector<16xf32>,
          %get3A_804 = arith.index_cast %add3A_798 : i32 to index
          %get3A_805 = arith.constant 0 : index
          %get3A_806 = tpu.vector_load %arg12[%get3A_804, %get3A_805] {strides = array<i32>} : memref<256x64xf32, #tpu.memory_space<vmem>>, vector<16xf32>,
          %mul3A_807 = arith.mulf %get3A_806, %gather3A_800 : vector<16xf32>
          %swap3A_808 = arith.index_cast %add3A_798 : i32 to index
          %swap3A_809 = arith.constant 0 : index
          %swap3A_810 = tpu.vector_load %arg12[%swap3A_808, %swap3A_809] {strides = array<i32>} : memref<256x64xf32, #tpu.memory_space<vmem>>, vector<16xf32>,
          tpu.vector_store %arg12[%swap3A_808, %swap3A_809], %mul3A_807 {strides = array<i32>} : memref<256x64xf32, #tpu.memory_space<vmem>>, vector<16xf32>,
          %get3A_811 = arith.index_cast %add3A_798 : i32 to index
          %get3A_812 = arith.constant 16 : index
          %get3A_813 = tpu.vector_load %arg12[%get3A_811, %get3A_812] {strides = array<i32>} : memref<256x64xf32, #tpu.memory_space<vmem>>, vector<16xf32>,
          %mul3A_814 = arith.mulf %get3A_813, %gather3A_800 : vector<16xf32>
          %swap3A_815 = arith.index_cast %add3A_798 : i32 to index
          %swap3A_816 = arith.constant 16 : index
          %swap3A_817 = tpu.vector_load %arg12[%swap3A_815, %swap3A_816] {strides = array<i32>} : memref<256x64xf32, #tpu.memory_space<vmem>>, vector<16xf32>,
          tpu.vector_store %arg12[%swap3A_815, %swap3A_816], %mul3A_814 {strides = array<i32>} : memref<256x64xf32, #tpu.memory_space<vmem>>, vector<16xf32>,
          %get3A_818 = arith.index_cast %add3A_798 : i32 to index
          %get3A_819 = arith.constant 32 : index
          %get3A_820 = tpu.vector_load %arg12[%get3A_818, %get3A_819] {strides = array<i32>} : memref<256x64xf32, #tpu.memory_space<vmem>>, vector<16xf32>,
          %mul3A_821 = arith.mulf %get3A_820, %gather3A_800 : vector<16xf32>
          %swap3A_822 = arith.index_cast %add3A_798 : i32 to index
          %swap3A_823 = arith.constant 32 : index
          %swap3A_824 = tpu.vector_load %arg12[%swap3A_822, %swap3A_823] {strides = array<i32>} : memref<256x64xf32, #tpu.memory_space<vmem>>, vector<16xf32>,
          tpu.vector_store %arg12[%swap3A_822, %swap3A_823], %mul3A_821 {strides = array<i32>} : memref<256x64xf32, #tpu.memory_space<vmem>>, vector<16xf32>,
          %get3A_825 = arith.index_cast %add3A_798 : i32 to index
          %get3A_826 = arith.constant 48 : index
          %get3A_827 = tpu.vector_load %arg12[%get3A_825, %get3A_826] {strides = array<i32>} : memref<256x64xf32, #tpu.memory_space<vmem>>, vector<16xf32>,
          %mul3A_828 = arith.mulf %get3A_827, %gather3A_800 : vector<16xf32>
          %swap3A_829 = arith.index_cast %add3A_798 : i32 to index
          %swap3A_830 = arith.constant 48 : index
          %swap3A_831 = tpu.vector_load %arg12[%swap3A_829, %swap3A_830] {strides = array<i32>} : memref<256x64xf32, #tpu.memory_space<vmem>>, vector<16xf32>,
          tpu.vector_store %arg12[%swap3A_829, %swap3A_830], %mul3A_828 {strides = array<i32>} : memref<256x64xf32, #tpu.memory_space<vmem>>, vector<16xf32>,
        }
        %scan3A_382 = arith.constant 128 : i32
        %add3A_383 = arith.constant 16 : i32
        %add3A_384 = arith.addi %add3A_123, %add3A_383 : i32
        %lt3A_385 = arith.constant 1250 : i32
        %lt3A_386 = arith.cmpi slt, %add3A_384, %lt3A_385 : i32
        %convert_element_type3A_387 = arith.extui %lt3A_386 : i1 to i32
        %cond3A_388 = arith.constant 0 : i32
        %cond3A_389 = arith.cmpi ne, %convert_element_type3A_387, %cond3A_388 : i32
        scf.if %cond3A_389 {
          %gt3A = arith.constant 0 : i32
          %gt3A_677 = arith.cmpi sgt, %add3A_120, %gt3A : i32
          %convert_element_type3A_678 = arith.extui %gt3A_677 : i1 to i32
          %cond3A_679 = arith.constant 0 : i32
          %cond3A_680 = arith.cmpi ne, %convert_element_type3A_678, %cond3A_679 : i32
          scf.if %cond3A_680 {
            %dma_wait3A_713 = arith.constant 0 : i32
            %dma_wait3A_714 = arith.constant 1 : i32
            %dma_wait3A_715 = arith.constant 0 : i32
            %dma_wait3A_716 = arith.constant 0 : i32
            %dma_wait3A_717 = tpu.memref_slice %arg11[%dma_wait3A_715, %dma_wait3A_716] : memref<256x64xf32, #tpu.memory_space<vmem>> -> memref<128x64xf32, #tpu.memory_space<vmem>>
            %dma_wait3A_718 = arith.constant 0 : i32
            %dma_wait3A_719 = tpu.memref_slice %arg9[%dma_wait3A_713, %dma_wait3A_714, %dma_wait3A_718] : memref<2x2x128xi32, #tpu.memory_space<vmem>> -> memref<1x1x128xi32, #tpu.memory_space<vmem>>
            %dma_wait3A_720 = tpu.memref_squeeze %dma_wait3A_719 : memref<1x1x128xi32, #tpu.memory_space<vmem>> -> memref<128xi32, #tpu.memory_space<vmem>>
            %dma_wait3A_721 = arith.constant 0 : i32
            %dma_wait3A_722 = arith.constant 0 : i32
            %dma_wait3A_723 = tpu.memref_slice %arg17[%dma_wait3A_721, %dma_wait3A_722] : memref<10000x64xf32, #tpu.memory_space<vmem_shared>> -> memref<10000x64xf32, #tpu.memory_space<vmem_shared>>
            tpu.wait_indirect_dma semaphore(%arg21 : memref<!tpu.dma_semaphore, #tpu.memory_space<semaphore_mem>>) src(%dma_wait3A_717 : memref<128x64xf32, #tpu.memory_space<vmem>>) dst(%dma_wait3A_723 : memref<10000x64xf32, #tpu.memory_space<vmem_shared>>)
            %dma_wait3A_724 = arith.constant 1 : i32
            %dma_wait3A_725 = arith.constant 1 : i32
            %dma_wait3A_726 = arith.constant 128 : i32
            %dma_wait3A_727 = arith.constant 0 : i32
            %dma_wait3A_728 = tpu.memref_slice %arg11[%dma_wait3A_726, %dma_wait3A_727] : memref<256x64xf32, #tpu.memory_space<vmem>> -> memref<128x64xf32, #tpu.memory_space<vmem>>
            %dma_wait3A_729 = arith.constant 0 : i32
            %dma_wait3A_730 = tpu.memref_slice %arg9[%dma_wait3A_724, %dma_wait3A_725, %dma_wait3A_729] : memref<2x2x128xi32, #tpu.memory_space<vmem>> -> memref<1x1x128xi32, #tpu.memory_space<vmem>>
            %dma_wait3A_731 = tpu.memref_squeeze %dma_wait3A_730 : memref<1x1x128xi32, #tpu.memory_space<vmem>> -> memref<128xi32, #tpu.memory_space<vmem>>
            %dma_wait3A_732 = arith.constant 0 : i32
            %dma_wait3A_733 = arith.constant 0 : i32
            %dma_wait3A_734 = tpu.memref_slice %arg17[%dma_wait3A_732, %dma_wait3A_733] : memref<10000x64xf32, #tpu.memory_space<vmem_shared>> -> memref<10000x64xf32, #tpu.memory_space<vmem_shared>>
            tpu.wait_indirect_dma semaphore(%arg21 : memref<!tpu.dma_semaphore, #tpu.memory_space<semaphore_mem>>) src(%dma_wait3A_728 : memref<128x64xf32, #tpu.memory_space<vmem>>) dst(%dma_wait3A_734 : memref<10000x64xf32, #tpu.memory_space<vmem_shared>>)
            %eq3A_735 = arith.constant 0 : i32
            %eq3A_736 = arith.cmpi eq, %arg0, %eq3A_735 : i32
            %convert_element_type3A_737 = arith.extui %eq3A_736 : i1 to i32
            %cond3A_738 = arith.constant 0 : i32
            %cond3A_739 = arith.cmpi ne, %convert_element_type3A_737, %cond3A_738 : i32
            scf.if %cond3A_739 {
              %dma_wait3A_740 = arith.constant 0 : i32
              %dma_wait3A_741 = arith.constant 1 : i32
              %dma_wait3A_742 = arith.constant 0 : i32
              %dma_wait3A_743 = arith.constant 0 : i32
              %dma_wait3A_744 = tpu.memref_slice %arg14[%dma_wait3A_742, %dma_wait3A_743] : memref<256x16xf32, #tpu.memory_space<vmem>> -> memref<128x16xf32, #tpu.memory_space<vmem>>
              %dma_wait3A_745 = arith.constant 0 : i32
              %dma_wait3A_746 = tpu.memref_slice %arg9[%dma_wait3A_740, %dma_wait3A_741, %dma_wait3A_745] : memref<2x2x128xi32, #tpu.memory_space<vmem>> -> memref<1x1x128xi32, #tpu.memory_space<vmem>>
              %dma_wait3A_747 = tpu.memref_squeeze %dma_wait3A_746 : memref<1x1x128xi32, #tpu.memory_space<vmem>> -> memref<128xi32, #tpu.memory_space<vmem>>
              %dma_wait3A_748 = arith.constant 0 : i32
              %dma_wait3A_749 = arith.constant 0 : i32
              %dma_wait3A_750 = tpu.memref_slice %arg18[%dma_wait3A_748, %dma_wait3A_749] : memref<10000x16xf32, #tpu.memory_space<vmem_shared>> -> memref<10000x16xf32, #tpu.memory_space<vmem_shared>>
              tpu.wait_indirect_dma semaphore(%arg21 : memref<!tpu.dma_semaphore, #tpu.memory_space<semaphore_mem>>) src(%dma_wait3A_744 : memref<128x16xf32, #tpu.memory_space<vmem>>) dst(%dma_wait3A_750 : memref<10000x16xf32, #tpu.memory_space<vmem_shared>>)
              %dma_wait3A_751 = arith.constant 1 : i32
              %dma_wait3A_752 = arith.constant 1 : i32
              %dma_wait3A_753 = arith.constant 128 : i32
              %dma_wait3A_754 = arith.constant 0 : i32
              %dma_wait3A_755 = tpu.memref_slice %arg14[%dma_wait3A_753, %dma_wait3A_754] : memref<256x16xf32, #tpu.memory_space<vmem>> -> memref<128x16xf32, #tpu.memory_space<vmem>>
              %dma_wait3A_756 = arith.constant 0 : i32
              %dma_wait3A_757 = tpu.memref_slice %arg9[%dma_wait3A_751, %dma_wait3A_752, %dma_wait3A_756] : memref<2x2x128xi32, #tpu.memory_space<vmem>> -> memref<1x1x128xi32, #tpu.memory_space<vmem>>
              %dma_wait3A_758 = tpu.memref_squeeze %dma_wait3A_757 : memref<1x1x128xi32, #tpu.memory_space<vmem>> -> memref<128xi32, #tpu.memory_space<vmem>>
              %dma_wait3A_759 = arith.constant 0 : i32
              %dma_wait3A_760 = arith.constant 0 : i32
              %dma_wait3A_761 = tpu.memref_slice %arg18[%dma_wait3A_759, %dma_wait3A_760] : memref<10000x16xf32, #tpu.memory_space<vmem_shared>> -> memref<10000x16xf32, #tpu.memory_space<vmem_shared>>
              tpu.wait_indirect_dma semaphore(%arg21 : memref<!tpu.dma_semaphore, #tpu.memory_space<semaphore_mem>>) src(%dma_wait3A_755 : memref<128x16xf32, #tpu.memory_space<vmem>>) dst(%dma_wait3A_761 : memref<10000x16xf32, #tpu.memory_space<vmem_shared>>)
            } else {
            }
          } else {
          }
          %mul3A_681 = arith.constant 2 : i32
          %mul3A_682 = arith.muli %add3A_384, %mul3A_681 : i32
          "tpu.region"() ({
            %run_scoped3A = tpu.sem_alloc : memref<!tpu.dma_semaphore, #tpu.memory_space<semaphore_mem>>
            %dma_start3A_713 = arith.constant 0 : i32
            %dma_start3A_714 = arith.constant 0 : i32
            %dma_start3A_715 = tpu.memref_slice %arg3[%mul3A_682, %dma_start3A_713, %dma_start3A_714] : memref<2500x2x128xi32, #tpu.memory_space<hbm>> -> memref<2x2x128xi32, #tpu.memory_space<hbm>>
            %dma_start3A_716 = arith.constant 0 : i32
            %dma_start3A_717 = arith.constant 0 : i32
            %dma_start3A_718 = tpu.memref_slice %arg3[%mul3A_682, %dma_start3A_716, %dma_start3A_717] : memref<2500x2x128xi32, #tpu.memory_space<hbm>> -> memref<2x2x128xi32, #tpu.memory_space<hbm>>
            tpu.enqueue_dma source(%dma_start3A_718 : memref<2x2x128xi32, #tpu.memory_space<hbm>>) target(%arg9 : memref<2x2x128xi32, #tpu.memory_space<vmem>>) target_semaphore(%run_scoped3A : memref<!tpu.dma_semaphore, #tpu.memory_space<semaphore_mem>>)
            %dma_wait3A_719 = arith.constant 0 : i32
            %dma_wait3A_720 = arith.constant 0 : i32
            %dma_wait3A_721 = tpu.memref_slice %arg3[%mul3A_682, %dma_wait3A_719, %dma_wait3A_720] : memref<2500x2x128xi32, #tpu.memory_space<hbm>> -> memref<2x2x128xi32, #tpu.memory_space<hbm>>
            %dma_wait3A_722 = arith.constant 0 : i32
            %dma_wait3A_723 = arith.constant 0 : i32
            %dma_wait3A_724 = tpu.memref_slice %arg3[%mul3A_682, %dma_wait3A_722, %dma_wait3A_723] : memref<2500x2x128xi32, #tpu.memory_space<hbm>> -> memref<2x2x128xi32, #tpu.memory_space<hbm>>
            tpu.wait_dma2 semaphore(%run_scoped3A : memref<!tpu.dma_semaphore, #tpu.memory_space<semaphore_mem>>) src(%dma_wait3A_724 : memref<2x2x128xi32, #tpu.memory_space<hbm>>) dst(%arg9 : memref<2x2x128xi32, #tpu.memory_space<vmem>>)
            tpu.yield
          }) : () -> ()
          %dma_start3A_683 = arith.constant 0 : i32
          %dma_start3A_684 = arith.constant 0 : i32
          %dma_start3A_685 = arith.constant 0 : i32
          %dma_start3A_686 = arith.constant 0 : i32
          %dma_start3A_687 = tpu.memref_slice %arg11[%dma_start3A_685, %dma_start3A_686] : memref<256x64xf32, #tpu.memory_space<vmem>> -> memref<128x64xf32, #tpu.memory_space<vmem>>
          %dma_start3A_688 = arith.constant 0 : i32
          %dma_start3A_689 = tpu.memref_slice %arg9[%dma_start3A_683, %dma_start3A_684, %dma_start3A_688] : memref<2x2x128xi32, #tpu.memory_space<vmem>> -> memref<1x1x128xi32, #tpu.memory_space<vmem>>
          %dma_start3A_690 = tpu.memref_squeeze %dma_start3A_689 : memref<1x1x128xi32, #tpu.memory_space<vmem>> -> memref<128xi32, #tpu.memory_space<vmem>>
          %dma_start3A_691 = arith.constant 0 : i32
          %dma_start3A_692 = arith.constant 0 : i32
          %dma_start3A_693 = tpu.memref_slice %arg2[%arg0, %dma_start3A_691, %dma_start3A_692] : memref<2x10000x64xf32, #tpu.memory_space<hbm>> -> memref<1x10000x64xf32, #tpu.memory_space<hbm>>
          %dma_start3A_694 = tpu.memref_squeeze %dma_start3A_693 : memref<1x10000x64xf32, #tpu.memory_space<hbm>> -> memref<10000x64xf32, #tpu.memory_space<hbm>>
          %dma_start3A_695 = arith.constant 0 : i32
          %dma_start3A_696 = arith.constant 0 : i32
          %dma_start3A_697 = tpu.memref_slice %dma_start3A_694[%dma_start3A_695, %dma_start3A_696] : memref<10000x64xf32, #tpu.memory_space<hbm>> -> memref<10000x64xf32, #tpu.memory_space<hbm>>
          tpu.enqueue_indirect_dma source(%dma_start3A_697 : memref<10000x64xf32, #tpu.memory_space<hbm>>) target(%dma_start3A_687 : memref<128x64xf32, #tpu.memory_space<vmem>>) offsets(%dma_start3A_690 : memref<128xi32, #tpu.memory_space<vmem>>) semaphore(%arg19 : memref<!tpu.dma_semaphore, #tpu.memory_space<semaphore_mem>>)
          %dma_start3A_698 = arith.constant 1 : i32
          %dma_start3A_699 = arith.constant 0 : i32
          %dma_start3A_700 = arith.constant 128 : i32
          %dma_start3A_701 = arith.constant 0 : i32
          %dma_start3A_702 = tpu.memref_slice %arg11[%dma_start3A_700, %dma_start3A_701] : memref<256x64xf32, #tpu.memory_space<vmem>> -> memref<128x64xf32, #tpu.memory_space<vmem>>
          %dma_start3A_703 = arith.constant 0 : i32
          %dma_start3A_704 = tpu.memref_slice %arg9[%dma_start3A_698, %dma_start3A_699, %dma_start3A_703] : memref<2x2x128xi32, #tpu.memory_space<vmem>> -> memref<1x1x128xi32, #tpu.memory_space<vmem>>
          %dma_start3A_705 = tpu.memref_squeeze %dma_start3A_704 : memref<1x1x128xi32, #tpu.memory_space<vmem>> -> memref<128xi32, #tpu.memory_space<vmem>>
          %dma_start3A_706 = arith.constant 0 : i32
          %dma_start3A_707 = arith.constant 0 : i32
          %dma_start3A_708 = tpu.memref_slice %arg2[%arg0, %dma_start3A_706, %dma_start3A_707] : memref<2x10000x64xf32, #tpu.memory_space<hbm>> -> memref<1x10000x64xf32, #tpu.memory_space<hbm>>
          %dma_start3A_709 = tpu.memref_squeeze %dma_start3A_708 : memref<1x10000x64xf32, #tpu.memory_space<hbm>> -> memref<10000x64xf32, #tpu.memory_space<hbm>>
          %dma_start3A_710 = arith.constant 0 : i32
          %dma_start3A_711 = arith.constant 0 : i32
          %dma_start3A_712 = tpu.memref_slice %dma_start3A_709[%dma_start3A_710, %dma_start3A_711] : memref<10000x64xf32, #tpu.memory_space<hbm>> -> memref<10000x64xf32, #tpu.memory_space<hbm>>
          tpu.enqueue_indirect_dma source(%dma_start3A_712 : memref<10000x64xf32, #tpu.memory_space<hbm>>) target(%dma_start3A_702 : memref<128x64xf32, #tpu.memory_space<vmem>>) offsets(%dma_start3A_705 : memref<128xi32, #tpu.memory_space<vmem>>) semaphore(%arg19 : memref<!tpu.dma_semaphore, #tpu.memory_space<semaphore_mem>>)
        } else {
        }
        %get3A_390 = arith.constant 1 : i32
        %get3A_391 = arith.constant 0 : i32
        %get3A_392 = arith.index_cast %get3A_390 : i32 to index
        %get3A_393 = arith.index_cast %get3A_391 : i32 to index
        %get3A_394 = arith.constant 0 : index
        %get3A_395 = tpu.vector_load %arg10[%get3A_392, %get3A_393, %get3A_394] {strides = array<i32>} : memref<2x2x128xi32, #tpu.memory_space<vmem>>, vector<16xi32>,
        %get3A_396 = arith.constant 1 : i32
        %get3A_397 = arith.constant 1 : i32
        %get3A_398 = arith.index_cast %get3A_396 : i32 to index
        %get3A_399 = arith.index_cast %get3A_397 : i32 to index
        %get3A_400 = arith.constant 0 : index
        %get3A_401 = tpu.vector_load %arg10[%get3A_398, %get3A_399, %get3A_400] {strides = array<i32>} : memref<2x2x128xi32, #tpu.memory_space<vmem>>, vector<16xi32>,
        %gather3A_402 = tpu.vector_load_idx %arg8[%get3A_395] : memref<10000xf32, #tpu.memory_space<vmem>>[vector<16xi32>], vector<16xf32>,
        %gather3A_403 = tpu.vector_load_idx %arg8[%get3A_401] : memref<10000xf32, #tpu.memory_space<vmem>>[vector<16xi32>], vector<16xf32>,
        %sub3A_404 = arith.subf %gather3A_402, %gather3A_403 : vector<16xf32>
        %add3A_405 = arith.addf %sub3A_404, %get3A_10 : vector<16xf32>
        %ge3A_406 = arith.constant 0.000000e+00 : f32
        %ge3A_407 = vector.broadcast %ge3A_406 : f32 to vector<16xf32>
        %ge3A_408 = arith.cmpf oge, %add3A_405, %ge3A_407 : vector<16xf32>
        %mul3A_409 = arith.constant 2.000000e-01 : f32
        %mul3A_410 = vector.broadcast %mul3A_409 : f32 to vector<16xf32>
        %mul3A_411 = arith.mulf %add3A_405, %mul3A_410 : vector<16xf32>
        %select_n3A_412 = arith.select %ge3A_408, %add3A_405, %mul3A_411 : vector<16xi1>, vector<16xf32>
        %exp3A_413 = math.exp %select_n3A_412 : vector<16xf32>
        %eq3A_414 = arith.cmpi eq, %get3A_395, %get3A_401 : vector<16xi32>
        %broadcast_in_dim3A_415 = arith.constant 0.000000e+00 : f32
        %broadcast_in_dim3A_416 = vector.broadcast %broadcast_in_dim3A_415 : f32 to vector<16xf32>
        %select_n3A_417 = arith.select %eq3A_414, %broadcast_in_dim3A_416, %exp3A_413 : vector<16xi1>, vector<16xf32>
        %swap3A_418 = arith.constant 128 : index
        %swap3A_419 = tpu.vector_load %arg13[%swap3A_418] {strides = array<i32>} : memref<256xf32, #tpu.memory_space<vmem>>, vector<16xf32>,
        tpu.vector_store %arg13[%swap3A_418], %select_n3A_417 {strides = array<i32>} : memref<256xf32, #tpu.memory_space<vmem>>, vector<16xf32>,
        %get3A_420 = arith.constant 1 : i32
        %get3A_421 = arith.constant 0 : i32
        %get3A_422 = arith.index_cast %get3A_420 : i32 to index
        %get3A_423 = arith.index_cast %get3A_421 : i32 to index
        %get3A_424 = arith.constant 16 : index
        %get3A_425 = tpu.vector_load %arg10[%get3A_422, %get3A_423, %get3A_424] {strides = array<i32>} : memref<2x2x128xi32, #tpu.memory_space<vmem>>, vector<16xi32>,
        %get3A_426 = arith.constant 1 : i32
        %get3A_427 = arith.constant 1 : i32
        %get3A_428 = arith.index_cast %get3A_426 : i32 to index
        %get3A_429 = arith.index_cast %get3A_427 : i32 to index
        %get3A_430 = arith.constant 16 : index
        %get3A_431 = tpu.vector_load %arg10[%get3A_428, %get3A_429, %get3A_430] {strides = array<i32>} : memref<2x2x128xi32, #tpu.memory_space<vmem>>, vector<16xi32>,
        %gather3A_432 = tpu.vector_load_idx %arg8[%get3A_425] : memref<10000xf32, #tpu.memory_space<vmem>>[vector<16xi32>], vector<16xf32>,
        %gather3A_433 = tpu.vector_load_idx %arg8[%get3A_431] : memref<10000xf32, #tpu.memory_space<vmem>>[vector<16xi32>], vector<16xf32>,
        %sub3A_434 = arith.subf %gather3A_432, %gather3A_433 : vector<16xf32>
        %add3A_435 = arith.addf %sub3A_434, %get3A_10 : vector<16xf32>
        %ge3A_436 = arith.constant 0.000000e+00 : f32
        %ge3A_437 = vector.broadcast %ge3A_436 : f32 to vector<16xf32>
        %ge3A_438 = arith.cmpf oge, %add3A_435, %ge3A_437 : vector<16xf32>
        %mul3A_439 = arith.constant 2.000000e-01 : f32
        %mul3A_440 = vector.broadcast %mul3A_439 : f32 to vector<16xf32>
        %mul3A_441 = arith.mulf %add3A_435, %mul3A_440 : vector<16xf32>
        %select_n3A_442 = arith.select %ge3A_438, %add3A_435, %mul3A_441 : vector<16xi1>, vector<16xf32>
        %exp3A_443 = math.exp %select_n3A_442 : vector<16xf32>
        %eq3A_444 = arith.cmpi eq, %get3A_425, %get3A_431 : vector<16xi32>
        %broadcast_in_dim3A_445 = arith.constant 0.000000e+00 : f32
        %broadcast_in_dim3A_446 = vector.broadcast %broadcast_in_dim3A_445 : f32 to vector<16xf32>
        %select_n3A_447 = arith.select %eq3A_444, %broadcast_in_dim3A_446, %exp3A_443 : vector<16xi1>, vector<16xf32>
        %swap3A_448 = arith.constant 144 : index
        %swap3A_449 = tpu.vector_load %arg13[%swap3A_448] {strides = array<i32>} : memref<256xf32, #tpu.memory_space<vmem>>, vector<16xf32>,
        tpu.vector_store %arg13[%swap3A_448], %select_n3A_447 {strides = array<i32>} : memref<256xf32, #tpu.memory_space<vmem>>, vector<16xf32>,
        %get3A_450 = arith.constant 1 : i32
        %get3A_451 = arith.constant 0 : i32
        %get3A_452 = arith.index_cast %get3A_450 : i32 to index
        %get3A_453 = arith.index_cast %get3A_451 : i32 to index
        %get3A_454 = arith.constant 32 : index
        %get3A_455 = tpu.vector_load %arg10[%get3A_452, %get3A_453, %get3A_454] {strides = array<i32>} : memref<2x2x128xi32, #tpu.memory_space<vmem>>, vector<16xi32>,
        %get3A_456 = arith.constant 1 : i32
        %get3A_457 = arith.constant 1 : i32
        %get3A_458 = arith.index_cast %get3A_456 : i32 to index
        %get3A_459 = arith.index_cast %get3A_457 : i32 to index
        %get3A_460 = arith.constant 32 : index
        %get3A_461 = tpu.vector_load %arg10[%get3A_458, %get3A_459, %get3A_460] {strides = array<i32>} : memref<2x2x128xi32, #tpu.memory_space<vmem>>, vector<16xi32>,
        %gather3A_462 = tpu.vector_load_idx %arg8[%get3A_455] : memref<10000xf32, #tpu.memory_space<vmem>>[vector<16xi32>], vector<16xf32>,
        %gather3A_463 = tpu.vector_load_idx %arg8[%get3A_461] : memref<10000xf32, #tpu.memory_space<vmem>>[vector<16xi32>], vector<16xf32>,
        %sub3A_464 = arith.subf %gather3A_462, %gather3A_463 : vector<16xf32>
        %add3A_465 = arith.addf %sub3A_464, %get3A_10 : vector<16xf32>
        %ge3A_466 = arith.constant 0.000000e+00 : f32
        %ge3A_467 = vector.broadcast %ge3A_466 : f32 to vector<16xf32>
        %ge3A_468 = arith.cmpf oge, %add3A_465, %ge3A_467 : vector<16xf32>
        %mul3A_469 = arith.constant 2.000000e-01 : f32
        %mul3A_470 = vector.broadcast %mul3A_469 : f32 to vector<16xf32>
        %mul3A_471 = arith.mulf %add3A_465, %mul3A_470 : vector<16xf32>
        %select_n3A_472 = arith.select %ge3A_468, %add3A_465, %mul3A_471 : vector<16xi1>, vector<16xf32>
        %exp3A_473 = math.exp %select_n3A_472 : vector<16xf32>
        %eq3A_474 = arith.cmpi eq, %get3A_455, %get3A_461 : vector<16xi32>
        %broadcast_in_dim3A_475 = arith.constant 0.000000e+00 : f32
        %broadcast_in_dim3A_476 = vector.broadcast %broadcast_in_dim3A_475 : f32 to vector<16xf32>
        %select_n3A_477 = arith.select %eq3A_474, %broadcast_in_dim3A_476, %exp3A_473 : vector<16xi1>, vector<16xf32>
        %swap3A_478 = arith.constant 160 : index
        %swap3A_479 = tpu.vector_load %arg13[%swap3A_478] {strides = array<i32>} : memref<256xf32, #tpu.memory_space<vmem>>, vector<16xf32>,
        tpu.vector_store %arg13[%swap3A_478], %select_n3A_477 {strides = array<i32>} : memref<256xf32, #tpu.memory_space<vmem>>, vector<16xf32>,
        %get3A_480 = arith.constant 1 : i32
        %get3A_481 = arith.constant 0 : i32
        %get3A_482 = arith.index_cast %get3A_480 : i32 to index
        %get3A_483 = arith.index_cast %get3A_481 : i32 to index
        %get3A_484 = arith.constant 48 : index
        %get3A_485 = tpu.vector_load %arg10[%get3A_482, %get3A_483, %get3A_484] {strides = array<i32>} : memref<2x2x128xi32, #tpu.memory_space<vmem>>, vector<16xi32>,
        %get3A_486 = arith.constant 1 : i32
        %get3A_487 = arith.constant 1 : i32
        %get3A_488 = arith.index_cast %get3A_486 : i32 to index
        %get3A_489 = arith.index_cast %get3A_487 : i32 to index
        %get3A_490 = arith.constant 48 : index
        %get3A_491 = tpu.vector_load %arg10[%get3A_488, %get3A_489, %get3A_490] {strides = array<i32>} : memref<2x2x128xi32, #tpu.memory_space<vmem>>, vector<16xi32>,
        %gather3A_492 = tpu.vector_load_idx %arg8[%get3A_485] : memref<10000xf32, #tpu.memory_space<vmem>>[vector<16xi32>], vector<16xf32>,
        %gather3A_493 = tpu.vector_load_idx %arg8[%get3A_491] : memref<10000xf32, #tpu.memory_space<vmem>>[vector<16xi32>], vector<16xf32>,
        %sub3A_494 = arith.subf %gather3A_492, %gather3A_493 : vector<16xf32>
        %add3A_495 = arith.addf %sub3A_494, %get3A_10 : vector<16xf32>
        %ge3A_496 = arith.constant 0.000000e+00 : f32
        %ge3A_497 = vector.broadcast %ge3A_496 : f32 to vector<16xf32>
        %ge3A_498 = arith.cmpf oge, %add3A_495, %ge3A_497 : vector<16xf32>
        %mul3A_499 = arith.constant 2.000000e-01 : f32
        %mul3A_500 = vector.broadcast %mul3A_499 : f32 to vector<16xf32>
        %mul3A_501 = arith.mulf %add3A_495, %mul3A_500 : vector<16xf32>
        %select_n3A_502 = arith.select %ge3A_498, %add3A_495, %mul3A_501 : vector<16xi1>, vector<16xf32>
        %exp3A_503 = math.exp %select_n3A_502 : vector<16xf32>
        %eq3A_504 = arith.cmpi eq, %get3A_485, %get3A_491 : vector<16xi32>
        %broadcast_in_dim3A_505 = arith.constant 0.000000e+00 : f32
        %broadcast_in_dim3A_506 = vector.broadcast %broadcast_in_dim3A_505 : f32 to vector<16xf32>
        %select_n3A_507 = arith.select %eq3A_504, %broadcast_in_dim3A_506, %exp3A_503 : vector<16xi1>, vector<16xf32>
        %swap3A_508 = arith.constant 176 : index
        %swap3A_509 = tpu.vector_load %arg13[%swap3A_508] {strides = array<i32>} : memref<256xf32, #tpu.memory_space<vmem>>, vector<16xf32>,
        tpu.vector_store %arg13[%swap3A_508], %select_n3A_507 {strides = array<i32>} : memref<256xf32, #tpu.memory_space<vmem>>, vector<16xf32>,
        %get3A_510 = arith.constant 1 : i32
        %get3A_511 = arith.constant 0 : i32
        %get3A_512 = arith.index_cast %get3A_510 : i32 to index
        %get3A_513 = arith.index_cast %get3A_511 : i32 to index
        %get3A_514 = arith.constant 64 : index
        %get3A_515 = tpu.vector_load %arg10[%get3A_512, %get3A_513, %get3A_514] {strides = array<i32>} : memref<2x2x128xi32, #tpu.memory_space<vmem>>, vector<16xi32>,
        %get3A_516 = arith.constant 1 : i32
        %get3A_517 = arith.constant 1 : i32
        %get3A_518 = arith.index_cast %get3A_516 : i32 to index
        %get3A_519 = arith.index_cast %get3A_517 : i32 to index
        %get3A_520 = arith.constant 64 : index
        %get3A_521 = tpu.vector_load %arg10[%get3A_518, %get3A_519, %get3A_520] {strides = array<i32>} : memref<2x2x128xi32, #tpu.memory_space<vmem>>, vector<16xi32>,
        %gather3A_522 = tpu.vector_load_idx %arg8[%get3A_515] : memref<10000xf32, #tpu.memory_space<vmem>>[vector<16xi32>], vector<16xf32>,
        %gather3A_523 = tpu.vector_load_idx %arg8[%get3A_521] : memref<10000xf32, #tpu.memory_space<vmem>>[vector<16xi32>], vector<16xf32>,
        %sub3A_524 = arith.subf %gather3A_522, %gather3A_523 : vector<16xf32>
        %add3A_525 = arith.addf %sub3A_524, %get3A_10 : vector<16xf32>
        %ge3A_526 = arith.constant 0.000000e+00 : f32
        %ge3A_527 = vector.broadcast %ge3A_526 : f32 to vector<16xf32>
        %ge3A_528 = arith.cmpf oge, %add3A_525, %ge3A_527 : vector<16xf32>
        %mul3A_529 = arith.constant 2.000000e-01 : f32
        %mul3A_530 = vector.broadcast %mul3A_529 : f32 to vector<16xf32>
        %mul3A_531 = arith.mulf %add3A_525, %mul3A_530 : vector<16xf32>
        %select_n3A_532 = arith.select %ge3A_528, %add3A_525, %mul3A_531 : vector<16xi1>, vector<16xf32>
        %exp3A_533 = math.exp %select_n3A_532 : vector<16xf32>
        %eq3A_534 = arith.cmpi eq, %get3A_515, %get3A_521 : vector<16xi32>
        %broadcast_in_dim3A_535 = arith.constant 0.000000e+00 : f32
        %broadcast_in_dim3A_536 = vector.broadcast %broadcast_in_dim3A_535 : f32 to vector<16xf32>
        %select_n3A_537 = arith.select %eq3A_534, %broadcast_in_dim3A_536, %exp3A_533 : vector<16xi1>, vector<16xf32>
        %swap3A_538 = arith.constant 192 : index
        %swap3A_539 = tpu.vector_load %arg13[%swap3A_538] {strides = array<i32>} : memref<256xf32, #tpu.memory_space<vmem>>, vector<16xf32>,
        tpu.vector_store %arg13[%swap3A_538], %select_n3A_537 {strides = array<i32>} : memref<256xf32, #tpu.memory_space<vmem>>, vector<16xf32>,
        %get3A_540 = arith.constant 1 : i32
        %get3A_541 = arith.constant 0 : i32
        %get3A_542 = arith.index_cast %get3A_540 : i32 to index
        %get3A_543 = arith.index_cast %get3A_541 : i32 to index
        %get3A_544 = arith.constant 80 : index
        %get3A_545 = tpu.vector_load %arg10[%get3A_542, %get3A_543, %get3A_544] {strides = array<i32>} : memref<2x2x128xi32, #tpu.memory_space<vmem>>, vector<16xi32>,
        %get3A_546 = arith.constant 1 : i32
        %get3A_547 = arith.constant 1 : i32
        %get3A_548 = arith.index_cast %get3A_546 : i32 to index
        %get3A_549 = arith.index_cast %get3A_547 : i32 to index
        %get3A_550 = arith.constant 80 : index
        %get3A_551 = tpu.vector_load %arg10[%get3A_548, %get3A_549, %get3A_550] {strides = array<i32>} : memref<2x2x128xi32, #tpu.memory_space<vmem>>, vector<16xi32>,
        %gather3A_552 = tpu.vector_load_idx %arg8[%get3A_545] : memref<10000xf32, #tpu.memory_space<vmem>>[vector<16xi32>], vector<16xf32>,
        %gather3A_553 = tpu.vector_load_idx %arg8[%get3A_551] : memref<10000xf32, #tpu.memory_space<vmem>>[vector<16xi32>], vector<16xf32>,
        %sub3A_554 = arith.subf %gather3A_552, %gather3A_553 : vector<16xf32>
        %add3A_555 = arith.addf %sub3A_554, %get3A_10 : vector<16xf32>
        %ge3A_556 = arith.constant 0.000000e+00 : f32
        %ge3A_557 = vector.broadcast %ge3A_556 : f32 to vector<16xf32>
        %ge3A_558 = arith.cmpf oge, %add3A_555, %ge3A_557 : vector<16xf32>
        %mul3A_559 = arith.constant 2.000000e-01 : f32
        %mul3A_560 = vector.broadcast %mul3A_559 : f32 to vector<16xf32>
        %mul3A_561 = arith.mulf %add3A_555, %mul3A_560 : vector<16xf32>
        %select_n3A_562 = arith.select %ge3A_558, %add3A_555, %mul3A_561 : vector<16xi1>, vector<16xf32>
        %exp3A_563 = math.exp %select_n3A_562 : vector<16xf32>
        %eq3A_564 = arith.cmpi eq, %get3A_545, %get3A_551 : vector<16xi32>
        %broadcast_in_dim3A_565 = arith.constant 0.000000e+00 : f32
        %broadcast_in_dim3A_566 = vector.broadcast %broadcast_in_dim3A_565 : f32 to vector<16xf32>
        %select_n3A_567 = arith.select %eq3A_564, %broadcast_in_dim3A_566, %exp3A_563 : vector<16xi1>, vector<16xf32>
        %swap3A_568 = arith.constant 208 : index
        %swap3A_569 = tpu.vector_load %arg13[%swap3A_568] {strides = array<i32>} : memref<256xf32, #tpu.memory_space<vmem>>, vector<16xf32>,
        tpu.vector_store %arg13[%swap3A_568], %select_n3A_567 {strides = array<i32>} : memref<256xf32, #tpu.memory_space<vmem>>, vector<16xf32>,
        %get3A_570 = arith.constant 1 : i32
        %get3A_571 = arith.constant 0 : i32
        %get3A_572 = arith.index_cast %get3A_570 : i32 to index
        %get3A_573 = arith.index_cast %get3A_571 : i32 to index
        %get3A_574 = arith.constant 96 : index
        %get3A_575 = tpu.vector_load %arg10[%get3A_572, %get3A_573, %get3A_574] {strides = array<i32>} : memref<2x2x128xi32, #tpu.memory_space<vmem>>, vector<16xi32>,
        %get3A_576 = arith.constant 1 : i32
        %get3A_577 = arith.constant 1 : i32
        %get3A_578 = arith.index_cast %get3A_576 : i32 to index
        %get3A_579 = arith.index_cast %get3A_577 : i32 to index
        %get3A_580 = arith.constant 96 : index
        %get3A_581 = tpu.vector_load %arg10[%get3A_578, %get3A_579, %get3A_580] {strides = array<i32>} : memref<2x2x128xi32, #tpu.memory_space<vmem>>, vector<16xi32>,
        %gather3A_582 = tpu.vector_load_idx %arg8[%get3A_575] : memref<10000xf32, #tpu.memory_space<vmem>>[vector<16xi32>], vector<16xf32>,
        %gather3A_583 = tpu.vector_load_idx %arg8[%get3A_581] : memref<10000xf32, #tpu.memory_space<vmem>>[vector<16xi32>], vector<16xf32>,
        %sub3A_584 = arith.subf %gather3A_582, %gather3A_583 : vector<16xf32>
        %add3A_585 = arith.addf %sub3A_584, %get3A_10 : vector<16xf32>
        %ge3A_586 = arith.constant 0.000000e+00 : f32
        %ge3A_587 = vector.broadcast %ge3A_586 : f32 to vector<16xf32>
        %ge3A_588 = arith.cmpf oge, %add3A_585, %ge3A_587 : vector<16xf32>
        %mul3A_589 = arith.constant 2.000000e-01 : f32
        %mul3A_590 = vector.broadcast %mul3A_589 : f32 to vector<16xf32>
        %mul3A_591 = arith.mulf %add3A_585, %mul3A_590 : vector<16xf32>
        %select_n3A_592 = arith.select %ge3A_588, %add3A_585, %mul3A_591 : vector<16xi1>, vector<16xf32>
        %exp3A_593 = math.exp %select_n3A_592 : vector<16xf32>
        %eq3A_594 = arith.cmpi eq, %get3A_575, %get3A_581 : vector<16xi32>
        %broadcast_in_dim3A_595 = arith.constant 0.000000e+00 : f32
        %broadcast_in_dim3A_596 = vector.broadcast %broadcast_in_dim3A_595 : f32 to vector<16xf32>
        %select_n3A_597 = arith.select %eq3A_594, %broadcast_in_dim3A_596, %exp3A_593 : vector<16xi1>, vector<16xf32>
        %swap3A_598 = arith.constant 224 : index
        %swap3A_599 = tpu.vector_load %arg13[%swap3A_598] {strides = array<i32>} : memref<256xf32, #tpu.memory_space<vmem>>, vector<16xf32>,
        tpu.vector_store %arg13[%swap3A_598], %select_n3A_597 {strides = array<i32>} : memref<256xf32, #tpu.memory_space<vmem>>, vector<16xf32>,
        %get3A_600 = arith.constant 1 : i32
        %get3A_601 = arith.constant 0 : i32
        %get3A_602 = arith.index_cast %get3A_600 : i32 to index
        %get3A_603 = arith.index_cast %get3A_601 : i32 to index
        %get3A_604 = arith.constant 112 : index
        %get3A_605 = tpu.vector_load %arg10[%get3A_602, %get3A_603, %get3A_604] {strides = array<i32>} : memref<2x2x128xi32, #tpu.memory_space<vmem>>, vector<16xi32>,
        %get3A_606 = arith.constant 1 : i32
        %get3A_607 = arith.constant 1 : i32
        %get3A_608 = arith.index_cast %get3A_606 : i32 to index
        %get3A_609 = arith.index_cast %get3A_607 : i32 to index
        %get3A_610 = arith.constant 112 : index
        %get3A_611 = tpu.vector_load %arg10[%get3A_608, %get3A_609, %get3A_610] {strides = array<i32>} : memref<2x2x128xi32, #tpu.memory_space<vmem>>, vector<16xi32>,
        %gather3A_612 = tpu.vector_load_idx %arg8[%get3A_605] : memref<10000xf32, #tpu.memory_space<vmem>>[vector<16xi32>], vector<16xf32>,
        %gather3A_613 = tpu.vector_load_idx %arg8[%get3A_611] : memref<10000xf32, #tpu.memory_space<vmem>>[vector<16xi32>], vector<16xf32>,
        %sub3A_614 = arith.subf %gather3A_612, %gather3A_613 : vector<16xf32>
        %add3A_615 = arith.addf %sub3A_614, %get3A_10 : vector<16xf32>
        %ge3A_616 = arith.constant 0.000000e+00 : f32
        %ge3A_617 = vector.broadcast %ge3A_616 : f32 to vector<16xf32>
        %ge3A_618 = arith.cmpf oge, %add3A_615, %ge3A_617 : vector<16xf32>
        %mul3A_619 = arith.constant 2.000000e-01 : f32
        %mul3A_620 = vector.broadcast %mul3A_619 : f32 to vector<16xf32>
        %mul3A_621 = arith.mulf %add3A_615, %mul3A_620 : vector<16xf32>
        %select_n3A_622 = arith.select %ge3A_618, %add3A_615, %mul3A_621 : vector<16xi1>, vector<16xf32>
        %exp3A_623 = math.exp %select_n3A_622 : vector<16xf32>
        %eq3A_624 = arith.cmpi eq, %get3A_605, %get3A_611 : vector<16xi32>
        %broadcast_in_dim3A_625 = arith.constant 0.000000e+00 : f32
        %broadcast_in_dim3A_626 = vector.broadcast %broadcast_in_dim3A_625 : f32 to vector<16xf32>
        %select_n3A_627 = arith.select %eq3A_624, %broadcast_in_dim3A_626, %exp3A_623 : vector<16xi1>, vector<16xf32>
        %swap3A_628 = arith.constant 240 : index
        %swap3A_629 = tpu.vector_load %arg13[%swap3A_628] {strides = array<i32>} : memref<256xf32, #tpu.memory_space<vmem>>, vector<16xf32>,
        tpu.vector_store %arg13[%swap3A_628], %select_n3A_627 {strides = array<i32>} : memref<256xf32, #tpu.memory_space<vmem>>, vector<16xf32>,
        %dma_wait3A_630 = arith.constant 1 : i32
        %dma_wait3A_631 = arith.constant 0 : i32
        %dma_wait3A_632 = arith.constant 128 : i32
        %dma_wait3A_633 = arith.constant 0 : i32
        %dma_wait3A_634 = tpu.memref_slice %arg12[%dma_wait3A_632, %dma_wait3A_633] : memref<256x64xf32, #tpu.memory_space<vmem>> -> memref<128x64xf32, #tpu.memory_space<vmem>>
        %dma_wait3A_635 = arith.constant 0 : i32
        %dma_wait3A_636 = tpu.memref_slice %arg10[%dma_wait3A_630, %dma_wait3A_631, %dma_wait3A_635] : memref<2x2x128xi32, #tpu.memory_space<vmem>> -> memref<1x1x128xi32, #tpu.memory_space<vmem>>
        %dma_wait3A_637 = tpu.memref_squeeze %dma_wait3A_636 : memref<1x1x128xi32, #tpu.memory_space<vmem>> -> memref<128xi32, #tpu.memory_space<vmem>>
        %dma_wait3A_638 = arith.constant 0 : i32
        %dma_wait3A_639 = arith.constant 0 : i32
        %dma_wait3A_640 = tpu.memref_slice %arg2[%arg0, %dma_wait3A_638, %dma_wait3A_639] : memref<2x10000x64xf32, #tpu.memory_space<hbm>> -> memref<1x10000x64xf32, #tpu.memory_space<hbm>>
        %dma_wait3A_641 = tpu.memref_squeeze %dma_wait3A_640 : memref<1x10000x64xf32, #tpu.memory_space<hbm>> -> memref<10000x64xf32, #tpu.memory_space<hbm>>
        %dma_wait3A_642 = arith.constant 0 : i32
        %dma_wait3A_643 = arith.constant 0 : i32
        %dma_wait3A_644 = tpu.memref_slice %dma_wait3A_641[%dma_wait3A_642, %dma_wait3A_643] : memref<10000x64xf32, #tpu.memory_space<hbm>> -> memref<10000x64xf32, #tpu.memory_space<hbm>>
        tpu.wait_indirect_dma semaphore(%arg20 : memref<!tpu.dma_semaphore, #tpu.memory_space<semaphore_mem>>) src(%dma_wait3A_644 : memref<10000x64xf32, #tpu.memory_space<hbm>>) dst(%dma_wait3A_634 : memref<128x64xf32, #tpu.memory_space<vmem>>)
        %scan3A_645 = arith.constant 0 : i32
        %scan3A_646 = arith.constant 128 : i32
        %scan3A_647 = arith.addi %scan3A_645, %scan3A_646 : i32
        %scan3A_648 = arith.constant 4 : i32
        scf.for %scan3A_677 = %scan3A_645 to %scan3A_647 step %scan3A_648  : i32 {
          %mul3A_678 = arith.constant 1 : i32
          %mul3A_679 = arith.muli %scan3A_677, %mul3A_678 : i32
          %add3A_680 = arith.constant 128 : i32
          %add3A_681 = arith.addi %add3A_680, %mul3A_679 : i32
          %broadcast_in_dim3A_682 = vector.broadcast %add3A_681 : i32 to vector<16xi32>
          %gather3A_683 = tpu.vector_load_idx %arg13[%broadcast_in_dim3A_682] : memref<256xf32, #tpu.memory_space<vmem>>[vector<16xi32>], vector<16xf32>,
          %swap3A_684 = arith.index_cast %add3A_681 : i32 to index
          %swap3A_685 = arith.constant 0 : index
          %swap3A_686 = tpu.vector_load %arg15[%swap3A_684, %swap3A_685] {strides = array<i32>} : memref<256x16xf32, #tpu.memory_space<vmem>>, vector<16xf32>,
          tpu.vector_store %arg15[%swap3A_684, %swap3A_685], %gather3A_683 {strides = array<i32>} : memref<256x16xf32, #tpu.memory_space<vmem>>, vector<16xf32>,
          %get3A_687 = arith.index_cast %add3A_681 : i32 to index
          %get3A_688 = arith.constant 0 : index
          %get3A_689 = tpu.vector_load %arg12[%get3A_687, %get3A_688] {strides = array<i32>} : memref<256x64xf32, #tpu.memory_space<vmem>>, vector<16xf32>,
          %mul3A_690 = arith.mulf %get3A_689, %gather3A_683 : vector<16xf32>
          %swap3A_691 = arith.index_cast %add3A_681 : i32 to index
          %swap3A_692 = arith.constant 0 : index
          %swap3A_693 = tpu.vector_load %arg12[%swap3A_691, %swap3A_692] {strides = array<i32>} : memref<256x64xf32, #tpu.memory_space<vmem>>, vector<16xf32>,
          tpu.vector_store %arg12[%swap3A_691, %swap3A_692], %mul3A_690 {strides = array<i32>} : memref<256x64xf32, #tpu.memory_space<vmem>>, vector<16xf32>,
          %get3A_694 = arith.index_cast %add3A_681 : i32 to index
          %get3A_695 = arith.constant 16 : index
          %get3A_696 = tpu.vector_load %arg12[%get3A_694, %get3A_695] {strides = array<i32>} : memref<256x64xf32, #tpu.memory_space<vmem>>, vector<16xf32>,
          %mul3A_697 = arith.mulf %get3A_696, %gather3A_683 : vector<16xf32>
          %swap3A_698 = arith.index_cast %add3A_681 : i32 to index
          %swap3A_699 = arith.constant 16 : index
          %swap3A_700 = tpu.vector_load %arg12[%swap3A_698, %swap3A_699] {strides = array<i32>} : memref<256x64xf32, #tpu.memory_space<vmem>>, vector<16xf32>,
          tpu.vector_store %arg12[%swap3A_698, %swap3A_699], %mul3A_697 {strides = array<i32>} : memref<256x64xf32, #tpu.memory_space<vmem>>, vector<16xf32>,
          %get3A_701 = arith.index_cast %add3A_681 : i32 to index
          %get3A_702 = arith.constant 32 : index
          %get3A_703 = tpu.vector_load %arg12[%get3A_701, %get3A_702] {strides = array<i32>} : memref<256x64xf32, #tpu.memory_space<vmem>>, vector<16xf32>,
          %mul3A_704 = arith.mulf %get3A_703, %gather3A_683 : vector<16xf32>
          %swap3A_705 = arith.index_cast %add3A_681 : i32 to index
          %swap3A_706 = arith.constant 32 : index
          %swap3A_707 = tpu.vector_load %arg12[%swap3A_705, %swap3A_706] {strides = array<i32>} : memref<256x64xf32, #tpu.memory_space<vmem>>, vector<16xf32>,
          tpu.vector_store %arg12[%swap3A_705, %swap3A_706], %mul3A_704 {strides = array<i32>} : memref<256x64xf32, #tpu.memory_space<vmem>>, vector<16xf32>,
          %get3A_708 = arith.index_cast %add3A_681 : i32 to index
          %get3A_709 = arith.constant 48 : index
          %get3A_710 = tpu.vector_load %arg12[%get3A_708, %get3A_709] {strides = array<i32>} : memref<256x64xf32, #tpu.memory_space<vmem>>, vector<16xf32>,
          %mul3A_711 = arith.mulf %get3A_710, %gather3A_683 : vector<16xf32>
          %swap3A_712 = arith.index_cast %add3A_681 : i32 to index
          %swap3A_713 = arith.constant 48 : index
          %swap3A_714 = tpu.vector_load %arg12[%swap3A_712, %swap3A_713] {strides = array<i32>} : memref<256x64xf32, #tpu.memory_space<vmem>>, vector<16xf32>,
          tpu.vector_store %arg12[%swap3A_712, %swap3A_713], %mul3A_711 {strides = array<i32>} : memref<256x64xf32, #tpu.memory_space<vmem>>, vector<16xf32>,
          %scan3A_715 = arith.constant 1 : i32
          %scan3A_716 = arith.addi %scan3A_677, %scan3A_715 : i32
          %mul3A_717 = arith.constant 1 : i32
          %mul3A_718 = arith.muli %scan3A_716, %mul3A_717 : i32
          %add3A_719 = arith.constant 128 : i32
          %add3A_720 = arith.addi %add3A_719, %mul3A_718 : i32
          %broadcast_in_dim3A_721 = vector.broadcast %add3A_720 : i32 to vector<16xi32>
          %gather3A_722 = tpu.vector_load_idx %arg13[%broadcast_in_dim3A_721] : memref<256xf32, #tpu.memory_space<vmem>>[vector<16xi32>], vector<16xf32>,
          %swap3A_723 = arith.index_cast %add3A_720 : i32 to index
          %swap3A_724 = arith.constant 0 : index
          %swap3A_725 = tpu.vector_load %arg15[%swap3A_723, %swap3A_724] {strides = array<i32>} : memref<256x16xf32, #tpu.memory_space<vmem>>, vector<16xf32>,
          tpu.vector_store %arg15[%swap3A_723, %swap3A_724], %gather3A_722 {strides = array<i32>} : memref<256x16xf32, #tpu.memory_space<vmem>>, vector<16xf32>,
          %get3A_726 = arith.index_cast %add3A_720 : i32 to index
          %get3A_727 = arith.constant 0 : index
          %get3A_728 = tpu.vector_load %arg12[%get3A_726, %get3A_727] {strides = array<i32>} : memref<256x64xf32, #tpu.memory_space<vmem>>, vector<16xf32>,
          %mul3A_729 = arith.mulf %get3A_728, %gather3A_722 : vector<16xf32>
          %swap3A_730 = arith.index_cast %add3A_720 : i32 to index
          %swap3A_731 = arith.constant 0 : index
          %swap3A_732 = tpu.vector_load %arg12[%swap3A_730, %swap3A_731] {strides = array<i32>} : memref<256x64xf32, #tpu.memory_space<vmem>>, vector<16xf32>,
          tpu.vector_store %arg12[%swap3A_730, %swap3A_731], %mul3A_729 {strides = array<i32>} : memref<256x64xf32, #tpu.memory_space<vmem>>, vector<16xf32>,
          %get3A_733 = arith.index_cast %add3A_720 : i32 to index
          %get3A_734 = arith.constant 16 : index
          %get3A_735 = tpu.vector_load %arg12[%get3A_733, %get3A_734] {strides = array<i32>} : memref<256x64xf32, #tpu.memory_space<vmem>>, vector<16xf32>,
          %mul3A_736 = arith.mulf %get3A_735, %gather3A_722 : vector<16xf32>
          %swap3A_737 = arith.index_cast %add3A_720 : i32 to index
          %swap3A_738 = arith.constant 16 : index
          %swap3A_739 = tpu.vector_load %arg12[%swap3A_737, %swap3A_738] {strides = array<i32>} : memref<256x64xf32, #tpu.memory_space<vmem>>, vector<16xf32>,
          tpu.vector_store %arg12[%swap3A_737, %swap3A_738], %mul3A_736 {strides = array<i32>} : memref<256x64xf32, #tpu.memory_space<vmem>>, vector<16xf32>,
          %get3A_740 = arith.index_cast %add3A_720 : i32 to index
          %get3A_741 = arith.constant 32 : index
          %get3A_742 = tpu.vector_load %arg12[%get3A_740, %get3A_741] {strides = array<i32>} : memref<256x64xf32, #tpu.memory_space<vmem>>, vector<16xf32>,
          %mul3A_743 = arith.mulf %get3A_742, %gather3A_722 : vector<16xf32>
          %swap3A_744 = arith.index_cast %add3A_720 : i32 to index
          %swap3A_745 = arith.constant 32 : index
          %swap3A_746 = tpu.vector_load %arg12[%swap3A_744, %swap3A_745] {strides = array<i32>} : memref<256x64xf32, #tpu.memory_space<vmem>>, vector<16xf32>,
          tpu.vector_store %arg12[%swap3A_744, %swap3A_745], %mul3A_743 {strides = array<i32>} : memref<256x64xf32, #tpu.memory_space<vmem>>, vector<16xf32>,
          %get3A_747 = arith.index_cast %add3A_720 : i32 to index
          %get3A_748 = arith.constant 48 : index
          %get3A_749 = tpu.vector_load %arg12[%get3A_747, %get3A_748] {strides = array<i32>} : memref<256x64xf32, #tpu.memory_space<vmem>>, vector<16xf32>,
          %mul3A_750 = arith.mulf %get3A_749, %gather3A_722 : vector<16xf32>
          %swap3A_751 = arith.index_cast %add3A_720 : i32 to index
          %swap3A_752 = arith.constant 48 : index
          %swap3A_753 = tpu.vector_load %arg12[%swap3A_751, %swap3A_752] {strides = array<i32>} : memref<256x64xf32, #tpu.memory_space<vmem>>, vector<16xf32>,
          tpu.vector_store %arg12[%swap3A_751, %swap3A_752], %mul3A_750 {strides = array<i32>} : memref<256x64xf32, #tpu.memory_space<vmem>>, vector<16xf32>,
          %scan3A_754 = arith.constant 2 : i32
          %scan3A_755 = arith.addi %scan3A_677, %scan3A_754 : i32
          %mul3A_756 = arith.constant 1 : i32
          %mul3A_757 = arith.muli %scan3A_755, %mul3A_756 : i32
          %add3A_758 = arith.constant 128 : i32
          %add3A_759 = arith.addi %add3A_758, %mul3A_757 : i32
          %broadcast_in_dim3A_760 = vector.broadcast %add3A_759 : i32 to vector<16xi32>
          %gather3A_761 = tpu.vector_load_idx %arg13[%broadcast_in_dim3A_760] : memref<256xf32, #tpu.memory_space<vmem>>[vector<16xi32>], vector<16xf32>,
          %swap3A_762 = arith.index_cast %add3A_759 : i32 to index
          %swap3A_763 = arith.constant 0 : index
          %swap3A_764 = tpu.vector_load %arg15[%swap3A_762, %swap3A_763] {strides = array<i32>} : memref<256x16xf32, #tpu.memory_space<vmem>>, vector<16xf32>,
          tpu.vector_store %arg15[%swap3A_762, %swap3A_763], %gather3A_761 {strides = array<i32>} : memref<256x16xf32, #tpu.memory_space<vmem>>, vector<16xf32>,
          %get3A_765 = arith.index_cast %add3A_759 : i32 to index
          %get3A_766 = arith.constant 0 : index
          %get3A_767 = tpu.vector_load %arg12[%get3A_765, %get3A_766] {strides = array<i32>} : memref<256x64xf32, #tpu.memory_space<vmem>>, vector<16xf32>,
          %mul3A_768 = arith.mulf %get3A_767, %gather3A_761 : vector<16xf32>
          %swap3A_769 = arith.index_cast %add3A_759 : i32 to index
          %swap3A_770 = arith.constant 0 : index
          %swap3A_771 = tpu.vector_load %arg12[%swap3A_769, %swap3A_770] {strides = array<i32>} : memref<256x64xf32, #tpu.memory_space<vmem>>, vector<16xf32>,
          tpu.vector_store %arg12[%swap3A_769, %swap3A_770], %mul3A_768 {strides = array<i32>} : memref<256x64xf32, #tpu.memory_space<vmem>>, vector<16xf32>,
          %get3A_772 = arith.index_cast %add3A_759 : i32 to index
          %get3A_773 = arith.constant 16 : index
          %get3A_774 = tpu.vector_load %arg12[%get3A_772, %get3A_773] {strides = array<i32>} : memref<256x64xf32, #tpu.memory_space<vmem>>, vector<16xf32>,
          %mul3A_775 = arith.mulf %get3A_774, %gather3A_761 : vector<16xf32>
          %swap3A_776 = arith.index_cast %add3A_759 : i32 to index
          %swap3A_777 = arith.constant 16 : index
          %swap3A_778 = tpu.vector_load %arg12[%swap3A_776, %swap3A_777] {strides = array<i32>} : memref<256x64xf32, #tpu.memory_space<vmem>>, vector<16xf32>,
          tpu.vector_store %arg12[%swap3A_776, %swap3A_777], %mul3A_775 {strides = array<i32>} : memref<256x64xf32, #tpu.memory_space<vmem>>, vector<16xf32>,
          %get3A_779 = arith.index_cast %add3A_759 : i32 to index
          %get3A_780 = arith.constant 32 : index
          %get3A_781 = tpu.vector_load %arg12[%get3A_779, %get3A_780] {strides = array<i32>} : memref<256x64xf32, #tpu.memory_space<vmem>>, vector<16xf32>,
          %mul3A_782 = arith.mulf %get3A_781, %gather3A_761 : vector<16xf32>
          %swap3A_783 = arith.index_cast %add3A_759 : i32 to index
          %swap3A_784 = arith.constant 32 : index
          %swap3A_785 = tpu.vector_load %arg12[%swap3A_783, %swap3A_784] {strides = array<i32>} : memref<256x64xf32, #tpu.memory_space<vmem>>, vector<16xf32>,
          tpu.vector_store %arg12[%swap3A_783, %swap3A_784], %mul3A_782 {strides = array<i32>} : memref<256x64xf32, #tpu.memory_space<vmem>>, vector<16xf32>,
          %get3A_786 = arith.index_cast %add3A_759 : i32 to index
          %get3A_787 = arith.constant 48 : index
          %get3A_788 = tpu.vector_load %arg12[%get3A_786, %get3A_787] {strides = array<i32>} : memref<256x64xf32, #tpu.memory_space<vmem>>, vector<16xf32>,
          %mul3A_789 = arith.mulf %get3A_788, %gather3A_761 : vector<16xf32>
          %swap3A_790 = arith.index_cast %add3A_759 : i32 to index
          %swap3A_791 = arith.constant 48 : index
          %swap3A_792 = tpu.vector_load %arg12[%swap3A_790, %swap3A_791] {strides = array<i32>} : memref<256x64xf32, #tpu.memory_space<vmem>>, vector<16xf32>,
          tpu.vector_store %arg12[%swap3A_790, %swap3A_791], %mul3A_789 {strides = array<i32>} : memref<256x64xf32, #tpu.memory_space<vmem>>, vector<16xf32>,
          %scan3A_793 = arith.constant 3 : i32
          %scan3A_794 = arith.addi %scan3A_677, %scan3A_793 : i32
          %mul3A_795 = arith.constant 1 : i32
          %mul3A_796 = arith.muli %scan3A_794, %mul3A_795 : i32
          %add3A_797 = arith.constant 128 : i32
          %add3A_798 = arith.addi %add3A_797, %mul3A_796 : i32
          %broadcast_in_dim3A_799 = vector.broadcast %add3A_798 : i32 to vector<16xi32>
          %gather3A_800 = tpu.vector_load_idx %arg13[%broadcast_in_dim3A_799] : memref<256xf32, #tpu.memory_space<vmem>>[vector<16xi32>], vector<16xf32>,
          %swap3A_801 = arith.index_cast %add3A_798 : i32 to index
          %swap3A_802 = arith.constant 0 : index
          %swap3A_803 = tpu.vector_load %arg15[%swap3A_801, %swap3A_802] {strides = array<i32>} : memref<256x16xf32, #tpu.memory_space<vmem>>, vector<16xf32>,
          tpu.vector_store %arg15[%swap3A_801, %swap3A_802], %gather3A_800 {strides = array<i32>} : memref<256x16xf32, #tpu.memory_space<vmem>>, vector<16xf32>,
          %get3A_804 = arith.index_cast %add3A_798 : i32 to index
          %get3A_805 = arith.constant 0 : index
          %get3A_806 = tpu.vector_load %arg12[%get3A_804, %get3A_805] {strides = array<i32>} : memref<256x64xf32, #tpu.memory_space<vmem>>, vector<16xf32>,
          %mul3A_807 = arith.mulf %get3A_806, %gather3A_800 : vector<16xf32>
          %swap3A_808 = arith.index_cast %add3A_798 : i32 to index
          %swap3A_809 = arith.constant 0 : index
          %swap3A_810 = tpu.vector_load %arg12[%swap3A_808, %swap3A_809] {strides = array<i32>} : memref<256x64xf32, #tpu.memory_space<vmem>>, vector<16xf32>,
          tpu.vector_store %arg12[%swap3A_808, %swap3A_809], %mul3A_807 {strides = array<i32>} : memref<256x64xf32, #tpu.memory_space<vmem>>, vector<16xf32>,
          %get3A_811 = arith.index_cast %add3A_798 : i32 to index
          %get3A_812 = arith.constant 16 : index
          %get3A_813 = tpu.vector_load %arg12[%get3A_811, %get3A_812] {strides = array<i32>} : memref<256x64xf32, #tpu.memory_space<vmem>>, vector<16xf32>,
          %mul3A_814 = arith.mulf %get3A_813, %gather3A_800 : vector<16xf32>
          %swap3A_815 = arith.index_cast %add3A_798 : i32 to index
          %swap3A_816 = arith.constant 16 : index
          %swap3A_817 = tpu.vector_load %arg12[%swap3A_815, %swap3A_816] {strides = array<i32>} : memref<256x64xf32, #tpu.memory_space<vmem>>, vector<16xf32>,
          tpu.vector_store %arg12[%swap3A_815, %swap3A_816], %mul3A_814 {strides = array<i32>} : memref<256x64xf32, #tpu.memory_space<vmem>>, vector<16xf32>,
          %get3A_818 = arith.index_cast %add3A_798 : i32 to index
          %get3A_819 = arith.constant 32 : index
          %get3A_820 = tpu.vector_load %arg12[%get3A_818, %get3A_819] {strides = array<i32>} : memref<256x64xf32, #tpu.memory_space<vmem>>, vector<16xf32>,
          %mul3A_821 = arith.mulf %get3A_820, %gather3A_800 : vector<16xf32>
          %swap3A_822 = arith.index_cast %add3A_798 : i32 to index
          %swap3A_823 = arith.constant 32 : index
          %swap3A_824 = tpu.vector_load %arg12[%swap3A_822, %swap3A_823] {strides = array<i32>} : memref<256x64xf32, #tpu.memory_space<vmem>>, vector<16xf32>,
          tpu.vector_store %arg12[%swap3A_822, %swap3A_823], %mul3A_821 {strides = array<i32>} : memref<256x64xf32, #tpu.memory_space<vmem>>, vector<16xf32>,
          %get3A_825 = arith.index_cast %add3A_798 : i32 to index
          %get3A_826 = arith.constant 48 : index
          %get3A_827 = tpu.vector_load %arg12[%get3A_825, %get3A_826] {strides = array<i32>} : memref<256x64xf32, #tpu.memory_space<vmem>>, vector<16xf32>,
          %mul3A_828 = arith.mulf %get3A_827, %gather3A_800 : vector<16xf32>
          %swap3A_829 = arith.index_cast %add3A_798 : i32 to index
          %swap3A_830 = arith.constant 48 : index
          %swap3A_831 = tpu.vector_load %arg12[%swap3A_829, %swap3A_830] {strides = array<i32>} : memref<256x64xf32, #tpu.memory_space<vmem>>, vector<16xf32>,
          tpu.vector_store %arg12[%swap3A_829, %swap3A_830], %mul3A_828 {strides = array<i32>} : memref<256x64xf32, #tpu.memory_space<vmem>>, vector<16xf32>,
        }
        %scan3A_649 = arith.constant 128 : i32
        %dma_start3A_650 = arith.constant 0 : i32
        %dma_start3A_651 = arith.constant 1 : i32
        %dma_start3A_652 = arith.constant 0 : i32
        %dma_start3A_653 = arith.constant 0 : i32
        %dma_start3A_654 = tpu.memref_slice %arg12[%dma_start3A_652, %dma_start3A_653] : memref<256x64xf32, #tpu.memory_space<vmem>> -> memref<128x64xf32, #tpu.memory_space<vmem>>
        %dma_start3A_655 = arith.constant 0 : i32
        %dma_start3A_656 = tpu.memref_slice %arg10[%dma_start3A_650, %dma_start3A_651, %dma_start3A_655] : memref<2x2x128xi32, #tpu.memory_space<vmem>> -> memref<1x1x128xi32, #tpu.memory_space<vmem>>
        %dma_start3A_657 = tpu.memref_squeeze %dma_start3A_656 : memref<1x1x128xi32, #tpu.memory_space<vmem>> -> memref<128xi32, #tpu.memory_space<vmem>>
        %dma_start3A_658 = arith.constant 0 : i32
        %dma_start3A_659 = arith.constant 0 : i32
        %dma_start3A_660 = tpu.memref_slice %arg17[%dma_start3A_658, %dma_start3A_659] : memref<10000x64xf32, #tpu.memory_space<vmem_shared>> -> memref<10000x64xf32, #tpu.memory_space<vmem_shared>>
        tpu.enqueue_indirect_dma source(%dma_start3A_654 : memref<128x64xf32, #tpu.memory_space<vmem>>) target(%dma_start3A_660 : memref<10000x64xf32, #tpu.memory_space<vmem_shared>>) offsets(%dma_start3A_657 : memref<128xi32, #tpu.memory_space<vmem>>) semaphore(%arg22 : memref<!tpu.dma_semaphore, #tpu.memory_space<semaphore_mem>>) {add = true}
        %dma_start3A_661 = arith.constant 1 : i32
        %dma_start3A_662 = arith.constant 1 : i32
        %dma_start3A_663 = arith.constant 128 : i32
        %dma_start3A_664 = arith.constant 0 : i32
        %dma_start3A_665 = tpu.memref_slice %arg12[%dma_start3A_663, %dma_start3A_664] : memref<256x64xf32, #tpu.memory_space<vmem>> -> memref<128x64xf32, #tpu.memory_space<vmem>>
        %dma_start3A_666 = arith.constant 0 : i32
        %dma_start3A_667 = tpu.memref_slice %arg10[%dma_start3A_661, %dma_start3A_662, %dma_start3A_666] : memref<2x2x128xi32, #tpu.memory_space<vmem>> -> memref<1x1x128xi32, #tpu.memory_space<vmem>>
        %dma_start3A_668 = tpu.memref_squeeze %dma_start3A_667 : memref<1x1x128xi32, #tpu.memory_space<vmem>> -> memref<128xi32, #tpu.memory_space<vmem>>
        %dma_start3A_669 = arith.constant 0 : i32
        %dma_start3A_670 = arith.constant 0 : i32
        %dma_start3A_671 = tpu.memref_slice %arg17[%dma_start3A_669, %dma_start3A_670] : memref<10000x64xf32, #tpu.memory_space<vmem_shared>> -> memref<10000x64xf32, #tpu.memory_space<vmem_shared>>
        tpu.enqueue_indirect_dma source(%dma_start3A_665 : memref<128x64xf32, #tpu.memory_space<vmem>>) target(%dma_start3A_671 : memref<10000x64xf32, #tpu.memory_space<vmem_shared>>) offsets(%dma_start3A_668 : memref<128xi32, #tpu.memory_space<vmem>>) semaphore(%arg22 : memref<!tpu.dma_semaphore, #tpu.memory_space<semaphore_mem>>) {add = true}
        %eq3A_672 = arith.constant 0 : i32
        %eq3A_673 = arith.cmpi eq, %arg0, %eq3A_672 : i32
        %convert_element_type3A_674 = arith.extui %eq3A_673 : i1 to i32
        %cond3A_675 = arith.constant 0 : i32
        %cond3A_676 = arith.cmpi ne, %convert_element_type3A_674, %cond3A_675 : i32
        scf.if %cond3A_676 {
          %dma_start3A_677 = arith.constant 0 : i32
          %dma_start3A_678 = arith.constant 1 : i32
          %dma_start3A_679 = arith.constant 0 : i32
          %dma_start3A_680 = arith.constant 0 : i32
          %dma_start3A_681 = tpu.memref_slice %arg15[%dma_start3A_679, %dma_start3A_680] : memref<256x16xf32, #tpu.memory_space<vmem>> -> memref<128x16xf32, #tpu.memory_space<vmem>>
          %dma_start3A_682 = arith.constant 0 : i32
          %dma_start3A_683 = tpu.memref_slice %arg10[%dma_start3A_677, %dma_start3A_678, %dma_start3A_682] : memref<2x2x128xi32, #tpu.memory_space<vmem>> -> memref<1x1x128xi32, #tpu.memory_space<vmem>>
          %dma_start3A_684 = tpu.memref_squeeze %dma_start3A_683 : memref<1x1x128xi32, #tpu.memory_space<vmem>> -> memref<128xi32, #tpu.memory_space<vmem>>
          %dma_start3A_685 = arith.constant 0 : i32
          %dma_start3A_686 = arith.constant 0 : i32
          %dma_start3A_687 = tpu.memref_slice %arg18[%dma_start3A_685, %dma_start3A_686] : memref<10000x16xf32, #tpu.memory_space<vmem_shared>> -> memref<10000x16xf32, #tpu.memory_space<vmem_shared>>
          tpu.enqueue_indirect_dma source(%dma_start3A_681 : memref<128x16xf32, #tpu.memory_space<vmem>>) target(%dma_start3A_687 : memref<10000x16xf32, #tpu.memory_space<vmem_shared>>) offsets(%dma_start3A_684 : memref<128xi32, #tpu.memory_space<vmem>>) semaphore(%arg22 : memref<!tpu.dma_semaphore, #tpu.memory_space<semaphore_mem>>) {add = true}
          %dma_start3A_688 = arith.constant 1 : i32
          %dma_start3A_689 = arith.constant 1 : i32
          %dma_start3A_690 = arith.constant 128 : i32
          %dma_start3A_691 = arith.constant 0 : i32
          %dma_start3A_692 = tpu.memref_slice %arg15[%dma_start3A_690, %dma_start3A_691] : memref<256x16xf32, #tpu.memory_space<vmem>> -> memref<128x16xf32, #tpu.memory_space<vmem>>
          %dma_start3A_693 = arith.constant 0 : i32
          %dma_start3A_694 = tpu.memref_slice %arg10[%dma_start3A_688, %dma_start3A_689, %dma_start3A_693] : memref<2x2x128xi32, #tpu.memory_space<vmem>> -> memref<1x1x128xi32, #tpu.memory_space<vmem>>
          %dma_start3A_695 = tpu.memref_squeeze %dma_start3A_694 : memref<1x1x128xi32, #tpu.memory_space<vmem>> -> memref<128xi32, #tpu.memory_space<vmem>>
          %dma_start3A_696 = arith.constant 0 : i32
          %dma_start3A_697 = arith.constant 0 : i32
          %dma_start3A_698 = tpu.memref_slice %arg18[%dma_start3A_696, %dma_start3A_697] : memref<10000x16xf32, #tpu.memory_space<vmem_shared>> -> memref<10000x16xf32, #tpu.memory_space<vmem_shared>>
          tpu.enqueue_indirect_dma source(%dma_start3A_692 : memref<128x16xf32, #tpu.memory_space<vmem>>) target(%dma_start3A_698 : memref<10000x16xf32, #tpu.memory_space<vmem_shared>>) offsets(%dma_start3A_695 : memref<128xi32, #tpu.memory_space<vmem>>) semaphore(%arg22 : memref<!tpu.dma_semaphore, #tpu.memory_space<semaphore_mem>>) {add = true}
        } else {
        }
      } else {
      }
    }
    %scan3A_45 = arith.constant 40 : i32
    %dma_wait3A = arith.constant 0 : i32
    %dma_wait3A_46 = arith.constant 1 : i32
    %dma_wait3A_47 = arith.constant 0 : i32
    %dma_wait3A_48 = arith.constant 0 : i32
    %dma_wait3A_49 = tpu.memref_slice %arg11[%dma_wait3A_47, %dma_wait3A_48] : memref<256x64xf32, #tpu.memory_space<vmem>> -> memref<128x64xf32, #tpu.memory_space<vmem>>
    %dma_wait3A_50 = arith.constant 0 : i32
    %dma_wait3A_51 = tpu.memref_slice %arg9[%dma_wait3A, %dma_wait3A_46, %dma_wait3A_50] : memref<2x2x128xi32, #tpu.memory_space<vmem>> -> memref<1x1x128xi32, #tpu.memory_space<vmem>>
    %dma_wait3A_52 = tpu.memref_squeeze %dma_wait3A_51 : memref<1x1x128xi32, #tpu.memory_space<vmem>> -> memref<128xi32, #tpu.memory_space<vmem>>
    %dma_wait3A_53 = arith.constant 0 : i32
    %dma_wait3A_54 = arith.constant 0 : i32
    %dma_wait3A_55 = tpu.memref_slice %arg17[%dma_wait3A_53, %dma_wait3A_54] : memref<10000x64xf32, #tpu.memory_space<vmem_shared>> -> memref<10000x64xf32, #tpu.memory_space<vmem_shared>>
    tpu.wait_indirect_dma semaphore(%arg21 : memref<!tpu.dma_semaphore, #tpu.memory_space<semaphore_mem>>) src(%dma_wait3A_49 : memref<128x64xf32, #tpu.memory_space<vmem>>) dst(%dma_wait3A_55 : memref<10000x64xf32, #tpu.memory_space<vmem_shared>>)
    %dma_wait3A_56 = arith.constant 1 : i32
    %dma_wait3A_57 = arith.constant 1 : i32
    %dma_wait3A_58 = arith.constant 128 : i32
    %dma_wait3A_59 = arith.constant 0 : i32
    %dma_wait3A_60 = tpu.memref_slice %arg11[%dma_wait3A_58, %dma_wait3A_59] : memref<256x64xf32, #tpu.memory_space<vmem>> -> memref<128x64xf32, #tpu.memory_space<vmem>>
    %dma_wait3A_61 = arith.constant 0 : i32
    %dma_wait3A_62 = tpu.memref_slice %arg9[%dma_wait3A_56, %dma_wait3A_57, %dma_wait3A_61] : memref<2x2x128xi32, #tpu.memory_space<vmem>> -> memref<1x1x128xi32, #tpu.memory_space<vmem>>
    %dma_wait3A_63 = tpu.memref_squeeze %dma_wait3A_62 : memref<1x1x128xi32, #tpu.memory_space<vmem>> -> memref<128xi32, #tpu.memory_space<vmem>>
    %dma_wait3A_64 = arith.constant 0 : i32
    %dma_wait3A_65 = arith.constant 0 : i32
    %dma_wait3A_66 = tpu.memref_slice %arg17[%dma_wait3A_64, %dma_wait3A_65] : memref<10000x64xf32, #tpu.memory_space<vmem_shared>> -> memref<10000x64xf32, #tpu.memory_space<vmem_shared>>
    tpu.wait_indirect_dma semaphore(%arg21 : memref<!tpu.dma_semaphore, #tpu.memory_space<semaphore_mem>>) src(%dma_wait3A_60 : memref<128x64xf32, #tpu.memory_space<vmem>>) dst(%dma_wait3A_66 : memref<10000x64xf32, #tpu.memory_space<vmem_shared>>)
    %eq3A = arith.constant 0 : i32
    %eq3A_67 = arith.cmpi eq, %arg0, %eq3A : i32
    %convert_element_type3A = arith.extui %eq3A_67 : i1 to i32
    %cond3A = arith.constant 0 : i32
    %cond3A_68 = arith.cmpi ne, %convert_element_type3A, %cond3A : i32
    scf.if %cond3A_68 {
      %dma_wait3A_102 = arith.constant 0 : i32
      %dma_wait3A_103 = arith.constant 1 : i32
      %dma_wait3A_104 = arith.constant 0 : i32
      %dma_wait3A_105 = arith.constant 0 : i32
      %dma_wait3A_106 = tpu.memref_slice %arg14[%dma_wait3A_104, %dma_wait3A_105] : memref<256x16xf32, #tpu.memory_space<vmem>> -> memref<128x16xf32, #tpu.memory_space<vmem>>
      %dma_wait3A_107 = arith.constant 0 : i32
      %dma_wait3A_108 = tpu.memref_slice %arg9[%dma_wait3A_102, %dma_wait3A_103, %dma_wait3A_107] : memref<2x2x128xi32, #tpu.memory_space<vmem>> -> memref<1x1x128xi32, #tpu.memory_space<vmem>>
      %dma_wait3A_109 = tpu.memref_squeeze %dma_wait3A_108 : memref<1x1x128xi32, #tpu.memory_space<vmem>> -> memref<128xi32, #tpu.memory_space<vmem>>
      %dma_wait3A_110 = arith.constant 0 : i32
      %dma_wait3A_111 = arith.constant 0 : i32
      %dma_wait3A_112 = tpu.memref_slice %arg18[%dma_wait3A_110, %dma_wait3A_111] : memref<10000x16xf32, #tpu.memory_space<vmem_shared>> -> memref<10000x16xf32, #tpu.memory_space<vmem_shared>>
      tpu.wait_indirect_dma semaphore(%arg21 : memref<!tpu.dma_semaphore, #tpu.memory_space<semaphore_mem>>) src(%dma_wait3A_106 : memref<128x16xf32, #tpu.memory_space<vmem>>) dst(%dma_wait3A_112 : memref<10000x16xf32, #tpu.memory_space<vmem_shared>>)
      %dma_wait3A_113 = arith.constant 1 : i32
      %dma_wait3A_114 = arith.constant 1 : i32
      %dma_wait3A_115 = arith.constant 128 : i32
      %dma_wait3A_116 = arith.constant 0 : i32
      %dma_wait3A_117 = tpu.memref_slice %arg14[%dma_wait3A_115, %dma_wait3A_116] : memref<256x16xf32, #tpu.memory_space<vmem>> -> memref<128x16xf32, #tpu.memory_space<vmem>>
      %dma_wait3A_118 = arith.constant 0 : i32
      %dma_wait3A_119 = tpu.memref_slice %arg9[%dma_wait3A_113, %dma_wait3A_114, %dma_wait3A_118] : memref<2x2x128xi32, #tpu.memory_space<vmem>> -> memref<1x1x128xi32, #tpu.memory_space<vmem>>
      %dma_wait3A_120 = tpu.memref_squeeze %dma_wait3A_119 : memref<1x1x128xi32, #tpu.memory_space<vmem>> -> memref<128xi32, #tpu.memory_space<vmem>>
      %dma_wait3A_121 = arith.constant 0 : i32
      %dma_wait3A_122 = arith.constant 0 : i32
      %dma_wait3A_123 = tpu.memref_slice %arg18[%dma_wait3A_121, %dma_wait3A_122] : memref<10000x16xf32, #tpu.memory_space<vmem_shared>> -> memref<10000x16xf32, #tpu.memory_space<vmem_shared>>
      tpu.wait_indirect_dma semaphore(%arg21 : memref<!tpu.dma_semaphore, #tpu.memory_space<semaphore_mem>>) src(%dma_wait3A_117 : memref<128x16xf32, #tpu.memory_space<vmem>>) dst(%dma_wait3A_123 : memref<10000x16xf32, #tpu.memory_space<vmem_shared>>)
    } else {
    }
    %dma_wait3A_69 = arith.constant 0 : i32
    %dma_wait3A_70 = arith.constant 1 : i32
    %dma_wait3A_71 = arith.constant 0 : i32
    %dma_wait3A_72 = arith.constant 0 : i32
    %dma_wait3A_73 = tpu.memref_slice %arg12[%dma_wait3A_71, %dma_wait3A_72] : memref<256x64xf32, #tpu.memory_space<vmem>> -> memref<128x64xf32, #tpu.memory_space<vmem>>
    %dma_wait3A_74 = arith.constant 0 : i32
    %dma_wait3A_75 = tpu.memref_slice %arg10[%dma_wait3A_69, %dma_wait3A_70, %dma_wait3A_74] : memref<2x2x128xi32, #tpu.memory_space<vmem>> -> memref<1x1x128xi32, #tpu.memory_space<vmem>>
    %dma_wait3A_76 = tpu.memref_squeeze %dma_wait3A_75 : memref<1x1x128xi32, #tpu.memory_space<vmem>> -> memref<128xi32, #tpu.memory_space<vmem>>
    %dma_wait3A_77 = arith.constant 0 : i32
    %dma_wait3A_78 = arith.constant 0 : i32
    %dma_wait3A_79 = tpu.memref_slice %arg17[%dma_wait3A_77, %dma_wait3A_78] : memref<10000x64xf32, #tpu.memory_space<vmem_shared>> -> memref<10000x64xf32, #tpu.memory_space<vmem_shared>>
    tpu.wait_indirect_dma semaphore(%arg22 : memref<!tpu.dma_semaphore, #tpu.memory_space<semaphore_mem>>) src(%dma_wait3A_73 : memref<128x64xf32, #tpu.memory_space<vmem>>) dst(%dma_wait3A_79 : memref<10000x64xf32, #tpu.memory_space<vmem_shared>>)
    %dma_wait3A_80 = arith.constant 1 : i32
    %dma_wait3A_81 = arith.constant 1 : i32
    %dma_wait3A_82 = arith.constant 128 : i32
    %dma_wait3A_83 = arith.constant 0 : i32
    %dma_wait3A_84 = tpu.memref_slice %arg12[%dma_wait3A_82, %dma_wait3A_83] : memref<256x64xf32, #tpu.memory_space<vmem>> -> memref<128x64xf32, #tpu.memory_space<vmem>>
    %dma_wait3A_85 = arith.constant 0 : i32
    %dma_wait3A_86 = tpu.memref_slice %arg10[%dma_wait3A_80, %dma_wait3A_81, %dma_wait3A_85] : memref<2x2x128xi32, #tpu.memory_space<vmem>> -> memref<1x1x128xi32, #tpu.memory_space<vmem>>
    %dma_wait3A_87 = tpu.memref_squeeze %dma_wait3A_86 : memref<1x1x128xi32, #tpu.memory_space<vmem>> -> memref<128xi32, #tpu.memory_space<vmem>>
    %dma_wait3A_88 = arith.constant 0 : i32
    %dma_wait3A_89 = arith.constant 0 : i32
    %dma_wait3A_90 = tpu.memref_slice %arg17[%dma_wait3A_88, %dma_wait3A_89] : memref<10000x64xf32, #tpu.memory_space<vmem_shared>> -> memref<10000x64xf32, #tpu.memory_space<vmem_shared>>
    tpu.wait_indirect_dma semaphore(%arg22 : memref<!tpu.dma_semaphore, #tpu.memory_space<semaphore_mem>>) src(%dma_wait3A_84 : memref<128x64xf32, #tpu.memory_space<vmem>>) dst(%dma_wait3A_90 : memref<10000x64xf32, #tpu.memory_space<vmem_shared>>)
    %eq3A_91 = arith.constant 0 : i32
    %eq3A_92 = arith.cmpi eq, %arg0, %eq3A_91 : i32
    %convert_element_type3A_93 = arith.extui %eq3A_92 : i1 to i32
    %cond3A_94 = arith.constant 0 : i32
    %cond3A_95 = arith.cmpi ne, %convert_element_type3A_93, %cond3A_94 : i32
    scf.if %cond3A_95 {
      %dma_wait3A_102 = arith.constant 0 : i32
      %dma_wait3A_103 = arith.constant 1 : i32
      %dma_wait3A_104 = arith.constant 0 : i32
      %dma_wait3A_105 = arith.constant 0 : i32
      %dma_wait3A_106 = tpu.memref_slice %arg15[%dma_wait3A_104, %dma_wait3A_105] : memref<256x16xf32, #tpu.memory_space<vmem>> -> memref<128x16xf32, #tpu.memory_space<vmem>>
      %dma_wait3A_107 = arith.constant 0 : i32
      %dma_wait3A_108 = tpu.memref_slice %arg10[%dma_wait3A_102, %dma_wait3A_103, %dma_wait3A_107] : memref<2x2x128xi32, #tpu.memory_space<vmem>> -> memref<1x1x128xi32, #tpu.memory_space<vmem>>
      %dma_wait3A_109 = tpu.memref_squeeze %dma_wait3A_108 : memref<1x1x128xi32, #tpu.memory_space<vmem>> -> memref<128xi32, #tpu.memory_space<vmem>>
      %dma_wait3A_110 = arith.constant 0 : i32
      %dma_wait3A_111 = arith.constant 0 : i32
      %dma_wait3A_112 = tpu.memref_slice %arg18[%dma_wait3A_110, %dma_wait3A_111] : memref<10000x16xf32, #tpu.memory_space<vmem_shared>> -> memref<10000x16xf32, #tpu.memory_space<vmem_shared>>
      tpu.wait_indirect_dma semaphore(%arg22 : memref<!tpu.dma_semaphore, #tpu.memory_space<semaphore_mem>>) src(%dma_wait3A_106 : memref<128x16xf32, #tpu.memory_space<vmem>>) dst(%dma_wait3A_112 : memref<10000x16xf32, #tpu.memory_space<vmem_shared>>)
      %dma_wait3A_113 = arith.constant 1 : i32
      %dma_wait3A_114 = arith.constant 1 : i32
      %dma_wait3A_115 = arith.constant 128 : i32
      %dma_wait3A_116 = arith.constant 0 : i32
      %dma_wait3A_117 = tpu.memref_slice %arg15[%dma_wait3A_115, %dma_wait3A_116] : memref<256x16xf32, #tpu.memory_space<vmem>> -> memref<128x16xf32, #tpu.memory_space<vmem>>
      %dma_wait3A_118 = arith.constant 0 : i32
      %dma_wait3A_119 = tpu.memref_slice %arg10[%dma_wait3A_113, %dma_wait3A_114, %dma_wait3A_118] : memref<2x2x128xi32, #tpu.memory_space<vmem>> -> memref<1x1x128xi32, #tpu.memory_space<vmem>>
      %dma_wait3A_120 = tpu.memref_squeeze %dma_wait3A_119 : memref<1x1x128xi32, #tpu.memory_space<vmem>> -> memref<128xi32, #tpu.memory_space<vmem>>
      %dma_wait3A_121 = arith.constant 0 : i32
      %dma_wait3A_122 = arith.constant 0 : i32
      %dma_wait3A_123 = tpu.memref_slice %arg18[%dma_wait3A_121, %dma_wait3A_122] : memref<10000x16xf32, #tpu.memory_space<vmem_shared>> -> memref<10000x16xf32, #tpu.memory_space<vmem_shared>>
      tpu.wait_indirect_dma semaphore(%arg22 : memref<!tpu.dma_semaphore, #tpu.memory_space<semaphore_mem>>) src(%dma_wait3A_117 : memref<128x16xf32, #tpu.memory_space<vmem>>) dst(%dma_wait3A_123 : memref<10000x16xf32, #tpu.memory_space<vmem_shared>>)
    } else {
    }
    %barrier3A_96 = arith.constant 0 : index
    tpu.barrier barrier_id(%barrier3A_96)
    %scan3A_97 = arith.constant 0 : i32
    %scan3A_98 = arith.constant 8 : i32
    %scan3A_99 = arith.addi %scan3A_97, %scan3A_98 : i32
    %scan3A_100 = arith.constant 1 : i32
    scf.for %scan3A_102 = %scan3A_97 to %scan3A_99 step %scan3A_100  : i32 {
      %mul3A_103 = arith.constant 1 : i32
      %mul3A_104 = arith.muli %scan3A_102, %mul3A_103 : i32
      %add3A = arith.constant 0 : i32
      %add3A_105 = arith.addi %add3A, %mul3A_104 : i32
      %mul3A_106 = arith.constant 16 : i32
      %mul3A_107 = arith.muli %add3A_105, %mul3A_106 : i32
      %add3A_108 = arith.addi %mul3A_107, %arg1 : i32
      %lt3A = arith.constant 125 : i32
      %lt3A_109 = arith.cmpi slt, %add3A_108, %lt3A : i32
      %convert_element_type3A_110 = arith.extui %lt3A_109 : i1 to i32
      %cond3A_111 = arith.constant 0 : i32
      %cond3A_112 = arith.cmpi ne, %convert_element_type3A_110, %cond3A_111 : i32
      scf.if %cond3A_112 {
        %mul3A_113 = arith.constant 80 : i32
        %mul3A_114 = arith.muli %add3A_108, %mul3A_113 : i32
        %mul3A_115 = arith.constant 80 : i32
        %mul3A_116 = arith.muli %add3A_108, %mul3A_115 : i32
        "tpu.region"() ({
          %run_scoped3A = tpu.sem_alloc : memref<!tpu.dma_semaphore, #tpu.memory_space<semaphore_mem>>
          %dma_start3A_122 = arith.constant 0 : i32
          %dma_start3A_123 = tpu.memref_slice %arg6[%arg0, %mul3A_116, %dma_start3A_122] : memref<2x10000x64xf32, #tpu.memory_space<hbm>> -> memref<1x80x64xf32, #tpu.memory_space<hbm>>
          %dma_start3A_124 = tpu.memref_squeeze %dma_start3A_123 : memref<1x80x64xf32, #tpu.memory_space<hbm>> -> memref<80x64xf32, #tpu.memory_space<hbm>>
          %dma_start3A_125 = arith.constant 0 : i32
          %dma_start3A_126 = tpu.memref_slice %arg17[%mul3A_114, %dma_start3A_125] : memref<10000x64xf32, #tpu.memory_space<vmem_shared>> -> memref<80x64xf32, #tpu.memory_space<vmem_shared>>
          tpu.enqueue_dma source(%dma_start3A_126 : memref<80x64xf32, #tpu.memory_space<vmem_shared>>) target(%dma_start3A_124 : memref<80x64xf32, #tpu.memory_space<hbm>>) target_semaphore(%run_scoped3A : memref<!tpu.dma_semaphore, #tpu.memory_space<semaphore_mem>>)
          %dma_wait3A_127 = arith.constant 0 : i32
          %dma_wait3A_128 = tpu.memref_slice %arg6[%arg0, %mul3A_116, %dma_wait3A_127] : memref<2x10000x64xf32, #tpu.memory_space<hbm>> -> memref<1x80x64xf32, #tpu.memory_space<hbm>>
          %dma_wait3A_129 = tpu.memref_squeeze %dma_wait3A_128 : memref<1x80x64xf32, #tpu.memory_space<hbm>> -> memref<80x64xf32, #tpu.memory_space<hbm>>
          %dma_wait3A_130 = arith.constant 0 : i32
          %dma_wait3A_131 = tpu.memref_slice %arg17[%mul3A_114, %dma_wait3A_130] : memref<10000x64xf32, #tpu.memory_space<vmem_shared>> -> memref<80x64xf32, #tpu.memory_space<vmem_shared>>
          tpu.wait_dma2 semaphore(%run_scoped3A : memref<!tpu.dma_semaphore, #tpu.memory_space<semaphore_mem>>) src(%dma_wait3A_131 : memref<80x64xf32, #tpu.memory_space<vmem_shared>>) dst(%dma_wait3A_129 : memref<80x64xf32, #tpu.memory_space<hbm>>)
          tpu.yield
        }) : () -> ()
        %eq3A_117 = arith.constant 0 : i32
        %eq3A_118 = arith.cmpi eq, %arg0, %eq3A_117 : i32
        %convert_element_type3A_119 = arith.extui %eq3A_118 : i1 to i32
        %cond3A_120 = arith.constant 0 : i32
        %cond3A_121 = arith.cmpi ne, %convert_element_type3A_119, %cond3A_120 : i32
        scf.if %cond3A_121 {
          %mul3A_122 = arith.constant 80 : i32
          %mul3A_123 = arith.muli %add3A_108, %mul3A_122 : i32
          %mul3A_124 = arith.constant 80 : i32
          %mul3A_125 = arith.muli %add3A_108, %mul3A_124 : i32
          "tpu.region"() ({
            %run_scoped3A = tpu.sem_alloc : memref<!tpu.dma_semaphore, #tpu.memory_space<semaphore_mem>>
            %dma_start3A_126 = arith.constant 0 : i32
            %dma_start3A_127 = tpu.memref_slice %arg7[%mul3A_125, %dma_start3A_126] : memref<10000x16xf32, #tpu.memory_space<hbm>> -> memref<80x16xf32, #tpu.memory_space<hbm>>
            %dma_start3A_128 = arith.constant 0 : i32
            %dma_start3A_129 = tpu.memref_slice %arg18[%mul3A_123, %dma_start3A_128] : memref<10000x16xf32, #tpu.memory_space<vmem_shared>> -> memref<80x16xf32, #tpu.memory_space<vmem_shared>>
            tpu.enqueue_dma source(%dma_start3A_129 : memref<80x16xf32, #tpu.memory_space<vmem_shared>>) target(%dma_start3A_127 : memref<80x16xf32, #tpu.memory_space<hbm>>) target_semaphore(%run_scoped3A : memref<!tpu.dma_semaphore, #tpu.memory_space<semaphore_mem>>)
            %dma_wait3A_130 = arith.constant 0 : i32
            %dma_wait3A_131 = tpu.memref_slice %arg7[%mul3A_125, %dma_wait3A_130] : memref<10000x16xf32, #tpu.memory_space<hbm>> -> memref<80x16xf32, #tpu.memory_space<hbm>>
            %dma_wait3A_132 = arith.constant 0 : i32
            %dma_wait3A_133 = tpu.memref_slice %arg18[%mul3A_123, %dma_wait3A_132] : memref<10000x16xf32, #tpu.memory_space<vmem_shared>> -> memref<80x16xf32, #tpu.memory_space<vmem_shared>>
            tpu.wait_dma2 semaphore(%run_scoped3A : memref<!tpu.dma_semaphore, #tpu.memory_space<semaphore_mem>>) src(%dma_wait3A_133 : memref<80x16xf32, #tpu.memory_space<vmem_shared>>) dst(%dma_wait3A_131 : memref<80x16xf32, #tpu.memory_space<hbm>>)
            tpu.yield
          }) : () -> ()
        } else {
        }
      } else {
      }
    }
    %scan3A_101 = arith.constant 8 : i32
    return
  }
}

module attributes {stable_mosaic.version = 14 : i64} {
  func.func @_s_body(%arg0: i32, %arg1: memref<1000x128xf32, #tpu.memory_space<vmem>>, %arg2: memref<1x128xf32, #tpu.memory_space<vmem>>, %arg3: memref<1000x1xf32, #tpu.memory_space<vmem>>) attributes {dimension_semantics = [#tpu.dimension_semantics<arbitrary>], iteration_bounds = array<i64: 10>, scalar_prefetch = 0 : i64, scratch_operands = 0 : i64, tpu.core_type = #tpu.core_type<tc>, window_params = [{transform_indices = @transform_0, window_bounds = array<i64: 1000, 128>}, {pipeline_mode = #tpu.pipeline_mode<synchronous>, transform_indices = @transform_1, window_bounds = array<i64: 1, 128>}, {transform_indices = @transform_2, window_bounds = array<i64: 1000, 1>}]} {
    %get3A = arith.constant 0 : index
    %get3A_0 = arith.constant 0 : index
    %get3A_1 = vector.load %arg1[%get3A, %get3A_0] : memref<1000x128xf32, #tpu.memory_space<vmem>>, vector<1000x128xf32>
    %get3A_2 = arith.constant 0 : index
    %get3A_3 = arith.constant 0 : index
    %get3A_4 = vector.load %arg2[%get3A_2, %get3A_3] : memref<1x128xf32, #tpu.memory_space<vmem>>, vector<1x128xf32>
    %mul3A = vector.broadcast %get3A_4 : vector<1x128xf32> to vector<1000x128xf32>
    %mul3A_5 = arith.mulf %get3A_1, %mul3A : vector<1000x128xf32>
    %reduce_sum3A = arith.constant dense<0.000000e+00> : vector<1000xf32>
    %reduce_sum3A_6 = vector.multi_reduction <add>, %mul3A_5, %reduce_sum3A [1] : vector<1000x128xf32> to vector<1000xf32>
    %broadcast_in_dim3A = vector.shape_cast %reduce_sum3A_6 : vector<1000xf32> to vector<1000x1xf32>
    %swap3A = arith.constant 0 : index
    %swap3A_7 = arith.constant 0 : index
    %swap3A_8 = vector.load %arg3[%swap3A, %swap3A_7] : memref<1000x1xf32, #tpu.memory_space<vmem>>, vector<1000x1xf32>
    tpu.vector_store %arg3[%swap3A, %swap3A_7], %broadcast_in_dim3A {strides = array<i32>} : memref<1000x1xf32, #tpu.memory_space<vmem>>, vector<1000x1xf32>,
    return
  }
  func.func @transform_0(%arg0: i32) -> (i32, i32) {
    %c0_i32 = arith.constant 0 : i32
    %c0_i32_0 = arith.constant 0 : i32
    return %arg0, %c0_i32 : i32, i32
  }
  func.func @transform_1(%arg0: i32) -> (i32, i32) {
    %c0_i32 = arith.constant 0 : i32
    %c0_i32_0 = arith.constant 0 : i32
    %c0_i32_1 = arith.constant 0 : i32
    return %c0_i32, %c0_i32_0 : i32, i32
  }
  func.func @transform_2(%arg0: i32) -> (i32, i32) {
    %c0_i32 = arith.constant 0 : i32
    %c0_i32_0 = arith.constant 0 : i32
    return %arg0, %c0_i32 : i32, i32
  }
}

module attributes {stable_mosaic.version = 14 : i64} {
  func.func @_upd_body(%arg0: i32, %arg1: memref<1000x64xf32, #tpu.memory_space<vmem>>, %arg2: memref<1000x64xf32, #tpu.memory_space<vmem>>, %arg3: memref<1000x1xf32, #tpu.memory_space<vmem>>, %arg4: memref<1000x128xf32, #tpu.memory_space<vmem>>, %arg5: memref<1x128xf32, #tpu.memory_space<vmem>>, %arg6: memref<128x128xf32, #tpu.memory_space<vmem>>, %arg7: memref<1x128xf32, #tpu.memory_space<vmem>>, %arg8: memref<128x128xf32, #tpu.memory_space<vmem>>, %arg9: memref<1x128xf32, #tpu.memory_space<vmem>>, %arg10: memref<1000x128xf32, #tpu.memory_space<vmem>>) attributes {dimension_semantics = [#tpu.dimension_semantics<arbitrary>], iteration_bounds = array<i64: 10>, scalar_prefetch = 0 : i64, scratch_operands = 0 : i64, tpu.core_type = #tpu.core_type<tc>, window_params = [{transform_indices = @transform_0, window_bounds = array<i64: 1000, 64>}, {transform_indices = @transform_1, window_bounds = array<i64: 1000, 64>}, {transform_indices = @transform_2, window_bounds = array<i64: 1000, 1>}, {transform_indices = @transform_3, window_bounds = array<i64: 1000, 128>}, {pipeline_mode = #tpu.pipeline_mode<synchronous>, transform_indices = @transform_4, window_bounds = array<i64: 1, 128>}, {pipeline_mode = #tpu.pipeline_mode<synchronous>, transform_indices = @transform_5, window_bounds = array<i64: 128, 128>}, {pipeline_mode = #tpu.pipeline_mode<synchronous>, transform_indices = @transform_6, window_bounds = array<i64: 1, 128>}, {pipeline_mode = #tpu.pipeline_mode<synchronous>, transform_indices = @transform_7, window_bounds = array<i64: 128, 128>}, {pipeline_mode = #tpu.pipeline_mode<synchronous>, transform_indices = @transform_8, window_bounds = array<i64: 1, 128>}, {transform_indices = @transform_9, window_bounds = array<i64: 1000, 128>}]} {
    %get3A = arith.constant 0 : index
    %get3A_0 = arith.constant 0 : index
    %get3A_1 = vector.load %arg5[%get3A, %get3A_0] : memref<1x128xf32, #tpu.memory_space<vmem>>, vector<1x128xf32>
    %ge3A = arith.constant 0.000000e+00 : f32
    %ge3A_2 = vector.broadcast %ge3A : f32 to vector<1x128xf32>
    %ge3A_3 = arith.cmpf oge, %get3A_1, %ge3A_2 : vector<1x128xf32>
    %mul3A = arith.constant 2.000000e-01 : f32
    %mul3A_4 = vector.broadcast %mul3A : f32 to vector<1x128xf32>
    %mul3A_5 = arith.mulf %get3A_1, %mul3A_4 : vector<1x128xf32>
    %select_n3A = arith.select %ge3A_3, %get3A_1, %mul3A_5 : vector<1x128xi1>, vector<1x128xf32>
    %exp3A = math.exp %select_n3A : vector<1x128xf32>
    %get3A_6 = arith.constant 0 : index
    %get3A_7 = arith.constant 0 : index
    %get3A_8 = vector.load %arg1[%get3A_6, %get3A_7] : memref<1000x64xf32, #tpu.memory_space<vmem>>, vector<1000x64xf32>
    %get3A_9 = arith.constant 0 : index
    %get3A_10 = arith.constant 0 : index
    %get3A_11 = vector.load %arg2[%get3A_9, %get3A_10] : memref<1000x64xf32, #tpu.memory_space<vmem>>, vector<1000x64xf32>
    %concatenate3A = tpu.concatenate %get3A_8, %get3A_11 in 1 : vector<1000x64xf32>, vector<1000x64xf32> -> vector<1000x128xf32>
    %get3A_12 = arith.constant 0 : index
    %get3A_13 = arith.constant 0 : index
    %get3A_14 = vector.load %arg4[%get3A_12, %get3A_13] : memref<1000x128xf32, #tpu.memory_space<vmem>>, vector<1000x128xf32>
    %mul3A_15 = vector.broadcast %exp3A : vector<1x128xf32> to vector<1000x128xf32>
    %mul3A_16 = arith.mulf %mul3A_15, %get3A_14 : vector<1000x128xf32>
    %add3A = arith.addf %concatenate3A, %mul3A_16 : vector<1000x128xf32>
    %get3A_17 = arith.constant 0 : index
    %get3A_18 = arith.constant 0 : index
    %get3A_19 = vector.load %arg3[%get3A_17, %get3A_18] : memref<1000x1xf32, #tpu.memory_space<vmem>>, vector<1000x1xf32>
    %slice3A = vector.extract_strided_slice %exp3A {offsets = [0, 0], sizes = [1, 1], strides = [1, 1]} : vector<1x128xf32> to vector<1x1xf32>
    %add3A_20 = vector.broadcast %slice3A : vector<1x1xf32> to vector<1000x1xf32>
    %add3A_21 = arith.addf %get3A_19, %add3A_20 : vector<1000x1xf32>
    %add3A_22 = arith.constant 1.000000e-16 : f32
    %add3A_23 = vector.broadcast %add3A_22 : f32 to vector<1000x1xf32>
    %add3A_24 = arith.addf %add3A_21, %add3A_23 : vector<1000x1xf32>
    %div3A = vector.broadcast %add3A_24 : vector<1000x1xf32> to vector<1000x128xf32>
    %div3A_25 = arith.divf %add3A, %div3A : vector<1000x128xf32>
    %get3A_26 = arith.constant 0 : index
    %get3A_27 = arith.constant 0 : index
    %get3A_28 = vector.load %arg6[%get3A_26, %get3A_27] : memref<128x128xf32, #tpu.memory_space<vmem>>, vector<128x128xf32>
    %dot_general3A = arith.constant dense<0.000000e+00> : vector<1000x128xf32>
    %dot_general3A_29 = tpu.matmul %div3A_25, %get3A_28, %dot_general3A {dimension_numbers = #tpu.dot_dimension_numbers<[1], [0], [0], [1], [0, 0, 1, 1], [], []>, transpose_lhs_hint = false} : vector<1000x128xf32>, vector<128x128xf32>, vector<1000x128xf32> -> vector<1000x128xf32>
    %get3A_30 = arith.constant 0 : index
    %get3A_31 = arith.constant 0 : index
    %get3A_32 = vector.load %arg7[%get3A_30, %get3A_31] : memref<1x128xf32, #tpu.memory_space<vmem>>, vector<1x128xf32>
    %add3A_33 = vector.broadcast %get3A_32 : vector<1x128xf32> to vector<1000x128xf32>
    %add3A_34 = arith.addf %dot_general3A_29, %add3A_33 : vector<1000x128xf32>
    %get3A_35 = arith.constant 0 : index
    %get3A_36 = arith.constant 0 : index
    %get3A_37 = vector.load %arg8[%get3A_35, %get3A_36] : memref<128x128xf32, #tpu.memory_space<vmem>>, vector<128x128xf32>
    %dot_general3A_38 = arith.constant dense<0.000000e+00> : vector<1000x128xf32>
    %dot_general3A_39 = tpu.matmul %add3A_34, %get3A_37, %dot_general3A_38 {dimension_numbers = #tpu.dot_dimension_numbers<[1], [0], [0], [1], [0, 0, 1, 1], [], []>, transpose_lhs_hint = false} : vector<1000x128xf32>, vector<128x128xf32>, vector<1000x128xf32> -> vector<1000x128xf32>
    %get3A_40 = arith.constant 0 : index
    %get3A_41 = arith.constant 0 : index
    %get3A_42 = vector.load %arg9[%get3A_40, %get3A_41] : memref<1x128xf32, #tpu.memory_space<vmem>>, vector<1x128xf32>
    %add3A_43 = vector.broadcast %get3A_42 : vector<1x128xf32> to vector<1000x128xf32>
    %add3A_44 = arith.addf %dot_general3A_39, %add3A_43 : vector<1000x128xf32>
    %swap3A = arith.constant 0 : index
    %swap3A_45 = arith.constant 0 : index
    %swap3A_46 = vector.load %arg10[%swap3A, %swap3A_45] : memref<1000x128xf32, #tpu.memory_space<vmem>>, vector<1000x128xf32>
    tpu.vector_store %arg10[%swap3A, %swap3A_45], %add3A_44 {strides = array<i32>} : memref<1000x128xf32, #tpu.memory_space<vmem>>, vector<1000x128xf32>,
    return
  }
  func.func @transform_0(%arg0: i32) -> (i32, i32) {
    %c0_i32 = arith.constant 0 : i32
    %c0_i32_0 = arith.constant 0 : i32
    return %arg0, %c0_i32 : i32, i32
  }
  func.func @transform_1(%arg0: i32) -> (i32, i32) {
    %c0_i32 = arith.constant 0 : i32
    %c0_i32_0 = arith.constant 0 : i32
    return %arg0, %c0_i32 : i32, i32
  }
  func.func @transform_2(%arg0: i32) -> (i32, i32) {
    %c0_i32 = arith.constant 0 : i32
    %c0_i32_0 = arith.constant 0 : i32
    return %arg0, %c0_i32 : i32, i32
  }
  func.func @transform_3(%arg0: i32) -> (i32, i32) {
    %c0_i32 = arith.constant 0 : i32
    %c0_i32_0 = arith.constant 0 : i32
    return %arg0, %c0_i32 : i32, i32
  }
  func.func @transform_4(%arg0: i32) -> (i32, i32) {
    %c0_i32 = arith.constant 0 : i32
    %c0_i32_0 = arith.constant 0 : i32
    %c0_i32_1 = arith.constant 0 : i32
    return %c0_i32, %c0_i32_0 : i32, i32
  }
  func.func @transform_5(%arg0: i32) -> (i32, i32) {
    %c0_i32 = arith.constant 0 : i32
    %c0_i32_0 = arith.constant 0 : i32
    %c0_i32_1 = arith.constant 0 : i32
    return %c0_i32, %c0_i32_0 : i32, i32
  }
  func.func @transform_6(%arg0: i32) -> (i32, i32) {
    %c0_i32 = arith.constant 0 : i32
    %c0_i32_0 = arith.constant 0 : i32
    %c0_i32_1 = arith.constant 0 : i32
    return %c0_i32, %c0_i32_0 : i32, i32
  }
  func.func @transform_7(%arg0: i32) -> (i32, i32) {
    %c0_i32 = arith.constant 0 : i32
    %c0_i32_0 = arith.constant 0 : i32
    %c0_i32_1 = arith.constant 0 : i32
    return %c0_i32, %c0_i32_0 : i32, i32
  }
  func.func @transform_8(%arg0: i32) -> (i32, i32) {
    %c0_i32 = arith.constant 0 : i32
    %c0_i32_0 = arith.constant 0 : i32
    %c0_i32_1 = arith.constant 0 : i32
    return %c0_i32, %c0_i32_0 : i32, i32
  }
  func.func @transform_9(%arg0: i32) -> (i32, i32) {
    %c0_i32 = arith.constant 0 : i32
    %c0_i32_0 = arith.constant 0 : i32
    return %arg0, %c0_i32 : i32, i32
  }
}

</mosaic_0001>

<sc_bundles>
// kernel: kernel.5.cloned.1.call-start
scs
__scs_entry_jumppad:
0x0: {  	(pc) =	sbr.rel $0x88, $3  }
0x1: {  	(tag) =	ssettag $0x0;
	lr =	simm.s32 $0x1  }
0x2: {  	[smem:$0x3F99] =	sst lr;
	_ =	strace $0xD0000000  }
0x3: {  	_ = 	snop  }
0x4: {  	_ = 	snop  }
0x5: {  	_ = 	snop  }
0x6: {  	_ = 	snop  }
0x7: {  	_ = 	snop  }
__scs_overlays_trampoline_lowered:
0x8: {  	[smem:$0x3FA8] =	sst s0  }
0x9: {  	[smem:$0x3FA9] =	sst s1  }
0xa: {  	[smem:$0x3FAA] =	sst s2  }
0xb: {  	[smem:$0x3FAB] =	sst s3  }
0xc: {  	[smem:$0x3FAC] =	sst s4  }
0xd: {  	[smem:$0x3FAD] =	sst s5  }
0xe: {  	[smem:$0x3FAE] =	sst s6  }
0xf: {  	[smem:$0x3FAF] =	sst s7  }
0x10: {  	[smem:$0x3FB0] =	sst s8  }
0x11: {  	[smem:$0x3FB1] =	sst s9;
	s0 =	simm.s32 @!p0 $0x0  }
0x12: {  	s1 =	sld [smem:$0x3F97];
	s0 =	simm.s32 @p0 $0x1  }
0x13: {  	[smem:$0x3FB2] =	sst s0;
	s0 =	simm.s32 @!p1 $0x0  }
0x14: {  	s2 =	sld [smem:$0x3F96];
	s0 =	simm.s32 @p1 $0x1  }
0x15: {  	[smem:$0x3FB3] =	sst s0;
	s0 =	simm.s32 @!p2 $0x0  }
0x16: {  	s3 =	sld [smem:$0x3FDB];
	s0 =	simm.s32 @p2 $0x1  }
0x17: {  	s4 =	simm.s32 $0x1BF5;
	[smem:$0x3FB5] =	sst s0  }
0x18: {  	s0 =	sld [smem:$0x3F98];
	_ =	swait.ge [sflag:s4], $0x0  }
0x19: {  	s7 =	sld [smem:$0x3F99]  }
0x1a: {  	s8 =	sadd.s32 $0xFFFFE003, lr  }
0x1b: {  	s9 =	sadd.s32 $0xFFFFFEF7, lr;
	s5 =	simm.s32 $0xFFFFFFFF;
	p2 =	slt.u32 s8, $0xFFFFF086  }
0x1c: {  	p1 =	slt.u32 s9, $0xF7A;
	s5 =	simm.s32 @!p2 $0x0  }
0x1d: {  	s5 =	simm.s32 @p1 $0x1;
	p0 =	seq.s32 s7, s2  }
0x1e: {  	s7 =	smul.u32 @!p0 $0xF7A, s2;
	p2 =	seq.s32 @!p0 s5, $0x0  }
0x1f: {  	s9 =	smul.u32 $0xF7A, s1;
	s8 =	simm.s32 @!p0 $0x1BF5;
	p2 =	por !p2, p0  }
0x20: {  	[sflag:s8] =	ssyncset.s32 @!p0 $0xFFFFF086;
	s6 =	sadd.s32 @!p0 s3, s7;
	s7 =	simm.s32 @!p0 $0x108  }
0x21: {  	s3 =	sadd.s32 s3, s9;
	s6 =	sadd.s32 @!p0 $0x88, s6;
	s7 =	simm.s32 @p2 $0x1082  }
0x22: {  	[simem:s7], [sflag:s8] =	dma.local @!p0 [hbm:s6], $0xF7A  }
0x23: {  	s9 =	sor.u32 $0xD0000000, s2;
	s6 =	simm.s32 $0x108;
	_ =	swait.ge @!p0 [sflag:s8], $0x0  }
0x24: {  	s3 =	sadd.s32 $0x88, s3;
	s6 =	simm.s32 @!p1 $0x1082;
	[sflag:s4] =	ssyncset.s32 $0xFFFFF086  }
0x25: {  	[simem:s6], [sflag:s4] =	dma.local [hbm:s3], $0xF7A  }
0x26: {  	[smem:$0x3F99] =	sst s1;
	(tag) =	ssettag s2;
	_ =	strace s9  }
0x27: {  	s1 =	sld [smem:$0x3FA9]  }
0x28: {  	s2 =	sld [smem:$0x3FAA]  }
0x29: {  	s4 =	sld [smem:$0x3FAC]  }
0x2a: {  	p0 =	seq.s32 s5, $0x0;
	s5 =	sld [smem:$0x3FAD]  }
0x2b: {  	s6 =	sld [smem:$0x3FAE]  }
0x2c: {  	s7 =	sld [smem:$0x3FAF]  }
0x2d: {  	s3 =	simm.s32 $0x108;
	s8 =	sld [smem:$0x3FB0]  }
0x2e: {  	s3 =	simm.s32 @!p0 $0x1082;
	s9 =	sld [smem:$0x3FB1]  }
0x2f: {  	lr =	sadd.s32 s0, s3;
	s0 =	sld [smem:$0x3FA8]  }
0x30: {  	s3 =	sld [smem:$0x3FAB]  }
0x31: {  	[smem:$0x3FB4] =	sst s10  }
0x32: {  	s10 =	sld [smem:$0x3FB2];
	_ =	sdelay $0x3  }
0x33: {  	p0 =	seq.s32 s10, $0x1;
	s10 =	sld [smem:$0x3FB4];
	_ =	sdelay $0x3  }
0x34: {  	[smem:$0x3FB4] =	sst s10  }
0x35: {  	s10 =	sld [smem:$0x3FB3];
	_ =	sdelay $0x3  }
0x36: {  	p1 =	seq.s32 s10, $0x1;
	s10 =	sld [smem:$0x3FB4];
	_ =	sdelay $0x3  }
0x37: {  	[smem:$0x3FB4] =	sst s10  }
0x38: {  	s10 =	sld [smem:$0x3FB5]  }
0x39: {  	_ = 	snop;
	(pc) =	sbr.ind lr, $3  }
0x3a: {  	_ = 	snop  }
0x3b: {  	_ = 	snop  }
0x3c: {  	p2 =	seq.s32 s10, $0x1;
	s10 =	sld [smem:$0x3FB4]  }
0x3d: {  	_ =	shalt  }
0x3e: {  	_ =	shalt  }
0x3f: {  	_ =	shalt  }
0x40: {  	_ =	shalt  }
0x41: {  	_ =	shalt  }
0x42: {  	_ =	shalt  }
0x43: {  	_ =	shalt  }
0x44: {  	_ =	shalt  }
0x45: {  	_ =	shalt  }
0x46: {  	_ =	shalt  }
0x47: {  	_ =	shalt  }
0x48: {  	_ =	shalt  }
0x49: {  	_ =	shalt  }
0x4a: {  	_ =	shalt  }
0x4b: {  	_ =	shalt  }
0x4c: {  	_ =	shalt  }
0x4d: {  	_ =	shalt  }
0x4e: {  	_ =	shalt  }
0x4f: {  	_ =	shalt  }
0x50: {  	_ =	shalt  }
0x51: {  	_ =	shalt  }
0x52: {  	_ =	shalt  }
0x53: {  	_ =	shalt  }
0x54: {  	_ =	shalt  }
0x55: {  	_ =	shalt  }
0x56: {  	_ =	shalt  }
0x57: {  	_ =	shalt  }
0x58: {  	_ =	shalt  }
0x59: {  	_ =	shalt  }
0x5a: {  	_ =	shalt  }
0x5b: {  	_ =	shalt  }
0x5c: {  	_ =	shalt  }
0x5d: {  	_ =	shalt  }
0x5e: {  	_ =	shalt  }
0x5f: {  	_ =	shalt  }
0x60: {  	_ =	shalt  }
0x61: {  	_ =	shalt  }
0x62: {  	_ =	shalt  }
0x63: {  	_ =	shalt  }
0x64: {  	_ =	shalt  }
0x65: {  	_ =	shalt  }
0x66: {  	_ =	shalt  }
0x67: {  	_ =	shalt  }
0x68: {  	_ =	shalt  }
0x69: {  	_ =	shalt  }
0x6a: {  	_ =	shalt  }
0x6b: {  	_ =	shalt  }
0x6c: {  	_ =	shalt  }
0x6d: {  	_ =	shalt  }
0x6e: {  	_ =	shalt  }
0x6f: {  	_ =	shalt  }
0x70: {  	_ =	shalt  }
0x71: {  	_ =	shalt  }
0x72: {  	_ =	shalt  }
0x73: {  	_ =	shalt  }
0x74: {  	_ =	shalt  }
0x75: {  	_ =	shalt  }
0x76: {  	_ =	shalt  }
0x77: {  	_ =	shalt  }
0x78: {  	_ =	shalt  }
0x79: {  	_ =	shalt  }
0x7a: {  	_ =	shalt  }
0x7b: {  	_ =	shalt  }
0x7c: {  	_ =	shalt  }
0x7d: {  	_ =	shalt  }
0x7e: {  	_ =	shalt  }
0x7f: {  	_ =	shalt  }
0x80: {  	_ =	shalt  }
0x81: {  	_ =	shalt  }
0x82: {  	_ =	shalt  }
0x83: {  	_ =	shalt  }
0x84: {  	_ =	shalt  }
0x85: {  	_ =	shalt  }
0x86: {  	_ =	shalt  }
0x87: {  	_ =	shalt  }
.Lfunc_end0:
.L_simem_size_0:
called_computation_lowered:
.L_overlay_start_0:
0x88: {  	s2 =	sld [smem:$0x3FD9]  }
0x89: {  	s3 =	sld [smem:$0x3FFE];
	_ =	sdelay $0x1  }
0x8a: {  	s1 =	srdreg.scid  }
0x8b: {  	s0 =	sand.u32 $0x1, s1  }
0x8c: {  	s17 =	sshll.u32 s0, $0xA;
	s2 =	sadd.s32 s3, s2  }
0x8d: {  	s2 =	sadd.s32 s2, s17  }
0x8e: {  	[smem:$0x3FC0] =	sst s2  }
0x8f: {  	_ = 	snop  }
0x90: {  	s2 =	sld [smem:$0x3FD0];
	(tm) =	ssettm $0x1  }
0x91: {  	s18 =	sld [smem:$0x3FFB];
	_ =	sdelay $0x3  }
0x92: {  	_ =	strace s18  }
0x93: {  	s3 =	sld [smem:$0x3FFC];
	_ =	sdelay $0x3  }
0x94: {  	_ =	strace s3  }
0x95: {  	s3 =	sld [smem:$0x3FFD];
	_ =	sdelay $0x3  }
0x96: {  	_ =	strace s3  }
0x97: {  	_ =	strace $0x8FFFFFFF  }
0x98: {  	s19 =	sld [smem:$0x3FDB];
	_ =	sdelay $0x1  }
0x99: {  	s4 =	simm.s32 $_scs_section_size  }
0x9a: {  	s5 =	simm.s32 $_size__tile_overlayer_lowered;
	s6 =	simm.s32 $_tile_overlayer_lowered  }
0x9b: {  	s22 =	simm.s32 $0x1BFF;
	s21 =	sshll.u32 s6, $0x1;
	s3 =	sadd.s32 s4, s19  }
0x9c: {  	s7 =	simm.s32 $0x0;
	s20 =	sshll.u32 s5, $0x1;
	s5 =	sadd.s32 s21, s3  }
0x9d: {  	[timem:s7], [sflag:s22] =	dma.local [hbm:s5], s20  }
0x9e: {  	_ =	swait.ge [sflag:s22], s20  }
0x9f: {  	s4 =	ssub.s32 $0x0, s20;
	[sflag:s22] =	ssyncset.done $0x0  }
0xa0: {  	[sflag:s22] =	ssyncadd.s32 s4;
	_ =	sdelay $0x1  }
0xa1: {  	s23 =	simm.s32 $0x1B8B  }
0xa2: {  	_ =	swait.ge [sflag:s23], $0x1  }
0xa3: {  	[sflag:s23] =	ssyncset.done $0x0  }
0xa4: {  	s25 =	simm.s32 $0x1B8E;
	s24 =	sld [smem:$0x3FFE];
	[sflag:s23] =	ssyncadd.s32 $0xFFFFFFFF  }
0xa5: {  	s26 =	simm.s32 $execute0_lowered;
	[smem:$0x3FD2] =	sst s25  }
0xa6: {  	s5 =	sshll.u32 s26, $0x1;
	_ =	strace $0x80000046;
	[dreg:$0x1] =	wrdreg $0xFFFFFFFF  }
0xa7: {  	s28 =	simm.s32 $_size_execute0_lowered;
	s3 =	sadd.s32 s3, s5;
	[dreg:$0x0] =	wrdreg $0x0  }
0xa8: {  	s5 =	sshll.u32 s28, $0x1;
	[dreg:$0x2] =	wrdreg s3  }
0xa9: {  	[dreg:$0x3] =	wrdreg s5  }
0xaa: {  	[dreg:$0x4] =	wrdreg $0xC0  }
0xab: {  	_ =	task [dreg:s7], $0x5FFFF  }
0xac: {  	[dreg:$0x1] =	wrdreg $0xFFFFFFFF  }
0xad: {  	[dreg:$0x0] =	wrdreg $0x60  }
0xae: {  	[dreg:$0x2] =	wrdreg s2  }
0xaf: {  	[dreg:$0x3] =	wrdreg s24  }
0xb0: {  	[dreg:$0x4] =	wrdreg $0xCC200  }
0xb1: {  	[dreg:$0x5] =	wrdreg $0x168600  }
0xb2: {  	[dreg:$0x6] =	wrdreg $0x9  }
0xb3: {  	_ =	task.clear_ibuf [dreg:s7], $0x7FFFF;
	_ =	strace $0x90000046  }
0xb4: {  	s29 =	simm.s32 $0x9;
	_ =	strace $0x80000048  }
0xb5: {  	_ =	swait.ge [sflag:s29], $0x1  }
0xb6: {  	[sflag:s29] =	ssyncadd.s32 $0xFFFFFFFF  }
0xb7: {  	_ =	strace $0x90000048  }
0xb8: {  	_ =	sfence  }
0xb9: {  	s30 =	sld [smem:$0x0];
	_ =	sdelay $0x2  }
0xba: {  	s31 =	sshll.u32 s1, $0xD;
	s1 =	sshrl.u32 s1, $0x2  }
0xbb: {  	s3 =	sand.u32 $0x4000, s31;
	s1 =	sadd.s32 s1, s30  }
0xbc: {  	s0 =	sor.u32 s3, s0;
	s1 =	sshll.u32 s1, $0x11  }
0xbd: {  	s0 =	sor.u32 s1, s0  }
0xbe: {  	s0 =	sadd.s32 $0x8F2B, s0  }
0xbf: {  	[sflag:s0] =	ssyncadd.remote.s32 $0x1  }
0xc0: {  	_ =	sfence.sel $0xFFFF  }
0xc1: {  	[dreg:$0x0] =	wrdreg $0xFFFFFFFF;
	(pc) =	sbr.abs _section_cstart, $3  }
0xc2: {  	[dreg:$0x1] =	wrdreg $0xFFFFFFFF  }
0xc3: {  	_ =	task.clear_ibuf [dreg:s7], $0x2FFFF;
	_ =	strace $0x9FFFFFFF  }
0xc4: {  	(tm) =	ssettm $0x7FFFFFFF  }
0xc5: {  	_ =	shalt  }
tec
execute0_lowered:
.L_overlay_start_1:
0x0: {  	(tag) =	ssettag $0x1  }
0x1: {  	s8 =	rddreg [dreg:$0x0]  }
0x2: {  	s9 =	rddreg [dreg:$0x1]  }
0x3: {  	s1 =	rddreg [dreg:$0x2]  }
0x4: {  	s2 =	rddreg [dreg:$0x3];
	s0 =	srdreg.scid  }
0x5: {  	s5 =	simm.s32 $0x0;
	s3 =	stileid.u32;
	s29 =	simm.s32 $0x0  }
0x6: {  	s4 =	sand.u32 $0x1, s0;
	[smem:$0x7FF] =	sst s5;
	s12 =	smul.u32 $0x1400, s3  }
0x7: {  	s6 =	sadd.s32 $0x1800, s9;
	s28 =	sadd.s32 $0x15200, s9;
	s7 =	smul.u32 $0xA0, s3  }
0x8: {  	s13 =	sadd.s32 $0x15800, s9;
	s15 =	sor.u32 $0x10, s3;
	s10 =	smul.u32 $0x9C400, s4  }
0x9: {  	s14 =	sshll.u32 s3, $0x6;
	s19 =	sor.u32 $0x20, s3;
	s18 =	smul.u32 $0x5000, s15  }
0xa: {  	s23 =	sor.u32 $0x30, s3;
	_ =	strace $0x80000047;
	s20 =	smul.u32 $0x5000, s19  }
0xb: {  	[dreg:$0x5] =	wrdreg s28;
	s11 =	ssub.s32 $0x2, s4;
	s25 =	smul.u32 $0x5000, s23  }
0xc: {  	[dreg:$0x6] =	wrdreg s13;
	s26 =	smul.u32 $0x1400, s23;
	s28 =	sor.u32 $0x40, s3  }
0xd: {  	p1 =	sne.s32 s4, $0x0;
	s31 =	sshrl.u32 s11, $0x1;
	s7 =	sadd.s32 s7, s9  }
0xe: {  	s30 =	sadd.s32 s12, s10;
	s13 =	ssub.s32 s11, s31;
	s11 =	sadd.s32 s6, s14  }
0xf: {  	s10 =	sshrl.u32 s10, $0x3;
	s14 =	smul.u32 $0x5000, s3;
	s12 =	sshrl.u32 s12, $0x2  }
0x10: {  	s22 =	sshrl.u32 s20, $0x2;
	s31 =	sor.u32 $0x50, s3;
	s0 =	sshrl.u32 s30, $0x3  }
0x11: {  	[dreg:$0x7] =	wrdreg s11;
	s10 =	sadd.s32 s8, s10;
	s11 =	sadd.s32 $0x2000, s9  }
0x12: {  	s16 =	smax.u32 s13, $0x1;
	s8 =	smul.u32 $0x1400, s15;
	s13 =	sshrl.u32 s18, $0x2  }
0x13: {  	s12 =	sadd.s32 s12, s2;
	s24 =	sadd.s32 s22, s1;
	s30 =	smul.u32 $0x5000, s28  }
0x14: {  	s15 =	smul.u32 $0x5000, s31;
	s0 =	sadd.s32 s0, s9;
	[dreg:$0x8] =	wrdreg s16  }
0x15: {  	s17 =	sshrl.u32 s14, $0x2;
	[dreg:$0xa] =	wrdreg s12;
	s21 =	sadd.s32 s13, s1  }
0x16: {  	[dreg:$0xd] =	wrdreg s24;
	s12 =	sshrl.u32 s26, $0x2;
	s13 =	smul.u32 $0x1400, s28  }
0x17: {  	s16 =	smul.u32 $0x1400, s31;
	s31 =	sadd.s32 $0x3CC00, s7;
	s7 =	simm.s32 $0x2B10  }
0x18: {  	s9 =	sadd.s32 s17, s1;
	[dreg:$0xb] =	wrdreg s21;
	s8 =	sshrl.u32 s8, $0x2  }
0x19: {  	s12 =	sadd.s32 s12, s2;
	s17 =	sor.u32 $0x60, s3;
	s21 =	sor.u32 $0x70, s3  }
0x1a: {  	s0 =	sadd.s32 $0x15A00, s0;
	[dreg:$0x9] =	wrdreg s9;
	s9 =	smul.u32 $0x1400, s19  }
0x1b: {  	[dreg:$0x1a] =	wrdreg s31;
	s8 =	sadd.s32 s8, s2;
	s19 =	smul.u32 $0x5000, s17  }
0x1c: {  	[dreg:$0x10] =	wrdreg s12;
	s18 =	sshrl.u32 s13, $0x2;
	s20 =	smul.u32 $0x1400, s17  }
0x1d: {  	s12 =	sshrl.u32 s16, $0x2;
	p0 =	sgt.u32 s21, $0x7C;
	s14 =	smul.u32 $0x1400, s21  }
0x1e: {  	[dreg:$0x19] =	wrdreg s0;
	s0 =	simm.s32 $0x5;
	s16 =	simm.s32 $0x4B10  }
0x1f: {  	s17 =	simm.s32 $0x1;
	[dreg:$0xc] =	wrdreg s8;
	s8 =	sshrl.u32 s25, $0x2  }
0x20: {  	s22 =	sadd.s32 s12, s2;
	p2 =	sne.s32 @!p0 s4, $0x0;
	s12 =	simm.s32 $0x80  }
0x21: {  	s9 =	sshrl.u32 s9, $0x2;
	s8 =	sadd.s32 s8, s1;
	s13 =	sshrl.u32 s19, $0x2  }
0x22: {  	[dreg:$0x14] =	wrdreg s22;
	s24 =	sshrl.u32 s20, $0x2;
	s26 =	sshrl.u32 s14, $0x2  }
0x23: {  	p2 =	por p2, p0;
	s20 =	simm.s32 $0x2790;
	s9 =	sadd.s32 s9, s2  }
0x24: {  	[dreg:$0xf] =	wrdreg s8;
	s8 =	sshrl.u32 s15, $0x2;
	s15 =	smul.u32 $0x5000, s21  }
0x25: {  	s23 =	sadd.s32 s13, s1;
	s21 =	simm.s32 $0x2890;
	[dreg:$0xe] =	wrdreg s9  }
0x26: {  	s9 =	sshrl.u32 s30, $0x2;
	s8 =	sadd.s32 s8, s1;
	[dreg:$0x15] =	wrdreg s23  }
0x27: {  	s30 =	sadd.s32 s26, s2;
	s26 =	simm.s32 $0x8B10;
	[dreg:$0x13] =	wrdreg s8  }
0x28: {  	s9 =	sadd.s32 s9, s1;
	s25 =	sshrl.u32 s15, $0x2;
	[dreg:$0x18] =	wrdreg s30  }
0x29: {  	s8 =	sadd.s32 s24, s2;
	s24 =	simm.s32 $0x6B10;
	[dreg:$0x11] =	wrdreg s9  }
0x2a: {  	s9 =	sadd.s32 s18, s2;
	[dreg:$0x16] =	wrdreg s8;
	s28 =	sadd.s32 s25, s1  }
0x2b: {  	s8 =	simm.s32 $0x6;
	s18 =	simm.s32 $0xAB10;
	[dreg:$0x12] =	wrdreg s9  }
0x2c: {  	v0 =	vimm.f32 $0.0e+00;
	s25 =	simm.s32 $0x2A90;
	[dreg:$0x17] =	wrdreg s28;
	s9 =	simm.s32 $0x2  }
.LBB2_1:
0x2d: {  	s13 =	rddreg [dreg:$0x5]  }
0x2e: {  	[tilespmem:s5], [sflag:$0x5] =	stream.linear.gather [hbm4b:s13+s5], $0x2710, $0x38;
	[tilespmem:$0x18F70] =	vst v63  }
0x2f: {  	_ =	swait.ge [sflag:s0], $0x2710  }
0x30: {  	[sflag:s0] =	ssyncset.done $0x0  }
0x31: {  	s14 =	simm.s32 $0xCC10;
	s31 =	rddreg [dreg:$0x6];
	[sflag:s0] =	ssyncadd.s32 $0xFFFFD8F0  }
0x32: {  	[tilespmem:s14], [sflag:$0x5] =	stream.linear.gather [hbm4b:s31+s5], $0x10, $0x38;
	[tilespmem:$0x18F70] =	vst v63  }
0x33: {  	_ =	swait.ge [sflag:s0], $0x10  }
0x34: {  	[sflag:s0] =	ssyncset.done $0x0  }
0x35: {  	s13 =	simm.s32 $0x2B30;
	[sflag:s0] =	ssyncadd.s32 $0xFFFFFFF0  }
0x36: {  	[tilespmem:s13+$0x0] =	vst v0  }
0x37: {  	[tilespmem:s13+$0xFFFFFFE0] =	vst v0  }
0x38: {  	[tilespmem:s13+$0x10] =	vst v0  }
0x39: {  	s15 =	simm.s32 $0x0;
	s14 =	simm.s32 $0x40;
	[tilespmem:s13+$0xFFFFFFF0] =	vst v0  }
.LBB2_2:
0x3a: {  	p3 =	sne.s32 s14, $0x13C0  }
0x3b: {  	[tilespmem:s15+$0xAC10] =	vst v0;
	s13 =	sadd.s32 $0x40, s13;
	s15 =	smov.u32 s14;
	s14 =	sadd.s32 $0x40, s14  }
.Ltmp0:
0x3c: {  	[tilespmem:s13+$0x0] =	vst v0;
	(pc) =	sbr.rel @p3 .LBB2_2-.Ltmp0, $4  }
0x3d: {  	_ = 	snop  }
0x3e: {  	[tilespmem:s13+$0xFFFFFFE0] =	vst v0  }
0x3f: {  	[tilespmem:s13+$0x10] =	vst v0  }
0x40: {  	s15 =	sshra.s32 s15, $0x2;
	[tilespmem:s13+$0xFFFFFFF0] =	vst v0  }
0x41: {  	[tilespmem:s15+$0xAC10] =	vst v0;
	s13 =	rddreg [dreg:$0x9]  }
0x42: {  	[spmem:s13] =	stream.linear.scatter [tilespmem:s7], [sflag:$0x6], $0x1400, $0x38;
	[tilespmem:$0x18F70] =	vst v63  }
0x43: {  	_ =	swait.ge [sflag:s8], $0x1400  }
0x44: {  	s14 =	simm.s32 @p1 $0x6;
	[sflag:s8] =	ssyncset.done $0x0  }
0x45: {  	s13 =	simm.s32 @p1 $0x2B10;
	s22 =	rddreg [dreg:$0xb];
	[sflag:s8] =	ssyncadd.s32 $0xFFFFEC00  }
0x46: {  	[spmem:s22] =	stream.linear.scatter @p1 [tilespmem:s13], [sflag:$0x6], $0x1400, $0x38;
	[tilespmem:$0x18F70] =	vst v63  }
0x47: {  	_ =	swait.ge @p1 [sflag:s14], $0x1400  }
0x48: {  	[sflag:s14] =	ssyncset.done @p1 $0x0  }
0x49: {  	s15 =	simm.s32 @!p1 $0xAC10;
	s19 =	rddreg [dreg:$0xa];
	[sflag:s14] =	ssyncadd.s32 @p1 $0xFFFFEC00  }
0x4a: {  	[spmem:s19] =	stream.linear.scatter @!p1 [tilespmem:s15], [sflag:$0x5], $0x500, $0x38;
	[tilespmem:$0x18F70] =	vst v63  }
0x4b: {  	s19 =	simm.s32 @!p1 $0x5  }
0x4c: {  	_ =	swait.ge @!p1 [sflag:s19], $0x500  }
0x4d: {  	[sflag:s19] =	ssyncset.done @!p1 $0x0  }
0x4e: {  	s23 =	simm.s32 @!p1 $0x2B10;
	s28 =	simm.s32 @!p1 $0x6;
	[sflag:s19] =	ssyncadd.s32 @!p1 $0xFFFFFB00  }
0x4f: {  	[spmem:s22] =	stream.linear.scatter @!p1 [tilespmem:s23], [sflag:$0x6], $0x1400, $0x38;
	[tilespmem:$0x18F70] =	vst v63  }
0x50: {  	_ =	swait.ge @!p1 [sflag:s28], $0x1400  }
0x51: {  	[sflag:s28] =	ssyncset.done @!p1 $0x0  }
0x52: {  	s22 =	rddreg [dreg:$0xc];
	[sflag:s28] =	ssyncadd.s32 @!p1 $0xFFFFEC00  }
0x53: {  	[spmem:s22] =	stream.linear.scatter @!p1 [tilespmem:s15], [sflag:$0x5], $0x500, $0x38;
	[tilespmem:$0x18F70] =	vst v63  }
0x54: {  	_ =	swait.ge @!p1 [sflag:s19], $0x500  }
0x55: {  	[sflag:s19] =	ssyncset.done @!p1 $0x0  }
0x56: {  	s30 =	rddreg [dreg:$0xd];
	[sflag:s19] =	ssyncadd.s32 @!p1 $0xFFFFFB00  }
0x57: {  	[spmem:s30] =	stream.linear.scatter [tilespmem:s7], [sflag:$0x6], $0x1400, $0x38;
	[tilespmem:$0x18F70] =	vst v63  }
0x58: {  	_ =	swait.ge [sflag:s8], $0x1400  }
0x59: {  	[sflag:s8] =	ssyncset.done $0x0  }
0x5a: {  	s30 =	rddreg [dreg:$0xf];
	[sflag:s8] =	ssyncadd.s32 $0xFFFFEC00  }
0x5b: {  	[spmem:s30] =	stream.linear.scatter @p1 [tilespmem:s13], [sflag:$0x6], $0x1400, $0x38;
	[tilespmem:$0x18F70] =	vst v63  }
0x5c: {  	_ =	swait.ge @p1 [sflag:s14], $0x1400  }
0x5d: {  	[sflag:s14] =	ssyncset.done @p1 $0x0  }
0x5e: {  	s22 =	rddreg [dreg:$0xe];
	[sflag:s14] =	ssyncadd.s32 @p1 $0xFFFFEC00  }
0x5f: {  	[spmem:s22] =	stream.linear.scatter @!p1 [tilespmem:s15], [sflag:$0x5], $0x500, $0x38;
	[tilespmem:$0x18F70] =	vst v63  }
0x60: {  	_ =	swait.ge @!p1 [sflag:s19], $0x500  }
0x61: {  	[sflag:s19] =	ssyncset.done @!p1 $0x0  }
0x62: {  	[sflag:s19] =	ssyncadd.s32 @!p1 $0xFFFFFB00  }
0x63: {  	[spmem:s30] =	stream.linear.scatter @!p1 [tilespmem:s23], [sflag:$0x6], $0x1400, $0x38;
	[tilespmem:$0x18F70] =	vst v63  }
0x64: {  	_ =	swait.ge @!p1 [sflag:s28], $0x1400  }
0x65: {  	[sflag:s28] =	ssyncset.done @!p1 $0x0  }
0x66: {  	s22 =	rddreg [dreg:$0x10];
	[sflag:s28] =	ssyncadd.s32 @!p1 $0xFFFFEC00  }
0x67: {  	[spmem:s22] =	stream.linear.scatter @!p1 [tilespmem:s15], [sflag:$0x5], $0x500, $0x38;
	[tilespmem:$0x18F70] =	vst v63  }
0x68: {  	_ =	swait.ge @!p1 [sflag:s19], $0x500  }
0x69: {  	[sflag:s19] =	ssyncset.done @!p1 $0x0  }
0x6a: {  	s31 =	rddreg [dreg:$0x11];
	[sflag:s19] =	ssyncadd.s32 @!p1 $0xFFFFFB00  }
0x6b: {  	[spmem:s31] =	stream.linear.scatter [tilespmem:s7], [sflag:$0x6], $0x1400, $0x38;
	[tilespmem:$0x18F70] =	vst v63  }
0x6c: {  	_ =	swait.ge [sflag:s8], $0x1400  }
0x6d: {  	[sflag:s8] =	ssyncset.done $0x0  }
0x6e: {  	s22 =	rddreg [dreg:$0x13];
	[sflag:s8] =	ssyncadd.s32 $0xFFFFEC00  }
0x6f: {  	[spmem:s22] =	stream.linear.scatter @p1 [tilespmem:s13], [sflag:$0x6], $0x1400, $0x38;
	[tilespmem:$0x18F70] =	vst v63  }
0x70: {  	_ =	swait.ge @p1 [sflag:s14], $0x1400  }
0x71: {  	[sflag:s14] =	ssyncset.done @p1 $0x0  }
0x72: {  	s13 =	rddreg [dreg:$0x12];
	[sflag:s14] =	ssyncadd.s32 @p1 $0xFFFFEC00  }
0x73: {  	[spmem:s13] =	stream.linear.scatter @!p1 [tilespmem:s15], [sflag:$0x5], $0x500, $0x38;
	[tilespmem:$0x18F70] =	vst v63  }
0x74: {  	_ =	swait.ge @!p1 [sflag:s19], $0x500  }
0x75: {  	[sflag:s19] =	ssyncset.done @!p1 $0x0  }
0x76: {  	[sflag:s19] =	ssyncadd.s32 @!p1 $0xFFFFFB00  }
0x77: {  	[spmem:s22] =	stream.linear.scatter @!p1 [tilespmem:s23], [sflag:$0x6], $0x1400, $0x38;
	[tilespmem:$0x18F70] =	vst v63  }
0x78: {  	_ =	swait.ge @!p1 [sflag:s28], $0x1400  }
0x79: {  	[sflag:s28] =	ssyncset.done @!p1 $0x0  }
0x7a: {  	s13 =	rddreg [dreg:$0x14];
	[sflag:s28] =	ssyncadd.s32 @!p1 $0xFFFFEC00  }
0x7b: {  	[spmem:s13] =	stream.linear.scatter @!p1 [tilespmem:s15], [sflag:$0x5], $0x500, $0x38;
	[tilespmem:$0x18F70] =	vst v63  }
0x7c: {  	_ =	swait.ge @!p1 [sflag:s19], $0x500  }
0x7d: {  	[sflag:s19] =	ssyncset.done @!p1 $0x0  }
0x7e: {  	s23 =	rddreg [dreg:$0x15];
	[sflag:s19] =	ssyncadd.s32 @!p1 $0xFFFFFB00  }
0x7f: {  	[spmem:s23] =	stream.linear.scatter [tilespmem:s7], [sflag:$0x6], $0x1400, $0x38;
	[tilespmem:$0x18F70] =	vst v63  }
0x80: {  	_ =	swait.ge [sflag:s8], $0x1400  }
0x81: {  	[sflag:s8] =	ssyncset.done $0x0  }
0x82: {  	s13 =	rddreg [dreg:$0x16];
	[sflag:s8] =	ssyncadd.s32 $0xFFFFEC00  }
0x83: {  	[spmem:s13] =	stream.linear.scatter @!p1 [tilespmem:s15], [sflag:$0x5], $0x500, $0x38;
	[tilespmem:$0x18F70] =	vst v63  }
0x84: {  	_ =	swait.ge @!p1 [sflag:s19], $0x500  }
0x85: {  	[sflag:s19] =	ssyncset.done @!p1 $0x0  }
0x86: {  	s13 =	simm.s32 @!p0 $0x2B10;
	s14 =	rddreg [dreg:$0x17];
	[sflag:s19] =	ssyncadd.s32 @!p1 $0xFFFFFB00  }
0x87: {  	[spmem:s14] =	stream.linear.scatter @!p0 [tilespmem:s13], [sflag:$0x6], $0x1400, $0x38;
	[tilespmem:$0x18F70] =	vst v63  }
0x88: {  	s13 =	simm.s32 @!p0 $0x6  }
0x89: {  	_ =	swait.ge @!p0 [sflag:s13], $0x1400  }
0x8a: {  	[sflag:s13] =	ssyncset.done @!p0 $0x0  }
0x8b: {  	s14 =	rddreg [dreg:$0x18];
	[sflag:s13] =	ssyncadd.s32 @!p0 $0xFFFFEC00;
	s13 =	simm.s32 @!p2 $0xAC10  }
0x8c: {  	[spmem:s14] =	stream.linear.scatter @!p2 [tilespmem:s13], [sflag:$0x5], $0x500, $0x38;
	[tilespmem:$0x18F70] =	vst v63  }
0x8d: {  	s13 =	simm.s32 @!p2 $0x5  }
0x8e: {  	_ =	swait.ge @!p2 [sflag:s13], $0x500  }
0x8f: {  	[sflag:s13] =	ssyncset.done @!p2 $0x0  }
0x90: {  	[sflag:s13] =	ssyncadd.s32 @!p2 $0xFFFFFB00  }
0x91: {  	[bflag:$0x0] =	sbarrier.arrive $0xFFFF  }
0x92: {  	s30 =	simm.s32 $0x2710;
	s15 =	simm.s32 $0x0;
	s28 =	rddreg [dreg:$0x7]  }
0x93: {  	v1 =	vld [tilespmem:$0xCC10];
	[tilespmem:s30], [sflag:$0x5] =	stream.linear.gather [hbm4b:s28+s15], $0x200, $0x38  }
0x94: {  	_ =	swait.ge [sflag:s0], $0x200  }
.Ltmp1:
0x95: {  	[sflag:s0] =	ssyncset.done $0x0;
	(pc) =	sbr.rel .LBB2_4-.Ltmp1, $4  }
0x96: {  	[sflag:s0] =	ssyncadd.s32 $0xFFFFFE00  }
0x97: {  	[tilespmem:s7], [sflag:$0x1] =	stream.indirect.gather [hbm4b:s10+s12], $0x40, s30, s12, $0xb8;
	[tilespmem:$0x18F70] =	vst v63  }
0x98: {  	s31 =	simm.s32 $0x2810  }
0x99: {  	[tilespmem:s16], [sflag:$0x1] =	stream.indirect.gather [hbm4b:s10+s12], $0x40, s31, s12, $0xb8;
	[tilespmem:$0x18F70] =	vst v63  }
.LBB2_15:
0x9a: {  	s15 =	sadd.s32 $0x1, s15  }
0x9b: {  	p3 =	sne.s32 s15, $0x28  }
.Ltmp2:
0x9c: {  	_ = 	snop;
	(pc) =	sbr.rel @!p3 .LBB2_16-.Ltmp2, $1  }
0x9d: {  	_ =	sdelay $0x3  }
.LBB2_4:
0x9e: {  	s13 =	sshll.u32 s15, $0x5  }
0x9f: {  	s19 =	sor.u32 s3, s13  }
0xa0: {  	p3 =	sgt.u32 s19, $0x4E1  }
.Ltmp3:
0xa1: {  	_ = 	snop;
	(pc) =	sbr.rel @p3 .LBB2_15-.Ltmp3, $1  }
0xa2: {  	_ =	sdelay $0x3  }
0xa3: {  	v2 =	vld [tilespmem:$0x2710]  }
0xa4: {  	v3 =	vld [tilespmem:$0x2790];
	_ =	sdelay $0x5  }
0xa5: {  	s13 =	simm.s32 $0x0  }
0xa6: {  	v4 =	vld.idx.msk [tilespmem:v2+s13+$0x0], $0xffff  }
0xa7: {  	v5 =	vld.idx.msk [tilespmem:v3+s13+$0x0], $0xffff;
	_ =	sdelay $0x4  }
0xa8: {  	v4 =	vsub.f32 v4, v5;
	_ =	sdelay $0x1  }
0xa9: {  	v4 =	vadd.f32 v4, v1;
	_ =	sdelay $0x1  }
0xaa: {  	v32 =	vmul.f32 $2.000000030e-01, v4  }
0xab: {  	vm0 =	vge.f32 v4, $0.0e+00  }
0xac: {  	v4 =	vsel vm0, v4, v32  }
0xad: {  	v4 =	vmul.f32 $1.442695020e+00, v4;
	_ =	sdelay $0x1  }
0xae: {  	(erf) = vpow2.f32 v4;
	_ =	sdelay $0x3  }
0xaf: {  	v33 =	vld [tilespmem:$0x2720]  }
0xb0: {  	v34 =	vld [tilespmem:$0x27A0];
	_ =	sdelay $0x3  }
0xb1: {  	vm13 =	veq.s32 v2, v3;
	v6 =	vpop (erf)  }
0xb2: {  	v2 =	vsel vm13, $0x0, v6  }
0xb3: {  	[tilespmem:$0xAB10] =	vst v2  }
0xb4: {  	v2 =	vld.idx.msk [tilespmem:v33+s13+$0x0], $0xffff  }
0xb5: {  	v3 =	vld.idx.msk [tilespmem:v34+s13+$0x0], $0xffff;
	_ =	sdelay $0x4  }
0xb6: {  	v2 =	vsub.f32 v2, v3;
	_ =	sdelay $0x1  }
0xb7: {  	v2 =	vadd.f32 v2, v1;
	_ =	sdelay $0x1  }
0xb8: {  	v3 =	vmul.f32 $2.000000030e-01, v2  }
0xb9: {  	vm14 =	vge.f32 v2, $0.0e+00  }
0xba: {  	v2 =	vsel vm14, v2, v3  }
0xbb: {  	v2 =	vmul.f32 $1.442695020e+00, v2;
	_ =	sdelay $0x1  }
0xbc: {  	(erf) = vpow2.f32 v2;
	_ =	sdelay $0x3  }
0xbd: {  	v2 =	vld [tilespmem:$0x2730]  }
0xbe: {  	v3 =	vld [tilespmem:$0x27B0];
	_ =	sdelay $0x3  }
0xbf: {  	vm15 =	veq.s32 v33, v34;
	v35 =	vpop (erf)  }
0xc0: {  	v4 =	vsel vm15, $0x0, v35  }
0xc1: {  	[tilespmem:$0xAB20] =	vst v4  }
0xc2: {  	v4 =	vld.idx.msk [tilespmem:v2+s13+$0x0], $0xffff  }
0xc3: {  	v36 =	vld.idx.msk [tilespmem:v3+s13+$0x0], $0xffff;
	_ =	sdelay $0x4  }
0xc4: {  	v4 =	vsub.f32 v4, v36;
	_ =	sdelay $0x1  }
0xc5: {  	v4 =	vadd.f32 v4, v1;
	_ =	sdelay $0x1  }
0xc6: {  	v37 =	vmul.f32 $2.000000030e-01, v4  }
0xc7: {  	vm4 =	vge.f32 v4, $0.0e+00  }
0xc8: {  	v4 =	vsel vm4, v4, v37  }
0xc9: {  	v4 =	vmul.f32 $1.442695020e+00, v4;
	_ =	sdelay $0x1  }
0xca: {  	(erf) = vpow2.f32 v4;
	_ =	sdelay $0x3  }
0xcb: {  	v38 =	vld [tilespmem:$0x2740]  }
0xcc: {  	v39 =	vld [tilespmem:$0x27C0];
	_ =	sdelay $0x3  }
0xcd: {  	vm5 =	veq.s32 v2, v3;
	v40 =	vpop (erf)  }
0xce: {  	v2 =	vsel vm5, $0x0, v40  }
0xcf: {  	[tilespmem:$0xAB30] =	vst v2  }
0xd0: {  	v2 =	vld.idx.msk [tilespmem:v38+s13+$0x0], $0xffff  }
0xd1: {  	v3 =	vld.idx.msk [tilespmem:v39+s13+$0x0], $0xffff;
	_ =	sdelay $0x4  }
0xd2: {  	v2 =	vsub.f32 v2, v3;
	_ =	sdelay $0x1  }
0xd3: {  	v2 =	vadd.f32 v2, v1;
	_ =	sdelay $0x1  }
0xd4: {  	v3 =	vmul.f32 $2.000000030e-01, v2  }
0xd5: {  	vm6 =	vge.f32 v2, $0.0e+00  }
0xd6: {  	v2 =	vsel vm6, v2, v3  }
0xd7: {  	v2 =	vmul.f32 $1.442695020e+00, v2;
	_ =	sdelay $0x1  }
0xd8: {  	(erf) = vpow2.f32 v2;
	_ =	sdelay $0x3  }
0xd9: {  	v2 =	vld [tilespmem:$0x2750]  }
0xda: {  	v3 =	vld [tilespmem:$0x27D0];
	_ =	sdelay $0x3  }
0xdb: {  	vm7 =	veq.s32 v38, v39;
	v41 =	vpop (erf)  }
0xdc: {  	v4 =	vsel vm7, $0x0, v41  }
0xdd: {  	[tilespmem:$0xAB40] =	vst v4  }
0xde: {  	v4 =	vld.idx.msk [tilespmem:v2+s13+$0x0], $0xffff  }
0xdf: {  	v42 =	vld.idx.msk [tilespmem:v3+s13+$0x0], $0xffff;
	_ =	sdelay $0x4  }
0xe0: {  	v4 =	vsub.f32 v4, v42;
	_ =	sdelay $0x1  }
0xe1: {  	v4 =	vadd.f32 v4, v1;
	_ =	sdelay $0x1  }
0xe2: {  	v43 =	vmul.f32 $2.000000030e-01, v4  }
0xe3: {  	vm8 =	vge.f32 v4, $0.0e+00  }
0xe4: {  	v4 =	vsel vm8, v4, v43  }
0xe5: {  	v4 =	vmul.f32 $1.442695020e+00, v4;
	_ =	sdelay $0x1  }
0xe6: {  	(erf) = vpow2.f32 v4;
	_ =	sdelay $0x3  }
0xe7: {  	v44 =	vld [tilespmem:$0x2760]  }
0xe8: {  	v45 =	vld [tilespmem:$0x27E0];
	_ =	sdelay $0x3  }
0xe9: {  	vm9 =	veq.s32 v2, v3;
	v46 =	vpop (erf)  }
0xea: {  	v2 =	vsel vm9, $0x0, v46  }
0xeb: {  	[tilespmem:$0xAB50] =	vst v2  }
0xec: {  	v2 =	vld.idx.msk [tilespmem:v44+s13+$0x0], $0xffff  }
0xed: {  	v3 =	vld.idx.msk [tilespmem:v45+s13+$0x0], $0xffff;
	_ =	sdelay $0x4  }
0xee: {  	v2 =	vsub.f32 v2, v3;
	_ =	sdelay $0x1  }
0xef: {  	v2 =	vadd.f32 v2, v1;
	_ =	sdelay $0x1  }
0xf0: {  	v3 =	vmul.f32 $2.000000030e-01, v2  }
0xf1: {  	vm10 =	vge.f32 v2, $0.0e+00  }
0xf2: {  	v2 =	vsel vm10, v2, v3  }
0xf3: {  	v2 =	vmul.f32 $1.442695020e+00, v2;
	_ =	sdelay $0x1  }
0xf4: {  	(erf) = vpow2.f32 v2;
	_ =	sdelay $0x3  }
0xf5: {  	v2 =	vld [tilespmem:$0x2770]  }
0xf6: {  	v3 =	vld [tilespmem:$0x27F0];
	_ =	sdelay $0x3  }
0xf7: {  	vm11 =	veq.s32 v44, v45;
	v47 =	vpop (erf)  }
0xf8: {  	v4 =	vsel vm11, $0x0, v47  }
0xf9: {  	[tilespmem:$0xAB60] =	vst v4  }
0xfa: {  	v4 =	vld.idx.msk [tilespmem:v2+s13+$0x0], $0xffff  }
0xfb: {  	v48 =	vld.idx.msk [tilespmem:v3+s13+$0x0], $0xffff;
	_ =	sdelay $0x4  }
0xfc: {  	v4 =	vsub.f32 v4, v48;
	_ =	sdelay $0x1  }
0xfd: {  	v4 =	vadd.f32 v4, v1;
	_ =	sdelay $0x1  }
0xfe: {  	v49 =	vmul.f32 $2.000000030e-01, v4  }
0xff: {  	vm12 =	vge.f32 v4, $0.0e+00  }
0x100: {  	v4 =	vsel vm12, v4, v49  }
0x101: {  	v4 =	vmul.f32 $1.442695020e+00, v4;
	_ =	sdelay $0x1  }
0x102: {  	(erf) = vpow2.f32 v4;
	_ =	sdelay $0x3  }
0x103: {  	v50 =	vld [tilespmem:$0x2780]  }
0x104: {  	v51 =	vld [tilespmem:$0x2800];
	_ =	sdelay $0x3  }
0x105: {  	vm13 =	veq.s32 v2, v3;
	v52 =	vpop (erf)  }
0x106: {  	v2 =	vsel vm13, $0x0, v52  }
0x107: {  	[tilespmem:$0xAB70] =	vst v2  }
0x108: {  	v2 =	vld.idx.msk [tilespmem:v50+s13+$0x0], $0xffff  }
0x109: {  	v3 =	vld.idx.msk [tilespmem:v51+s13+$0x0], $0xffff;
	_ =	sdelay $0x4  }
0x10a: {  	v2 =	vsub.f32 v2, v3;
	_ =	sdelay $0x1  }
0x10b: {  	v2 =	vadd.f32 v2, v1;
	_ =	sdelay $0x1  }
0x10c: {  	v3 =	vmul.f32 $2.000000030e-01, v2  }
0x10d: {  	vm14 =	vge.f32 v2, $0.0e+00  }
0x10e: {  	v2 =	vsel vm14, v2, v3  }
0x10f: {  	v2 =	vmul.f32 $1.442695020e+00, v2;
	_ =	sdelay $0x1  }
0x110: {  	(erf) = vpow2.f32 v2;
	_ =	sdelay $0x6  }
0x111: {  	v2 =	vmov s13  }
0x112: {  	v2 =	vand.u32 $0xFFFFFFFC, v2  }
0x113: {  	vm15 =	veq.s32 v50, v51;
	v2 =	vbroadcast v2, $0x0;
	v3 =	vpop (erf)  }
0x114: {  	v3 =	vsel vm15, $0x0, v3  }
0x115: {  	[tilespmem:$0xAB80] =	vst v3  }
0x116: {  	_ =	swait.ge [sflag:s17], $0x2000  }
0x117: {  	[sflag:s17] =	ssyncset.done $0x0  }
0x118: {  	[sflag:s17] =	ssyncadd.s32 $0xFFFFE000  }
0x119: {  	v2 =	vld.idx.msk [tilespmem:v2+s18+$0x0], $0xffff;
	_ =	sdelay $0x3  }
0x11a: {  	s23 =	simm.s32 $0xAC30  }
0x11b: {  	s30 =	simm.s32 $0x2B90;
	[tilespmem:s23+$0xFFFFFFE0] =	vst v2  }
0x11c: {  	v3 =	vld [tilespmem:s30+$0xFFFFFFA0]  }
0x11d: {  	v53 =	vld [tilespmem:s30+$0xFFFFFFB0]  }
0x11e: {  	s14 =	simm.s32 $0x1;
	v54 =	vld [tilespmem:s30+$0xFFFFFF80]  }
0x11f: {  	v7 =	vmov s14;
	v55 =	vld [tilespmem:s30+$0xFFFFFF90]  }
0x120: {  	v7 =	vand.u32 $0xFFFFFFFD, v7  }
0x121: {  	v7 =	vbroadcast v7, $0x0;
	v3 =	vmul.f32 v3, v2  }
0x122: {  	v4 =	vmul.f32 v53, v2  }
0x123: {  	v5 =	vmul.f32 v54, v2;
	[tilespmem:s30+$0xFFFFFFA0] =	vst v3  }
0x124: {  	v2 =	vmul.f32 v55, v2;
	[tilespmem:s30+$0xFFFFFFB0] =	vst v4  }
0x125: {  	[tilespmem:s30+$0xFFFFFF80] =	vst v5  }
0x126: {  	[tilespmem:s30+$0xFFFFFF90] =	vst v2  }
0x127: {  	v2 =	vld.idx.msk [tilespmem:v7+s18+$0x0], $0xffff;
	_ =	sdelay $0x4  }
0x128: {  	[tilespmem:s23+$0xFFFFFFF0] =	vst v2  }
0x129: {  	v3 =	vld [tilespmem:s30+$0xFFFFFFF0]  }
0x12a: {  	v56 =	vld [tilespmem:s30+$0xFFFFFFC0]  }
0x12b: {  	s22 =	simm.s32 $0x2;
	v57 =	vld [tilespmem:s30+$0xFFFFFFE0]  }
0x12c: {  	v59 =	vmov s22;
	v58 =	vld [tilespmem:s30+$0xFFFFFFD0]  }
0x12d: {  	v7 =	vand.u32 $0xFFFFFFFE, v59  }
0x12e: {  	v7 =	vbroadcast v7, $0x0;
	v3 =	vmul.f32 v3, v2  }
0x12f: {  	v4 =	vmul.f32 v56, v2  }
0x130: {  	v5 =	vmul.f32 v57, v2;
	[tilespmem:s30+$0xFFFFFFF0] =	vst v3  }
0x131: {  	v2 =	vmul.f32 v58, v2;
	[tilespmem:s30+$0xFFFFFFC0] =	vst v4  }
0x132: {  	[tilespmem:s30+$0xFFFFFFE0] =	vst v5  }
0x133: {  	[tilespmem:s30+$0xFFFFFFD0] =	vst v2  }
0x134: {  	v2 =	vld.idx.msk [tilespmem:v7+s18+$0x0], $0xffff;
	_ =	sdelay $0x4  }
0x135: {  	[tilespmem:s23+$0x0] =	vst v2  }
0x136: {  	v3 =	vld [tilespmem:s30+$0x0]  }
0x137: {  	v60 =	vld [tilespmem:s30+$0x10]  }
0x138: {  	v61 =	vld [tilespmem:s30+$0x20]  }
0x139: {  	v62 =	vld [tilespmem:s30+$0x30];
	_ =	sdelay $0x1  }
0x13a: {  	s28 =	simm.s32 $0x3;
	v3 =	vmul.f32 v3, v2  }
0x13b: {  	v63 =	vmov s28;
	v4 =	vmul.f32 v60, v2  }
0x13c: {  	[tilespmem:s30+$0x0] =	vst v3;
	v3 =	vmul.f32 v61, v2  }
0x13d: {  	[tilespmem:s30+$0x10] =	vst v4;
	v2 =	vmul.f32 v62, v2  }
0x13e: {  	[tilespmem:s30+$0x20] =	vst v3  }
0x13f: {  	[tilespmem:s30+$0x30] =	vst v2  }
0x140: {  	s31 =	simm.s32 $0x2B90;
	s14 =	simm.s32 $0x4;
	s13 =	simm.s32 $0xAC30;
	v2 =	vld.idx.msk [tilespmem:v63+s18+$0x0], $0xffff  }
.LBB2_6:
0x141: {  	p3 =	slt.u32 s14, $0x7C;
	s30 =	sadd.s32 $0x100, s30;
	s23 =	sadd.s32 $0x40, s23  }
0x142: {  	s28 =	smov.u32 s14;
	s14 =	sadd.s32 $0x4, s14;
	_ =	sdelay $0x2  }
0x143: {  	[tilespmem:s13+$0x10] =	vst v2;
	s13 =	smov.u32 s23  }
0x144: {  	v3 =	vmov s28;
	v4 =	vld [tilespmem:s31+$0x70]  }
0x145: {  	v3 =	vand.u32 $0xFFFFFFFC, v3;
	v5 =	vld [tilespmem:s31+$0x40]  }
0x146: {  	v3 =	vbroadcast v3, $0x0;
	v6 =	vld [tilespmem:s31+$0x50]  }
0x147: {  	v7 =	vld [tilespmem:s31+$0x60];
	_ =	sdelay $0x1  }
0x148: {  	v4 =	vmul.f32 v4, v2  }
0x149: {  	v5 =	vmul.f32 v5, v2  }
0x14a: {  	v6 =	vmul.f32 v6, v2;
	[tilespmem:s31+$0x70] =	vst v4  }
0x14b: {  	[tilespmem:s31+$0x40] =	vst v5;
	v2 =	vmul.f32 v7, v2  }
0x14c: {  	[tilespmem:s31+$0x50] =	vst v6  }
0x14d: {  	[tilespmem:s31+$0x60] =	vst v2;
	s31 =	smov.u32 s30  }
0x14e: {  	v2 =	vld.idx.msk [tilespmem:v3+s18+$0x0], $0xffff;
	_ =	sdelay $0x5  }
0x14f: {  	[tilespmem:s23+$0xFFFFFFE0] =	vst v2  }
0x150: {  	v3 =	vld [tilespmem:s30+$0xFFFFFFA0]  }
0x151: {  	v4 =	vld [tilespmem:s30+$0xFFFFFFB0]  }
0x152: {  	s22 =	sadd.s32 $0x1, s28;
	v5 =	vld [tilespmem:s30+$0xFFFFFF80]  }
0x153: {  	v7 =	vmov s22;
	v6 =	vld [tilespmem:s30+$0xFFFFFF90]  }
0x154: {  	v7 =	vand.u32 $0xFFFFFFFD, v7  }
0x155: {  	v7 =	vbroadcast v7, $0x0;
	v3 =	vmul.f32 v3, v2  }
0x156: {  	v4 =	vmul.f32 v4, v2  }
0x157: {  	v5 =	vmul.f32 v5, v2;
	[tilespmem:s30+$0xFFFFFFA0] =	vst v3  }
0x158: {  	v2 =	vmul.f32 v6, v2;
	[tilespmem:s30+$0xFFFFFFB0] =	vst v4  }
0x159: {  	[tilespmem:s30+$0xFFFFFF80] =	vst v5  }
0x15a: {  	[tilespmem:s30+$0xFFFFFF90] =	vst v2  }
0x15b: {  	v2 =	vld.idx.msk [tilespmem:v7+s18+$0x0], $0xffff;
	_ =	sdelay $0x5  }
0x15c: {  	[tilespmem:s23+$0xFFFFFFF0] =	vst v2  }
0x15d: {  	v3 =	vld [tilespmem:s30+$0xFFFFFFF0]  }
0x15e: {  	v4 =	vld [tilespmem:s30+$0xFFFFFFC0]  }
0x15f: {  	s22 =	sadd.s32 $0x2, s28;
	v5 =	vld [tilespmem:s30+$0xFFFFFFE0]  }
0x160: {  	v7 =	vmov s22;
	v6 =	vld [tilespmem:s30+$0xFFFFFFD0]  }
0x161: {  	v7 =	vand.u32 $0xFFFFFFFE, v7  }
0x162: {  	v7 =	vbroadcast v7, $0x0;
	v3 =	vmul.f32 v3, v2  }
0x163: {  	v4 =	vmul.f32 v4, v2  }
0x164: {  	v5 =	vmul.f32 v5, v2;
	[tilespmem:s30+$0xFFFFFFF0] =	vst v3  }
0x165: {  	[tilespmem:s30+$0xFFFFFFC0] =	vst v4;
	v2 =	vmul.f32 v6, v2  }
0x166: {  	[tilespmem:s30+$0xFFFFFFE0] =	vst v5  }
0x167: {  	[tilespmem:s30+$0xFFFFFFD0] =	vst v2  }
0x168: {  	v2 =	vld.idx.msk [tilespmem:v7+s18+$0x0], $0xffff;
	_ =	sdelay $0x5  }
0x169: {  	[tilespmem:s23+$0x0] =	vst v2  }
0x16a: {  	v3 =	vld [tilespmem:s30+$0x0]  }
0x16b: {  	v4 =	vld [tilespmem:s30+$0x10]  }
0x16c: {  	v5 =	vld [tilespmem:s30+$0x20]  }
0x16d: {  	v6 =	vld [tilespmem:s30+$0x30];
	_ =	sdelay $0x1  }
0x16e: {  	s22 =	sadd.s32 $0x3, s28;
	v3 =	vmul.f32 v3, v2  }
0x16f: {  	v7 =	vmov s22;
	v4 =	vmul.f32 v4, v2  }
.Ltmp4:
0x170: {  	[tilespmem:s30+$0x0] =	vst v3;
	v3 =	vmul.f32 v5, v2;
	(pc) =	sbr.rel @p3 .LBB2_6-.Ltmp4, $4  }
0x171: {  	[tilespmem:s30+$0x10] =	vst v4;
	v2 =	vmul.f32 v6, v2  }
0x172: {  	[tilespmem:s30+$0x20] =	vst v3  }
0x173: {  	[tilespmem:s30+$0x30] =	vst v2  }
0x174: {  	v2 =	vld.idx.msk [tilespmem:v7+s18+$0x0], $0xffff  }
0x175: {  	_ =	sdelay $0x3  }
0x176: {  	[tilespmem:s13+$0x10] =	vst v2  }
0x177: {  	v3 =	vld [tilespmem:s31+$0x70]  }
0x178: {  	v4 =	vld [tilespmem:s31+$0x40]  }
0x179: {  	v5 =	vld [tilespmem:s31+$0x50]  }
0x17a: {  	v6 =	vld [tilespmem:s31+$0x60];
	_ =	sdelay $0x1  }
0x17b: {  	v3 =	vmul.f32 v3, v2  }
0x17c: {  	s13 =	sor.u32 $0x10, s19;
	v4 =	vmul.f32 v4, v2  }
0x17d: {  	p3 =	sgt.u32 s13, $0x4E1;
	v5 =	vmul.f32 v5, v2;
	[tilespmem:s31+$0x70] =	vst v3  }
0x17e: {  	p4 =	seq.s32 @!p3 s15, $0x0;
	v2 =	vmul.f32 v6, v2;
	[tilespmem:s31+$0x40] =	vst v4  }
0x17f: {  	p5 =	por p4, p3;
	[tilespmem:s31+$0x50] =	vst v5  }
0x180: {  	s14 =	simm.s32 @!p5 $0x4;
	[tilespmem:s31+$0x60] =	vst v2  }
0x181: {  	_ =	swait.ge @!p5 [sflag:s14], $0x2000  }
0x182: {  	[sflag:s14] =	ssyncset.done @!p5 $0x0  }
0x183: {  	p6 =	sne.s32 @!p5 s4, $0x0;
	[sflag:s14] =	ssyncadd.s32 @!p5 $0xFFFFE000  }
0x184: {  	p4 =	por @!p3 p6, p4;
	_ =	swait.ge @!p5 [sflag:s14], $0x2000  }
0x185: {  	p4 =	por p4, p3;
	[sflag:s14] =	ssyncset.done @!p5 $0x0  }
0x186: {  	[sflag:s14] =	ssyncadd.s32 @!p5 $0xFFFFE000;
	s14 =	simm.s32 @!p4 $0x4  }
0x187: {  	_ =	swait.ge @!p4 [sflag:s14], $0x800  }
0x188: {  	[sflag:s14] =	ssyncset.done @!p4 $0x0  }
0x189: {  	[sflag:s14] =	ssyncadd.s32 @!p4 $0xFFFFF800  }
0x18a: {  	_ =	swait.ge @!p4 [sflag:s14], $0x800  }
0x18b: {  	s13 =	sshll.u32 @!p3 s13, $0x6;
	s22 =	simm.s32 @!p3 $0x2910;
	[sflag:s14] =	ssyncset.done @!p4 $0x0  }
0x18c: {  	s13 =	sadd.s32 @!p3 s6, s13;
	[sflag:s14] =	ssyncadd.s32 @!p4 $0xFFFFF800;
	s14 =	simm.s32 @!p3 $0x0  }
0x18d: {  	[tilespmem:s22], [sflag:$0x5] =	stream.linear.gather @!p3 [hbm4b:s13+s14], $0x200, $0x38;
	[tilespmem:$0x18F70] =	vst v63  }
0x18e: {  	s13 =	simm.s32 @!p3 $0x5  }
0x18f: {  	_ =	swait.ge @!p3 [sflag:s13], $0x200  }
0x190: {  	[sflag:s13] =	ssyncset.done @!p3 $0x0  }
0x191: {  	s14 =	simm.s32 @!p3 $0x6B10;
	[sflag:s13] =	ssyncadd.s32 @!p3 $0xFFFFFE00;
	s13 =	simm.s32 @!p3 $0x80  }
0x192: {  	[tilespmem:s14], [sflag:$0x2] =	stream.indirect.gather @!p3 [hbm4b:s10+s13], $0x40, s22, s13, $0xb8;
	[tilespmem:$0x18F70] =	vst v63  }
0x193: {  	s14 =	simm.s32 @!p3 $0x2A10;
	s22 =	simm.s32 @!p3 $0x8B10  }
0x194: {  	[tilespmem:s22], [sflag:$0x2] =	stream.indirect.gather @!p3 [hbm4b:s10+s13], $0x40, s14, s13, $0xb8;
	[tilespmem:$0x18F70] =	vst v63  }
0x195: {  	v2 =	vld [tilespmem:$0x2810]  }
0x196: {  	v3 =	vld [tilespmem:$0x2890];
	_ =	sdelay $0x6  }
0x197: {  	v29 =	vld.idx.msk [tilespmem:v2+s5+$0x0], $0xffff  }
0x198: {  	v30 =	vld.idx.msk [tilespmem:v3+s5+$0x0], $0xffff;
	_ =	sdelay $0x4  }
0x199: {  	v4 =	vsub.f32 v29, v30;
	_ =	sdelay $0x1  }
0x19a: {  	v4 =	vadd.f32 v4, v1;
	_ =	sdelay $0x1  }
0x19b: {  	v31 =	vmul.f32 $2.000000030e-01, v4  }
0x19c: {  	vm0 =	vge.f32 v4, $0.0e+00  }
0x19d: {  	v4 =	vsel vm0, v4, v31  }
0x19e: {  	v4 =	vmul.f32 $1.442695020e+00, v4;
	_ =	sdelay $0x1  }
0x19f: {  	(erf) = vpow2.f32 v4;
	_ =	sdelay $0x3  }
0x1a0: {  	v32 =	vld [tilespmem:$0x2820]  }
0x1a1: {  	v33 =	vld [tilespmem:$0x28A0];
	_ =	sdelay $0x3  }
0x1a2: {  	vm13 =	veq.s32 v2, v3;
	v34 =	vpop (erf)  }
0x1a3: {  	v2 =	vsel vm13, $0x0, v34  }
0x1a4: {  	[tilespmem:$0xAB90] =	vst v2  }
0x1a5: {  	v2 =	vld.idx.msk [tilespmem:v32+s5+$0x0], $0xffff  }
0x1a6: {  	v3 =	vld.idx.msk [tilespmem:v33+s5+$0x0], $0xffff;
	_ =	sdelay $0x4  }
0x1a7: {  	v2 =	vsub.f32 v2, v3;
	_ =	sdelay $0x1  }
0x1a8: {  	v2 =	vadd.f32 v2, v1;
	_ =	sdelay $0x1  }
0x1a9: {  	v3 =	vmul.f32 $2.000000030e-01, v2  }
0x1aa: {  	vm14 =	vge.f32 v2, $0.0e+00  }
0x1ab: {  	v2 =	vsel vm14, v2, v3  }
0x1ac: {  	v2 =	vmul.f32 $1.442695020e+00, v2;
	_ =	sdelay $0x1  }
0x1ad: {  	(erf) = vpow2.f32 v2;
	_ =	sdelay $0x3  }
0x1ae: {  	v2 =	vld [tilespmem:$0x2830]  }
0x1af: {  	v3 =	vld [tilespmem:$0x28B0];
	_ =	sdelay $0x3  }
0x1b0: {  	vm15 =	veq.s32 v32, v33;
	v35 =	vpop (erf)  }
0x1b1: {  	v4 =	vsel vm15, $0x0, v35  }
0x1b2: {  	[tilespmem:$0xABA0] =	vst v4  }
0x1b3: {  	v4 =	vld.idx.msk [tilespmem:v2+s5+$0x0], $0xffff  }
0x1b4: {  	v36 =	vld.idx.msk [tilespmem:v3+s5+$0x0], $0xffff;
	_ =	sdelay $0x4  }
0x1b5: {  	v4 =	vsub.f32 v4, v36;
	_ =	sdelay $0x1  }
0x1b6: {  	v4 =	vadd.f32 v4, v1;
	_ =	sdelay $0x1  }
0x1b7: {  	v37 =	vmul.f32 $2.000000030e-01, v4  }
0x1b8: {  	vm4 =	vge.f32 v4, $0.0e+00  }
0x1b9: {  	v4 =	vsel vm4, v4, v37  }
0x1ba: {  	v4 =	vmul.f32 $1.442695020e+00, v4;
	_ =	sdelay $0x1  }
0x1bb: {  	(erf) = vpow2.f32 v4;
	_ =	sdelay $0x3  }
0x1bc: {  	v38 =	vld [tilespmem:$0x2840]  }
0x1bd: {  	v39 =	vld [tilespmem:$0x28C0];
	_ =	sdelay $0x3  }
0x1be: {  	vm5 =	veq.s32 v2, v3;
	v40 =	vpop (erf)  }
0x1bf: {  	v2 =	vsel vm5, $0x0, v40  }
0x1c0: {  	[tilespmem:$0xABB0] =	vst v2  }
0x1c1: {  	v2 =	vld.idx.msk [tilespmem:v38+s5+$0x0], $0xffff  }
0x1c2: {  	v3 =	vld.idx.msk [tilespmem:v39+s5+$0x0], $0xffff;
	_ =	sdelay $0x4  }
0x1c3: {  	v2 =	vsub.f32 v2, v3;
	_ =	sdelay $0x1  }
0x1c4: {  	v2 =	vadd.f32 v2, v1;
	_ =	sdelay $0x1  }
0x1c5: {  	v3 =	vmul.f32 $2.000000030e-01, v2  }
0x1c6: {  	vm6 =	vge.f32 v2, $0.0e+00  }
0x1c7: {  	v2 =	vsel vm6, v2, v3  }
0x1c8: {  	v2 =	vmul.f32 $1.442695020e+00, v2;
	_ =	sdelay $0x1  }
0x1c9: {  	(erf) = vpow2.f32 v2;
	_ =	sdelay $0x3  }
0x1ca: {  	v2 =	vld [tilespmem:$0x2850]  }
0x1cb: {  	v3 =	vld [tilespmem:$0x28D0];
	_ =	sdelay $0x3  }
0x1cc: {  	vm7 =	veq.s32 v38, v39;
	v41 =	vpop (erf)  }
0x1cd: {  	v4 =	vsel vm7, $0x0, v41  }
0x1ce: {  	[tilespmem:$0xABC0] =	vst v4  }
0x1cf: {  	v4 =	vld.idx.msk [tilespmem:v2+s5+$0x0], $0xffff  }
0x1d0: {  	v42 =	vld.idx.msk [tilespmem:v3+s5+$0x0], $0xffff;
	_ =	sdelay $0x4  }
0x1d1: {  	v4 =	vsub.f32 v4, v42;
	_ =	sdelay $0x1  }
0x1d2: {  	v4 =	vadd.f32 v4, v1;
	_ =	sdelay $0x1  }
0x1d3: {  	v43 =	vmul.f32 $2.000000030e-01, v4  }
0x1d4: {  	vm8 =	vge.f32 v4, $0.0e+00  }
0x1d5: {  	v4 =	vsel vm8, v4, v43  }
0x1d6: {  	v4 =	vmul.f32 $1.442695020e+00, v4;
	_ =	sdelay $0x1  }
0x1d7: {  	(erf) = vpow2.f32 v4;
	_ =	sdelay $0x3  }
0x1d8: {  	v44 =	vld [tilespmem:$0x2860]  }
0x1d9: {  	v45 =	vld [tilespmem:$0x28E0];
	_ =	sdelay $0x3  }
0x1da: {  	vm9 =	veq.s32 v2, v3;
	v46 =	vpop (erf)  }
0x1db: {  	v2 =	vsel vm9, $0x0, v46  }
0x1dc: {  	[tilespmem:$0xABD0] =	vst v2  }
0x1dd: {  	v2 =	vld.idx.msk [tilespmem:v44+s5+$0x0], $0xffff  }
0x1de: {  	v3 =	vld.idx.msk [tilespmem:v45+s5+$0x0], $0xffff;
	_ =	sdelay $0x4  }
0x1df: {  	v2 =	vsub.f32 v2, v3;
	_ =	sdelay $0x1  }
0x1e0: {  	v2 =	vadd.f32 v2, v1;
	_ =	sdelay $0x1  }
0x1e1: {  	v3 =	vmul.f32 $2.000000030e-01, v2  }
0x1e2: {  	vm10 =	vge.f32 v2, $0.0e+00  }
0x1e3: {  	v2 =	vsel vm10, v2, v3  }
0x1e4: {  	v2 =	vmul.f32 $1.442695020e+00, v2;
	_ =	sdelay $0x1  }
0x1e5: {  	(erf) = vpow2.f32 v2;
	_ =	sdelay $0x3  }
0x1e6: {  	v2 =	vld [tilespmem:$0x2870]  }
0x1e7: {  	v3 =	vld [tilespmem:$0x28F0];
	_ =	sdelay $0x3  }
0x1e8: {  	vm11 =	veq.s32 v44, v45;
	v47 =	vpop (erf)  }
0x1e9: {  	v4 =	vsel vm11, $0x0, v47  }
0x1ea: {  	[tilespmem:$0xABE0] =	vst v4  }
0x1eb: {  	v4 =	vld.idx.msk [tilespmem:v2+s5+$0x0], $0xffff  }
0x1ec: {  	v48 =	vld.idx.msk [tilespmem:v3+s5+$0x0], $0xffff;
	_ =	sdelay $0x4  }
0x1ed: {  	v4 =	vsub.f32 v4, v48;
	_ =	sdelay $0x1  }
0x1ee: {  	v4 =	vadd.f32 v4, v1;
	_ =	sdelay $0x1  }
0x1ef: {  	v49 =	vmul.f32 $2.000000030e-01, v4  }
0x1f0: {  	vm12 =	vge.f32 v4, $0.0e+00  }
0x1f1: {  	v4 =	vsel vm12, v4, v49  }
0x1f2: {  	v4 =	vmul.f32 $1.442695020e+00, v4;
	_ =	sdelay $0x1  }
0x1f3: {  	(erf) = vpow2.f32 v4;
	_ =	sdelay $0x3  }
0x1f4: {  	v50 =	vld [tilespmem:$0x2880]  }
0x1f5: {  	v51 =	vld [tilespmem:$0x2900];
	_ =	sdelay $0x3  }
0x1f6: {  	vm13 =	veq.s32 v2, v3;
	v52 =	vpop (erf)  }
0x1f7: {  	v2 =	vsel vm13, $0x0, v52  }
0x1f8: {  	[tilespmem:$0xABF0] =	vst v2  }
0x1f9: {  	v2 =	vld.idx.msk [tilespmem:v50+s5+$0x0], $0xffff  }
0x1fa: {  	v3 =	vld.idx.msk [tilespmem:v51+s5+$0x0], $0xffff;
	_ =	sdelay $0x4  }
0x1fb: {  	v2 =	vsub.f32 v2, v3;
	_ =	sdelay $0x1  }
0x1fc: {  	v2 =	vadd.f32 v2, v1;
	_ =	sdelay $0x1  }
0x1fd: {  	v3 =	vmul.f32 $2.000000030e-01, v2  }
0x1fe: {  	vm14 =	vge.f32 v2, $0.0e+00  }
0x1ff: {  	v2 =	vsel vm14, v2, v3  }
0x200: {  	v2 =	vmul.f32 $1.442695020e+00, v2;
	_ =	sdelay $0x1  }
0x201: {  	(erf) = vpow2.f32 v2;
	_ =	sdelay $0x5  }
0x202: {  	s28 =	simm.s32 $0x80  }
0x203: {  	v2 =	vmov s28  }
0x204: {  	v2 =	vand.u32 $0xFFFFFFFC, v2  }
0x205: {  	vm15 =	veq.s32 v50, v51;
	v2 =	vbroadcast v2, $0x0;
	v3 =	vpop (erf)  }
0x206: {  	v3 =	vsel vm15, $0x0, v3  }
0x207: {  	[tilespmem:$0xAC00] =	vst v3  }
0x208: {  	_ =	swait.ge [sflag:s17], $0x2000  }
0x209: {  	[sflag:s17] =	ssyncset.done $0x0  }
0x20a: {  	[sflag:s17] =	ssyncadd.s32 $0xFFFFE000  }
0x20b: {  	v2 =	vld.idx.msk [tilespmem:v2+s18+$0x0], $0xffff;
	_ =	sdelay $0x3  }
0x20c: {  	s23 =	simm.s32 $0xB440  }
0x20d: {  	s30 =	simm.s32 $0x4C00;
	[tilespmem:s23+$0xFFFFFFD0] =	vst v2  }
0x20e: {  	v3 =	vld [tilespmem:s30+$0xFFFFFF30]  }
0x20f: {  	v53 =	vld [tilespmem:s30+$0xFFFFFF40]  }
0x210: {  	s14 =	simm.s32 $0x81;
	v54 =	vld [tilespmem:s30+$0xFFFFFF10]  }
0x211: {  	v7 =	vmov s14;
	v55 =	vld [tilespmem:s30+$0xFFFFFF20]  }
0x212: {  	v7 =	vand.u32 $0xFFFFFFFD, v7  }
0x213: {  	v7 =	vbroadcast v7, $0x0;
	v3 =	vmul.f32 v3, v2  }
0x214: {  	v4 =	vmul.f32 v53, v2  }
0x215: {  	v5 =	vmul.f32 v54, v2;
	[tilespmem:s30+$0xFFFFFF30] =	vst v3  }
0x216: {  	v2 =	vmul.f32 v55, v2;
	[tilespmem:s30+$0xFFFFFF40] =	vst v4  }
0x217: {  	[tilespmem:s30+$0xFFFFFF10] =	vst v5  }
0x218: {  	[tilespmem:s30+$0xFFFFFF20] =	vst v2  }
0x219: {  	v2 =	vld.idx.msk [tilespmem:v7+s18+$0x0], $0xffff;
	_ =	sdelay $0x4  }
0x21a: {  	[tilespmem:s23+$0xFFFFFFE0] =	vst v2  }
0x21b: {  	v3 =	vld [tilespmem:s30+$0xFFFFFF80]  }
0x21c: {  	v56 =	vld [tilespmem:s30+$0xFFFFFF50]  }
0x21d: {  	s22 =	simm.s32 $0x82;
	v57 =	vld [tilespmem:s30+$0xFFFFFF70]  }
0x21e: {  	v59 =	vmov s22;
	v58 =	vld [tilespmem:s30+$0xFFFFFF60]  }
0x21f: {  	v7 =	vand.u32 $0xFFFFFFFE, v59  }
0x220: {  	v7 =	vbroadcast v7, $0x0;
	v3 =	vmul.f32 v3, v2  }
0x221: {  	v4 =	vmul.f32 v56, v2  }
0x222: {  	v5 =	vmul.f32 v57, v2;
	[tilespmem:s30+$0xFFFFFF80] =	vst v3  }
0x223: {  	v2 =	vmul.f32 v58, v2;
	[tilespmem:s30+$0xFFFFFF50] =	vst v4  }
0x224: {  	[tilespmem:s30+$0xFFFFFF70] =	vst v5  }
0x225: {  	[tilespmem:s30+$0xFFFFFF60] =	vst v2  }
0x226: {  	v2 =	vld.idx.msk [tilespmem:v7+s18+$0x0], $0xffff;
	_ =	sdelay $0x4  }
0x227: {  	[tilespmem:s23+$0xFFFFFFF0] =	vst v2  }
0x228: {  	v3 =	vld [tilespmem:s30+$0xFFFFFF90]  }
0x229: {  	v60 =	vld [tilespmem:s30+$0xFFFFFFA0]  }
0x22a: {  	v61 =	vld [tilespmem:s30+$0xFFFFFFB0]  }
0x22b: {  	v62 =	vld [tilespmem:s30+$0xFFFFFFC0];
	_ =	sdelay $0x1  }
0x22c: {  	s28 =	simm.s32 $0x83;
	v3 =	vmul.f32 v3, v2  }
0x22d: {  	v63 =	vmov s28;
	v4 =	vmul.f32 v60, v2  }
0x22e: {  	[tilespmem:s30+$0xFFFFFF90] =	vst v3;
	v3 =	vmul.f32 v61, v2  }
0x22f: {  	[tilespmem:s30+$0xFFFFFFA0] =	vst v4;
	v2 =	vmul.f32 v62, v2  }
0x230: {  	[tilespmem:s30+$0xFFFFFFB0] =	vst v3  }
0x231: {  	[tilespmem:s30+$0xFFFFFFC0] =	vst v2  }
0x232: {  	s31 =	simm.s32 $0x4C00;
	s13 =	simm.s32 $0xB440;
	s14 =	simm.s32 $0x0;
	v2 =	vld.idx.msk [tilespmem:v63+s18+$0x0], $0xffff  }
.LBB2_8:
0x233: {  	s30 =	sadd.s32 $0x100, s30  }
0x234: {  	s23 =	sadd.s32 $0x40, s23;
	s28 =	smov.u32 s14;
	s14 =	sadd.s32 $0x4, s14  }
0x235: {  	p3 =	slt.u32 s14, $0x7C;
	_ =	sdelay $0x2  }
0x236: {  	s22 =	sadd.s32 $0x84, s28;
	[tilespmem:s13+$0x0] =	vst v2;
	s13 =	smov.u32 s23  }
0x237: {  	v3 =	vmov s22;
	v4 =	vld [tilespmem:s31+$0x0]  }
0x238: {  	v3 =	vand.u32 $0xFFFFFFFC, v3;
	v5 =	vld [tilespmem:s31+$0xFFFFFFD0]  }
0x239: {  	v3 =	vbroadcast v3, $0x0;
	v6 =	vld [tilespmem:s31+$0xFFFFFFE0]  }
0x23a: {  	v7 =	vld [tilespmem:s31+$0xFFFFFFF0];
	_ =	sdelay $0x1  }
0x23b: {  	v4 =	vmul.f32 v4, v2  }
0x23c: {  	v5 =	vmul.f32 v5, v2  }
0x23d: {  	v6 =	vmul.f32 v6, v2;
	[tilespmem:s31+$0x0] =	vst v4  }
0x23e: {  	[tilespmem:s31+$0xFFFFFFD0] =	vst v5;
	v2 =	vmul.f32 v7, v2  }
0x23f: {  	[tilespmem:s31+$0xFFFFFFE0] =	vst v6  }
0x240: {  	[tilespmem:s31+$0xFFFFFFF0] =	vst v2;
	s31 =	smov.u32 s30  }
0x241: {  	v2 =	vld.idx.msk [tilespmem:v3+s18+$0x0], $0xffff;
	_ =	sdelay $0x5  }
0x242: {  	[tilespmem:s23+$0xFFFFFFD0] =	vst v2  }
0x243: {  	v3 =	vld [tilespmem:s30+$0xFFFFFF30]  }
0x244: {  	v4 =	vld [tilespmem:s30+$0xFFFFFF40]  }
0x245: {  	s22 =	sadd.s32 $0x85, s28;
	v5 =	vld [tilespmem:s30+$0xFFFFFF10]  }
0x246: {  	v7 =	vmov s22;
	v6 =	vld [tilespmem:s30+$0xFFFFFF20]  }
0x247: {  	v7 =	vand.u32 $0xFFFFFFFD, v7  }
0x248: {  	v7 =	vbroadcast v7, $0x0;
	v3 =	vmul.f32 v3, v2  }
0x249: {  	v4 =	vmul.f32 v4, v2  }
0x24a: {  	v5 =	vmul.f32 v5, v2;
	[tilespmem:s30+$0xFFFFFF30] =	vst v3  }
0x24b: {  	v2 =	vmul.f32 v6, v2;
	[tilespmem:s30+$0xFFFFFF40] =	vst v4  }
0x24c: {  	[tilespmem:s30+$0xFFFFFF10] =	vst v5  }
0x24d: {  	[tilespmem:s30+$0xFFFFFF20] =	vst v2  }
0x24e: {  	v2 =	vld.idx.msk [tilespmem:v7+s18+$0x0], $0xffff;
	_ =	sdelay $0x5  }
0x24f: {  	[tilespmem:s23+$0xFFFFFFE0] =	vst v2  }
0x250: {  	v3 =	vld [tilespmem:s30+$0xFFFFFF80]  }
0x251: {  	v4 =	vld [tilespmem:s30+$0xFFFFFF50]  }
0x252: {  	s22 =	sadd.s32 $0x86, s28;
	v5 =	vld [tilespmem:s30+$0xFFFFFF70]  }
0x253: {  	v7 =	vmov s22;
	v6 =	vld [tilespmem:s30+$0xFFFFFF60]  }
0x254: {  	v7 =	vand.u32 $0xFFFFFFFE, v7  }
0x255: {  	v7 =	vbroadcast v7, $0x0;
	v3 =	vmul.f32 v3, v2  }
0x256: {  	v4 =	vmul.f32 v4, v2  }
0x257: {  	v5 =	vmul.f32 v5, v2;
	[tilespmem:s30+$0xFFFFFF80] =	vst v3  }
0x258: {  	[tilespmem:s30+$0xFFFFFF50] =	vst v4;
	v2 =	vmul.f32 v6, v2  }
0x259: {  	[tilespmem:s30+$0xFFFFFF70] =	vst v5  }
0x25a: {  	[tilespmem:s30+$0xFFFFFF60] =	vst v2  }
0x25b: {  	v2 =	vld.idx.msk [tilespmem:v7+s18+$0x0], $0xffff;
	_ =	sdelay $0x5  }
0x25c: {  	[tilespmem:s23+$0xFFFFFFF0] =	vst v2  }
0x25d: {  	v3 =	vld [tilespmem:s30+$0xFFFFFF90]  }
0x25e: {  	v4 =	vld [tilespmem:s30+$0xFFFFFFA0]  }
0x25f: {  	v5 =	vld [tilespmem:s30+$0xFFFFFFB0]  }
0x260: {  	v6 =	vld [tilespmem:s30+$0xFFFFFFC0];
	_ =	sdelay $0x1  }
0x261: {  	s22 =	sadd.s32 $0x87, s28;
	v3 =	vmul.f32 v3, v2  }
0x262: {  	v7 =	vmov s22;
	v4 =	vmul.f32 v4, v2  }
.Ltmp5:
0x263: {  	[tilespmem:s30+$0xFFFFFF90] =	vst v3;
	v3 =	vmul.f32 v5, v2;
	(pc) =	sbr.rel @p3 .LBB2_8-.Ltmp5, $4  }
0x264: {  	[tilespmem:s30+$0xFFFFFFA0] =	vst v4;
	v2 =	vmul.f32 v6, v2  }
0x265: {  	[tilespmem:s30+$0xFFFFFFB0] =	vst v3  }
0x266: {  	[tilespmem:s30+$0xFFFFFFC0] =	vst v2  }
0x267: {  	v2 =	vld.idx.msk [tilespmem:v7+s18+$0x0], $0xffff  }
0x268: {  	_ =	sdelay $0x3  }
0x269: {  	[tilespmem:s13+$0x0] =	vst v2  }
0x26a: {  	v3 =	vld [tilespmem:s31+$0x0]  }
0x26b: {  	v4 =	vld [tilespmem:s31+$0xFFFFFFD0]  }
0x26c: {  	v5 =	vld [tilespmem:s31+$0xFFFFFFE0]  }
0x26d: {  	v6 =	vld [tilespmem:s31+$0xFFFFFFF0];
	_ =	sdelay $0x1  }
0x26e: {  	v3 =	vmul.f32 v3, v2  }
0x26f: {  	v4 =	vmul.f32 v4, v2  }
0x270: {  	v5 =	vmul.f32 v5, v2;
	[tilespmem:s31+$0x0] =	vst v3  }
0x271: {  	v2 =	vmul.f32 v6, v2;
	[tilespmem:s31+$0xFFFFFFD0] =	vst v4  }
0x272: {  	[tilespmem:s31+$0xFFFFFFE0] =	vst v5  }
0x273: {  	[tilespmem:s31+$0xFFFFFFF0] =	vst v2  }
0x274: {  	[spmem:s1] =	stream.indirect.scatter.add.f32 [tilespmem:s7], [sflag:$0x3], $0x40, s20, s12, $0xb8;
	[tilespmem:$0x18F70] =	vst v63  }
0x275: {  	p3 =	sgt.u32 s19, $0x4D1  }
0x276: {  	[spmem:s1] =	stream.indirect.scatter.add.f32 [tilespmem:s16], [sflag:$0x3], $0x40, s21, s12, $0xb8;
	[tilespmem:$0x18F70] =	vst v63  }
.Ltmp6:
0x277: {  	_ = 	snop;
	(pc) =	sbr.rel @p3 .LBB2_15-.Ltmp6, $4  }
0x278: {  	s14 =	simm.s32 @!p1 $0x2790;
	s22 =	simm.s32 @!p1 $0xAC10;
	s13 =	simm.s32 @!p1 $0x80  }
0x279: {  	[spmem:s2] =	stream.indirect.scatter.add.f32 @!p1 [tilespmem:s22], [sflag:$0x3], $0x10, s14, s13, $0xb8;
	[tilespmem:$0x18F70] =	vst v63  }
0x27a: {  	s14 =	simm.s32 @!p1 $0x2890;
	s22 =	simm.s32 @!p1 $0xB410  }
0x27b: {  	[spmem:s2] =	stream.indirect.scatter.add.f32 @!p1 [tilespmem:s22], [sflag:$0x3], $0x10, s14, s13, $0xb8;
	[tilespmem:$0x18F70] =	vst v63  }
0x27c: {  	v2 =	vld [tilespmem:$0x2910]  }
0x27d: {  	v3 =	vld [tilespmem:$0x2990];
	_ =	sdelay $0x5  }
0x27e: {  	s13 =	simm.s32 $0x0  }
0x27f: {  	v4 =	vld.idx.msk [tilespmem:v2+s13+$0x0], $0xffff  }
0x280: {  	v5 =	vld.idx.msk [tilespmem:v3+s13+$0x0], $0xffff;
	_ =	sdelay $0x4  }
0x281: {  	v4 =	vsub.f32 v4, v5;
	_ =	sdelay $0x1  }
0x282: {  	v4 =	vadd.f32 v4, v1;
	_ =	sdelay $0x1  }
0x283: {  	v32 =	vmul.f32 $2.000000030e-01, v4  }
0x284: {  	vm0 =	vge.f32 v4, $0.0e+00  }
0x285: {  	v4 =	vsel vm0, v4, v32  }
0x286: {  	v4 =	vmul.f32 $1.442695020e+00, v4;
	_ =	sdelay $0x1  }
0x287: {  	(erf) = vpow2.f32 v4;
	_ =	sdelay $0x3  }
0x288: {  	v33 =	vld [tilespmem:$0x2920]  }
0x289: {  	v34 =	vld [tilespmem:$0x29A0];
	_ =	sdelay $0x3  }
0x28a: {  	vm13 =	veq.s32 v2, v3;
	v6 =	vpop (erf)  }
0x28b: {  	v2 =	vsel vm13, $0x0, v6  }
0x28c: {  	[tilespmem:$0xAB10] =	vst v2  }
0x28d: {  	v2 =	vld.idx.msk [tilespmem:v33+s13+$0x0], $0xffff  }
0x28e: {  	v3 =	vld.idx.msk [tilespmem:v34+s13+$0x0], $0xffff;
	_ =	sdelay $0x4  }
0x28f: {  	v2 =	vsub.f32 v2, v3;
	_ =	sdelay $0x1  }
0x290: {  	v2 =	vadd.f32 v2, v1;
	_ =	sdelay $0x1  }
0x291: {  	v3 =	vmul.f32 $2.000000030e-01, v2  }
0x292: {  	vm14 =	vge.f32 v2, $0.0e+00  }
0x293: {  	v2 =	vsel vm14, v2, v3  }
0x294: {  	v2 =	vmul.f32 $1.442695020e+00, v2;
	_ =	sdelay $0x1  }
0x295: {  	(erf) = vpow2.f32 v2;
	_ =	sdelay $0x3  }
0x296: {  	v2 =	vld [tilespmem:$0x2930]  }
0x297: {  	v3 =	vld [tilespmem:$0x29B0];
	_ =	sdelay $0x3  }
0x298: {  	vm15 =	veq.s32 v33, v34;
	v35 =	vpop (erf)  }
0x299: {  	v4 =	vsel vm15, $0x0, v35  }
0x29a: {  	[tilespmem:$0xAB20] =	vst v4  }
0x29b: {  	v4 =	vld.idx.msk [tilespmem:v2+s13+$0x0], $0xffff  }
0x29c: {  	v36 =	vld.idx.msk [tilespmem:v3+s13+$0x0], $0xffff;
	_ =	sdelay $0x4  }
0x29d: {  	v4 =	vsub.f32 v4, v36;
	_ =	sdelay $0x1  }
0x29e: {  	v4 =	vadd.f32 v4, v1;
	_ =	sdelay $0x1  }
0x29f: {  	v37 =	vmul.f32 $2.000000030e-01, v4  }
0x2a0: {  	vm4 =	vge.f32 v4, $0.0e+00  }
0x2a1: {  	v4 =	vsel vm4, v4, v37  }
0x2a2: {  	v4 =	vmul.f32 $1.442695020e+00, v4;
	_ =	sdelay $0x1  }
0x2a3: {  	(erf) = vpow2.f32 v4;
	_ =	sdelay $0x3  }
0x2a4: {  	v38 =	vld [tilespmem:$0x2940]  }
0x2a5: {  	v39 =	vld [tilespmem:$0x29C0];
	_ =	sdelay $0x3  }
0x2a6: {  	vm5 =	veq.s32 v2, v3;
	v40 =	vpop (erf)  }
0x2a7: {  	v2 =	vsel vm5, $0x0, v40  }
0x2a8: {  	[tilespmem:$0xAB30] =	vst v2  }
0x2a9: {  	v2 =	vld.idx.msk [tilespmem:v38+s13+$0x0], $0xffff  }
0x2aa: {  	v3 =	vld.idx.msk [tilespmem:v39+s13+$0x0], $0xffff;
	_ =	sdelay $0x4  }
0x2ab: {  	v2 =	vsub.f32 v2, v3;
	_ =	sdelay $0x1  }
0x2ac: {  	v2 =	vadd.f32 v2, v1;
	_ =	sdelay $0x1  }
0x2ad: {  	v3 =	vmul.f32 $2.000000030e-01, v2  }
0x2ae: {  	vm6 =	vge.f32 v2, $0.0e+00  }
0x2af: {  	v2 =	vsel vm6, v2, v3  }
0x2b0: {  	v2 =	vmul.f32 $1.442695020e+00, v2;
	_ =	sdelay $0x1  }
0x2b1: {  	(erf) = vpow2.f32 v2;
	_ =	sdelay $0x3  }
0x2b2: {  	v2 =	vld [tilespmem:$0x2950]  }
0x2b3: {  	v3 =	vld [tilespmem:$0x29D0];
	_ =	sdelay $0x3  }
0x2b4: {  	vm7 =	veq.s32 v38, v39;
	v41 =	vpop (erf)  }
0x2b5: {  	v4 =	vsel vm7, $0x0, v41  }
0x2b6: {  	[tilespmem:$0xAB40] =	vst v4  }
0x2b7: {  	v4 =	vld.idx.msk [tilespmem:v2+s13+$0x0], $0xffff  }
0x2b8: {  	v42 =	vld.idx.msk [tilespmem:v3+s13+$0x0], $0xffff;
	_ =	sdelay $0x4  }
0x2b9: {  	v4 =	vsub.f32 v4, v42;
	_ =	sdelay $0x1  }
0x2ba: {  	v4 =	vadd.f32 v4, v1;
	_ =	sdelay $0x1  }
0x2bb: {  	v43 =	vmul.f32 $2.000000030e-01, v4  }
0x2bc: {  	vm8 =	vge.f32 v4, $0.0e+00  }
0x2bd: {  	v4 =	vsel vm8, v4, v43  }
0x2be: {  	v4 =	vmul.f32 $1.442695020e+00, v4;
	_ =	sdelay $0x1  }
0x2bf: {  	(erf) = vpow2.f32 v4;
	_ =	sdelay $0x3  }
0x2c0: {  	v44 =	vld [tilespmem:$0x2960]  }
0x2c1: {  	v45 =	vld [tilespmem:$0x29E0];
	_ =	sdelay $0x3  }
0x2c2: {  	vm9 =	veq.s32 v2, v3;
	v46 =	vpop (erf)  }
0x2c3: {  	v2 =	vsel vm9, $0x0, v46  }
0x2c4: {  	[tilespmem:$0xAB50] =	vst v2  }
0x2c5: {  	v2 =	vld.idx.msk [tilespmem:v44+s13+$0x0], $0xffff  }
0x2c6: {  	v3 =	vld.idx.msk [tilespmem:v45+s13+$0x0], $0xffff;
	_ =	sdelay $0x4  }
0x2c7: {  	v2 =	vsub.f32 v2, v3;
	_ =	sdelay $0x1  }
0x2c8: {  	v2 =	vadd.f32 v2, v1;
	_ =	sdelay $0x1  }
0x2c9: {  	v3 =	vmul.f32 $2.000000030e-01, v2  }
0x2ca: {  	vm10 =	vge.f32 v2, $0.0e+00  }
0x2cb: {  	v2 =	vsel vm10, v2, v3  }
0x2cc: {  	v2 =	vmul.f32 $1.442695020e+00, v2;
	_ =	sdelay $0x1  }
0x2cd: {  	(erf) = vpow2.f32 v2;
	_ =	sdelay $0x3  }
0x2ce: {  	v2 =	vld [tilespmem:$0x2970]  }
0x2cf: {  	v3 =	vld [tilespmem:$0x29F0];
	_ =	sdelay $0x3  }
0x2d0: {  	vm11 =	veq.s32 v44, v45;
	v47 =	vpop (erf)  }
0x2d1: {  	v4 =	vsel vm11, $0x0, v47  }
0x2d2: {  	[tilespmem:$0xAB60] =	vst v4  }
0x2d3: {  	v4 =	vld.idx.msk [tilespmem:v2+s13+$0x0], $0xffff  }
0x2d4: {  	v48 =	vld.idx.msk [tilespmem:v3+s13+$0x0], $0xffff;
	_ =	sdelay $0x4  }
0x2d5: {  	v4 =	vsub.f32 v4, v48;
	_ =	sdelay $0x1  }
0x2d6: {  	v4 =	vadd.f32 v4, v1;
	_ =	sdelay $0x1  }
0x2d7: {  	v49 =	vmul.f32 $2.000000030e-01, v4  }
0x2d8: {  	vm12 =	vge.f32 v4, $0.0e+00  }
0x2d9: {  	v4 =	vsel vm12, v4, v49  }
0x2da: {  	v4 =	vmul.f32 $1.442695020e+00, v4;
	_ =	sdelay $0x1  }
0x2db: {  	(erf) = vpow2.f32 v4;
	_ =	sdelay $0x3  }
0x2dc: {  	v50 =	vld [tilespmem:$0x2980]  }
0x2dd: {  	v51 =	vld [tilespmem:$0x2A00];
	_ =	sdelay $0x3  }
0x2de: {  	vm13 =	veq.s32 v2, v3;
	v52 =	vpop (erf)  }
0x2df: {  	v2 =	vsel vm13, $0x0, v52  }
0x2e0: {  	[tilespmem:$0xAB70] =	vst v2  }
0x2e1: {  	v2 =	vld.idx.msk [tilespmem:v50+s13+$0x0], $0xffff  }
0x2e2: {  	v3 =	vld.idx.msk [tilespmem:v51+s13+$0x0], $0xffff;
	_ =	sdelay $0x4  }
0x2e3: {  	v2 =	vsub.f32 v2, v3;
	_ =	sdelay $0x1  }
0x2e4: {  	v2 =	vadd.f32 v2, v1;
	_ =	sdelay $0x1  }
0x2e5: {  	v3 =	vmul.f32 $2.000000030e-01, v2  }
0x2e6: {  	vm14 =	vge.f32 v2, $0.0e+00  }
0x2e7: {  	v2 =	vsel vm14, v2, v3  }
0x2e8: {  	v2 =	vmul.f32 $1.442695020e+00, v2;
	_ =	sdelay $0x1  }
0x2e9: {  	(erf) = vpow2.f32 v2;
	_ =	sdelay $0x6  }
0x2ea: {  	v2 =	vmov s13  }
0x2eb: {  	v2 =	vand.u32 $0xFFFFFFFC, v2  }
0x2ec: {  	vm15 =	veq.s32 v50, v51;
	v2 =	vbroadcast v2, $0x0;
	v3 =	vpop (erf)  }
0x2ed: {  	v3 =	vsel vm15, $0x0, v3  }
0x2ee: {  	[tilespmem:$0xAB80] =	vst v3  }
0x2ef: {  	_ =	swait.ge [sflag:s9], $0x2000  }
0x2f0: {  	[sflag:s9] =	ssyncset.done $0x0  }
0x2f1: {  	[sflag:s9] =	ssyncadd.s32 $0xFFFFE000  }
0x2f2: {  	v2 =	vld.idx.msk [tilespmem:v2+s18+$0x0], $0xffff;
	_ =	sdelay $0x3  }
0x2f3: {  	s23 =	simm.s32 $0xBC30  }
0x2f4: {  	s30 =	simm.s32 $0x6B90;
	[tilespmem:s23+$0xFFFFFFE0] =	vst v2  }
0x2f5: {  	v3 =	vld [tilespmem:s30+$0xFFFFFFA0]  }
0x2f6: {  	v53 =	vld [tilespmem:s30+$0xFFFFFFB0]  }
0x2f7: {  	s14 =	simm.s32 $0x1;
	v54 =	vld [tilespmem:s30+$0xFFFFFF80]  }
0x2f8: {  	v7 =	vmov s14;
	v55 =	vld [tilespmem:s30+$0xFFFFFF90]  }
0x2f9: {  	v7 =	vand.u32 $0xFFFFFFFD, v7  }
0x2fa: {  	v7 =	vbroadcast v7, $0x0;
	v3 =	vmul.f32 v3, v2  }
0x2fb: {  	v4 =	vmul.f32 v53, v2  }
0x2fc: {  	v5 =	vmul.f32 v54, v2;
	[tilespmem:s30+$0xFFFFFFA0] =	vst v3  }
0x2fd: {  	v2 =	vmul.f32 v55, v2;
	[tilespmem:s30+$0xFFFFFFB0] =	vst v4  }
0x2fe: {  	[tilespmem:s30+$0xFFFFFF80] =	vst v5  }
0x2ff: {  	[tilespmem:s30+$0xFFFFFF90] =	vst v2  }
0x300: {  	v2 =	vld.idx.msk [tilespmem:v7+s18+$0x0], $0xffff;
	_ =	sdelay $0x4  }
0x301: {  	[tilespmem:s23+$0xFFFFFFF0] =	vst v2  }
0x302: {  	v3 =	vld [tilespmem:s30+$0xFFFFFFF0]  }
0x303: {  	v56 =	vld [tilespmem:s30+$0xFFFFFFC0]  }
0x304: {  	s22 =	simm.s32 $0x2;
	v57 =	vld [tilespmem:s30+$0xFFFFFFE0]  }
0x305: {  	v59 =	vmov s22;
	v58 =	vld [tilespmem:s30+$0xFFFFFFD0]  }
0x306: {  	v7 =	vand.u32 $0xFFFFFFFE, v59  }
0x307: {  	v7 =	vbroadcast v7, $0x0;
	v3 =	vmul.f32 v3, v2  }
0x308: {  	v4 =	vmul.f32 v56, v2  }
0x309: {  	v5 =	vmul.f32 v57, v2;
	[tilespmem:s30+$0xFFFFFFF0] =	vst v3  }
0x30a: {  	v2 =	vmul.f32 v58, v2;
	[tilespmem:s30+$0xFFFFFFC0] =	vst v4  }
0x30b: {  	[tilespmem:s30+$0xFFFFFFE0] =	vst v5  }
0x30c: {  	[tilespmem:s30+$0xFFFFFFD0] =	vst v2  }
0x30d: {  	v2 =	vld.idx.msk [tilespmem:v7+s18+$0x0], $0xffff;
	_ =	sdelay $0x4  }
0x30e: {  	[tilespmem:s23+$0x0] =	vst v2  }
0x30f: {  	v3 =	vld [tilespmem:s30+$0x0]  }
0x310: {  	v60 =	vld [tilespmem:s30+$0x10]  }
0x311: {  	v61 =	vld [tilespmem:s30+$0x20]  }
0x312: {  	v62 =	vld [tilespmem:s30+$0x30];
	_ =	sdelay $0x1  }
0x313: {  	s28 =	simm.s32 $0x3;
	v3 =	vmul.f32 v3, v2  }
0x314: {  	v63 =	vmov s28;
	v4 =	vmul.f32 v60, v2  }
0x315: {  	[tilespmem:s30+$0x0] =	vst v3;
	v3 =	vmul.f32 v61, v2  }
0x316: {  	[tilespmem:s30+$0x10] =	vst v4;
	v2 =	vmul.f32 v62, v2  }
0x317: {  	[tilespmem:s30+$0x20] =	vst v3  }
0x318: {  	[tilespmem:s30+$0x30] =	vst v2  }
0x319: {  	s31 =	simm.s32 $0x6B90;
	s14 =	simm.s32 $0x4;
	s13 =	simm.s32 $0xBC30;
	v2 =	vld.idx.msk [tilespmem:v63+s18+$0x0], $0xffff  }
.LBB2_11:
0x31a: {  	p3 =	slt.u32 s14, $0x7C;
	s30 =	sadd.s32 $0x100, s30;
	s23 =	sadd.s32 $0x40, s23  }
0x31b: {  	s28 =	smov.u32 s14;
	s14 =	sadd.s32 $0x4, s14;
	_ =	sdelay $0x2  }
0x31c: {  	[tilespmem:s13+$0x10] =	vst v2;
	s13 =	smov.u32 s23  }
0x31d: {  	v3 =	vmov s28;
	v4 =	vld [tilespmem:s31+$0x70]  }
0x31e: {  	v3 =	vand.u32 $0xFFFFFFFC, v3;
	v5 =	vld [tilespmem:s31+$0x40]  }
0x31f: {  	v3 =	vbroadcast v3, $0x0;
	v6 =	vld [tilespmem:s31+$0x50]  }
0x320: {  	v7 =	vld [tilespmem:s31+$0x60];
	_ =	sdelay $0x1  }
0x321: {  	v4 =	vmul.f32 v4, v2  }
0x322: {  	v5 =	vmul.f32 v5, v2  }
0x323: {  	v6 =	vmul.f32 v6, v2;
	[tilespmem:s31+$0x70] =	vst v4  }
0x324: {  	[tilespmem:s31+$0x40] =	vst v5;
	v2 =	vmul.f32 v7, v2  }
0x325: {  	[tilespmem:s31+$0x50] =	vst v6  }
0x326: {  	[tilespmem:s31+$0x60] =	vst v2;
	s31 =	smov.u32 s30  }
0x327: {  	v2 =	vld.idx.msk [tilespmem:v3+s18+$0x0], $0xffff;
	_ =	sdelay $0x5  }
0x328: {  	[tilespmem:s23+$0xFFFFFFE0] =	vst v2  }
0x329: {  	v3 =	vld [tilespmem:s30+$0xFFFFFFA0]  }
0x32a: {  	v4 =	vld [tilespmem:s30+$0xFFFFFFB0]  }
0x32b: {  	s22 =	sadd.s32 $0x1, s28;
	v5 =	vld [tilespmem:s30+$0xFFFFFF80]  }
0x32c: {  	v7 =	vmov s22;
	v6 =	vld [tilespmem:s30+$0xFFFFFF90]  }
0x32d: {  	v7 =	vand.u32 $0xFFFFFFFD, v7  }
0x32e: {  	v7 =	vbroadcast v7, $0x0;
	v3 =	vmul.f32 v3, v2  }
0x32f: {  	v4 =	vmul.f32 v4, v2  }
0x330: {  	v5 =	vmul.f32 v5, v2;
	[tilespmem:s30+$0xFFFFFFA0] =	vst v3  }
0x331: {  	v2 =	vmul.f32 v6, v2;
	[tilespmem:s30+$0xFFFFFFB0] =	vst v4  }
0x332: {  	[tilespmem:s30+$0xFFFFFF80] =	vst v5  }
0x333: {  	[tilespmem:s30+$0xFFFFFF90] =	vst v2  }
0x334: {  	v2 =	vld.idx.msk [tilespmem:v7+s18+$0x0], $0xffff;
	_ =	sdelay $0x5  }
0x335: {  	[tilespmem:s23+$0xFFFFFFF0] =	vst v2  }
0x336: {  	v3 =	vld [tilespmem:s30+$0xFFFFFFF0]  }
0x337: {  	v4 =	vld [tilespmem:s30+$0xFFFFFFC0]  }
0x338: {  	s22 =	sadd.s32 $0x2, s28;
	v5 =	vld [tilespmem:s30+$0xFFFFFFE0]  }
0x339: {  	v7 =	vmov s22;
	v6 =	vld [tilespmem:s30+$0xFFFFFFD0]  }
0x33a: {  	v7 =	vand.u32 $0xFFFFFFFE, v7  }
0x33b: {  	v7 =	vbroadcast v7, $0x0;
	v3 =	vmul.f32 v3, v2  }
0x33c: {  	v4 =	vmul.f32 v4, v2  }
0x33d: {  	v5 =	vmul.f32 v5, v2;
	[tilespmem:s30+$0xFFFFFFF0] =	vst v3  }
0x33e: {  	[tilespmem:s30+$0xFFFFFFC0] =	vst v4;
	v2 =	vmul.f32 v6, v2  }
0x33f: {  	[tilespmem:s30+$0xFFFFFFE0] =	vst v5  }
0x340: {  	[tilespmem:s30+$0xFFFFFFD0] =	vst v2  }
0x341: {  	v2 =	vld.idx.msk [tilespmem:v7+s18+$0x0], $0xffff;
	_ =	sdelay $0x5  }
0x342: {  	[tilespmem:s23+$0x0] =	vst v2  }
0x343: {  	v3 =	vld [tilespmem:s30+$0x0]  }
0x344: {  	v4 =	vld [tilespmem:s30+$0x10]  }
0x345: {  	v5 =	vld [tilespmem:s30+$0x20]  }
0x346: {  	v6 =	vld [tilespmem:s30+$0x30];
	_ =	sdelay $0x1  }
0x347: {  	s22 =	sadd.s32 $0x3, s28;
	v3 =	vmul.f32 v3, v2  }
0x348: {  	v7 =	vmov s22;
	v4 =	vmul.f32 v4, v2  }
.Ltmp7:
0x349: {  	[tilespmem:s30+$0x0] =	vst v3;
	v3 =	vmul.f32 v5, v2;
	(pc) =	sbr.rel @p3 .LBB2_11-.Ltmp7, $4  }
0x34a: {  	[tilespmem:s30+$0x10] =	vst v4;
	v2 =	vmul.f32 v6, v2  }
0x34b: {  	[tilespmem:s30+$0x20] =	vst v3  }
0x34c: {  	[tilespmem:s30+$0x30] =	vst v2  }
0x34d: {  	v2 =	vld.idx.msk [tilespmem:v7+s18+$0x0], $0xffff  }
0x34e: {  	_ =	sdelay $0x3  }
0x34f: {  	[tilespmem:s13+$0x10] =	vst v2  }
0x350: {  	v3 =	vld [tilespmem:s31+$0x70]  }
0x351: {  	v4 =	vld [tilespmem:s31+$0x40]  }
0x352: {  	v5 =	vld [tilespmem:s31+$0x50]  }
0x353: {  	v6 =	vld [tilespmem:s31+$0x60];
	_ =	sdelay $0x1  }
0x354: {  	v3 =	vmul.f32 v3, v2  }
0x355: {  	v4 =	vmul.f32 v4, v2  }
0x356: {  	v5 =	vmul.f32 v5, v2;
	[tilespmem:s31+$0x70] =	vst v3  }
0x357: {  	v2 =	vmul.f32 v6, v2;
	[tilespmem:s31+$0x40] =	vst v4  }
0x358: {  	p3 =	sgt.u32 s19, $0x4C1;
	[tilespmem:s31+$0x50] =	vst v5  }
0x359: {  	s13 =	simm.s32 @!p3 $0x3;
	[tilespmem:s31+$0x60] =	vst v2  }
0x35a: {  	_ =	swait.ge @!p3 [sflag:s13], $0x2000  }
0x35b: {  	[sflag:s13] =	ssyncset.done @!p3 $0x0  }
0x35c: {  	[sflag:s13] =	ssyncadd.s32 @!p3 $0xFFFFE000  }
0x35d: {  	p4 =	sne.s32 @!p3 s4, $0x0;
	_ =	swait.ge @!p3 [sflag:s13], $0x2000  }
0x35e: {  	p4 =	por p4, p3;
	[sflag:s13] =	ssyncset.done @!p3 $0x0  }
0x35f: {  	[sflag:s13] =	ssyncadd.s32 @!p3 $0xFFFFE000;
	s13 =	simm.s32 @!p4 $0x3  }
0x360: {  	_ =	swait.ge @!p4 [sflag:s13], $0x800  }
0x361: {  	[sflag:s13] =	ssyncset.done @!p4 $0x0  }
0x362: {  	[sflag:s13] =	ssyncadd.s32 @!p4 $0xFFFFF800  }
0x363: {  	_ =	swait.ge @!p4 [sflag:s13], $0x800  }
0x364: {  	[sflag:s13] =	ssyncset.done @!p4 $0x0  }
0x365: {  	[sflag:s13] =	ssyncadd.s32 @!p4 $0xFFFFF800;
	s13 =	sshll.u32 @!p3 s19, $0x6  }
0x366: {  	s14 =	simm.s32 @!p3 $0x0;
	s19 =	simm.s32 @!p3 $0x2710;
	s13 =	sadd.s32 @!p3 s13, s11  }
0x367: {  	[tilespmem:s19], [sflag:$0x5] =	stream.linear.gather @!p3 [hbm4b:s13+s14], $0x200, $0x38;
	[tilespmem:$0x18F70] =	vst v63  }
0x368: {  	s13 =	simm.s32 @!p3 $0x5  }
0x369: {  	_ =	swait.ge @!p3 [sflag:s13], $0x200  }
0x36a: {  	[sflag:s13] =	ssyncset.done @!p3 $0x0  }
0x36b: {  	s14 =	simm.s32 @!p3 $0x2B10;
	[sflag:s13] =	ssyncadd.s32 @!p3 $0xFFFFFE00;
	s13 =	simm.s32 @!p3 $0x80  }
0x36c: {  	[tilespmem:s14], [sflag:$0x1] =	stream.indirect.gather @!p3 [hbm4b:s10+s13], $0x40, s19, s13, $0xb8;
	[tilespmem:$0x18F70] =	vst v63  }
0x36d: {  	s14 =	simm.s32 @!p3 $0x2810;
	s19 =	simm.s32 @!p3 $0x4B10  }
0x36e: {  	[tilespmem:s19], [sflag:$0x1] =	stream.indirect.gather @!p3 [hbm4b:s10+s13], $0x40, s14, s13, $0xb8;
	[tilespmem:$0x18F70] =	vst v63  }
0x36f: {  	v2 =	vld [tilespmem:$0x2A10]  }
0x370: {  	v3 =	vld [tilespmem:$0x2A90];
	_ =	sdelay $0x6  }
0x371: {  	v29 =	vld.idx.msk [tilespmem:v2+s5+$0x0], $0xffff  }
0x372: {  	v30 =	vld.idx.msk [tilespmem:v3+s5+$0x0], $0xffff;
	_ =	sdelay $0x4  }
0x373: {  	v4 =	vsub.f32 v29, v30;
	_ =	sdelay $0x1  }
0x374: {  	v4 =	vadd.f32 v4, v1;
	_ =	sdelay $0x1  }
0x375: {  	v31 =	vmul.f32 $2.000000030e-01, v4  }
0x376: {  	vm0 =	vge.f32 v4, $0.0e+00  }
0x377: {  	v4 =	vsel vm0, v4, v31  }
0x378: {  	v4 =	vmul.f32 $1.442695020e+00, v4;
	_ =	sdelay $0x1  }
0x379: {  	(erf) = vpow2.f32 v4;
	_ =	sdelay $0x3  }
0x37a: {  	v32 =	vld [tilespmem:$0x2A20]  }
0x37b: {  	v33 =	vld [tilespmem:$0x2AA0];
	_ =	sdelay $0x3  }
0x37c: {  	vm13 =	veq.s32 v2, v3;
	v34 =	vpop (erf)  }
0x37d: {  	v2 =	vsel vm13, $0x0, v34  }
0x37e: {  	[tilespmem:$0xAB90] =	vst v2  }
0x37f: {  	v2 =	vld.idx.msk [tilespmem:v32+s5+$0x0], $0xffff  }
0x380: {  	v3 =	vld.idx.msk [tilespmem:v33+s5+$0x0], $0xffff;
	_ =	sdelay $0x4  }
0x381: {  	v2 =	vsub.f32 v2, v3;
	_ =	sdelay $0x1  }
0x382: {  	v2 =	vadd.f32 v2, v1;
	_ =	sdelay $0x1  }
0x383: {  	v3 =	vmul.f32 $2.000000030e-01, v2  }
0x384: {  	vm14 =	vge.f32 v2, $0.0e+00  }
0x385: {  	v2 =	vsel vm14, v2, v3  }
0x386: {  	v2 =	vmul.f32 $1.442695020e+00, v2;
	_ =	sdelay $0x1  }
0x387: {  	(erf) = vpow2.f32 v2;
	_ =	sdelay $0x3  }
0x388: {  	v2 =	vld [tilespmem:$0x2A30]  }
0x389: {  	v3 =	vld [tilespmem:$0x2AB0];
	_ =	sdelay $0x3  }
0x38a: {  	vm15 =	veq.s32 v32, v33;
	v35 =	vpop (erf)  }
0x38b: {  	v4 =	vsel vm15, $0x0, v35  }
0x38c: {  	[tilespmem:$0xABA0] =	vst v4  }
0x38d: {  	v4 =	vld.idx.msk [tilespmem:v2+s5+$0x0], $0xffff  }
0x38e: {  	v36 =	vld.idx.msk [tilespmem:v3+s5+$0x0], $0xffff;
	_ =	sdelay $0x4  }
0x38f: {  	v4 =	vsub.f32 v4, v36;
	_ =	sdelay $0x1  }
0x390: {  	v4 =	vadd.f32 v4, v1;
	_ =	sdelay $0x1  }
0x391: {  	v37 =	vmul.f32 $2.000000030e-01, v4  }
0x392: {  	vm4 =	vge.f32 v4, $0.0e+00  }
0x393: {  	v4 =	vsel vm4, v4, v37  }
0x394: {  	v4 =	vmul.f32 $1.442695020e+00, v4;
	_ =	sdelay $0x1  }
0x395: {  	(erf) = vpow2.f32 v4;
	_ =	sdelay $0x3  }
0x396: {  	v38 =	vld [tilespmem:$0x2A40]  }
0x397: {  	v39 =	vld [tilespmem:$0x2AC0];
	_ =	sdelay $0x3  }
0x398: {  	vm5 =	veq.s32 v2, v3;
	v40 =	vpop (erf)  }
0x399: {  	v2 =	vsel vm5, $0x0, v40  }
0x39a: {  	[tilespmem:$0xABB0] =	vst v2  }
0x39b: {  	v2 =	vld.idx.msk [tilespmem:v38+s5+$0x0], $0xffff  }
0x39c: {  	v3 =	vld.idx.msk [tilespmem:v39+s5+$0x0], $0xffff;
	_ =	sdelay $0x4  }
0x39d: {  	v2 =	vsub.f32 v2, v3;
	_ =	sdelay $0x1  }
0x39e: {  	v2 =	vadd.f32 v2, v1;
	_ =	sdelay $0x1  }
0x39f: {  	v3 =	vmul.f32 $2.000000030e-01, v2  }
0x3a0: {  	vm6 =	vge.f32 v2, $0.0e+00  }
0x3a1: {  	v2 =	vsel vm6, v2, v3  }
0x3a2: {  	v2 =	vmul.f32 $1.442695020e+00, v2;
	_ =	sdelay $0x1  }
0x3a3: {  	(erf) = vpow2.f32 v2;
	_ =	sdelay $0x3  }
0x3a4: {  	v2 =	vld [tilespmem:$0x2A50]  }
0x3a5: {  	v3 =	vld [tilespmem:$0x2AD0];
	_ =	sdelay $0x3  }
0x3a6: {  	vm7 =	veq.s32 v38, v39;
	v41 =	vpop (erf)  }
0x3a7: {  	v4 =	vsel vm7, $0x0, v41  }
0x3a8: {  	[tilespmem:$0xABC0] =	vst v4  }
0x3a9: {  	v4 =	vld.idx.msk [tilespmem:v2+s5+$0x0], $0xffff  }
0x3aa: {  	v42 =	vld.idx.msk [tilespmem:v3+s5+$0x0], $0xffff;
	_ =	sdelay $0x4  }
0x3ab: {  	v4 =	vsub.f32 v4, v42;
	_ =	sdelay $0x1  }
0x3ac: {  	v4 =	vadd.f32 v4, v1;
	_ =	sdelay $0x1  }
0x3ad: {  	v43 =	vmul.f32 $2.000000030e-01, v4  }
0x3ae: {  	vm8 =	vge.f32 v4, $0.0e+00  }
0x3af: {  	v4 =	vsel vm8, v4, v43  }
0x3b0: {  	v4 =	vmul.f32 $1.442695020e+00, v4;
	_ =	sdelay $0x1  }
0x3b1: {  	(erf) = vpow2.f32 v4;
	_ =	sdelay $0x3  }
0x3b2: {  	v44 =	vld [tilespmem:$0x2A60]  }
0x3b3: {  	v45 =	vld [tilespmem:$0x2AE0];
	_ =	sdelay $0x3  }
0x3b4: {  	vm9 =	veq.s32 v2, v3;
	v46 =	vpop (erf)  }
0x3b5: {  	v2 =	vsel vm9, $0x0, v46  }
0x3b6: {  	[tilespmem:$0xABD0] =	vst v2  }
0x3b7: {  	v2 =	vld.idx.msk [tilespmem:v44+s5+$0x0], $0xffff  }
0x3b8: {  	v3 =	vld.idx.msk [tilespmem:v45+s5+$0x0], $0xffff;
	_ =	sdelay $0x4  }
0x3b9: {  	v2 =	vsub.f32 v2, v3;
	_ =	sdelay $0x1  }
0x3ba: {  	v2 =	vadd.f32 v2, v1;
	_ =	sdelay $0x1  }
0x3bb: {  	v3 =	vmul.f32 $2.000000030e-01, v2  }
0x3bc: {  	vm10 =	vge.f32 v2, $0.0e+00  }
0x3bd: {  	v2 =	vsel vm10, v2, v3  }
0x3be: {  	v2 =	vmul.f32 $1.442695020e+00, v2;
	_ =	sdelay $0x1  }
0x3bf: {  	(erf) = vpow2.f32 v2;
	_ =	sdelay $0x3  }
0x3c0: {  	v2 =	vld [tilespmem:$0x2A70]  }
0x3c1: {  	v3 =	vld [tilespmem:$0x2AF0];
	_ =	sdelay $0x3  }
0x3c2: {  	vm11 =	veq.s32 v44, v45;
	v47 =	vpop (erf)  }
0x3c3: {  	v4 =	vsel vm11, $0x0, v47  }
0x3c4: {  	[tilespmem:$0xABE0] =	vst v4  }
0x3c5: {  	v4 =	vld.idx.msk [tilespmem:v2+s5+$0x0], $0xffff  }
0x3c6: {  	v48 =	vld.idx.msk [tilespmem:v3+s5+$0x0], $0xffff;
	_ =	sdelay $0x4  }
0x3c7: {  	v4 =	vsub.f32 v4, v48;
	_ =	sdelay $0x1  }
0x3c8: {  	v4 =	vadd.f32 v4, v1;
	_ =	sdelay $0x1  }
0x3c9: {  	v49 =	vmul.f32 $2.000000030e-01, v4  }
0x3ca: {  	vm12 =	vge.f32 v4, $0.0e+00  }
0x3cb: {  	v4 =	vsel vm12, v4, v49  }
0x3cc: {  	v4 =	vmul.f32 $1.442695020e+00, v4;
	_ =	sdelay $0x1  }
0x3cd: {  	(erf) = vpow2.f32 v4;
	_ =	sdelay $0x3  }
0x3ce: {  	v50 =	vld [tilespmem:$0x2A80]  }
0x3cf: {  	v51 =	vld [tilespmem:$0x2B00];
	_ =	sdelay $0x3  }
0x3d0: {  	vm13 =	veq.s32 v2, v3;
	v52 =	vpop (erf)  }
0x3d1: {  	v2 =	vsel vm13, $0x0, v52  }
0x3d2: {  	[tilespmem:$0xABF0] =	vst v2  }
0x3d3: {  	v2 =	vld.idx.msk [tilespmem:v50+s5+$0x0], $0xffff  }
0x3d4: {  	v3 =	vld.idx.msk [tilespmem:v51+s5+$0x0], $0xffff;
	_ =	sdelay $0x4  }
0x3d5: {  	v2 =	vsub.f32 v2, v3;
	_ =	sdelay $0x1  }
0x3d6: {  	v2 =	vadd.f32 v2, v1;
	_ =	sdelay $0x1  }
0x3d7: {  	v3 =	vmul.f32 $2.000000030e-01, v2  }
0x3d8: {  	vm14 =	vge.f32 v2, $0.0e+00  }
0x3d9: {  	v2 =	vsel vm14, v2, v3  }
0x3da: {  	v2 =	vmul.f32 $1.442695020e+00, v2;
	_ =	sdelay $0x1  }
0x3db: {  	(erf) = vpow2.f32 v2;
	_ =	sdelay $0x5  }
0x3dc: {  	s19 =	simm.s32 $0x80  }
0x3dd: {  	v2 =	vmov s19  }
0x3de: {  	v2 =	vand.u32 $0xFFFFFFFC, v2  }
0x3df: {  	vm15 =	veq.s32 v50, v51;
	v2 =	vbroadcast v2, $0x0;
	v3 =	vpop (erf)  }
0x3e0: {  	v3 =	vsel vm15, $0x0, v3  }
0x3e1: {  	[tilespmem:$0xAC00] =	vst v3  }
0x3e2: {  	_ =	swait.ge [sflag:s9], $0x2000  }
0x3e3: {  	[sflag:s9] =	ssyncset.done $0x0  }
0x3e4: {  	[sflag:s9] =	ssyncadd.s32 $0xFFFFE000  }
0x3e5: {  	v2 =	vld.idx.msk [tilespmem:v2+s18+$0x0], $0xffff;
	_ =	sdelay $0x3  }
0x3e6: {  	s19 =	simm.s32 $0xC440  }
0x3e7: {  	s23 =	simm.s32 $0x8C00;
	[tilespmem:s19+$0xFFFFFFD0] =	vst v2  }
0x3e8: {  	v3 =	vld [tilespmem:s23+$0xFFFFFF30]  }
0x3e9: {  	v53 =	vld [tilespmem:s23+$0xFFFFFF40]  }
0x3ea: {  	s22 =	simm.s32 $0x81;
	v54 =	vld [tilespmem:s23+$0xFFFFFF10]  }
0x3eb: {  	v7 =	vmov s22;
	v55 =	vld [tilespmem:s23+$0xFFFFFF20]  }
0x3ec: {  	v7 =	vand.u32 $0xFFFFFFFD, v7  }
0x3ed: {  	v7 =	vbroadcast v7, $0x0;
	v3 =	vmul.f32 v3, v2  }
0x3ee: {  	v4 =	vmul.f32 v53, v2  }
0x3ef: {  	v5 =	vmul.f32 v54, v2;
	[tilespmem:s23+$0xFFFFFF30] =	vst v3  }
0x3f0: {  	v2 =	vmul.f32 v55, v2;
	[tilespmem:s23+$0xFFFFFF40] =	vst v4  }
0x3f1: {  	[tilespmem:s23+$0xFFFFFF10] =	vst v5  }
0x3f2: {  	[tilespmem:s23+$0xFFFFFF20] =	vst v2  }
0x3f3: {  	v2 =	vld.idx.msk [tilespmem:v7+s18+$0x0], $0xffff;
	_ =	sdelay $0x4  }
0x3f4: {  	[tilespmem:s19+$0xFFFFFFE0] =	vst v2  }
0x3f5: {  	v3 =	vld [tilespmem:s23+$0xFFFFFF80]  }
0x3f6: {  	v56 =	vld [tilespmem:s23+$0xFFFFFF50]  }
0x3f7: {  	s28 =	simm.s32 $0x82;
	v57 =	vld [tilespmem:s23+$0xFFFFFF70]  }
0x3f8: {  	v59 =	vmov s28;
	v58 =	vld [tilespmem:s23+$0xFFFFFF60]  }
0x3f9: {  	v7 =	vand.u32 $0xFFFFFFFE, v59  }
0x3fa: {  	v7 =	vbroadcast v7, $0x0;
	v3 =	vmul.f32 v3, v2  }
0x3fb: {  	v4 =	vmul.f32 v56, v2  }
0x3fc: {  	v5 =	vmul.f32 v57, v2;
	[tilespmem:s23+$0xFFFFFF80] =	vst v3  }
0x3fd: {  	v2 =	vmul.f32 v58, v2;
	[tilespmem:s23+$0xFFFFFF50] =	vst v4  }
0x3fe: {  	[tilespmem:s23+$0xFFFFFF70] =	vst v5  }
0x3ff: {  	[tilespmem:s23+$0xFFFFFF60] =	vst v2  }
0x400: {  	v2 =	vld.idx.msk [tilespmem:v7+s18+$0x0], $0xffff;
	_ =	sdelay $0x4  }
0x401: {  	[tilespmem:s19+$0xFFFFFFF0] =	vst v2  }
0x402: {  	v3 =	vld [tilespmem:s23+$0xFFFFFF90]  }
0x403: {  	v60 =	vld [tilespmem:s23+$0xFFFFFFA0]  }
0x404: {  	v61 =	vld [tilespmem:s23+$0xFFFFFFB0]  }
0x405: {  	v62 =	vld [tilespmem:s23+$0xFFFFFFC0];
	_ =	sdelay $0x1  }
0x406: {  	s31 =	simm.s32 $0x83;
	v3 =	vmul.f32 v3, v2  }
0x407: {  	v63 =	vmov s31;
	v4 =	vmul.f32 v60, v2  }
0x408: {  	[tilespmem:s23+$0xFFFFFF90] =	vst v3;
	v3 =	vmul.f32 v61, v2  }
0x409: {  	[tilespmem:s23+$0xFFFFFFA0] =	vst v4;
	v2 =	vmul.f32 v62, v2  }
0x40a: {  	[tilespmem:s23+$0xFFFFFFB0] =	vst v3  }
0x40b: {  	[tilespmem:s23+$0xFFFFFFC0] =	vst v2  }
0x40c: {  	s30 =	simm.s32 $0x8C00;
	s14 =	simm.s32 $0x0;
	s13 =	simm.s32 $0xC440;
	v2 =	vld.idx.msk [tilespmem:v63+s18+$0x0], $0xffff  }
.LBB2_13:
0x40d: {  	s23 =	sadd.s32 $0x100, s23  }
0x40e: {  	s19 =	sadd.s32 $0x40, s19;
	s28 =	smov.u32 s14;
	s14 =	sadd.s32 $0x4, s14  }
0x40f: {  	p3 =	slt.u32 s14, $0x7C;
	_ =	sdelay $0x2  }
0x410: {  	s22 =	sadd.s32 $0x84, s28;
	[tilespmem:s13+$0x0] =	vst v2;
	s13 =	smov.u32 s19  }
0x411: {  	v3 =	vmov s22;
	v4 =	vld [tilespmem:s30+$0x0]  }
0x412: {  	v3 =	vand.u32 $0xFFFFFFFC, v3;
	v5 =	vld [tilespmem:s30+$0xFFFFFFD0]  }
0x413: {  	v3 =	vbroadcast v3, $0x0;
	v6 =	vld [tilespmem:s30+$0xFFFFFFE0]  }
0x414: {  	v7 =	vld [tilespmem:s30+$0xFFFFFFF0];
	_ =	sdelay $0x1  }
0x415: {  	v4 =	vmul.f32 v4, v2  }
0x416: {  	v5 =	vmul.f32 v5, v2  }
0x417: {  	v6 =	vmul.f32 v6, v2;
	[tilespmem:s30+$0x0] =	vst v4  }
0x418: {  	[tilespmem:s30+$0xFFFFFFD0] =	vst v5;
	v2 =	vmul.f32 v7, v2  }
0x419: {  	[tilespmem:s30+$0xFFFFFFE0] =	vst v6  }
0x41a: {  	[tilespmem:s30+$0xFFFFFFF0] =	vst v2;
	s30 =	smov.u32 s23  }
0x41b: {  	v2 =	vld.idx.msk [tilespmem:v3+s18+$0x0], $0xffff;
	_ =	sdelay $0x5  }
0x41c: {  	[tilespmem:s19+$0xFFFFFFD0] =	vst v2  }
0x41d: {  	v3 =	vld [tilespmem:s23+$0xFFFFFF30]  }
0x41e: {  	v4 =	vld [tilespmem:s23+$0xFFFFFF40]  }
0x41f: {  	s22 =	sadd.s32 $0x85, s28;
	v5 =	vld [tilespmem:s23+$0xFFFFFF10]  }
0x420: {  	v7 =	vmov s22;
	v6 =	vld [tilespmem:s23+$0xFFFFFF20]  }
0x421: {  	v7 =	vand.u32 $0xFFFFFFFD, v7  }
0x422: {  	v7 =	vbroadcast v7, $0x0;
	v3 =	vmul.f32 v3, v2  }
0x423: {  	v4 =	vmul.f32 v4, v2  }
0x424: {  	v5 =	vmul.f32 v5, v2;
	[tilespmem:s23+$0xFFFFFF30] =	vst v3  }
0x425: {  	v2 =	vmul.f32 v6, v2;
	[tilespmem:s23+$0xFFFFFF40] =	vst v4  }
0x426: {  	[tilespmem:s23+$0xFFFFFF10] =	vst v5  }
0x427: {  	[tilespmem:s23+$0xFFFFFF20] =	vst v2  }
0x428: {  	v2 =	vld.idx.msk [tilespmem:v7+s18+$0x0], $0xffff;
	_ =	sdelay $0x5  }
0x429: {  	[tilespmem:s19+$0xFFFFFFE0] =	vst v2  }
0x42a: {  	v3 =	vld [tilespmem:s23+$0xFFFFFF80]  }
0x42b: {  	v4 =	vld [tilespmem:s23+$0xFFFFFF50]  }
0x42c: {  	s22 =	sadd.s32 $0x86, s28;
	v5 =	vld [tilespmem:s23+$0xFFFFFF70]  }
0x42d: {  	v7 =	vmov s22;
	v6 =	vld [tilespmem:s23+$0xFFFFFF60]  }
0x42e: {  	v7 =	vand.u32 $0xFFFFFFFE, v7  }
0x42f: {  	v7 =	vbroadcast v7, $0x0;
	v3 =	vmul.f32 v3, v2  }
0x430: {  	v4 =	vmul.f32 v4, v2  }
0x431: {  	v5 =	vmul.f32 v5, v2;
	[tilespmem:s23+$0xFFFFFF80] =	vst v3  }
0x432: {  	[tilespmem:s23+$0xFFFFFF50] =	vst v4;
	v2 =	vmul.f32 v6, v2  }
0x433: {  	[tilespmem:s23+$0xFFFFFF70] =	vst v5  }
0x434: {  	[tilespmem:s23+$0xFFFFFF60] =	vst v2  }
0x435: {  	v2 =	vld.idx.msk [tilespmem:v7+s18+$0x0], $0xffff;
	_ =	sdelay $0x5  }
0x436: {  	[tilespmem:s19+$0xFFFFFFF0] =	vst v2  }
0x437: {  	v3 =	vld [tilespmem:s23+$0xFFFFFF90]  }
0x438: {  	v4 =	vld [tilespmem:s23+$0xFFFFFFA0]  }
0x439: {  	v5 =	vld [tilespmem:s23+$0xFFFFFFB0]  }
0x43a: {  	v6 =	vld [tilespmem:s23+$0xFFFFFFC0];
	_ =	sdelay $0x1  }
0x43b: {  	s22 =	sadd.s32 $0x87, s28;
	v3 =	vmul.f32 v3, v2  }
0x43c: {  	v7 =	vmov s22;
	v4 =	vmul.f32 v4, v2  }
.Ltmp8:
0x43d: {  	[tilespmem:s23+$0xFFFFFF90] =	vst v3;
	v3 =	vmul.f32 v5, v2;
	(pc) =	sbr.rel @p3 .LBB2_13-.Ltmp8, $4  }
0x43e: {  	[tilespmem:s23+$0xFFFFFFA0] =	vst v4;
	v2 =	vmul.f32 v6, v2  }
0x43f: {  	[tilespmem:s23+$0xFFFFFFB0] =	vst v3  }
0x440: {  	[tilespmem:s23+$0xFFFFFFC0] =	vst v2  }
0x441: {  	v2 =	vld.idx.msk [tilespmem:v7+s18+$0x0], $0xffff  }
0x442: {  	_ =	sdelay $0x3  }
0x443: {  	[tilespmem:s13+$0x0] =	vst v2  }
0x444: {  	v3 =	vld [tilespmem:s30+$0x0]  }
0x445: {  	v4 =	vld [tilespmem:s30+$0xFFFFFFD0]  }
0x446: {  	v5 =	vld [tilespmem:s30+$0xFFFFFFE0]  }
0x447: {  	v6 =	vld [tilespmem:s30+$0xFFFFFFF0];
	_ =	sdelay $0x1  }
0x448: {  	v3 =	vmul.f32 v3, v2  }
0x449: {  	v4 =	vmul.f32 v4, v2  }
0x44a: {  	v5 =	vmul.f32 v5, v2;
	[tilespmem:s30+$0x0] =	vst v3  }
0x44b: {  	v2 =	vmul.f32 v6, v2;
	[tilespmem:s30+$0xFFFFFFD0] =	vst v4  }
0x44c: {  	[tilespmem:s30+$0xFFFFFFE0] =	vst v5  }
0x44d: {  	s31 =	simm.s32 $0x2990;
	[tilespmem:s30+$0xFFFFFFF0] =	vst v2  }
0x44e: {  	[spmem:s1] =	stream.indirect.scatter.add.f32 [tilespmem:s24], [sflag:$0x4], $0x40, s31, s12, $0xb8;
	[tilespmem:$0x18F70] =	vst v63  }
0x44f: {  	_ = 	snop  }
0x450: {  	[spmem:s1] =	stream.indirect.scatter.add.f32 [tilespmem:s26], [sflag:$0x4], $0x40, s25, s12, $0xb8;
	[tilespmem:$0x18F70] =	vst v63  }
.Ltmp9:
0x451: {  	_ = 	snop;
	(pc) =	sbr.rel .LBB2_15-.Ltmp9, $4  }
0x452: {  	s14 =	simm.s32 @!p1 $0x2990;
	s19 =	simm.s32 @!p1 $0xBC10;
	s13 =	simm.s32 @!p1 $0x80  }
0x453: {  	[spmem:s2] =	stream.indirect.scatter.add.f32 @!p1 [tilespmem:s19], [sflag:$0x4], $0x10, s14, s13, $0xb8;
	[tilespmem:$0x18F70] =	vst v63  }
0x454: {  	s14 =	simm.s32 @!p1 $0x2A90;
	s19 =	simm.s32 @!p1 $0xC410  }
0x455: {  	[spmem:s2] =	stream.indirect.scatter.add.f32 @!p1 [tilespmem:s19], [sflag:$0x4], $0x10, s14, s13, $0xb8;
	[tilespmem:$0x18F70] =	vst v63  }
.LBB2_16:
0x456: {  	s13 =	simm.s32 $0x3  }
0x457: {  	_ =	swait.ge [sflag:s13], $0x2000  }
0x458: {  	[sflag:s13] =	ssyncset.done $0x0  }
0x459: {  	[sflag:s13] =	ssyncadd.s32 $0xFFFFE000  }
0x45a: {  	_ =	swait.ge [sflag:s13], $0x2000  }
0x45b: {  	[sflag:s13] =	ssyncset.done $0x0  }
0x45c: {  	[sflag:s13] =	ssyncadd.s32 $0xFFFFE000;
	s13 =	simm.s32 @p1 $0x4  }
0x45d: {  	_ =	swait.ge @p1 [sflag:s13], $0x2000  }
0x45e: {  	[sflag:s13] =	ssyncset.done @p1 $0x0  }
0x45f: {  	[sflag:s13] =	ssyncadd.s32 @p1 $0xFFFFE000  }
0x460: {  	_ =	swait.ge @p1 [sflag:s13], $0x2000  }
0x461: {  	[sflag:s13] =	ssyncset.done @p1 $0x0  }
0x462: {  	[sflag:s13] =	ssyncadd.s32 @p1 $0xFFFFE000;
	s13 =	simm.s32 @!p1 $0x3  }
0x463: {  	_ =	swait.ge @!p1 [sflag:s13], $0x800  }
0x464: {  	[sflag:s13] =	ssyncset.done @!p1 $0x0  }
0x465: {  	[sflag:s13] =	ssyncadd.s32 @!p1 $0xFFFFF800  }
0x466: {  	_ =	swait.ge @!p1 [sflag:s13], $0x800  }
0x467: {  	[sflag:s13] =	ssyncset.done @!p1 $0x0  }
0x468: {  	[sflag:s13] =	ssyncadd.s32 @!p1 $0xFFFFF800;
	s13 =	simm.s32 @!p1 $0x4  }
0x469: {  	_ =	swait.ge @!p1 [sflag:s13], $0x2000  }
0x46a: {  	[sflag:s13] =	ssyncset.done @!p1 $0x0  }
0x46b: {  	[sflag:s13] =	ssyncadd.s32 @!p1 $0xFFFFE000  }
0x46c: {  	_ =	swait.ge @!p1 [sflag:s13], $0x2000  }
0x46d: {  	[sflag:s13] =	ssyncset.done @!p1 $0x0  }
0x46e: {  	[sflag:s13] =	ssyncadd.s32 @!p1 $0xFFFFE000  }
0x46f: {  	_ =	swait.ge @!p1 [sflag:s13], $0x800  }
0x470: {  	[sflag:s13] =	ssyncset.done @!p1 $0x0  }
0x471: {  	[sflag:s13] =	ssyncadd.s32 @!p1 $0xFFFFF800  }
0x472: {  	_ =	swait.ge @!p1 [sflag:s13], $0x800  }
0x473: {  	s14 =	sadd.s32 $0x0, s3;
	[sflag:s13] =	ssyncset.done @!p1 $0x0  }
0x474: {  	p4 =	sgt.u32 s14, $0x7C;
	[sflag:s13] =	ssyncadd.s32 @!p1 $0xFFFFF800  }
0x475: {  	p3 =	sne.s32 @!p4 s4, $0x0;
	s15 =	simm.s32 @!p4 $0x6;
	[bflag:$0x0] =	sbarrier.arrive $0xFFFF  }
0x476: {  	p3 =	por p3, p4;
	s13 =	sshll.u32 @!p4 s3, $0x6;
	s23 =	rddreg [dreg:$0x9]  }
0x477: {  	s13 =	sor.u32 @!p4 $0x1C06, s13;
	s22 =	rddreg [dreg:$0x19];
	s14 =	sshrl.u32 @!p4 s23, $0x3  }
0x478: {  	[hbm:s22], [sflag:s13] =	dma.local @!p4 [spmem:s14], $0x280  }
0x479: {  	s28 =	simm.s32 @!p3 $0x5;
	s13 =	sshll.u32 @!p3 s3, $0x6;
	_ =	swait.ge @!p4 [sflag:s15], $0x280  }
0x47a: {  	s13 =	sor.u32 @!p3 $0x1C05, s13;
	[sflag:s15] =	ssyncset.done @!p4 $0x0;
	s19 =	rddreg [dreg:$0xa]  }
0x47b: {  	[sflag:s15] =	ssyncadd.s32 @!p4 $0xFFFFFD80;
	s14 =	sshrl.u32 @!p3 s19, $0x3;
	s15 =	rddreg [dreg:$0x1a]  }
0x47c: {  	[hbm:s15], [sflag:s13] =	dma.local @!p3 [spmem:s14], $0xA0  }
0x47d: {  	s19 =	sadd.s32 $0x5000, s19;
	s13 =	simm.s32 $0x10;
	_ =	swait.ge @!p3 [sflag:s28], $0xA0  }
0x47e: {  	s14 =	sadd.s32 $0xA00, s15;
	s15 =	sadd.s32 $0x2800, s22;
	[sflag:s28] =	ssyncset.done @!p3 $0x0  }
.LBB2_17:
0x47f: {  	[sflag:s28] =	ssyncadd.s32 @!p3 $0xFFFFFF60  }
0x480: {  	s23 =	sadd.s32 $0x14000, s23;
	s22 =	smov.u32 s13;
	s13 =	sadd.s32 $0x10, s13  }
0x481: {  	s22 =	sadd.s32 s22, s3;
	p4 =	sne.s32 s13, $0x80  }
0x482: {  	p5 =	sgt.u32 s22, $0x7C  }
0x483: {  	p3 =	sne.s32 @!p5 s4, $0x0;
	s22 =	sshll.u32 @!p5 s3, $0x6;
	s28 =	sshrl.u32 @!p5 s23, $0x3  }
0x484: {  	s30 =	simm.s32 @!p5 $0x6;
	s22 =	sor.u32 @!p5 $0x1C06, s22;
	p3 =	por p3, p5  }
0x485: {  	[hbm:s15], [sflag:s22] =	dma.local @!p5 [spmem:s28], $0x280  }
0x486: {  	s22 =	sshll.u32 @!p3 s3, $0x6;
	_ =	swait.ge @!p5 [sflag:s30], $0x280  }
.Ltmp10:
0x487: {  	s28 =	simm.s32 @!p3 $0x5;
	[sflag:s30] =	ssyncset.done @!p5 $0x0;
	(pc) =	sbr.rel @p4 .LBB2_17-.Ltmp10, $4  }
0x488: {  	s22 =	sor.u32 @!p3 $0x1C05, s22;
	[sflag:s30] =	ssyncadd.s32 @!p5 $0xFFFFFD80;
	s30 =	sshrl.u32 @!p3 s19, $0x3  }
0x489: {  	[hbm:s14], [sflag:s22] =	dma.local @!p3 [spmem:s30], $0xA0  }
0x48a: {  	s14 =	sadd.s32 $0xA00, s14;
	_ =	swait.ge @!p3 [sflag:s28], $0xA0  }
0x48b: {  	s15 =	sadd.s32 $0x2800, s15;
	s19 =	sadd.s32 $0x5000, s19;
	[sflag:s28] =	ssyncset.done @!p3 $0x0  }
0x48c: {  	s29 =	sadd.s32 $0x1, s29;
	s13 =	rddreg [dreg:$0x8]  }
0x48d: {  	p4 =	sne.s32 s29, s13  }
.Ltmp11:
0x48e: {  	_ = 	snop;
	(pc) =	sbr.rel @p4 .LBB2_1-.Ltmp11, $2  }
0x48f: {  	_ =	sdelay $0x2  }
0x490: {  	[sflag:s28] =	ssyncadd.s32 @!p3 $0xFFFFFF60  }
0x491: {  	_ =	sfence.sel $0x180000  }
0x492: {  	[bflag:$0x0] =	sbarrier.arrive $0xFFFF  }
0x493: {  	_ =	strace $0x90000047  }
0x494: {  	[bflag:$0x2] =	sbarrier.arrive $0xFFFF  }
0x495: {  	p0 =	sne.s32 s3, $0x0;
	s0 =	rddreg [dreg:$0x4]  }
0x496: {  	s0 =	sadd.s32 @!p0 $0x100000, s0  }
0x497: {  	[sflag:s0] =	ssyncadd.tile.s32 @!p0 $0x1;
	_ =	shalt  }
.Lfunc_end2:
_tile_overlayer_lowered:
.L_overlay_start_2:
0x498: {  	(tag) =	ssettag $0x2  }
0x499: {  	s0 =	rddreg [dreg:$0x0];
	s2 =	stileid.u32  }
0x49a: {  	s1 =	rddreg [dreg:$0x1];
	p0 =	sne.s32 s2, $0x0  }
0x49b: {  	s3 =	rddreg [dreg:$0x2];
	[bflag:$0x3] =	sbarrier.arrive $0xFFFF;
	s2 =	simm.s32 @!p0 $0x1C05  }
0x49c: {  	[timem:s3], [sflag:s2] =	dma.local @!p0 [hbm:s0], s1  }
0x49d: {  	s0 =	simm.s32 @!p0 $0x5  }
0x49e: {  	_ =	swait.ge @!p0 [sflag:s0], s1  }
0x49f: {  	s1 =	ssub.s32 @!p0 $0x0, s1;
	[sflag:s0] =	ssyncset.done @!p0 $0x0  }
0x4a0: {  	[sflag:s0] =	ssyncadd.s32 @!p0 s1  }
0x4a1: {  	[bflag:$0x3] =	sbarrier.arrive $0xFFFF  }
0x4a2: {  	_ =	shalt  }

</sc_bundles>
